<compile_context>
chip_gen: v7x
topology: tpu7x:2x2x1
jax: 0.10.2.dev20260603
libtpu: 0.0.44.dev20260713+nightly
codegen_flags: <defaults>
</compile_context>

<pallas_src>
import dataclasses
import functools

import jax
from jax import lax
import jax.numpy as jnp
from jax.experimental import pallas as pl
from jax.experimental.pallas import tpu as pltpu
from jax.experimental.pallas import tpu_sc as plsc

_CS_BLK = 512

_NC, _NS, _L = 2, 16, 16
_NW = _NC * _NS

_CC = 16


def _gating_kernel(x_ref, wg_ref, u_ref, sslot_ref, gslot_ref,
                   g1e_ref, g2e_ref, laux_ref, xpk_ref, *, S, E, CAP):
    logits = jax.lax.dot_general(
        wg_ref[...], x_ref[...],
        dimension_numbers=(((0,), (1,)), ((), ())),
        preferred_element_type=jnp.float32,
    )

    m = jnp.max(logits, axis=0, keepdims=True)
    ex = jnp.exp(logits - m)
    gates = ex / jnp.sum(ex, axis=0, keepdims=True)

    iota = jax.lax.broadcasted_iota(jnp.int32, (E, S), 0)
    big = jnp.int32(E)

    gmax = jnp.max(gates, axis=0, keepdims=True)
    idx1 = jnp.min(jnp.where(gates == gmax, iota, big), axis=0, keepdims=True)
    mask1 = (iota == idx1).astype(jnp.float32)

    neg_inf = jnp.float32(-jnp.inf)
    logits2 = jnp.where(mask1 > 0, neg_inf, logits)
    lmax = jnp.max(logits2, axis=0, keepdims=True)
    idx2 = jnp.min(jnp.where(logits2 == lmax, iota, big), axis=0, keepdims=True)
    mask2 = (iota == idx2).astype(jnp.float32)

    mm = jnp.concatenate([mask1, mask2], axis=0)
    U = u_ref[...]
    R = U.shape[0]
    carry = jnp.zeros((2 * E, 1), jnp.float32)
    blocks = []
    for i in range(S // R):
        blk = mm[:, i * R:(i + 1) * R]
        csb = jax.lax.dot_general(
            blk, U, dimension_numbers=(((1,), (0,)), ((), ())),
            preferred_element_type=jnp.float32,
        ) + carry
        blocks.append(csb)
        carry = csb[:, R - 1:R]
    cs = jnp.concatenate(blocks, axis=1)

    count1 = carry[:E]
    loc1 = cs[:E] - 1.0
    loc2 = cs[E:] - 1.0 + count1

    me = jnp.mean(gates, axis=1, keepdims=True)
    ce = jnp.mean(mask1, axis=1, keepdims=True)
    laux_ref[...] = jnp.sum(me * ce, axis=0, keepdims=True) * jnp.float32(E)

    cap = jnp.float32(CAP)
    mask1k = mask1 * (loc1 < cap).astype(jnp.float32)
    mask2k = mask2 * (loc2 < cap).astype(jnp.float32)

    g1 = jnp.sum(gates * mask1k, axis=0, keepdims=True)
    g2 = jnp.sum(gates * mask2k, axis=0, keepdims=True)
    denom = jnp.maximum(g1 + g2, jnp.float32(1e-9))
    g1 = g1 / denom
    g2 = g2 / denom

    kept1 = jnp.sum(mask1k, axis=0, keepdims=True)
    kept2 = jnp.sum(mask2k, axis=0, keepdims=True)
    loc1_i = jnp.sum(loc1 * mask1k, axis=0, keepdims=True).astype(jnp.int32)
    loc2_i = jnp.sum(loc2 * mask2k, axis=0, keepdims=True).astype(jnp.int32)

    capi = jnp.int32(CAP)
    gs1 = idx1 * capi + loc1_i
    gs2 = idx2 * capi + loc2_i

    tok = jax.lax.broadcasted_iota(jnp.int32, (1, S), 1)
    dump = jnp.int32(E * CAP) + 2 * jax.lax.shift_right_logical(tok, 7)
    ss1 = jnp.where(kept1 > 0, gs1, dump)
    ss2 = jnp.where(kept2 > 0, gs2, dump + 1)

    sslot_ref[...] = jnp.concatenate([ss1, ss2], axis=0)
    gslot_ref[...] = jnp.concatenate([gs1, gs2], axis=0)

    ones_row = jnp.full((1, _L), 1.0, jnp.float32)
    g1e_ref[...] = jax.lax.dot_general(
        g1, ones_row, dimension_numbers=(((0,), (0,)), ((), ())),
        preferred_element_type=jnp.float32,
        precision=jax.lax.Precision.HIGHEST,
    )
    g2e_ref[...] = jax.lax.dot_general(
        g2, ones_row, dimension_numbers=(((0,), (0,)), ((), ())),
        preferred_element_type=jnp.float32,
        precision=jax.lax.Precision.HIGHEST,
    )

    Dh = x_ref.shape[1] // 2
    RB = S // 4
    for i in range(4):
        u = jax.lax.bitcast_convert_type(
            x_ref[i * RB:(i + 1) * RB, :], jnp.uint32)
        rnd = (u + jnp.uint32(0x7FFF) +
               (jax.lax.shift_right_logical(u, jnp.uint32(16)) & jnp.uint32(1)))
        rnd = rnd & jnp.uint32(0xFFFF0000)
        word = (jax.lax.shift_right_logical(rnd[:, :Dh], jnp.uint32(16))
                | rnd[:, Dh:])
        xpk_ref[i * RB:(i + 1) * RB, :] = jax.lax.bitcast_convert_type(
            word, jnp.float32)


def _expert_kernel(disp_ref, wa_ref, wb_ref, b_ref, o_ref):
    u = jax.lax.bitcast_convert_type(disp_ref[...], jnp.uint32)
    xa = jax.lax.bitcast_convert_type(
        jax.lax.shift_left(u, jnp.uint32(16)), jnp.float32
    ).astype(jnp.bfloat16)
    xb = jax.lax.bitcast_convert_type(
        u & jnp.uint32(0xFFFF0000), jnp.float32
    ).astype(jnp.bfloat16)
    wa = wa_ref[0].astype(jnp.bfloat16)
    wb = wb_ref[0].astype(jnp.bfloat16)
    y = jax.lax.dot_general(
        xa, wa, dimension_numbers=(((1,), (0,)), ((), ())),
        preferred_element_type=jnp.float32,
    ) + jax.lax.dot_general(
        xb, wb, dimension_numbers=(((1,), (0,)), ((), ())),
        preferred_element_type=jnp.float32,
    )
    o_ref[...] = y + b_ref[0]


def _dispatch_body(x_hbm, ss_hbm, disp_hbm, xa, xb, i1a, i2a, i1b, i2b,
                   s1a, s2a, s1b, s2b, *, tok_per_w):
    wid = lax.axis_index("s") * _NC + lax.axis_index("c")
    base = wid * tok_per_w
    nch = 4
    ch = tok_per_w // nch
    bufs = [(xa, i1a, i2a, s1a, s2a), (xb, i1b, i2b, s1b, s2b)]
    pending = [None, None]
    for ci in range(nch):
        xv, i1, i2, s1, s2 = bufs[ci % 2]
        if pending[ci % 2] is not None:
            c1, c2 = pending[ci % 2]
            c1.wait()
            c2.wait()
        tb = base + ci * ch
        pltpu.sync_copy(ss_hbm.at[0, pl.ds(tb, ch)], i1)
        pltpu.sync_copy(ss_hbm.at[1, pl.ds(tb, ch)], i2)
        pltpu.sync_copy(x_hbm.at[pl.ds(tb, ch)], xv)
        c1 = pltpu.async_copy(xv, disp_hbm.at[i1], s1)
        c2 = pltpu.async_copy(xv, disp_hbm.at[i2], s2)
        pending[ci % 2] = (c1, c2)
    for c1, c2 in pending:
        c1.wait()
        c2.wait()


def _combine_body(eo_hbm, gs_hbm, g1e_hbm, g2e_hbm, out_hbm,
                  i1v, i2v, g1v, g2v, r1a, r2a, r1b, r2b, ov,
                  s1a, s2a, s1b, s2b, *, tok_per_w, D):
    wid = lax.axis_index("s") * _NC + lax.axis_index("c")
    base = wid * tok_per_w
    nch = tok_per_w // _CC

    pltpu.sync_copy(gs_hbm.at[0, pl.ds(base, tok_per_w)], i1v)
    pltpu.sync_copy(gs_hbm.at[1, pl.ds(base, tok_per_w)], i2v)
    pltpu.sync_copy(g1e_hbm.at[pl.ds(base, tok_per_w)], g1v)
    pltpu.sync_copy(g2e_hbm.at[pl.ds(base, tok_per_w)], g2v)

    def _start(ci, r1, r2, s1, s2):
        pltpu.async_copy(eo_hbm.at[i1v.at[pl.ds(ci * _CC, _CC)]], r1, s1)
        pltpu.async_copy(eo_hbm.at[i2v.at[pl.ds(ci * _CC, _CC)]], r2, s2)

    def _wait(r1, r2, s1, s2):
        pltpu.make_async_copy(eo_hbm.at[i1v.at[pl.ds(0, _CC)]], r1, s1).wait()
        pltpu.make_async_copy(eo_hbm.at[i2v.at[pl.ds(0, _CC)]], r2, s2).wait()

    def _compute_store(ci, r1, r2):
        @pl.loop(0, _CC)
        def _tok(t):
            g1b = g1v[ci * _CC + t]
            g2b = g2v[ci * _CC + t]
            for j in range(D // _L):
                sl = pl.ds(j * _L, _L)
                ov[t, sl] = g1b * r1[t, sl] + g2b * r2[t, sl]

        pltpu.sync_copy(ov, out_hbm.at[pl.ds(base + ci * _CC, _CC)])

    _start(0, r1a, r2a, s1a, s2a)

    @pl.loop(0, nch, step=2)
    def _pair(ci):
        _start(ci + 1, r1b, r2b, s1b, s2b)
        _wait(r1a, r2a, s1a, s2a)
        _compute_store(ci, r1a, r2a)

        @pl.when(ci + 2 < nch)
        def _():
            _start(ci + 2, r1a, r2a, s1a, s2a)

        _wait(r1b, r2b, s1b, s2b)
        _compute_store(ci + 1, r1b, r2b)


def kernel(x, wg, W, b):
    B, T, D = x.shape
    E = wg.shape[1]
    S = B * T
    CAP = 2 * S // E
    R = _CS_BLK
    tok_per_w = S // _NW

    xr = x.reshape(S, D)
    U = jnp.triu(jnp.ones((R, R), jnp.float32))

    sslots, gslots, g1e, g2e, laux, xpk = pl.pallas_call(
        functools.partial(_gating_kernel, S=S, E=E, CAP=CAP),
        out_shape=[
            jax.ShapeDtypeStruct((2, S), jnp.int32),
            jax.ShapeDtypeStruct((2, S), jnp.int32),
            jax.ShapeDtypeStruct((S, _L), jnp.float32),
            jax.ShapeDtypeStruct((S, _L), jnp.float32),
            jax.ShapeDtypeStruct((1, 1), jnp.float32),
            jax.ShapeDtypeStruct((S, D // 2), jnp.float32),
        ],
    )(xr, wg, U)

    mesh = plsc.VectorSubcoreMesh(core_axis_name="c", subcore_axis_name="s")
    cp = pltpu.CompilerParams()
    if "needs_layout_passes" in pltpu.CompilerParams.__dataclass_fields__:
        cp = dataclasses.replace(cp, needs_layout_passes=False)

    dispatch = pl.kernel(
        functools.partial(_dispatch_body, tok_per_w=tok_per_w),
        out_type=jax.ShapeDtypeStruct((E * CAP + CAP, D // 2), jnp.float32),
        mesh=mesh,
        scratch_types=[
            pltpu.VMEM((tok_per_w // 4, D // 2), jnp.float32),
            pltpu.VMEM((tok_per_w // 4, D // 2), jnp.float32),
            pltpu.VMEM((tok_per_w // 4,), jnp.int32),
            pltpu.VMEM((tok_per_w // 4,), jnp.int32),
            pltpu.VMEM((tok_per_w // 4,), jnp.int32),
            pltpu.VMEM((tok_per_w // 4,), jnp.int32),
            pltpu.SemaphoreType.DMA,
            pltpu.SemaphoreType.DMA,
            pltpu.SemaphoreType.DMA,
            pltpu.SemaphoreType.DMA,
        ],
    )
    disp = dispatch(xpk, sslots)

    b3 = b.reshape(E, 1, D)

    eo = pl.pallas_call(
        _expert_kernel,
        grid=(E,),
        in_specs=[
            pl.BlockSpec((CAP, D // 2), lambda e: (e, 0)),
            pl.BlockSpec((1, D // 2, D), lambda e: (e, 0, 0)),
            pl.BlockSpec((1, D // 2, D), lambda e: (e, 1, 0)),
            pl.BlockSpec((1, 1, D), lambda e: (e, 0, 0)),
        ],
        out_specs=pl.BlockSpec((CAP, D), lambda e: (e, 0)),
        out_shape=jax.ShapeDtypeStruct((E * CAP, D), jnp.float32),
    )(disp, W, W, b3)

    combine = pl.kernel(
        functools.partial(_combine_body, tok_per_w=tok_per_w, D=D),
        out_type=jax.ShapeDtypeStruct((S, D), jnp.float32),
        mesh=mesh,
        compiler_params=cp,
        scratch_types=[
            pltpu.VMEM((tok_per_w,), jnp.int32),
            pltpu.VMEM((tok_per_w,), jnp.int32),
            pltpu.VMEM((tok_per_w, _L), jnp.float32),
            pltpu.VMEM((tok_per_w, _L), jnp.float32),
            pltpu.VMEM((_CC, D), jnp.float32),
            pltpu.VMEM((_CC, D), jnp.float32),
            pltpu.VMEM((_CC, D), jnp.float32),
            pltpu.VMEM((_CC, D), jnp.float32),
            pltpu.VMEM((_CC, D), jnp.float32),
            pltpu.SemaphoreType.DMA,
            pltpu.SemaphoreType.DMA,
            pltpu.SemaphoreType.DMA,
            pltpu.SemaphoreType.DMA,
        ],
    )
    out = combine(eo, gslots, g1e, g2e)

    return out.reshape(B, T, D), laux[0, 0]

# --- scband reference (transcript-rebuilt; emitter-appended) ---
"""Pipeline reference for scband-gshard-mo-elayer-2216203125409 (READ-ONLY COPY).

The authoritative reference and input builder live on the scoring server;
editing this copy changes nothing except your own understanding.
"""

import jax, jax.numpy as jnp
import numpy as np

B, T, D, E = 2, 2048, 1024, 8

def setup_inputs(seed: int = 0):
    key = jax.random.key(seed)
    k1, k2, k3 = jax.random.split(key, 3)
    x = jax.random.normal(k1, (B, T, D), dtype=jnp.float32)
    wg = jax.random.normal(k2, (D, E), dtype=jnp.float32) * 0.02
    W = jax.random.normal(k3, (E, D, D), dtype=jnp.float32) * 0.02
    b = jnp.zeros((E, D), dtype=jnp.float32)
    return {"x": x, "wg": wg, "W": W, "b": b}

def _top2gating(logits):
    S, Ee = logits.shape
    capacity = 2 * S // Ee
    gates = jax.nn.softmax(logits, axis=1)
    idx1 = jnp.argmax(gates, axis=1)
    mask1 = jax.nn.one_hot(idx1, Ee, dtype=jnp.float32)
    logits_except1 = jnp.where(mask1 > 0, -jnp.inf, logits)
    idx2 = jnp.argmax(logits_except1, axis=1)
    mask2 = jax.nn.one_hot(idx2, Ee, dtype=jnp.float32)
    locations1 = jnp.cumsum(mask1, axis=0) - 1.0
    locations2 = jnp.cumsum(mask2, axis=0) - 1.0 + jnp.sum(mask1, axis=0, keepdims=True)
    me = jnp.mean(gates, axis=0)
    ce = jnp.mean(mask1, axis=0)
    l_aux = jnp.mean(me * ce) * Ee * Ee
    mask1 = mask1 * (locations1 < capacity).astype(jnp.float32)
    mask2 = mask2 * (locations2 < capacity).astype(jnp.float32)
    loc1_s = jnp.sum(locations1 * mask1, axis=1).astype(jnp.int32)
    loc2_s = jnp.sum(locations2 * mask2, axis=1).astype(jnp.int32)
    gates1_s = jnp.sum(gates * mask1, axis=1)
    gates2_s = jnp.sum(gates * mask2, axis=1)
    denom = jnp.clip(gates1_s + gates2_s, 1e-9, None)
    gates1_s = gates1_s / denom
    gates2_s = gates2_s / denom
    present1 = jnp.sum(mask1, axis=1)
    present2 = jnp.sum(mask2, axis=1)
    return l_aux, capacity, idx1, idx2, loc1_s, loc2_s, gates1_s, gates2_s, present1, present2

def reference(x, wg, W, b):
    Bb, Tt, Dd = x.shape
    xr = x.reshape(-1, Dd)
    logits = xr @ wg
    l_aux, capacity, idx1, idx2, loc1, loc2, g1, g2, p1, p2 = _top2gating(logits)
    Ee = wg.shape[1]
    dispatched = jnp.zeros((Ee, capacity, Dd), dtype=x.dtype)
    dispatched = dispatched.at[idx1, loc1].add(xr * p1[:, None])
    dispatched = dispatched.at[idx2, loc2].add(xr * p2[:, None])
    expert_out = jnp.einsum('ecd,edf->ecf', dispatched, W) + b[:, None, :]
    combined = g1[:, None] * expert_out[idx1, loc1] + g2[:, None] * expert_out[idx2, loc2]
    return combined.reshape(Bb, Tt, Dd), l_aux

if __name__ == "__main__":
    import jax
    _d = setup_inputs()
    print(jax.jit(kernel)(*tuple(_d.values())))

</pallas_src>

<mosaic_0001>
#map = affine_map<(d0, d1) -> (0, 0)>
module attributes {stable_mosaic.version = 14 : i64} {
  func.func @_dispatch_body(%arg0: i32, %arg1: i32, %arg2: memref<4096x512xf32, #tpu.memory_space<hbm>>, %arg3: memref<2x4096xi32, #tpu.memory_space<hbm>>, %arg4: memref<9216x512xf32, #tpu.memory_space<hbm>>, %arg5: memref<32x512xf32, #tpu.memory_space<vmem>>, %arg6: memref<32x512xf32, #tpu.memory_space<vmem>>, %arg7: memref<32xi32, #tpu.memory_space<vmem>>, %arg8: memref<32xi32, #tpu.memory_space<vmem>>, %arg9: memref<32xi32, #tpu.memory_space<vmem>>, %arg10: memref<32xi32, #tpu.memory_space<vmem>>, %arg11: memref<!tpu.dma_semaphore, #tpu.memory_space<semaphore_mem>>, %arg12: memref<!tpu.dma_semaphore, #tpu.memory_space<semaphore_mem>>, %arg13: memref<!tpu.dma_semaphore, #tpu.memory_space<semaphore_mem>>, %arg14: memref<!tpu.dma_semaphore, #tpu.memory_space<semaphore_mem>>) attributes {dimension_semantics = [#tpu.dimension_semantics<core_parallel>, #tpu.dimension_semantics<subcore_parallel>], iteration_bounds = array<i64: 2, 16>, scalar_prefetch = 0 : i64, scratch_operands = 10 : i64, tpu.core_type = #tpu.core_type<sc_vector_subcore>, window_params = [{transform_indices = #map}, {transform_indices = #map}, {transform_indices = #map}]} {
    %mul3A = arith.constant 2 : i32
    %mul3A_0 = arith.muli %arg1, %mul3A : i32
    %add3A = arith.addi %mul3A_0, %arg0 : i32
    %mul3A_1 = arith.constant 128 : i32
    %mul3A_2 = arith.muli %add3A, %mul3A_1 : i32
    %add3A_3 = arith.constant 0 : i32
    %add3A_4 = arith.addi %mul3A_2, %add3A_3 : i32
    %run_scoped3A = arith.constant 0 : i32
    "tpu.region"() ({
      %run_scoped3A_64 = tpu.sem_alloc : memref<!tpu.dma_semaphore, #tpu.memory_space<semaphore_mem>>
      %dma_start3A_65 = tpu.memref_slice %arg3[%run_scoped3A, %add3A_4] : memref<2x4096xi32, #tpu.memory_space<hbm>> -> memref<1x32xi32, #tpu.memory_space<hbm>>
      %dma_start3A_66 = tpu.memref_squeeze %dma_start3A_65 : memref<1x32xi32, #tpu.memory_space<hbm>> -> memref<32xi32, #tpu.memory_space<hbm>>
      %dma_start3A_67 = tpu.memref_slice %arg3[%run_scoped3A, %add3A_4] : memref<2x4096xi32, #tpu.memory_space<hbm>> -> memref<1x32xi32, #tpu.memory_space<hbm>>
      %dma_start3A_68 = tpu.memref_squeeze %dma_start3A_67 : memref<1x32xi32, #tpu.memory_space<hbm>> -> memref<32xi32, #tpu.memory_space<hbm>>
      tpu.enqueue_dma source(%dma_start3A_68 : memref<32xi32, #tpu.memory_space<hbm>>) target(%arg7 : memref<32xi32, #tpu.memory_space<vmem>>) target_semaphore(%run_scoped3A_64 : memref<!tpu.dma_semaphore, #tpu.memory_space<semaphore_mem>>)
      %dma_wait3A_69 = tpu.memref_slice %arg3[%run_scoped3A, %add3A_4] : memref<2x4096xi32, #tpu.memory_space<hbm>> -> memref<1x32xi32, #tpu.memory_space<hbm>>
      %dma_wait3A_70 = tpu.memref_squeeze %dma_wait3A_69 : memref<1x32xi32, #tpu.memory_space<hbm>> -> memref<32xi32, #tpu.memory_space<hbm>>
      %dma_wait3A_71 = tpu.memref_slice %arg3[%run_scoped3A, %add3A_4] : memref<2x4096xi32, #tpu.memory_space<hbm>> -> memref<1x32xi32, #tpu.memory_space<hbm>>
      %dma_wait3A_72 = tpu.memref_squeeze %dma_wait3A_71 : memref<1x32xi32, #tpu.memory_space<hbm>> -> memref<32xi32, #tpu.memory_space<hbm>>
      tpu.wait_dma2 semaphore(%run_scoped3A_64 : memref<!tpu.dma_semaphore, #tpu.memory_space<semaphore_mem>>) src(%dma_wait3A_72 : memref<32xi32, #tpu.memory_space<hbm>>) dst(%arg7 : memref<32xi32, #tpu.memory_space<vmem>>)
      tpu.yield
    }) : () -> ()
    %run_scoped3A_5 = arith.constant 1 : i32
    "tpu.region"() ({
      %run_scoped3A_64 = tpu.sem_alloc : memref<!tpu.dma_semaphore, #tpu.memory_space<semaphore_mem>>
      %dma_start3A_65 = tpu.memref_slice %arg3[%run_scoped3A_5, %add3A_4] : memref<2x4096xi32, #tpu.memory_space<hbm>> -> memref<1x32xi32, #tpu.memory_space<hbm>>
      %dma_start3A_66 = tpu.memref_squeeze %dma_start3A_65 : memref<1x32xi32, #tpu.memory_space<hbm>> -> memref<32xi32, #tpu.memory_space<hbm>>
      %dma_start3A_67 = tpu.memref_slice %arg3[%run_scoped3A_5, %add3A_4] : memref<2x4096xi32, #tpu.memory_space<hbm>> -> memref<1x32xi32, #tpu.memory_space<hbm>>
      %dma_start3A_68 = tpu.memref_squeeze %dma_start3A_67 : memref<1x32xi32, #tpu.memory_space<hbm>> -> memref<32xi32, #tpu.memory_space<hbm>>
      tpu.enqueue_dma source(%dma_start3A_68 : memref<32xi32, #tpu.memory_space<hbm>>) target(%arg8 : memref<32xi32, #tpu.memory_space<vmem>>) target_semaphore(%run_scoped3A_64 : memref<!tpu.dma_semaphore, #tpu.memory_space<semaphore_mem>>)
      %dma_wait3A_69 = tpu.memref_slice %arg3[%run_scoped3A_5, %add3A_4] : memref<2x4096xi32, #tpu.memory_space<hbm>> -> memref<1x32xi32, #tpu.memory_space<hbm>>
      %dma_wait3A_70 = tpu.memref_squeeze %dma_wait3A_69 : memref<1x32xi32, #tpu.memory_space<hbm>> -> memref<32xi32, #tpu.memory_space<hbm>>
      %dma_wait3A_71 = tpu.memref_slice %arg3[%run_scoped3A_5, %add3A_4] : memref<2x4096xi32, #tpu.memory_space<hbm>> -> memref<1x32xi32, #tpu.memory_space<hbm>>
      %dma_wait3A_72 = tpu.memref_squeeze %dma_wait3A_71 : memref<1x32xi32, #tpu.memory_space<hbm>> -> memref<32xi32, #tpu.memory_space<hbm>>
      tpu.wait_dma2 semaphore(%run_scoped3A_64 : memref<!tpu.dma_semaphore, #tpu.memory_space<semaphore_mem>>) src(%dma_wait3A_72 : memref<32xi32, #tpu.memory_space<hbm>>) dst(%arg8 : memref<32xi32, #tpu.memory_space<vmem>>)
      tpu.yield
    }) : () -> ()
    "tpu.region"() ({
      %run_scoped3A_64 = tpu.sem_alloc : memref<!tpu.dma_semaphore, #tpu.memory_space<semaphore_mem>>
      %dma_start3A_65 = arith.constant 0 : i32
      %dma_start3A_66 = tpu.memref_slice %arg2[%add3A_4, %dma_start3A_65] : memref<4096x512xf32, #tpu.memory_space<hbm>> -> memref<32x512xf32, #tpu.memory_space<hbm>>
      %dma_start3A_67 = arith.constant 0 : i32
      %dma_start3A_68 = tpu.memref_slice %arg2[%add3A_4, %dma_start3A_67] : memref<4096x512xf32, #tpu.memory_space<hbm>> -> memref<32x512xf32, #tpu.memory_space<hbm>>
      tpu.enqueue_dma source(%dma_start3A_68 : memref<32x512xf32, #tpu.memory_space<hbm>>) target(%arg5 : memref<32x512xf32, #tpu.memory_space<vmem>>) target_semaphore(%run_scoped3A_64 : memref<!tpu.dma_semaphore, #tpu.memory_space<semaphore_mem>>)
      %dma_wait3A_69 = arith.constant 0 : i32
      %dma_wait3A_70 = tpu.memref_slice %arg2[%add3A_4, %dma_wait3A_69] : memref<4096x512xf32, #tpu.memory_space<hbm>> -> memref<32x512xf32, #tpu.memory_space<hbm>>
      %dma_wait3A_71 = arith.constant 0 : i32
      %dma_wait3A_72 = tpu.memref_slice %arg2[%add3A_4, %dma_wait3A_71] : memref<4096x512xf32, #tpu.memory_space<hbm>> -> memref<32x512xf32, #tpu.memory_space<hbm>>
      tpu.wait_dma2 semaphore(%run_scoped3A_64 : memref<!tpu.dma_semaphore, #tpu.memory_space<semaphore_mem>>) src(%dma_wait3A_72 : memref<32x512xf32, #tpu.memory_space<hbm>>) dst(%arg5 : memref<32x512xf32, #tpu.memory_space<vmem>>)
      tpu.yield
    }) : () -> ()
    %dma_start3A = arith.constant 0 : i32
    %dma_start3A_6 = arith.constant 0 : i32
    %dma_start3A_7 = tpu.memref_slice %arg4[%dma_start3A, %dma_start3A_6] : memref<9216x512xf32, #tpu.memory_space<hbm>> -> memref<9216x512xf32, #tpu.memory_space<hbm>>
    tpu.enqueue_indirect_dma source(%arg5 : memref<32x512xf32, #tpu.memory_space<vmem>>) target(%dma_start3A_7 : memref<9216x512xf32, #tpu.memory_space<hbm>>) offsets(%arg7 : memref<32xi32, #tpu.memory_space<vmem>>) semaphore(%arg11 : memref<!tpu.dma_semaphore, #tpu.memory_space<semaphore_mem>>)
    %dma_start3A_8 = arith.constant 0 : i32
    %dma_start3A_9 = arith.constant 0 : i32
    %dma_start3A_10 = tpu.memref_slice %arg4[%dma_start3A_8, %dma_start3A_9] : memref<9216x512xf32, #tpu.memory_space<hbm>> -> memref<9216x512xf32, #tpu.memory_space<hbm>>
    tpu.enqueue_indirect_dma source(%arg5 : memref<32x512xf32, #tpu.memory_space<vmem>>) target(%dma_start3A_10 : memref<9216x512xf32, #tpu.memory_space<hbm>>) offsets(%arg8 : memref<32xi32, #tpu.memory_space<vmem>>) semaphore(%arg12 : memref<!tpu.dma_semaphore, #tpu.memory_space<semaphore_mem>>)
    %add3A_11 = arith.constant 32 : i32
    %add3A_12 = arith.addi %mul3A_2, %add3A_11 : i32
    %run_scoped3A_13 = arith.constant 0 : i32
    "tpu.region"() ({
      %run_scoped3A_64 = tpu.sem_alloc : memref<!tpu.dma_semaphore, #tpu.memory_space<semaphore_mem>>
      %dma_start3A_65 = tpu.memref_slice %arg3[%run_scoped3A_13, %add3A_12] : memref<2x4096xi32, #tpu.memory_space<hbm>> -> memref<1x32xi32, #tpu.memory_space<hbm>>
      %dma_start3A_66 = tpu.memref_squeeze %dma_start3A_65 : memref<1x32xi32, #tpu.memory_space<hbm>> -> memref<32xi32, #tpu.memory_space<hbm>>
      %dma_start3A_67 = tpu.memref_slice %arg3[%run_scoped3A_13, %add3A_12] : memref<2x4096xi32, #tpu.memory_space<hbm>> -> memref<1x32xi32, #tpu.memory_space<hbm>>
      %dma_start3A_68 = tpu.memref_squeeze %dma_start3A_67 : memref<1x32xi32, #tpu.memory_space<hbm>> -> memref<32xi32, #tpu.memory_space<hbm>>
      tpu.enqueue_dma source(%dma_start3A_68 : memref<32xi32, #tpu.memory_space<hbm>>) target(%arg9 : memref<32xi32, #tpu.memory_space<vmem>>) target_semaphore(%run_scoped3A_64 : memref<!tpu.dma_semaphore, #tpu.memory_space<semaphore_mem>>)
      %dma_wait3A_69 = tpu.memref_slice %arg3[%run_scoped3A_13, %add3A_12] : memref<2x4096xi32, #tpu.memory_space<hbm>> -> memref<1x32xi32, #tpu.memory_space<hbm>>
      %dma_wait3A_70 = tpu.memref_squeeze %dma_wait3A_69 : memref<1x32xi32, #tpu.memory_space<hbm>> -> memref<32xi32, #tpu.memory_space<hbm>>
      %dma_wait3A_71 = tpu.memref_slice %arg3[%run_scoped3A_13, %add3A_12] : memref<2x4096xi32, #tpu.memory_space<hbm>> -> memref<1x32xi32, #tpu.memory_space<hbm>>
      %dma_wait3A_72 = tpu.memref_squeeze %dma_wait3A_71 : memref<1x32xi32, #tpu.memory_space<hbm>> -> memref<32xi32, #tpu.memory_space<hbm>>
      tpu.wait_dma2 semaphore(%run_scoped3A_64 : memref<!tpu.dma_semaphore, #tpu.memory_space<semaphore_mem>>) src(%dma_wait3A_72 : memref<32xi32, #tpu.memory_space<hbm>>) dst(%arg9 : memref<32xi32, #tpu.memory_space<vmem>>)
      tpu.yield
    }) : () -> ()
    %run_scoped3A_14 = arith.constant 1 : i32
    "tpu.region"() ({
      %run_scoped3A_64 = tpu.sem_alloc : memref<!tpu.dma_semaphore, #tpu.memory_space<semaphore_mem>>
      %dma_start3A_65 = tpu.memref_slice %arg3[%run_scoped3A_14, %add3A_12] : memref<2x4096xi32, #tpu.memory_space<hbm>> -> memref<1x32xi32, #tpu.memory_space<hbm>>
      %dma_start3A_66 = tpu.memref_squeeze %dma_start3A_65 : memref<1x32xi32, #tpu.memory_space<hbm>> -> memref<32xi32, #tpu.memory_space<hbm>>
      %dma_start3A_67 = tpu.memref_slice %arg3[%run_scoped3A_14, %add3A_12] : memref<2x4096xi32, #tpu.memory_space<hbm>> -> memref<1x32xi32, #tpu.memory_space<hbm>>
      %dma_start3A_68 = tpu.memref_squeeze %dma_start3A_67 : memref<1x32xi32, #tpu.memory_space<hbm>> -> memref<32xi32, #tpu.memory_space<hbm>>
      tpu.enqueue_dma source(%dma_start3A_68 : memref<32xi32, #tpu.memory_space<hbm>>) target(%arg10 : memref<32xi32, #tpu.memory_space<vmem>>) target_semaphore(%run_scoped3A_64 : memref<!tpu.dma_semaphore, #tpu.memory_space<semaphore_mem>>)
      %dma_wait3A_69 = tpu.memref_slice %arg3[%run_scoped3A_14, %add3A_12] : memref<2x4096xi32, #tpu.memory_space<hbm>> -> memref<1x32xi32, #tpu.memory_space<hbm>>
      %dma_wait3A_70 = tpu.memref_squeeze %dma_wait3A_69 : memref<1x32xi32, #tpu.memory_space<hbm>> -> memref<32xi32, #tpu.memory_space<hbm>>
      %dma_wait3A_71 = tpu.memref_slice %arg3[%run_scoped3A_14, %add3A_12] : memref<2x4096xi32, #tpu.memory_space<hbm>> -> memref<1x32xi32, #tpu.memory_space<hbm>>
      %dma_wait3A_72 = tpu.memref_squeeze %dma_wait3A_71 : memref<1x32xi32, #tpu.memory_space<hbm>> -> memref<32xi32, #tpu.memory_space<hbm>>
      tpu.wait_dma2 semaphore(%run_scoped3A_64 : memref<!tpu.dma_semaphore, #tpu.memory_space<semaphore_mem>>) src(%dma_wait3A_72 : memref<32xi32, #tpu.memory_space<hbm>>) dst(%arg10 : memref<32xi32, #tpu.memory_space<vmem>>)
      tpu.yield
    }) : () -> ()
    "tpu.region"() ({
      %run_scoped3A_64 = tpu.sem_alloc : memref<!tpu.dma_semaphore, #tpu.memory_space<semaphore_mem>>
      %dma_start3A_65 = arith.constant 0 : i32
      %dma_start3A_66 = tpu.memref_slice %arg2[%add3A_12, %dma_start3A_65] : memref<4096x512xf32, #tpu.memory_space<hbm>> -> memref<32x512xf32, #tpu.memory_space<hbm>>
      %dma_start3A_67 = arith.constant 0 : i32
      %dma_start3A_68 = tpu.memref_slice %arg2[%add3A_12, %dma_start3A_67] : memref<4096x512xf32, #tpu.memory_space<hbm>> -> memref<32x512xf32, #tpu.memory_space<hbm>>
      tpu.enqueue_dma source(%dma_start3A_68 : memref<32x512xf32, #tpu.memory_space<hbm>>) target(%arg6 : memref<32x512xf32, #tpu.memory_space<vmem>>) target_semaphore(%run_scoped3A_64 : memref<!tpu.dma_semaphore, #tpu.memory_space<semaphore_mem>>)
      %dma_wait3A_69 = arith.constant 0 : i32
      %dma_wait3A_70 = tpu.memref_slice %arg2[%add3A_12, %dma_wait3A_69] : memref<4096x512xf32, #tpu.memory_space<hbm>> -> memref<32x512xf32, #tpu.memory_space<hbm>>
      %dma_wait3A_71 = arith.constant 0 : i32
      %dma_wait3A_72 = tpu.memref_slice %arg2[%add3A_12, %dma_wait3A_71] : memref<4096x512xf32, #tpu.memory_space<hbm>> -> memref<32x512xf32, #tpu.memory_space<hbm>>
      tpu.wait_dma2 semaphore(%run_scoped3A_64 : memref<!tpu.dma_semaphore, #tpu.memory_space<semaphore_mem>>) src(%dma_wait3A_72 : memref<32x512xf32, #tpu.memory_space<hbm>>) dst(%arg6 : memref<32x512xf32, #tpu.memory_space<vmem>>)
      tpu.yield
    }) : () -> ()
    %dma_start3A_15 = arith.constant 0 : i32
    %dma_start3A_16 = arith.constant 0 : i32
    %dma_start3A_17 = tpu.memref_slice %arg4[%dma_start3A_15, %dma_start3A_16] : memref<9216x512xf32, #tpu.memory_space<hbm>> -> memref<9216x512xf32, #tpu.memory_space<hbm>>
    tpu.enqueue_indirect_dma source(%arg6 : memref<32x512xf32, #tpu.memory_space<vmem>>) target(%dma_start3A_17 : memref<9216x512xf32, #tpu.memory_space<hbm>>) offsets(%arg9 : memref<32xi32, #tpu.memory_space<vmem>>) semaphore(%arg13 : memref<!tpu.dma_semaphore, #tpu.memory_space<semaphore_mem>>)
    %dma_start3A_18 = arith.constant 0 : i32
    %dma_start3A_19 = arith.constant 0 : i32
    %dma_start3A_20 = tpu.memref_slice %arg4[%dma_start3A_18, %dma_start3A_19] : memref<9216x512xf32, #tpu.memory_space<hbm>> -> memref<9216x512xf32, #tpu.memory_space<hbm>>
    tpu.enqueue_indirect_dma source(%arg6 : memref<32x512xf32, #tpu.memory_space<vmem>>) target(%dma_start3A_20 : memref<9216x512xf32, #tpu.memory_space<hbm>>) offsets(%arg10 : memref<32xi32, #tpu.memory_space<vmem>>) semaphore(%arg14 : memref<!tpu.dma_semaphore, #tpu.memory_space<semaphore_mem>>)
    %dma_wait3A = arith.constant 0 : i32
    %dma_wait3A_21 = arith.constant 0 : i32
    %dma_wait3A_22 = tpu.memref_slice %arg4[%dma_wait3A, %dma_wait3A_21] : memref<9216x512xf32, #tpu.memory_space<hbm>> -> memref<9216x512xf32, #tpu.memory_space<hbm>>
    tpu.wait_indirect_dma semaphore(%arg11 : memref<!tpu.dma_semaphore, #tpu.memory_space<semaphore_mem>>) src(%arg5 : memref<32x512xf32, #tpu.memory_space<vmem>>) dst(%dma_wait3A_22 : memref<9216x512xf32, #tpu.memory_space<hbm>>)
    %dma_wait3A_23 = arith.constant 0 : i32
    %dma_wait3A_24 = arith.constant 0 : i32
    %dma_wait3A_25 = tpu.memref_slice %arg4[%dma_wait3A_23, %dma_wait3A_24] : memref<9216x512xf32, #tpu.memory_space<hbm>> -> memref<9216x512xf32, #tpu.memory_space<hbm>>
    tpu.wait_indirect_dma semaphore(%arg12 : memref<!tpu.dma_semaphore, #tpu.memory_space<semaphore_mem>>) src(%arg5 : memref<32x512xf32, #tpu.memory_space<vmem>>) dst(%dma_wait3A_25 : memref<9216x512xf32, #tpu.memory_space<hbm>>)
    %add3A_26 = arith.constant 64 : i32
    %add3A_27 = arith.addi %mul3A_2, %add3A_26 : i32
    %run_scoped3A_28 = arith.constant 0 : i32
    "tpu.region"() ({
      %run_scoped3A_64 = tpu.sem_alloc : memref<!tpu.dma_semaphore, #tpu.memory_space<semaphore_mem>>
      %dma_start3A_65 = tpu.memref_slice %arg3[%run_scoped3A_28, %add3A_27] : memref<2x4096xi32, #tpu.memory_space<hbm>> -> memref<1x32xi32, #tpu.memory_space<hbm>>
      %dma_start3A_66 = tpu.memref_squeeze %dma_start3A_65 : memref<1x32xi32, #tpu.memory_space<hbm>> -> memref<32xi32, #tpu.memory_space<hbm>>
      %dma_start3A_67 = tpu.memref_slice %arg3[%run_scoped3A_28, %add3A_27] : memref<2x4096xi32, #tpu.memory_space<hbm>> -> memref<1x32xi32, #tpu.memory_space<hbm>>
      %dma_start3A_68 = tpu.memref_squeeze %dma_start3A_67 : memref<1x32xi32, #tpu.memory_space<hbm>> -> memref<32xi32, #tpu.memory_space<hbm>>
      tpu.enqueue_dma source(%dma_start3A_68 : memref<32xi32, #tpu.memory_space<hbm>>) target(%arg7 : memref<32xi32, #tpu.memory_space<vmem>>) target_semaphore(%run_scoped3A_64 : memref<!tpu.dma_semaphore, #tpu.memory_space<semaphore_mem>>)
      %dma_wait3A_69 = tpu.memref_slice %arg3[%run_scoped3A_28, %add3A_27] : memref<2x4096xi32, #tpu.memory_space<hbm>> -> memref<1x32xi32, #tpu.memory_space<hbm>>
      %dma_wait3A_70 = tpu.memref_squeeze %dma_wait3A_69 : memref<1x32xi32, #tpu.memory_space<hbm>> -> memref<32xi32, #tpu.memory_space<hbm>>
      %dma_wait3A_71 = tpu.memref_slice %arg3[%run_scoped3A_28, %add3A_27] : memref<2x4096xi32, #tpu.memory_space<hbm>> -> memref<1x32xi32, #tpu.memory_space<hbm>>
      %dma_wait3A_72 = tpu.memref_squeeze %dma_wait3A_71 : memref<1x32xi32, #tpu.memory_space<hbm>> -> memref<32xi32, #tpu.memory_space<hbm>>
      tpu.wait_dma2 semaphore(%run_scoped3A_64 : memref<!tpu.dma_semaphore, #tpu.memory_space<semaphore_mem>>) src(%dma_wait3A_72 : memref<32xi32, #tpu.memory_space<hbm>>) dst(%arg7 : memref<32xi32, #tpu.memory_space<vmem>>)
      tpu.yield
    }) : () -> ()
    %run_scoped3A_29 = arith.constant 1 : i32
    "tpu.region"() ({
      %run_scoped3A_64 = tpu.sem_alloc : memref<!tpu.dma_semaphore, #tpu.memory_space<semaphore_mem>>
      %dma_start3A_65 = tpu.memref_slice %arg3[%run_scoped3A_29, %add3A_27] : memref<2x4096xi32, #tpu.memory_space<hbm>> -> memref<1x32xi32, #tpu.memory_space<hbm>>
      %dma_start3A_66 = tpu.memref_squeeze %dma_start3A_65 : memref<1x32xi32, #tpu.memory_space<hbm>> -> memref<32xi32, #tpu.memory_space<hbm>>
      %dma_start3A_67 = tpu.memref_slice %arg3[%run_scoped3A_29, %add3A_27] : memref<2x4096xi32, #tpu.memory_space<hbm>> -> memref<1x32xi32, #tpu.memory_space<hbm>>
      %dma_start3A_68 = tpu.memref_squeeze %dma_start3A_67 : memref<1x32xi32, #tpu.memory_space<hbm>> -> memref<32xi32, #tpu.memory_space<hbm>>
      tpu.enqueue_dma source(%dma_start3A_68 : memref<32xi32, #tpu.memory_space<hbm>>) target(%arg8 : memref<32xi32, #tpu.memory_space<vmem>>) target_semaphore(%run_scoped3A_64 : memref<!tpu.dma_semaphore, #tpu.memory_space<semaphore_mem>>)
      %dma_wait3A_69 = tpu.memref_slice %arg3[%run_scoped3A_29, %add3A_27] : memref<2x4096xi32, #tpu.memory_space<hbm>> -> memref<1x32xi32, #tpu.memory_space<hbm>>
      %dma_wait3A_70 = tpu.memref_squeeze %dma_wait3A_69 : memref<1x32xi32, #tpu.memory_space<hbm>> -> memref<32xi32, #tpu.memory_space<hbm>>
      %dma_wait3A_71 = tpu.memref_slice %arg3[%run_scoped3A_29, %add3A_27] : memref<2x4096xi32, #tpu.memory_space<hbm>> -> memref<1x32xi32, #tpu.memory_space<hbm>>
      %dma_wait3A_72 = tpu.memref_squeeze %dma_wait3A_71 : memref<1x32xi32, #tpu.memory_space<hbm>> -> memref<32xi32, #tpu.memory_space<hbm>>
      tpu.wait_dma2 semaphore(%run_scoped3A_64 : memref<!tpu.dma_semaphore, #tpu.memory_space<semaphore_mem>>) src(%dma_wait3A_72 : memref<32xi32, #tpu.memory_space<hbm>>) dst(%arg8 : memref<32xi32, #tpu.memory_space<vmem>>)
      tpu.yield
    }) : () -> ()
    "tpu.region"() ({
      %run_scoped3A_64 = tpu.sem_alloc : memref<!tpu.dma_semaphore, #tpu.memory_space<semaphore_mem>>
      %dma_start3A_65 = arith.constant 0 : i32
      %dma_start3A_66 = tpu.memref_slice %arg2[%add3A_27, %dma_start3A_65] : memref<4096x512xf32, #tpu.memory_space<hbm>> -> memref<32x512xf32, #tpu.memory_space<hbm>>
      %dma_start3A_67 = arith.constant 0 : i32
      %dma_start3A_68 = tpu.memref_slice %arg2[%add3A_27, %dma_start3A_67] : memref<4096x512xf32, #tpu.memory_space<hbm>> -> memref<32x512xf32, #tpu.memory_space<hbm>>
      tpu.enqueue_dma source(%dma_start3A_68 : memref<32x512xf32, #tpu.memory_space<hbm>>) target(%arg5 : memref<32x512xf32, #tpu.memory_space<vmem>>) target_semaphore(%run_scoped3A_64 : memref<!tpu.dma_semaphore, #tpu.memory_space<semaphore_mem>>)
      %dma_wait3A_69 = arith.constant 0 : i32
      %dma_wait3A_70 = tpu.memref_slice %arg2[%add3A_27, %dma_wait3A_69] : memref<4096x512xf32, #tpu.memory_space<hbm>> -> memref<32x512xf32, #tpu.memory_space<hbm>>
      %dma_wait3A_71 = arith.constant 0 : i32
      %dma_wait3A_72 = tpu.memref_slice %arg2[%add3A_27, %dma_wait3A_71] : memref<4096x512xf32, #tpu.memory_space<hbm>> -> memref<32x512xf32, #tpu.memory_space<hbm>>
      tpu.wait_dma2 semaphore(%run_scoped3A_64 : memref<!tpu.dma_semaphore, #tpu.memory_space<semaphore_mem>>) src(%dma_wait3A_72 : memref<32x512xf32, #tpu.memory_space<hbm>>) dst(%arg5 : memref<32x512xf32, #tpu.memory_space<vmem>>)
      tpu.yield
    }) : () -> ()
    %dma_start3A_30 = arith.constant 0 : i32
    %dma_start3A_31 = arith.constant 0 : i32
    %dma_start3A_32 = tpu.memref_slice %arg4[%dma_start3A_30, %dma_start3A_31] : memref<9216x512xf32, #tpu.memory_space<hbm>> -> memref<9216x512xf32, #tpu.memory_space<hbm>>
    tpu.enqueue_indirect_dma source(%arg5 : memref<32x512xf32, #tpu.memory_space<vmem>>) target(%dma_start3A_32 : memref<9216x512xf32, #tpu.memory_space<hbm>>) offsets(%arg7 : memref<32xi32, #tpu.memory_space<vmem>>) semaphore(%arg11 : memref<!tpu.dma_semaphore, #tpu.memory_space<semaphore_mem>>)
    %dma_start3A_33 = arith.constant 0 : i32
    %dma_start3A_34 = arith.constant 0 : i32
    %dma_start3A_35 = tpu.memref_slice %arg4[%dma_start3A_33, %dma_start3A_34] : memref<9216x512xf32, #tpu.memory_space<hbm>> -> memref<9216x512xf32, #tpu.memory_space<hbm>>
    tpu.enqueue_indirect_dma source(%arg5 : memref<32x512xf32, #tpu.memory_space<vmem>>) target(%dma_start3A_35 : memref<9216x512xf32, #tpu.memory_space<hbm>>) offsets(%arg8 : memref<32xi32, #tpu.memory_space<vmem>>) semaphore(%arg12 : memref<!tpu.dma_semaphore, #tpu.memory_space<semaphore_mem>>)
    %dma_wait3A_36 = arith.constant 0 : i32
    %dma_wait3A_37 = arith.constant 0 : i32
    %dma_wait3A_38 = tpu.memref_slice %arg4[%dma_wait3A_36, %dma_wait3A_37] : memref<9216x512xf32, #tpu.memory_space<hbm>> -> memref<9216x512xf32, #tpu.memory_space<hbm>>
    tpu.wait_indirect_dma semaphore(%arg13 : memref<!tpu.dma_semaphore, #tpu.memory_space<semaphore_mem>>) src(%arg6 : memref<32x512xf32, #tpu.memory_space<vmem>>) dst(%dma_wait3A_38 : memref<9216x512xf32, #tpu.memory_space<hbm>>)
    %dma_wait3A_39 = arith.constant 0 : i32
    %dma_wait3A_40 = arith.constant 0 : i32
    %dma_wait3A_41 = tpu.memref_slice %arg4[%dma_wait3A_39, %dma_wait3A_40] : memref<9216x512xf32, #tpu.memory_space<hbm>> -> memref<9216x512xf32, #tpu.memory_space<hbm>>
    tpu.wait_indirect_dma semaphore(%arg14 : memref<!tpu.dma_semaphore, #tpu.memory_space<semaphore_mem>>) src(%arg6 : memref<32x512xf32, #tpu.memory_space<vmem>>) dst(%dma_wait3A_41 : memref<9216x512xf32, #tpu.memory_space<hbm>>)
    %add3A_42 = arith.constant 96 : i32
    %add3A_43 = arith.addi %mul3A_2, %add3A_42 : i32
    %run_scoped3A_44 = arith.constant 0 : i32
    "tpu.region"() ({
      %run_scoped3A_64 = tpu.sem_alloc : memref<!tpu.dma_semaphore, #tpu.memory_space<semaphore_mem>>
      %dma_start3A_65 = tpu.memref_slice %arg3[%run_scoped3A_44, %add3A_43] : memref<2x4096xi32, #tpu.memory_space<hbm>> -> memref<1x32xi32, #tpu.memory_space<hbm>>
      %dma_start3A_66 = tpu.memref_squeeze %dma_start3A_65 : memref<1x32xi32, #tpu.memory_space<hbm>> -> memref<32xi32, #tpu.memory_space<hbm>>
      %dma_start3A_67 = tpu.memref_slice %arg3[%run_scoped3A_44, %add3A_43] : memref<2x4096xi32, #tpu.memory_space<hbm>> -> memref<1x32xi32, #tpu.memory_space<hbm>>
      %dma_start3A_68 = tpu.memref_squeeze %dma_start3A_67 : memref<1x32xi32, #tpu.memory_space<hbm>> -> memref<32xi32, #tpu.memory_space<hbm>>
      tpu.enqueue_dma source(%dma_start3A_68 : memref<32xi32, #tpu.memory_space<hbm>>) target(%arg9 : memref<32xi32, #tpu.memory_space<vmem>>) target_semaphore(%run_scoped3A_64 : memref<!tpu.dma_semaphore, #tpu.memory_space<semaphore_mem>>)
      %dma_wait3A_69 = tpu.memref_slice %arg3[%run_scoped3A_44, %add3A_43] : memref<2x4096xi32, #tpu.memory_space<hbm>> -> memref<1x32xi32, #tpu.memory_space<hbm>>
      %dma_wait3A_70 = tpu.memref_squeeze %dma_wait3A_69 : memref<1x32xi32, #tpu.memory_space<hbm>> -> memref<32xi32, #tpu.memory_space<hbm>>
      %dma_wait3A_71 = tpu.memref_slice %arg3[%run_scoped3A_44, %add3A_43] : memref<2x4096xi32, #tpu.memory_space<hbm>> -> memref<1x32xi32, #tpu.memory_space<hbm>>
      %dma_wait3A_72 = tpu.memref_squeeze %dma_wait3A_71 : memref<1x32xi32, #tpu.memory_space<hbm>> -> memref<32xi32, #tpu.memory_space<hbm>>
      tpu.wait_dma2 semaphore(%run_scoped3A_64 : memref<!tpu.dma_semaphore, #tpu.memory_space<semaphore_mem>>) src(%dma_wait3A_72 : memref<32xi32, #tpu.memory_space<hbm>>) dst(%arg9 : memref<32xi32, #tpu.memory_space<vmem>>)
      tpu.yield
    }) : () -> ()
    %run_scoped3A_45 = arith.constant 1 : i32
    "tpu.region"() ({
      %run_scoped3A_64 = tpu.sem_alloc : memref<!tpu.dma_semaphore, #tpu.memory_space<semaphore_mem>>
      %dma_start3A_65 = tpu.memref_slice %arg3[%run_scoped3A_45, %add3A_43] : memref<2x4096xi32, #tpu.memory_space<hbm>> -> memref<1x32xi32, #tpu.memory_space<hbm>>
      %dma_start3A_66 = tpu.memref_squeeze %dma_start3A_65 : memref<1x32xi32, #tpu.memory_space<hbm>> -> memref<32xi32, #tpu.memory_space<hbm>>
      %dma_start3A_67 = tpu.memref_slice %arg3[%run_scoped3A_45, %add3A_43] : memref<2x4096xi32, #tpu.memory_space<hbm>> -> memref<1x32xi32, #tpu.memory_space<hbm>>
      %dma_start3A_68 = tpu.memref_squeeze %dma_start3A_67 : memref<1x32xi32, #tpu.memory_space<hbm>> -> memref<32xi32, #tpu.memory_space<hbm>>
      tpu.enqueue_dma source(%dma_start3A_68 : memref<32xi32, #tpu.memory_space<hbm>>) target(%arg10 : memref<32xi32, #tpu.memory_space<vmem>>) target_semaphore(%run_scoped3A_64 : memref<!tpu.dma_semaphore, #tpu.memory_space<semaphore_mem>>)
      %dma_wait3A_69 = tpu.memref_slice %arg3[%run_scoped3A_45, %add3A_43] : memref<2x4096xi32, #tpu.memory_space<hbm>> -> memref<1x32xi32, #tpu.memory_space<hbm>>
      %dma_wait3A_70 = tpu.memref_squeeze %dma_wait3A_69 : memref<1x32xi32, #tpu.memory_space<hbm>> -> memref<32xi32, #tpu.memory_space<hbm>>
      %dma_wait3A_71 = tpu.memref_slice %arg3[%run_scoped3A_45, %add3A_43] : memref<2x4096xi32, #tpu.memory_space<hbm>> -> memref<1x32xi32, #tpu.memory_space<hbm>>
      %dma_wait3A_72 = tpu.memref_squeeze %dma_wait3A_71 : memref<1x32xi32, #tpu.memory_space<hbm>> -> memref<32xi32, #tpu.memory_space<hbm>>
      tpu.wait_dma2 semaphore(%run_scoped3A_64 : memref<!tpu.dma_semaphore, #tpu.memory_space<semaphore_mem>>) src(%dma_wait3A_72 : memref<32xi32, #tpu.memory_space<hbm>>) dst(%arg10 : memref<32xi32, #tpu.memory_space<vmem>>)
      tpu.yield
    }) : () -> ()
    "tpu.region"() ({
      %run_scoped3A_64 = tpu.sem_alloc : memref<!tpu.dma_semaphore, #tpu.memory_space<semaphore_mem>>
      %dma_start3A_65 = arith.constant 0 : i32
      %dma_start3A_66 = tpu.memref_slice %arg2[%add3A_43, %dma_start3A_65] : memref<4096x512xf32, #tpu.memory_space<hbm>> -> memref<32x512xf32, #tpu.memory_space<hbm>>
      %dma_start3A_67 = arith.constant 0 : i32
      %dma_start3A_68 = tpu.memref_slice %arg2[%add3A_43, %dma_start3A_67] : memref<4096x512xf32, #tpu.memory_space<hbm>> -> memref<32x512xf32, #tpu.memory_space<hbm>>
      tpu.enqueue_dma source(%dma_start3A_68 : memref<32x512xf32, #tpu.memory_space<hbm>>) target(%arg6 : memref<32x512xf32, #tpu.memory_space<vmem>>) target_semaphore(%run_scoped3A_64 : memref<!tpu.dma_semaphore, #tpu.memory_space<semaphore_mem>>)
      %dma_wait3A_69 = arith.constant 0 : i32
      %dma_wait3A_70 = tpu.memref_slice %arg2[%add3A_43, %dma_wait3A_69] : memref<4096x512xf32, #tpu.memory_space<hbm>> -> memref<32x512xf32, #tpu.memory_space<hbm>>
      %dma_wait3A_71 = arith.constant 0 : i32
      %dma_wait3A_72 = tpu.memref_slice %arg2[%add3A_43, %dma_wait3A_71] : memref<4096x512xf32, #tpu.memory_space<hbm>> -> memref<32x512xf32, #tpu.memory_space<hbm>>
      tpu.wait_dma2 semaphore(%run_scoped3A_64 : memref<!tpu.dma_semaphore, #tpu.memory_space<semaphore_mem>>) src(%dma_wait3A_72 : memref<32x512xf32, #tpu.memory_space<hbm>>) dst(%arg6 : memref<32x512xf32, #tpu.memory_space<vmem>>)
      tpu.yield
    }) : () -> ()
    %dma_start3A_46 = arith.constant 0 : i32
    %dma_start3A_47 = arith.constant 0 : i32
    %dma_start3A_48 = tpu.memref_slice %arg4[%dma_start3A_46, %dma_start3A_47] : memref<9216x512xf32, #tpu.memory_space<hbm>> -> memref<9216x512xf32, #tpu.memory_space<hbm>>
    tpu.enqueue_indirect_dma source(%arg6 : memref<32x512xf32, #tpu.memory_space<vmem>>) target(%dma_start3A_48 : memref<9216x512xf32, #tpu.memory_space<hbm>>) offsets(%arg9 : memref<32xi32, #tpu.memory_space<vmem>>) semaphore(%arg13 : memref<!tpu.dma_semaphore, #tpu.memory_space<semaphore_mem>>)
    %dma_start3A_49 = arith.constant 0 : i32
    %dma_start3A_50 = arith.constant 0 : i32
    %dma_start3A_51 = tpu.memref_slice %arg4[%dma_start3A_49, %dma_start3A_50] : memref<9216x512xf32, #tpu.memory_space<hbm>> -> memref<9216x512xf32, #tpu.memory_space<hbm>>
    tpu.enqueue_indirect_dma source(%arg6 : memref<32x512xf32, #tpu.memory_space<vmem>>) target(%dma_start3A_51 : memref<9216x512xf32, #tpu.memory_space<hbm>>) offsets(%arg10 : memref<32xi32, #tpu.memory_space<vmem>>) semaphore(%arg14 : memref<!tpu.dma_semaphore, #tpu.memory_space<semaphore_mem>>)
    %dma_wait3A_52 = arith.constant 0 : i32
    %dma_wait3A_53 = arith.constant 0 : i32
    %dma_wait3A_54 = tpu.memref_slice %arg4[%dma_wait3A_52, %dma_wait3A_53] : memref<9216x512xf32, #tpu.memory_space<hbm>> -> memref<9216x512xf32, #tpu.memory_space<hbm>>
    tpu.wait_indirect_dma semaphore(%arg11 : memref<!tpu.dma_semaphore, #tpu.memory_space<semaphore_mem>>) src(%arg5 : memref<32x512xf32, #tpu.memory_space<vmem>>) dst(%dma_wait3A_54 : memref<9216x512xf32, #tpu.memory_space<hbm>>)
    %dma_wait3A_55 = arith.constant 0 : i32
    %dma_wait3A_56 = arith.constant 0 : i32
    %dma_wait3A_57 = tpu.memref_slice %arg4[%dma_wait3A_55, %dma_wait3A_56] : memref<9216x512xf32, #tpu.memory_space<hbm>> -> memref<9216x512xf32, #tpu.memory_space<hbm>>
    tpu.wait_indirect_dma semaphore(%arg12 : memref<!tpu.dma_semaphore, #tpu.memory_space<semaphore_mem>>) src(%arg5 : memref<32x512xf32, #tpu.memory_space<vmem>>) dst(%dma_wait3A_57 : memref<9216x512xf32, #tpu.memory_space<hbm>>)
    %dma_wait3A_58 = arith.constant 0 : i32
    %dma_wait3A_59 = arith.constant 0 : i32
    %dma_wait3A_60 = tpu.memref_slice %arg4[%dma_wait3A_58, %dma_wait3A_59] : memref<9216x512xf32, #tpu.memory_space<hbm>> -> memref<9216x512xf32, #tpu.memory_space<hbm>>
    tpu.wait_indirect_dma semaphore(%arg13 : memref<!tpu.dma_semaphore, #tpu.memory_space<semaphore_mem>>) src(%arg6 : memref<32x512xf32, #tpu.memory_space<vmem>>) dst(%dma_wait3A_60 : memref<9216x512xf32, #tpu.memory_space<hbm>>)
    %dma_wait3A_61 = arith.constant 0 : i32
    %dma_wait3A_62 = arith.constant 0 : i32
    %dma_wait3A_63 = tpu.memref_slice %arg4[%dma_wait3A_61, %dma_wait3A_62] : memref<9216x512xf32, #tpu.memory_space<hbm>> -> memref<9216x512xf32, #tpu.memory_space<hbm>>
    tpu.wait_indirect_dma semaphore(%arg14 : memref<!tpu.dma_semaphore, #tpu.memory_space<semaphore_mem>>) src(%arg6 : memref<32x512xf32, #tpu.memory_space<vmem>>) dst(%dma_wait3A_63 : memref<9216x512xf32, #tpu.memory_space<hbm>>)
    return
  }
}

#map = affine_map<(d0, d1) -> (0, 0)>
module attributes {stable_mosaic.version = 14 : i64} {
  func.func @_combine_body(%arg0: i32, %arg1: i32, %arg2: memref<8192x1024xf32, #tpu.memory_space<hbm>>, %arg3: memref<2x4096xi32, #tpu.memory_space<hbm>>, %arg4: memref<4096x16xf32, #tpu.memory_space<hbm>>, %arg5: memref<4096x16xf32, #tpu.memory_space<hbm>>, %arg6: memref<4096x1024xf32, #tpu.memory_space<hbm>>, %arg7: memref<128xi32, #tpu.memory_space<vmem>>, %arg8: memref<128xi32, #tpu.memory_space<vmem>>, %arg9: memref<128x16xf32, #tpu.memory_space<vmem>>, %arg10: memref<128x16xf32, #tpu.memory_space<vmem>>, %arg11: memref<16x1024xf32, #tpu.memory_space<vmem>>, %arg12: memref<16x1024xf32, #tpu.memory_space<vmem>>, %arg13: memref<16x1024xf32, #tpu.memory_space<vmem>>, %arg14: memref<16x1024xf32, #tpu.memory_space<vmem>>, %arg15: memref<16x1024xf32, #tpu.memory_space<vmem>>, %arg16: memref<!tpu.dma_semaphore, #tpu.memory_space<semaphore_mem>>, %arg17: memref<!tpu.dma_semaphore, #tpu.memory_space<semaphore_mem>>, %arg18: memref<!tpu.dma_semaphore, #tpu.memory_space<semaphore_mem>>, %arg19: memref<!tpu.dma_semaphore, #tpu.memory_space<semaphore_mem>>) attributes {dimension_semantics = [#tpu.dimension_semantics<core_parallel>, #tpu.dimension_semantics<subcore_parallel>], iteration_bounds = array<i64: 2, 16>, scalar_prefetch = 0 : i64, scratch_operands = 13 : i64, tpu.core_type = #tpu.core_type<sc_vector_subcore>, window_params = [{transform_indices = #map}, {transform_indices = #map}, {transform_indices = #map}, {transform_indices = #map}, {transform_indices = #map}]} {
    %mul3A = arith.constant 2 : i32
    %mul3A_0 = arith.muli %arg1, %mul3A : i32
    %add3A = arith.addi %mul3A_0, %arg0 : i32
    %mul3A_1 = arith.constant 128 : i32
    %mul3A_2 = arith.muli %add3A, %mul3A_1 : i32
    %run_scoped3A = arith.constant 0 : i32
    "tpu.region"() ({
      %run_scoped3A_17 = tpu.sem_alloc : memref<!tpu.dma_semaphore, #tpu.memory_space<semaphore_mem>>
      %dma_start3A_18 = tpu.memref_slice %arg3[%run_scoped3A, %mul3A_2] : memref<2x4096xi32, #tpu.memory_space<hbm>> -> memref<1x128xi32, #tpu.memory_space<hbm>>
      %dma_start3A_19 = tpu.memref_squeeze %dma_start3A_18 : memref<1x128xi32, #tpu.memory_space<hbm>> -> memref<128xi32, #tpu.memory_space<hbm>>
      %dma_start3A_20 = tpu.memref_slice %arg3[%run_scoped3A, %mul3A_2] : memref<2x4096xi32, #tpu.memory_space<hbm>> -> memref<1x128xi32, #tpu.memory_space<hbm>>
      %dma_start3A_21 = tpu.memref_squeeze %dma_start3A_20 : memref<1x128xi32, #tpu.memory_space<hbm>> -> memref<128xi32, #tpu.memory_space<hbm>>
      tpu.enqueue_dma source(%dma_start3A_21 : memref<128xi32, #tpu.memory_space<hbm>>) target(%arg7 : memref<128xi32, #tpu.memory_space<vmem>>) target_semaphore(%run_scoped3A_17 : memref<!tpu.dma_semaphore, #tpu.memory_space<semaphore_mem>>)
      %dma_wait3A = tpu.memref_slice %arg3[%run_scoped3A, %mul3A_2] : memref<2x4096xi32, #tpu.memory_space<hbm>> -> memref<1x128xi32, #tpu.memory_space<hbm>>
      %dma_wait3A_22 = tpu.memref_squeeze %dma_wait3A : memref<1x128xi32, #tpu.memory_space<hbm>> -> memref<128xi32, #tpu.memory_space<hbm>>
      %dma_wait3A_23 = tpu.memref_slice %arg3[%run_scoped3A, %mul3A_2] : memref<2x4096xi32, #tpu.memory_space<hbm>> -> memref<1x128xi32, #tpu.memory_space<hbm>>
      %dma_wait3A_24 = tpu.memref_squeeze %dma_wait3A_23 : memref<1x128xi32, #tpu.memory_space<hbm>> -> memref<128xi32, #tpu.memory_space<hbm>>
      tpu.wait_dma2 semaphore(%run_scoped3A_17 : memref<!tpu.dma_semaphore, #tpu.memory_space<semaphore_mem>>) src(%dma_wait3A_24 : memref<128xi32, #tpu.memory_space<hbm>>) dst(%arg7 : memref<128xi32, #tpu.memory_space<vmem>>)
      tpu.yield
    }) : () -> ()
    %run_scoped3A_3 = arith.constant 1 : i32
    "tpu.region"() ({
      %run_scoped3A_17 = tpu.sem_alloc : memref<!tpu.dma_semaphore, #tpu.memory_space<semaphore_mem>>
      %dma_start3A_18 = tpu.memref_slice %arg3[%run_scoped3A_3, %mul3A_2] : memref<2x4096xi32, #tpu.memory_space<hbm>> -> memref<1x128xi32, #tpu.memory_space<hbm>>
      %dma_start3A_19 = tpu.memref_squeeze %dma_start3A_18 : memref<1x128xi32, #tpu.memory_space<hbm>> -> memref<128xi32, #tpu.memory_space<hbm>>
      %dma_start3A_20 = tpu.memref_slice %arg3[%run_scoped3A_3, %mul3A_2] : memref<2x4096xi32, #tpu.memory_space<hbm>> -> memref<1x128xi32, #tpu.memory_space<hbm>>
      %dma_start3A_21 = tpu.memref_squeeze %dma_start3A_20 : memref<1x128xi32, #tpu.memory_space<hbm>> -> memref<128xi32, #tpu.memory_space<hbm>>
      tpu.enqueue_dma source(%dma_start3A_21 : memref<128xi32, #tpu.memory_space<hbm>>) target(%arg8 : memref<128xi32, #tpu.memory_space<vmem>>) target_semaphore(%run_scoped3A_17 : memref<!tpu.dma_semaphore, #tpu.memory_space<semaphore_mem>>)
      %dma_wait3A = tpu.memref_slice %arg3[%run_scoped3A_3, %mul3A_2] : memref<2x4096xi32, #tpu.memory_space<hbm>> -> memref<1x128xi32, #tpu.memory_space<hbm>>
      %dma_wait3A_22 = tpu.memref_squeeze %dma_wait3A : memref<1x128xi32, #tpu.memory_space<hbm>> -> memref<128xi32, #tpu.memory_space<hbm>>
      %dma_wait3A_23 = tpu.memref_slice %arg3[%run_scoped3A_3, %mul3A_2] : memref<2x4096xi32, #tpu.memory_space<hbm>> -> memref<1x128xi32, #tpu.memory_space<hbm>>
      %dma_wait3A_24 = tpu.memref_squeeze %dma_wait3A_23 : memref<1x128xi32, #tpu.memory_space<hbm>> -> memref<128xi32, #tpu.memory_space<hbm>>
      tpu.wait_dma2 semaphore(%run_scoped3A_17 : memref<!tpu.dma_semaphore, #tpu.memory_space<semaphore_mem>>) src(%dma_wait3A_24 : memref<128xi32, #tpu.memory_space<hbm>>) dst(%arg8 : memref<128xi32, #tpu.memory_space<vmem>>)
      tpu.yield
    }) : () -> ()
    "tpu.region"() ({
      %run_scoped3A_17 = tpu.sem_alloc : memref<!tpu.dma_semaphore, #tpu.memory_space<semaphore_mem>>
      %dma_start3A_18 = arith.constant 0 : i32
      %dma_start3A_19 = tpu.memref_slice %arg4[%mul3A_2, %dma_start3A_18] : memref<4096x16xf32, #tpu.memory_space<hbm>> -> memref<128x16xf32, #tpu.memory_space<hbm>>
      %dma_start3A_20 = arith.constant 0 : i32
      %dma_start3A_21 = tpu.memref_slice %arg4[%mul3A_2, %dma_start3A_20] : memref<4096x16xf32, #tpu.memory_space<hbm>> -> memref<128x16xf32, #tpu.memory_space<hbm>>
      tpu.enqueue_dma source(%dma_start3A_21 : memref<128x16xf32, #tpu.memory_space<hbm>>) target(%arg9 : memref<128x16xf32, #tpu.memory_space<vmem>>) target_semaphore(%run_scoped3A_17 : memref<!tpu.dma_semaphore, #tpu.memory_space<semaphore_mem>>)
      %dma_wait3A = arith.constant 0 : i32
      %dma_wait3A_22 = tpu.memref_slice %arg4[%mul3A_2, %dma_wait3A] : memref<4096x16xf32, #tpu.memory_space<hbm>> -> memref<128x16xf32, #tpu.memory_space<hbm>>
      %dma_wait3A_23 = arith.constant 0 : i32
      %dma_wait3A_24 = tpu.memref_slice %arg4[%mul3A_2, %dma_wait3A_23] : memref<4096x16xf32, #tpu.memory_space<hbm>> -> memref<128x16xf32, #tpu.memory_space<hbm>>
      tpu.wait_dma2 semaphore(%run_scoped3A_17 : memref<!tpu.dma_semaphore, #tpu.memory_space<semaphore_mem>>) src(%dma_wait3A_24 : memref<128x16xf32, #tpu.memory_space<hbm>>) dst(%arg9 : memref<128x16xf32, #tpu.memory_space<vmem>>)
      tpu.yield
    }) : () -> ()
    "tpu.region"() ({
      %run_scoped3A_17 = tpu.sem_alloc : memref<!tpu.dma_semaphore, #tpu.memory_space<semaphore_mem>>
      %dma_start3A_18 = arith.constant 0 : i32
      %dma_start3A_19 = tpu.memref_slice %arg5[%mul3A_2, %dma_start3A_18] : memref<4096x16xf32, #tpu.memory_space<hbm>> -> memref<128x16xf32, #tpu.memory_space<hbm>>
      %dma_start3A_20 = arith.constant 0 : i32
      %dma_start3A_21 = tpu.memref_slice %arg5[%mul3A_2, %dma_start3A_20] : memref<4096x16xf32, #tpu.memory_space<hbm>> -> memref<128x16xf32, #tpu.memory_space<hbm>>
      tpu.enqueue_dma source(%dma_start3A_21 : memref<128x16xf32, #tpu.memory_space<hbm>>) target(%arg10 : memref<128x16xf32, #tpu.memory_space<vmem>>) target_semaphore(%run_scoped3A_17 : memref<!tpu.dma_semaphore, #tpu.memory_space<semaphore_mem>>)
      %dma_wait3A = arith.constant 0 : i32
      %dma_wait3A_22 = tpu.memref_slice %arg5[%mul3A_2, %dma_wait3A] : memref<4096x16xf32, #tpu.memory_space<hbm>> -> memref<128x16xf32, #tpu.memory_space<hbm>>
      %dma_wait3A_23 = arith.constant 0 : i32
      %dma_wait3A_24 = tpu.memref_slice %arg5[%mul3A_2, %dma_wait3A_23] : memref<4096x16xf32, #tpu.memory_space<hbm>> -> memref<128x16xf32, #tpu.memory_space<hbm>>
      tpu.wait_dma2 semaphore(%run_scoped3A_17 : memref<!tpu.dma_semaphore, #tpu.memory_space<semaphore_mem>>) src(%dma_wait3A_24 : memref<128x16xf32, #tpu.memory_space<hbm>>) dst(%arg10 : memref<128x16xf32, #tpu.memory_space<vmem>>)
      tpu.yield
    }) : () -> ()
    %dma_start3A = arith.constant 0 : i32
    %dma_start3A_4 = tpu.memref_slice %arg7[%dma_start3A] : memref<128xi32, #tpu.memory_space<vmem>> -> memref<16xi32, #tpu.memory_space<vmem>>
    %dma_start3A_5 = arith.constant 0 : i32
    %dma_start3A_6 = arith.constant 0 : i32
    %dma_start3A_7 = tpu.memref_slice %arg2[%dma_start3A_5, %dma_start3A_6] : memref<8192x1024xf32, #tpu.memory_space<hbm>> -> memref<8192x1024xf32, #tpu.memory_space<hbm>>
    tpu.enqueue_indirect_dma source(%dma_start3A_7 : memref<8192x1024xf32, #tpu.memory_space<hbm>>) target(%arg11 : memref<16x1024xf32, #tpu.memory_space<vmem>>) offsets(%dma_start3A_4 : memref<16xi32, #tpu.memory_space<vmem>>) semaphore(%arg16 : memref<!tpu.dma_semaphore, #tpu.memory_space<semaphore_mem>>)
    %dma_start3A_8 = arith.constant 0 : i32
    %dma_start3A_9 = tpu.memref_slice %arg8[%dma_start3A_8] : memref<128xi32, #tpu.memory_space<vmem>> -> memref<16xi32, #tpu.memory_space<vmem>>
    %dma_start3A_10 = arith.constant 0 : i32
    %dma_start3A_11 = arith.constant 0 : i32
    %dma_start3A_12 = tpu.memref_slice %arg2[%dma_start3A_10, %dma_start3A_11] : memref<8192x1024xf32, #tpu.memory_space<hbm>> -> memref<8192x1024xf32, #tpu.memory_space<hbm>>
    tpu.enqueue_indirect_dma source(%dma_start3A_12 : memref<8192x1024xf32, #tpu.memory_space<hbm>>) target(%arg12 : memref<16x1024xf32, #tpu.memory_space<vmem>>) offsets(%dma_start3A_9 : memref<16xi32, #tpu.memory_space<vmem>>) semaphore(%arg17 : memref<!tpu.dma_semaphore, #tpu.memory_space<semaphore_mem>>)
    %scan3A = arith.constant 0 : i32
    %scan3A_13 = arith.constant 4 : i32
    %scan3A_14 = arith.addi %scan3A, %scan3A_13 : i32
    %scan3A_15 = arith.constant 1 : i32
    scf.for %scan3A_17 = %scan3A to %scan3A_14 step %scan3A_15  : i32 {
      %mul3A_18 = arith.constant 2 : i32
      %mul3A_19 = arith.muli %scan3A_17, %mul3A_18 : i32
      %add3A_20 = arith.constant 0 : i32
      %add3A_21 = arith.addi %add3A_20, %mul3A_19 : i32
      %add3A_22 = arith.constant 1 : i32
      %add3A_23 = arith.addi %add3A_21, %add3A_22 : i32
      %mul3A_24 = arith.constant 16 : i32
      %mul3A_25 = arith.muli %add3A_23, %mul3A_24 : i32
      %dma_start3A_26 = tpu.memref_slice %arg7[%mul3A_25] : memref<128xi32, #tpu.memory_space<vmem>> -> memref<16xi32, #tpu.memory_space<vmem>>
      %dma_start3A_27 = arith.constant 0 : i32
      %dma_start3A_28 = arith.constant 0 : i32
      %dma_start3A_29 = tpu.memref_slice %arg2[%dma_start3A_27, %dma_start3A_28] : memref<8192x1024xf32, #tpu.memory_space<hbm>> -> memref<8192x1024xf32, #tpu.memory_space<hbm>>
      tpu.enqueue_indirect_dma source(%dma_start3A_29 : memref<8192x1024xf32, #tpu.memory_space<hbm>>) target(%arg13 : memref<16x1024xf32, #tpu.memory_space<vmem>>) offsets(%dma_start3A_26 : memref<16xi32, #tpu.memory_space<vmem>>) semaphore(%arg18 : memref<!tpu.dma_semaphore, #tpu.memory_space<semaphore_mem>>)
      %mul3A_30 = arith.constant 16 : i32
      %mul3A_31 = arith.muli %add3A_23, %mul3A_30 : i32
      %dma_start3A_32 = tpu.memref_slice %arg8[%mul3A_31] : memref<128xi32, #tpu.memory_space<vmem>> -> memref<16xi32, #tpu.memory_space<vmem>>
      %dma_start3A_33 = arith.constant 0 : i32
      %dma_start3A_34 = arith.constant 0 : i32
      %dma_start3A_35 = tpu.memref_slice %arg2[%dma_start3A_33, %dma_start3A_34] : memref<8192x1024xf32, #tpu.memory_space<hbm>> -> memref<8192x1024xf32, #tpu.memory_space<hbm>>
      tpu.enqueue_indirect_dma source(%dma_start3A_35 : memref<8192x1024xf32, #tpu.memory_space<hbm>>) target(%arg14 : memref<16x1024xf32, #tpu.memory_space<vmem>>) offsets(%dma_start3A_32 : memref<16xi32, #tpu.memory_space<vmem>>) semaphore(%arg19 : memref<!tpu.dma_semaphore, #tpu.memory_space<semaphore_mem>>)
      %dma_wait3A = arith.constant 0 : i32
      %dma_wait3A_36 = tpu.memref_slice %arg7[%dma_wait3A] : memref<128xi32, #tpu.memory_space<vmem>> -> memref<16xi32, #tpu.memory_space<vmem>>
      %dma_wait3A_37 = arith.constant 0 : i32
      %dma_wait3A_38 = arith.constant 0 : i32
      %dma_wait3A_39 = tpu.memref_slice %arg2[%dma_wait3A_37, %dma_wait3A_38] : memref<8192x1024xf32, #tpu.memory_space<hbm>> -> memref<8192x1024xf32, #tpu.memory_space<hbm>>
      tpu.wait_indirect_dma semaphore(%arg16 : memref<!tpu.dma_semaphore, #tpu.memory_space<semaphore_mem>>) src(%dma_wait3A_39 : memref<8192x1024xf32, #tpu.memory_space<hbm>>) dst(%arg11 : memref<16x1024xf32, #tpu.memory_space<vmem>>)
      %dma_wait3A_40 = arith.constant 0 : i32
      %dma_wait3A_41 = tpu.memref_slice %arg8[%dma_wait3A_40] : memref<128xi32, #tpu.memory_space<vmem>> -> memref<16xi32, #tpu.memory_space<vmem>>
      %dma_wait3A_42 = arith.constant 0 : i32
      %dma_wait3A_43 = arith.constant 0 : i32
      %dma_wait3A_44 = tpu.memref_slice %arg2[%dma_wait3A_42, %dma_wait3A_43] : memref<8192x1024xf32, #tpu.memory_space<hbm>> -> memref<8192x1024xf32, #tpu.memory_space<hbm>>
      tpu.wait_indirect_dma semaphore(%arg17 : memref<!tpu.dma_semaphore, #tpu.memory_space<semaphore_mem>>) src(%dma_wait3A_44 : memref<8192x1024xf32, #tpu.memory_space<hbm>>) dst(%arg12 : memref<16x1024xf32, #tpu.memory_space<vmem>>)
      %scan3A_45 = arith.constant 0 : i32
      %scan3A_46 = arith.constant 16 : i32
      %scan3A_47 = arith.addi %scan3A_45, %scan3A_46 : i32
      %scan3A_48 = arith.constant 1 : i32
      scf.for %scan3A_77 = %scan3A_45 to %scan3A_47 step %scan3A_48  : i32 {
        %mul3A_78 = arith.constant 1 : i32
        %mul3A_79 = arith.muli %scan3A_77, %mul3A_78 : i32
        %add3A_80 = arith.constant 0 : i32
        %add3A_81 = arith.addi %add3A_80, %mul3A_79 : i32
        %mul3A_82 = arith.constant 16 : i32
        %mul3A_83 = arith.muli %add3A_21, %mul3A_82 : i32
        %add3A_84 = arith.addi %mul3A_83, %add3A_81 : i32
        %get3A = arith.index_cast %add3A_84 : i32 to index
        %get3A_85 = arith.constant 0 : index
        %get3A_86 = tpu.vector_load %arg9[%get3A, %get3A_85] {strides = array<i32>} : memref<128x16xf32, #tpu.memory_space<vmem>>, vector<16xf32>,
        %mul3A_87 = arith.constant 16 : i32
        %mul3A_88 = arith.muli %add3A_21, %mul3A_87 : i32
        %add3A_89 = arith.addi %mul3A_88, %add3A_81 : i32
        %get3A_90 = arith.index_cast %add3A_89 : i32 to index
        %get3A_91 = arith.constant 0 : index
        %get3A_92 = tpu.vector_load %arg10[%get3A_90, %get3A_91] {strides = array<i32>} : memref<128x16xf32, #tpu.memory_space<vmem>>, vector<16xf32>,
        %get3A_93 = arith.index_cast %add3A_81 : i32 to index
        %get3A_94 = arith.constant 0 : index
        %get3A_95 = tpu.vector_load %arg11[%get3A_93, %get3A_94] {strides = array<i32>} : memref<16x1024xf32, #tpu.memory_space<vmem>>, vector<16xf32>,
        %mul3A_96 = arith.mulf %get3A_86, %get3A_95 : vector<16xf32>
        %get3A_97 = arith.index_cast %add3A_81 : i32 to index
        %get3A_98 = arith.constant 0 : index
        %get3A_99 = tpu.vector_load %arg12[%get3A_97, %get3A_98] {strides = array<i32>} : memref<16x1024xf32, #tpu.memory_space<vmem>>, vector<16xf32>,
        %mul3A_100 = arith.mulf %get3A_92, %get3A_99 : vector<16xf32>
        %add3A_101 = arith.addf %mul3A_96, %mul3A_100 : vector<16xf32>
        %swap3A = arith.index_cast %add3A_81 : i32 to index
        %swap3A_102 = arith.constant 0 : index
        %swap3A_103 = tpu.vector_load %arg15[%swap3A, %swap3A_102] {strides = array<i32>} : memref<16x1024xf32, #tpu.memory_space<vmem>>, vector<16xf32>,
        tpu.vector_store %arg15[%swap3A, %swap3A_102], %add3A_101 {strides = array<i32>} : memref<16x1024xf32, #tpu.memory_space<vmem>>, vector<16xf32>,
        %get3A_104 = arith.index_cast %add3A_81 : i32 to index
        %get3A_105 = arith.constant 16 : index
        %get3A_106 = tpu.vector_load %arg11[%get3A_104, %get3A_105] {strides = array<i32>} : memref<16x1024xf32, #tpu.memory_space<vmem>>, vector<16xf32>,
        %mul3A_107 = arith.mulf %get3A_86, %get3A_106 : vector<16xf32>
        %get3A_108 = arith.index_cast %add3A_81 : i32 to index
        %get3A_109 = arith.constant 16 : index
        %get3A_110 = tpu.vector_load %arg12[%get3A_108, %get3A_109] {strides = array<i32>} : memref<16x1024xf32, #tpu.memory_space<vmem>>, vector<16xf32>,
        %mul3A_111 = arith.mulf %get3A_92, %get3A_110 : vector<16xf32>
        %add3A_112 = arith.addf %mul3A_107, %mul3A_111 : vector<16xf32>
        %swap3A_113 = arith.index_cast %add3A_81 : i32 to index
        %swap3A_114 = arith.constant 16 : index
        %swap3A_115 = tpu.vector_load %arg15[%swap3A_113, %swap3A_114] {strides = array<i32>} : memref<16x1024xf32, #tpu.memory_space<vmem>>, vector<16xf32>,
        tpu.vector_store %arg15[%swap3A_113, %swap3A_114], %add3A_112 {strides = array<i32>} : memref<16x1024xf32, #tpu.memory_space<vmem>>, vector<16xf32>,
        %get3A_116 = arith.index_cast %add3A_81 : i32 to index
        %get3A_117 = arith.constant 32 : index
        %get3A_118 = tpu.vector_load %arg11[%get3A_116, %get3A_117] {strides = array<i32>} : memref<16x1024xf32, #tpu.memory_space<vmem>>, vector<16xf32>,
        %mul3A_119 = arith.mulf %get3A_86, %get3A_118 : vector<16xf32>
        %get3A_120 = arith.index_cast %add3A_81 : i32 to index
        %get3A_121 = arith.constant 32 : index
        %get3A_122 = tpu.vector_load %arg12[%get3A_120, %get3A_121] {strides = array<i32>} : memref<16x1024xf32, #tpu.memory_space<vmem>>, vector<16xf32>,
        %mul3A_123 = arith.mulf %get3A_92, %get3A_122 : vector<16xf32>
        %add3A_124 = arith.addf %mul3A_119, %mul3A_123 : vector<16xf32>
        %swap3A_125 = arith.index_cast %add3A_81 : i32 to index
        %swap3A_126 = arith.constant 32 : index
        %swap3A_127 = tpu.vector_load %arg15[%swap3A_125, %swap3A_126] {strides = array<i32>} : memref<16x1024xf32, #tpu.memory_space<vmem>>, vector<16xf32>,
        tpu.vector_store %arg15[%swap3A_125, %swap3A_126], %add3A_124 {strides = array<i32>} : memref<16x1024xf32, #tpu.memory_space<vmem>>, vector<16xf32>,
        %get3A_128 = arith.index_cast %add3A_81 : i32 to index
        %get3A_129 = arith.constant 48 : index
        %get3A_130 = tpu.vector_load %arg11[%get3A_128, %get3A_129] {strides = array<i32>} : memref<16x1024xf32, #tpu.memory_space<vmem>>, vector<16xf32>,
        %mul3A_131 = arith.mulf %get3A_86, %get3A_130 : vector<16xf32>
        %get3A_132 = arith.index_cast %add3A_81 : i32 to index
        %get3A_133 = arith.constant 48 : index
        %get3A_134 = tpu.vector_load %arg12[%get3A_132, %get3A_133] {strides = array<i32>} : memref<16x1024xf32, #tpu.memory_space<vmem>>, vector<16xf32>,
        %mul3A_135 = arith.mulf %get3A_92, %get3A_134 : vector<16xf32>
        %add3A_136 = arith.addf %mul3A_131, %mul3A_135 : vector<16xf32>
        %swap3A_137 = arith.index_cast %add3A_81 : i32 to index
        %swap3A_138 = arith.constant 48 : index
        %swap3A_139 = tpu.vector_load %arg15[%swap3A_137, %swap3A_138] {strides = array<i32>} : memref<16x1024xf32, #tpu.memory_space<vmem>>, vector<16xf32>,
        tpu.vector_store %arg15[%swap3A_137, %swap3A_138], %add3A_136 {strides = array<i32>} : memref<16x1024xf32, #tpu.memory_space<vmem>>, vector<16xf32>,
        %get3A_140 = arith.index_cast %add3A_81 : i32 to index
        %get3A_141 = arith.constant 64 : index
        %get3A_142 = tpu.vector_load %arg11[%get3A_140, %get3A_141] {strides = array<i32>} : memref<16x1024xf32, #tpu.memory_space<vmem>>, vector<16xf32>,
        %mul3A_143 = arith.mulf %get3A_86, %get3A_142 : vector<16xf32>
        %get3A_144 = arith.index_cast %add3A_81 : i32 to index
        %get3A_145 = arith.constant 64 : index
        %get3A_146 = tpu.vector_load %arg12[%get3A_144, %get3A_145] {strides = array<i32>} : memref<16x1024xf32, #tpu.memory_space<vmem>>, vector<16xf32>,
        %mul3A_147 = arith.mulf %get3A_92, %get3A_146 : vector<16xf32>
        %add3A_148 = arith.addf %mul3A_143, %mul3A_147 : vector<16xf32>
        %swap3A_149 = arith.index_cast %add3A_81 : i32 to index
        %swap3A_150 = arith.constant 64 : index
        %swap3A_151 = tpu.vector_load %arg15[%swap3A_149, %swap3A_150] {strides = array<i32>} : memref<16x1024xf32, #tpu.memory_space<vmem>>, vector<16xf32>,
        tpu.vector_store %arg15[%swap3A_149, %swap3A_150], %add3A_148 {strides = array<i32>} : memref<16x1024xf32, #tpu.memory_space<vmem>>, vector<16xf32>,
        %get3A_152 = arith.index_cast %add3A_81 : i32 to index
        %get3A_153 = arith.constant 80 : index
        %get3A_154 = tpu.vector_load %arg11[%get3A_152, %get3A_153] {strides = array<i32>} : memref<16x1024xf32, #tpu.memory_space<vmem>>, vector<16xf32>,
        %mul3A_155 = arith.mulf %get3A_86, %get3A_154 : vector<16xf32>
        %get3A_156 = arith.index_cast %add3A_81 : i32 to index
        %get3A_157 = arith.constant 80 : index
        %get3A_158 = tpu.vector_load %arg12[%get3A_156, %get3A_157] {strides = array<i32>} : memref<16x1024xf32, #tpu.memory_space<vmem>>, vector<16xf32>,
        %mul3A_159 = arith.mulf %get3A_92, %get3A_158 : vector<16xf32>
        %add3A_160 = arith.addf %mul3A_155, %mul3A_159 : vector<16xf32>
        %swap3A_161 = arith.index_cast %add3A_81 : i32 to index
        %swap3A_162 = arith.constant 80 : index
        %swap3A_163 = tpu.vector_load %arg15[%swap3A_161, %swap3A_162] {strides = array<i32>} : memref<16x1024xf32, #tpu.memory_space<vmem>>, vector<16xf32>,
        tpu.vector_store %arg15[%swap3A_161, %swap3A_162], %add3A_160 {strides = array<i32>} : memref<16x1024xf32, #tpu.memory_space<vmem>>, vector<16xf32>,
        %get3A_164 = arith.index_cast %add3A_81 : i32 to index
        %get3A_165 = arith.constant 96 : index
        %get3A_166 = tpu.vector_load %arg11[%get3A_164, %get3A_165] {strides = array<i32>} : memref<16x1024xf32, #tpu.memory_space<vmem>>, vector<16xf32>,
        %mul3A_167 = arith.mulf %get3A_86, %get3A_166 : vector<16xf32>
        %get3A_168 = arith.index_cast %add3A_81 : i32 to index
        %get3A_169 = arith.constant 96 : index
        %get3A_170 = tpu.vector_load %arg12[%get3A_168, %get3A_169] {strides = array<i32>} : memref<16x1024xf32, #tpu.memory_space<vmem>>, vector<16xf32>,
        %mul3A_171 = arith.mulf %get3A_92, %get3A_170 : vector<16xf32>
        %add3A_172 = arith.addf %mul3A_167, %mul3A_171 : vector<16xf32>
        %swap3A_173 = arith.index_cast %add3A_81 : i32 to index
        %swap3A_174 = arith.constant 96 : index
        %swap3A_175 = tpu.vector_load %arg15[%swap3A_173, %swap3A_174] {strides = array<i32>} : memref<16x1024xf32, #tpu.memory_space<vmem>>, vector<16xf32>,
        tpu.vector_store %arg15[%swap3A_173, %swap3A_174], %add3A_172 {strides = array<i32>} : memref<16x1024xf32, #tpu.memory_space<vmem>>, vector<16xf32>,
        %get3A_176 = arith.index_cast %add3A_81 : i32 to index
        %get3A_177 = arith.constant 112 : index
        %get3A_178 = tpu.vector_load %arg11[%get3A_176, %get3A_177] {strides = array<i32>} : memref<16x1024xf32, #tpu.memory_space<vmem>>, vector<16xf32>,
        %mul3A_179 = arith.mulf %get3A_86, %get3A_178 : vector<16xf32>
        %get3A_180 = arith.index_cast %add3A_81 : i32 to index
        %get3A_181 = arith.constant 112 : index
        %get3A_182 = tpu.vector_load %arg12[%get3A_180, %get3A_181] {strides = array<i32>} : memref<16x1024xf32, #tpu.memory_space<vmem>>, vector<16xf32>,
        %mul3A_183 = arith.mulf %get3A_92, %get3A_182 : vector<16xf32>
        %add3A_184 = arith.addf %mul3A_179, %mul3A_183 : vector<16xf32>
        %swap3A_185 = arith.index_cast %add3A_81 : i32 to index
        %swap3A_186 = arith.constant 112 : index
        %swap3A_187 = tpu.vector_load %arg15[%swap3A_185, %swap3A_186] {strides = array<i32>} : memref<16x1024xf32, #tpu.memory_space<vmem>>, vector<16xf32>,
        tpu.vector_store %arg15[%swap3A_185, %swap3A_186], %add3A_184 {strides = array<i32>} : memref<16x1024xf32, #tpu.memory_space<vmem>>, vector<16xf32>,
        %get3A_188 = arith.index_cast %add3A_81 : i32 to index
        %get3A_189 = arith.constant 128 : index
        %get3A_190 = tpu.vector_load %arg11[%get3A_188, %get3A_189] {strides = array<i32>} : memref<16x1024xf32, #tpu.memory_space<vmem>>, vector<16xf32>,
        %mul3A_191 = arith.mulf %get3A_86, %get3A_190 : vector<16xf32>
        %get3A_192 = arith.index_cast %add3A_81 : i32 to index
        %get3A_193 = arith.constant 128 : index
        %get3A_194 = tpu.vector_load %arg12[%get3A_192, %get3A_193] {strides = array<i32>} : memref<16x1024xf32, #tpu.memory_space<vmem>>, vector<16xf32>,
        %mul3A_195 = arith.mulf %get3A_92, %get3A_194 : vector<16xf32>
        %add3A_196 = arith.addf %mul3A_191, %mul3A_195 : vector<16xf32>
        %swap3A_197 = arith.index_cast %add3A_81 : i32 to index
        %swap3A_198 = arith.constant 128 : index
        %swap3A_199 = tpu.vector_load %arg15[%swap3A_197, %swap3A_198] {strides = array<i32>} : memref<16x1024xf32, #tpu.memory_space<vmem>>, vector<16xf32>,
        tpu.vector_store %arg15[%swap3A_197, %swap3A_198], %add3A_196 {strides = array<i32>} : memref<16x1024xf32, #tpu.memory_space<vmem>>, vector<16xf32>,
        %get3A_200 = arith.index_cast %add3A_81 : i32 to index
        %get3A_201 = arith.constant 144 : index
        %get3A_202 = tpu.vector_load %arg11[%get3A_200, %get3A_201] {strides = array<i32>} : memref<16x1024xf32, #tpu.memory_space<vmem>>, vector<16xf32>,
        %mul3A_203 = arith.mulf %get3A_86, %get3A_202 : vector<16xf32>
        %get3A_204 = arith.index_cast %add3A_81 : i32 to index
        %get3A_205 = arith.constant 144 : index
        %get3A_206 = tpu.vector_load %arg12[%get3A_204, %get3A_205] {strides = array<i32>} : memref<16x1024xf32, #tpu.memory_space<vmem>>, vector<16xf32>,
        %mul3A_207 = arith.mulf %get3A_92, %get3A_206 : vector<16xf32>
        %add3A_208 = arith.addf %mul3A_203, %mul3A_207 : vector<16xf32>
        %swap3A_209 = arith.index_cast %add3A_81 : i32 to index
        %swap3A_210 = arith.constant 144 : index
        %swap3A_211 = tpu.vector_load %arg15[%swap3A_209, %swap3A_210] {strides = array<i32>} : memref<16x1024xf32, #tpu.memory_space<vmem>>, vector<16xf32>,
        tpu.vector_store %arg15[%swap3A_209, %swap3A_210], %add3A_208 {strides = array<i32>} : memref<16x1024xf32, #tpu.memory_space<vmem>>, vector<16xf32>,
        %get3A_212 = arith.index_cast %add3A_81 : i32 to index
        %get3A_213 = arith.constant 160 : index
        %get3A_214 = tpu.vector_load %arg11[%get3A_212, %get3A_213] {strides = array<i32>} : memref<16x1024xf32, #tpu.memory_space<vmem>>, vector<16xf32>,
        %mul3A_215 = arith.mulf %get3A_86, %get3A_214 : vector<16xf32>
        %get3A_216 = arith.index_cast %add3A_81 : i32 to index
        %get3A_217 = arith.constant 160 : index
        %get3A_218 = tpu.vector_load %arg12[%get3A_216, %get3A_217] {strides = array<i32>} : memref<16x1024xf32, #tpu.memory_space<vmem>>, vector<16xf32>,
        %mul3A_219 = arith.mulf %get3A_92, %get3A_218 : vector<16xf32>
        %add3A_220 = arith.addf %mul3A_215, %mul3A_219 : vector<16xf32>
        %swap3A_221 = arith.index_cast %add3A_81 : i32 to index
        %swap3A_222 = arith.constant 160 : index
        %swap3A_223 = tpu.vector_load %arg15[%swap3A_221, %swap3A_222] {strides = array<i32>} : memref<16x1024xf32, #tpu.memory_space<vmem>>, vector<16xf32>,
        tpu.vector_store %arg15[%swap3A_221, %swap3A_222], %add3A_220 {strides = array<i32>} : memref<16x1024xf32, #tpu.memory_space<vmem>>, vector<16xf32>,
        %get3A_224 = arith.index_cast %add3A_81 : i32 to index
        %get3A_225 = arith.constant 176 : index
        %get3A_226 = tpu.vector_load %arg11[%get3A_224, %get3A_225] {strides = array<i32>} : memref<16x1024xf32, #tpu.memory_space<vmem>>, vector<16xf32>,
        %mul3A_227 = arith.mulf %get3A_86, %get3A_226 : vector<16xf32>
        %get3A_228 = arith.index_cast %add3A_81 : i32 to index
        %get3A_229 = arith.constant 176 : index
        %get3A_230 = tpu.vector_load %arg12[%get3A_228, %get3A_229] {strides = array<i32>} : memref<16x1024xf32, #tpu.memory_space<vmem>>, vector<16xf32>,
        %mul3A_231 = arith.mulf %get3A_92, %get3A_230 : vector<16xf32>
        %add3A_232 = arith.addf %mul3A_227, %mul3A_231 : vector<16xf32>
        %swap3A_233 = arith.index_cast %add3A_81 : i32 to index
        %swap3A_234 = arith.constant 176 : index
        %swap3A_235 = tpu.vector_load %arg15[%swap3A_233, %swap3A_234] {strides = array<i32>} : memref<16x1024xf32, #tpu.memory_space<vmem>>, vector<16xf32>,
        tpu.vector_store %arg15[%swap3A_233, %swap3A_234], %add3A_232 {strides = array<i32>} : memref<16x1024xf32, #tpu.memory_space<vmem>>, vector<16xf32>,
        %get3A_236 = arith.index_cast %add3A_81 : i32 to index
        %get3A_237 = arith.constant 192 : index
        %get3A_238 = tpu.vector_load %arg11[%get3A_236, %get3A_237] {strides = array<i32>} : memref<16x1024xf32, #tpu.memory_space<vmem>>, vector<16xf32>,
        %mul3A_239 = arith.mulf %get3A_86, %get3A_238 : vector<16xf32>
        %get3A_240 = arith.index_cast %add3A_81 : i32 to index
        %get3A_241 = arith.constant 192 : index
        %get3A_242 = tpu.vector_load %arg12[%get3A_240, %get3A_241] {strides = array<i32>} : memref<16x1024xf32, #tpu.memory_space<vmem>>, vector<16xf32>,
        %mul3A_243 = arith.mulf %get3A_92, %get3A_242 : vector<16xf32>
        %add3A_244 = arith.addf %mul3A_239, %mul3A_243 : vector<16xf32>
        %swap3A_245 = arith.index_cast %add3A_81 : i32 to index
        %swap3A_246 = arith.constant 192 : index
        %swap3A_247 = tpu.vector_load %arg15[%swap3A_245, %swap3A_246] {strides = array<i32>} : memref<16x1024xf32, #tpu.memory_space<vmem>>, vector<16xf32>,
        tpu.vector_store %arg15[%swap3A_245, %swap3A_246], %add3A_244 {strides = array<i32>} : memref<16x1024xf32, #tpu.memory_space<vmem>>, vector<16xf32>,
        %get3A_248 = arith.index_cast %add3A_81 : i32 to index
        %get3A_249 = arith.constant 208 : index
        %get3A_250 = tpu.vector_load %arg11[%get3A_248, %get3A_249] {strides = array<i32>} : memref<16x1024xf32, #tpu.memory_space<vmem>>, vector<16xf32>,
        %mul3A_251 = arith.mulf %get3A_86, %get3A_250 : vector<16xf32>
        %get3A_252 = arith.index_cast %add3A_81 : i32 to index
        %get3A_253 = arith.constant 208 : index
        %get3A_254 = tpu.vector_load %arg12[%get3A_252, %get3A_253] {strides = array<i32>} : memref<16x1024xf32, #tpu.memory_space<vmem>>, vector<16xf32>,
        %mul3A_255 = arith.mulf %get3A_92, %get3A_254 : vector<16xf32>
        %add3A_256 = arith.addf %mul3A_251, %mul3A_255 : vector<16xf32>
        %swap3A_257 = arith.index_cast %add3A_81 : i32 to index
        %swap3A_258 = arith.constant 208 : index
        %swap3A_259 = tpu.vector_load %arg15[%swap3A_257, %swap3A_258] {strides = array<i32>} : memref<16x1024xf32, #tpu.memory_space<vmem>>, vector<16xf32>,
        tpu.vector_store %arg15[%swap3A_257, %swap3A_258], %add3A_256 {strides = array<i32>} : memref<16x1024xf32, #tpu.memory_space<vmem>>, vector<16xf32>,
        %get3A_260 = arith.index_cast %add3A_81 : i32 to index
        %get3A_261 = arith.constant 224 : index
        %get3A_262 = tpu.vector_load %arg11[%get3A_260, %get3A_261] {strides = array<i32>} : memref<16x1024xf32, #tpu.memory_space<vmem>>, vector<16xf32>,
        %mul3A_263 = arith.mulf %get3A_86, %get3A_262 : vector<16xf32>
        %get3A_264 = arith.index_cast %add3A_81 : i32 to index
        %get3A_265 = arith.constant 224 : index
        %get3A_266 = tpu.vector_load %arg12[%get3A_264, %get3A_265] {strides = array<i32>} : memref<16x1024xf32, #tpu.memory_space<vmem>>, vector<16xf32>,
        %mul3A_267 = arith.mulf %get3A_92, %get3A_266 : vector<16xf32>
        %add3A_268 = arith.addf %mul3A_263, %mul3A_267 : vector<16xf32>
        %swap3A_269 = arith.index_cast %add3A_81 : i32 to index
        %swap3A_270 = arith.constant 224 : index
        %swap3A_271 = tpu.vector_load %arg15[%swap3A_269, %swap3A_270] {strides = array<i32>} : memref<16x1024xf32, #tpu.memory_space<vmem>>, vector<16xf32>,
        tpu.vector_store %arg15[%swap3A_269, %swap3A_270], %add3A_268 {strides = array<i32>} : memref<16x1024xf32, #tpu.memory_space<vmem>>, vector<16xf32>,
        %get3A_272 = arith.index_cast %add3A_81 : i32 to index
        %get3A_273 = arith.constant 240 : index
        %get3A_274 = tpu.vector_load %arg11[%get3A_272, %get3A_273] {strides = array<i32>} : memref<16x1024xf32, #tpu.memory_space<vmem>>, vector<16xf32>,
        %mul3A_275 = arith.mulf %get3A_86, %get3A_274 : vector<16xf32>
        %get3A_276 = arith.index_cast %add3A_81 : i32 to index
        %get3A_277 = arith.constant 240 : index
        %get3A_278 = tpu.vector_load %arg12[%get3A_276, %get3A_277] {strides = array<i32>} : memref<16x1024xf32, #tpu.memory_space<vmem>>, vector<16xf32>,
        %mul3A_279 = arith.mulf %get3A_92, %get3A_278 : vector<16xf32>
        %add3A_280 = arith.addf %mul3A_275, %mul3A_279 : vector<16xf32>
        %swap3A_281 = arith.index_cast %add3A_81 : i32 to index
        %swap3A_282 = arith.constant 240 : index
        %swap3A_283 = tpu.vector_load %arg15[%swap3A_281, %swap3A_282] {strides = array<i32>} : memref<16x1024xf32, #tpu.memory_space<vmem>>, vector<16xf32>,
        tpu.vector_store %arg15[%swap3A_281, %swap3A_282], %add3A_280 {strides = array<i32>} : memref<16x1024xf32, #tpu.memory_space<vmem>>, vector<16xf32>,
        %get3A_284 = arith.index_cast %add3A_81 : i32 to index
        %get3A_285 = arith.constant 256 : index
        %get3A_286 = tpu.vector_load %arg11[%get3A_284, %get3A_285] {strides = array<i32>} : memref<16x1024xf32, #tpu.memory_space<vmem>>, vector<16xf32>,
        %mul3A_287 = arith.mulf %get3A_86, %get3A_286 : vector<16xf32>
        %get3A_288 = arith.index_cast %add3A_81 : i32 to index
        %get3A_289 = arith.constant 256 : index
        %get3A_290 = tpu.vector_load %arg12[%get3A_288, %get3A_289] {strides = array<i32>} : memref<16x1024xf32, #tpu.memory_space<vmem>>, vector<16xf32>,
        %mul3A_291 = arith.mulf %get3A_92, %get3A_290 : vector<16xf32>
        %add3A_292 = arith.addf %mul3A_287, %mul3A_291 : vector<16xf32>
        %swap3A_293 = arith.index_cast %add3A_81 : i32 to index
        %swap3A_294 = arith.constant 256 : index
        %swap3A_295 = tpu.vector_load %arg15[%swap3A_293, %swap3A_294] {strides = array<i32>} : memref<16x1024xf32, #tpu.memory_space<vmem>>, vector<16xf32>,
        tpu.vector_store %arg15[%swap3A_293, %swap3A_294], %add3A_292 {strides = array<i32>} : memref<16x1024xf32, #tpu.memory_space<vmem>>, vector<16xf32>,
        %get3A_296 = arith.index_cast %add3A_81 : i32 to index
        %get3A_297 = arith.constant 272 : index
        %get3A_298 = tpu.vector_load %arg11[%get3A_296, %get3A_297] {strides = array<i32>} : memref<16x1024xf32, #tpu.memory_space<vmem>>, vector<16xf32>,
        %mul3A_299 = arith.mulf %get3A_86, %get3A_298 : vector<16xf32>
        %get3A_300 = arith.index_cast %add3A_81 : i32 to index
        %get3A_301 = arith.constant 272 : index
        %get3A_302 = tpu.vector_load %arg12[%get3A_300, %get3A_301] {strides = array<i32>} : memref<16x1024xf32, #tpu.memory_space<vmem>>, vector<16xf32>,
        %mul3A_303 = arith.mulf %get3A_92, %get3A_302 : vector<16xf32>
        %add3A_304 = arith.addf %mul3A_299, %mul3A_303 : vector<16xf32>
        %swap3A_305 = arith.index_cast %add3A_81 : i32 to index
        %swap3A_306 = arith.constant 272 : index
        %swap3A_307 = tpu.vector_load %arg15[%swap3A_305, %swap3A_306] {strides = array<i32>} : memref<16x1024xf32, #tpu.memory_space<vmem>>, vector<16xf32>,
        tpu.vector_store %arg15[%swap3A_305, %swap3A_306], %add3A_304 {strides = array<i32>} : memref<16x1024xf32, #tpu.memory_space<vmem>>, vector<16xf32>,
        %get3A_308 = arith.index_cast %add3A_81 : i32 to index
        %get3A_309 = arith.constant 288 : index
        %get3A_310 = tpu.vector_load %arg11[%get3A_308, %get3A_309] {strides = array<i32>} : memref<16x1024xf32, #tpu.memory_space<vmem>>, vector<16xf32>,
        %mul3A_311 = arith.mulf %get3A_86, %get3A_310 : vector<16xf32>
        %get3A_312 = arith.index_cast %add3A_81 : i32 to index
        %get3A_313 = arith.constant 288 : index
        %get3A_314 = tpu.vector_load %arg12[%get3A_312, %get3A_313] {strides = array<i32>} : memref<16x1024xf32, #tpu.memory_space<vmem>>, vector<16xf32>,
        %mul3A_315 = arith.mulf %get3A_92, %get3A_314 : vector<16xf32>
        %add3A_316 = arith.addf %mul3A_311, %mul3A_315 : vector<16xf32>
        %swap3A_317 = arith.index_cast %add3A_81 : i32 to index
        %swap3A_318 = arith.constant 288 : index
        %swap3A_319 = tpu.vector_load %arg15[%swap3A_317, %swap3A_318] {strides = array<i32>} : memref<16x1024xf32, #tpu.memory_space<vmem>>, vector<16xf32>,
        tpu.vector_store %arg15[%swap3A_317, %swap3A_318], %add3A_316 {strides = array<i32>} : memref<16x1024xf32, #tpu.memory_space<vmem>>, vector<16xf32>,
        %get3A_320 = arith.index_cast %add3A_81 : i32 to index
        %get3A_321 = arith.constant 304 : index
        %get3A_322 = tpu.vector_load %arg11[%get3A_320, %get3A_321] {strides = array<i32>} : memref<16x1024xf32, #tpu.memory_space<vmem>>, vector<16xf32>,
        %mul3A_323 = arith.mulf %get3A_86, %get3A_322 : vector<16xf32>
        %get3A_324 = arith.index_cast %add3A_81 : i32 to index
        %get3A_325 = arith.constant 304 : index
        %get3A_326 = tpu.vector_load %arg12[%get3A_324, %get3A_325] {strides = array<i32>} : memref<16x1024xf32, #tpu.memory_space<vmem>>, vector<16xf32>,
        %mul3A_327 = arith.mulf %get3A_92, %get3A_326 : vector<16xf32>
        %add3A_328 = arith.addf %mul3A_323, %mul3A_327 : vector<16xf32>
        %swap3A_329 = arith.index_cast %add3A_81 : i32 to index
        %swap3A_330 = arith.constant 304 : index
        %swap3A_331 = tpu.vector_load %arg15[%swap3A_329, %swap3A_330] {strides = array<i32>} : memref<16x1024xf32, #tpu.memory_space<vmem>>, vector<16xf32>,
        tpu.vector_store %arg15[%swap3A_329, %swap3A_330], %add3A_328 {strides = array<i32>} : memref<16x1024xf32, #tpu.memory_space<vmem>>, vector<16xf32>,
        %get3A_332 = arith.index_cast %add3A_81 : i32 to index
        %get3A_333 = arith.constant 320 : index
        %get3A_334 = tpu.vector_load %arg11[%get3A_332, %get3A_333] {strides = array<i32>} : memref<16x1024xf32, #tpu.memory_space<vmem>>, vector<16xf32>,
        %mul3A_335 = arith.mulf %get3A_86, %get3A_334 : vector<16xf32>
        %get3A_336 = arith.index_cast %add3A_81 : i32 to index
        %get3A_337 = arith.constant 320 : index
        %get3A_338 = tpu.vector_load %arg12[%get3A_336, %get3A_337] {strides = array<i32>} : memref<16x1024xf32, #tpu.memory_space<vmem>>, vector<16xf32>,
        %mul3A_339 = arith.mulf %get3A_92, %get3A_338 : vector<16xf32>
        %add3A_340 = arith.addf %mul3A_335, %mul3A_339 : vector<16xf32>
        %swap3A_341 = arith.index_cast %add3A_81 : i32 to index
        %swap3A_342 = arith.constant 320 : index
        %swap3A_343 = tpu.vector_load %arg15[%swap3A_341, %swap3A_342] {strides = array<i32>} : memref<16x1024xf32, #tpu.memory_space<vmem>>, vector<16xf32>,
        tpu.vector_store %arg15[%swap3A_341, %swap3A_342], %add3A_340 {strides = array<i32>} : memref<16x1024xf32, #tpu.memory_space<vmem>>, vector<16xf32>,
        %get3A_344 = arith.index_cast %add3A_81 : i32 to index
        %get3A_345 = arith.constant 336 : index
        %get3A_346 = tpu.vector_load %arg11[%get3A_344, %get3A_345] {strides = array<i32>} : memref<16x1024xf32, #tpu.memory_space<vmem>>, vector<16xf32>,
        %mul3A_347 = arith.mulf %get3A_86, %get3A_346 : vector<16xf32>
        %get3A_348 = arith.index_cast %add3A_81 : i32 to index
        %get3A_349 = arith.constant 336 : index
        %get3A_350 = tpu.vector_load %arg12[%get3A_348, %get3A_349] {strides = array<i32>} : memref<16x1024xf32, #tpu.memory_space<vmem>>, vector<16xf32>,
        %mul3A_351 = arith.mulf %get3A_92, %get3A_350 : vector<16xf32>
        %add3A_352 = arith.addf %mul3A_347, %mul3A_351 : vector<16xf32>
        %swap3A_353 = arith.index_cast %add3A_81 : i32 to index
        %swap3A_354 = arith.constant 336 : index
        %swap3A_355 = tpu.vector_load %arg15[%swap3A_353, %swap3A_354] {strides = array<i32>} : memref<16x1024xf32, #tpu.memory_space<vmem>>, vector<16xf32>,
        tpu.vector_store %arg15[%swap3A_353, %swap3A_354], %add3A_352 {strides = array<i32>} : memref<16x1024xf32, #tpu.memory_space<vmem>>, vector<16xf32>,
        %get3A_356 = arith.index_cast %add3A_81 : i32 to index
        %get3A_357 = arith.constant 352 : index
        %get3A_358 = tpu.vector_load %arg11[%get3A_356, %get3A_357] {strides = array<i32>} : memref<16x1024xf32, #tpu.memory_space<vmem>>, vector<16xf32>,
        %mul3A_359 = arith.mulf %get3A_86, %get3A_358 : vector<16xf32>
        %get3A_360 = arith.index_cast %add3A_81 : i32 to index
        %get3A_361 = arith.constant 352 : index
        %get3A_362 = tpu.vector_load %arg12[%get3A_360, %get3A_361] {strides = array<i32>} : memref<16x1024xf32, #tpu.memory_space<vmem>>, vector<16xf32>,
        %mul3A_363 = arith.mulf %get3A_92, %get3A_362 : vector<16xf32>
        %add3A_364 = arith.addf %mul3A_359, %mul3A_363 : vector<16xf32>
        %swap3A_365 = arith.index_cast %add3A_81 : i32 to index
        %swap3A_366 = arith.constant 352 : index
        %swap3A_367 = tpu.vector_load %arg15[%swap3A_365, %swap3A_366] {strides = array<i32>} : memref<16x1024xf32, #tpu.memory_space<vmem>>, vector<16xf32>,
        tpu.vector_store %arg15[%swap3A_365, %swap3A_366], %add3A_364 {strides = array<i32>} : memref<16x1024xf32, #tpu.memory_space<vmem>>, vector<16xf32>,
        %get3A_368 = arith.index_cast %add3A_81 : i32 to index
        %get3A_369 = arith.constant 368 : index
        %get3A_370 = tpu.vector_load %arg11[%get3A_368, %get3A_369] {strides = array<i32>} : memref<16x1024xf32, #tpu.memory_space<vmem>>, vector<16xf32>,
        %mul3A_371 = arith.mulf %get3A_86, %get3A_370 : vector<16xf32>
        %get3A_372 = arith.index_cast %add3A_81 : i32 to index
        %get3A_373 = arith.constant 368 : index
        %get3A_374 = tpu.vector_load %arg12[%get3A_372, %get3A_373] {strides = array<i32>} : memref<16x1024xf32, #tpu.memory_space<vmem>>, vector<16xf32>,
        %mul3A_375 = arith.mulf %get3A_92, %get3A_374 : vector<16xf32>
        %add3A_376 = arith.addf %mul3A_371, %mul3A_375 : vector<16xf32>
        %swap3A_377 = arith.index_cast %add3A_81 : i32 to index
        %swap3A_378 = arith.constant 368 : index
        %swap3A_379 = tpu.vector_load %arg15[%swap3A_377, %swap3A_378] {strides = array<i32>} : memref<16x1024xf32, #tpu.memory_space<vmem>>, vector<16xf32>,
        tpu.vector_store %arg15[%swap3A_377, %swap3A_378], %add3A_376 {strides = array<i32>} : memref<16x1024xf32, #tpu.memory_space<vmem>>, vector<16xf32>,
        %get3A_380 = arith.index_cast %add3A_81 : i32 to index
        %get3A_381 = arith.constant 384 : index
        %get3A_382 = tpu.vector_load %arg11[%get3A_380, %get3A_381] {strides = array<i32>} : memref<16x1024xf32, #tpu.memory_space<vmem>>, vector<16xf32>,
        %mul3A_383 = arith.mulf %get3A_86, %get3A_382 : vector<16xf32>
        %get3A_384 = arith.index_cast %add3A_81 : i32 to index
        %get3A_385 = arith.constant 384 : index
        %get3A_386 = tpu.vector_load %arg12[%get3A_384, %get3A_385] {strides = array<i32>} : memref<16x1024xf32, #tpu.memory_space<vmem>>, vector<16xf32>,
        %mul3A_387 = arith.mulf %get3A_92, %get3A_386 : vector<16xf32>
        %add3A_388 = arith.addf %mul3A_383, %mul3A_387 : vector<16xf32>
        %swap3A_389 = arith.index_cast %add3A_81 : i32 to index
        %swap3A_390 = arith.constant 384 : index
        %swap3A_391 = tpu.vector_load %arg15[%swap3A_389, %swap3A_390] {strides = array<i32>} : memref<16x1024xf32, #tpu.memory_space<vmem>>, vector<16xf32>,
        tpu.vector_store %arg15[%swap3A_389, %swap3A_390], %add3A_388 {strides = array<i32>} : memref<16x1024xf32, #tpu.memory_space<vmem>>, vector<16xf32>,
        %get3A_392 = arith.index_cast %add3A_81 : i32 to index
        %get3A_393 = arith.constant 400 : index
        %get3A_394 = tpu.vector_load %arg11[%get3A_392, %get3A_393] {strides = array<i32>} : memref<16x1024xf32, #tpu.memory_space<vmem>>, vector<16xf32>,
        %mul3A_395 = arith.mulf %get3A_86, %get3A_394 : vector<16xf32>
        %get3A_396 = arith.index_cast %add3A_81 : i32 to index
        %get3A_397 = arith.constant 400 : index
        %get3A_398 = tpu.vector_load %arg12[%get3A_396, %get3A_397] {strides = array<i32>} : memref<16x1024xf32, #tpu.memory_space<vmem>>, vector<16xf32>,
        %mul3A_399 = arith.mulf %get3A_92, %get3A_398 : vector<16xf32>
        %add3A_400 = arith.addf %mul3A_395, %mul3A_399 : vector<16xf32>
        %swap3A_401 = arith.index_cast %add3A_81 : i32 to index
        %swap3A_402 = arith.constant 400 : index
        %swap3A_403 = tpu.vector_load %arg15[%swap3A_401, %swap3A_402] {strides = array<i32>} : memref<16x1024xf32, #tpu.memory_space<vmem>>, vector<16xf32>,
        tpu.vector_store %arg15[%swap3A_401, %swap3A_402], %add3A_400 {strides = array<i32>} : memref<16x1024xf32, #tpu.memory_space<vmem>>, vector<16xf32>,
        %get3A_404 = arith.index_cast %add3A_81 : i32 to index
        %get3A_405 = arith.constant 416 : index
        %get3A_406 = tpu.vector_load %arg11[%get3A_404, %get3A_405] {strides = array<i32>} : memref<16x1024xf32, #tpu.memory_space<vmem>>, vector<16xf32>,
        %mul3A_407 = arith.mulf %get3A_86, %get3A_406 : vector<16xf32>
        %get3A_408 = arith.index_cast %add3A_81 : i32 to index
        %get3A_409 = arith.constant 416 : index
        %get3A_410 = tpu.vector_load %arg12[%get3A_408, %get3A_409] {strides = array<i32>} : memref<16x1024xf32, #tpu.memory_space<vmem>>, vector<16xf32>,
        %mul3A_411 = arith.mulf %get3A_92, %get3A_410 : vector<16xf32>
        %add3A_412 = arith.addf %mul3A_407, %mul3A_411 : vector<16xf32>
        %swap3A_413 = arith.index_cast %add3A_81 : i32 to index
        %swap3A_414 = arith.constant 416 : index
        %swap3A_415 = tpu.vector_load %arg15[%swap3A_413, %swap3A_414] {strides = array<i32>} : memref<16x1024xf32, #tpu.memory_space<vmem>>, vector<16xf32>,
        tpu.vector_store %arg15[%swap3A_413, %swap3A_414], %add3A_412 {strides = array<i32>} : memref<16x1024xf32, #tpu.memory_space<vmem>>, vector<16xf32>,
        %get3A_416 = arith.index_cast %add3A_81 : i32 to index
        %get3A_417 = arith.constant 432 : index
        %get3A_418 = tpu.vector_load %arg11[%get3A_416, %get3A_417] {strides = array<i32>} : memref<16x1024xf32, #tpu.memory_space<vmem>>, vector<16xf32>,
        %mul3A_419 = arith.mulf %get3A_86, %get3A_418 : vector<16xf32>
        %get3A_420 = arith.index_cast %add3A_81 : i32 to index
        %get3A_421 = arith.constant 432 : index
        %get3A_422 = tpu.vector_load %arg12[%get3A_420, %get3A_421] {strides = array<i32>} : memref<16x1024xf32, #tpu.memory_space<vmem>>, vector<16xf32>,
        %mul3A_423 = arith.mulf %get3A_92, %get3A_422 : vector<16xf32>
        %add3A_424 = arith.addf %mul3A_419, %mul3A_423 : vector<16xf32>
        %swap3A_425 = arith.index_cast %add3A_81 : i32 to index
        %swap3A_426 = arith.constant 432 : index
        %swap3A_427 = tpu.vector_load %arg15[%swap3A_425, %swap3A_426] {strides = array<i32>} : memref<16x1024xf32, #tpu.memory_space<vmem>>, vector<16xf32>,
        tpu.vector_store %arg15[%swap3A_425, %swap3A_426], %add3A_424 {strides = array<i32>} : memref<16x1024xf32, #tpu.memory_space<vmem>>, vector<16xf32>,
        %get3A_428 = arith.index_cast %add3A_81 : i32 to index
        %get3A_429 = arith.constant 448 : index
        %get3A_430 = tpu.vector_load %arg11[%get3A_428, %get3A_429] {strides = array<i32>} : memref<16x1024xf32, #tpu.memory_space<vmem>>, vector<16xf32>,
        %mul3A_431 = arith.mulf %get3A_86, %get3A_430 : vector<16xf32>
        %get3A_432 = arith.index_cast %add3A_81 : i32 to index
        %get3A_433 = arith.constant 448 : index
        %get3A_434 = tpu.vector_load %arg12[%get3A_432, %get3A_433] {strides = array<i32>} : memref<16x1024xf32, #tpu.memory_space<vmem>>, vector<16xf32>,
        %mul3A_435 = arith.mulf %get3A_92, %get3A_434 : vector<16xf32>
        %add3A_436 = arith.addf %mul3A_431, %mul3A_435 : vector<16xf32>
        %swap3A_437 = arith.index_cast %add3A_81 : i32 to index
        %swap3A_438 = arith.constant 448 : index
        %swap3A_439 = tpu.vector_load %arg15[%swap3A_437, %swap3A_438] {strides = array<i32>} : memref<16x1024xf32, #tpu.memory_space<vmem>>, vector<16xf32>,
        tpu.vector_store %arg15[%swap3A_437, %swap3A_438], %add3A_436 {strides = array<i32>} : memref<16x1024xf32, #tpu.memory_space<vmem>>, vector<16xf32>,
        %get3A_440 = arith.index_cast %add3A_81 : i32 to index
        %get3A_441 = arith.constant 464 : index
        %get3A_442 = tpu.vector_load %arg11[%get3A_440, %get3A_441] {strides = array<i32>} : memref<16x1024xf32, #tpu.memory_space<vmem>>, vector<16xf32>,
        %mul3A_443 = arith.mulf %get3A_86, %get3A_442 : vector<16xf32>
        %get3A_444 = arith.index_cast %add3A_81 : i32 to index
        %get3A_445 = arith.constant 464 : index
        %get3A_446 = tpu.vector_load %arg12[%get3A_444, %get3A_445] {strides = array<i32>} : memref<16x1024xf32, #tpu.memory_space<vmem>>, vector<16xf32>,
        %mul3A_447 = arith.mulf %get3A_92, %get3A_446 : vector<16xf32>
        %add3A_448 = arith.addf %mul3A_443, %mul3A_447 : vector<16xf32>
        %swap3A_449 = arith.index_cast %add3A_81 : i32 to index
        %swap3A_450 = arith.constant 464 : index
        %swap3A_451 = tpu.vector_load %arg15[%swap3A_449, %swap3A_450] {strides = array<i32>} : memref<16x1024xf32, #tpu.memory_space<vmem>>, vector<16xf32>,
        tpu.vector_store %arg15[%swap3A_449, %swap3A_450], %add3A_448 {strides = array<i32>} : memref<16x1024xf32, #tpu.memory_space<vmem>>, vector<16xf32>,
        %get3A_452 = arith.index_cast %add3A_81 : i32 to index
        %get3A_453 = arith.constant 480 : index
        %get3A_454 = tpu.vector_load %arg11[%get3A_452, %get3A_453] {strides = array<i32>} : memref<16x1024xf32, #tpu.memory_space<vmem>>, vector<16xf32>,
        %mul3A_455 = arith.mulf %get3A_86, %get3A_454 : vector<16xf32>
        %get3A_456 = arith.index_cast %add3A_81 : i32 to index
        %get3A_457 = arith.constant 480 : index
        %get3A_458 = tpu.vector_load %arg12[%get3A_456, %get3A_457] {strides = array<i32>} : memref<16x1024xf32, #tpu.memory_space<vmem>>, vector<16xf32>,
        %mul3A_459 = arith.mulf %get3A_92, %get3A_458 : vector<16xf32>
        %add3A_460 = arith.addf %mul3A_455, %mul3A_459 : vector<16xf32>
        %swap3A_461 = arith.index_cast %add3A_81 : i32 to index
        %swap3A_462 = arith.constant 480 : index
        %swap3A_463 = tpu.vector_load %arg15[%swap3A_461, %swap3A_462] {strides = array<i32>} : memref<16x1024xf32, #tpu.memory_space<vmem>>, vector<16xf32>,
        tpu.vector_store %arg15[%swap3A_461, %swap3A_462], %add3A_460 {strides = array<i32>} : memref<16x1024xf32, #tpu.memory_space<vmem>>, vector<16xf32>,
        %get3A_464 = arith.index_cast %add3A_81 : i32 to index
        %get3A_465 = arith.constant 496 : index
        %get3A_466 = tpu.vector_load %arg11[%get3A_464, %get3A_465] {strides = array<i32>} : memref<16x1024xf32, #tpu.memory_space<vmem>>, vector<16xf32>,
        %mul3A_467 = arith.mulf %get3A_86, %get3A_466 : vector<16xf32>
        %get3A_468 = arith.index_cast %add3A_81 : i32 to index
        %get3A_469 = arith.constant 496 : index
        %get3A_470 = tpu.vector_load %arg12[%get3A_468, %get3A_469] {strides = array<i32>} : memref<16x1024xf32, #tpu.memory_space<vmem>>, vector<16xf32>,
        %mul3A_471 = arith.mulf %get3A_92, %get3A_470 : vector<16xf32>
        %add3A_472 = arith.addf %mul3A_467, %mul3A_471 : vector<16xf32>
        %swap3A_473 = arith.index_cast %add3A_81 : i32 to index
        %swap3A_474 = arith.constant 496 : index
        %swap3A_475 = tpu.vector_load %arg15[%swap3A_473, %swap3A_474] {strides = array<i32>} : memref<16x1024xf32, #tpu.memory_space<vmem>>, vector<16xf32>,
        tpu.vector_store %arg15[%swap3A_473, %swap3A_474], %add3A_472 {strides = array<i32>} : memref<16x1024xf32, #tpu.memory_space<vmem>>, vector<16xf32>,
        %get3A_476 = arith.index_cast %add3A_81 : i32 to index
        %get3A_477 = arith.constant 512 : index
        %get3A_478 = tpu.vector_load %arg11[%get3A_476, %get3A_477] {strides = array<i32>} : memref<16x1024xf32, #tpu.memory_space<vmem>>, vector<16xf32>,
        %mul3A_479 = arith.mulf %get3A_86, %get3A_478 : vector<16xf32>
        %get3A_480 = arith.index_cast %add3A_81 : i32 to index
        %get3A_481 = arith.constant 512 : index
        %get3A_482 = tpu.vector_load %arg12[%get3A_480, %get3A_481] {strides = array<i32>} : memref<16x1024xf32, #tpu.memory_space<vmem>>, vector<16xf32>,
        %mul3A_483 = arith.mulf %get3A_92, %get3A_482 : vector<16xf32>
        %add3A_484 = arith.addf %mul3A_479, %mul3A_483 : vector<16xf32>
        %swap3A_485 = arith.index_cast %add3A_81 : i32 to index
        %swap3A_486 = arith.constant 512 : index
        %swap3A_487 = tpu.vector_load %arg15[%swap3A_485, %swap3A_486] {strides = array<i32>} : memref<16x1024xf32, #tpu.memory_space<vmem>>, vector<16xf32>,
        tpu.vector_store %arg15[%swap3A_485, %swap3A_486], %add3A_484 {strides = array<i32>} : memref<16x1024xf32, #tpu.memory_space<vmem>>, vector<16xf32>,
        %get3A_488 = arith.index_cast %add3A_81 : i32 to index
        %get3A_489 = arith.constant 528 : index
        %get3A_490 = tpu.vector_load %arg11[%get3A_488, %get3A_489] {strides = array<i32>} : memref<16x1024xf32, #tpu.memory_space<vmem>>, vector<16xf32>,
        %mul3A_491 = arith.mulf %get3A_86, %get3A_490 : vector<16xf32>
        %get3A_492 = arith.index_cast %add3A_81 : i32 to index
        %get3A_493 = arith.constant 528 : index
        %get3A_494 = tpu.vector_load %arg12[%get3A_492, %get3A_493] {strides = array<i32>} : memref<16x1024xf32, #tpu.memory_space<vmem>>, vector<16xf32>,
        %mul3A_495 = arith.mulf %get3A_92, %get3A_494 : vector<16xf32>
        %add3A_496 = arith.addf %mul3A_491, %mul3A_495 : vector<16xf32>
        %swap3A_497 = arith.index_cast %add3A_81 : i32 to index
        %swap3A_498 = arith.constant 528 : index
        %swap3A_499 = tpu.vector_load %arg15[%swap3A_497, %swap3A_498] {strides = array<i32>} : memref<16x1024xf32, #tpu.memory_space<vmem>>, vector<16xf32>,
        tpu.vector_store %arg15[%swap3A_497, %swap3A_498], %add3A_496 {strides = array<i32>} : memref<16x1024xf32, #tpu.memory_space<vmem>>, vector<16xf32>,
        %get3A_500 = arith.index_cast %add3A_81 : i32 to index
        %get3A_501 = arith.constant 544 : index
        %get3A_502 = tpu.vector_load %arg11[%get3A_500, %get3A_501] {strides = array<i32>} : memref<16x1024xf32, #tpu.memory_space<vmem>>, vector<16xf32>,
        %mul3A_503 = arith.mulf %get3A_86, %get3A_502 : vector<16xf32>
        %get3A_504 = arith.index_cast %add3A_81 : i32 to index
        %get3A_505 = arith.constant 544 : index
        %get3A_506 = tpu.vector_load %arg12[%get3A_504, %get3A_505] {strides = array<i32>} : memref<16x1024xf32, #tpu.memory_space<vmem>>, vector<16xf32>,
        %mul3A_507 = arith.mulf %get3A_92, %get3A_506 : vector<16xf32>
        %add3A_508 = arith.addf %mul3A_503, %mul3A_507 : vector<16xf32>
        %swap3A_509 = arith.index_cast %add3A_81 : i32 to index
        %swap3A_510 = arith.constant 544 : index
        %swap3A_511 = tpu.vector_load %arg15[%swap3A_509, %swap3A_510] {strides = array<i32>} : memref<16x1024xf32, #tpu.memory_space<vmem>>, vector<16xf32>,
        tpu.vector_store %arg15[%swap3A_509, %swap3A_510], %add3A_508 {strides = array<i32>} : memref<16x1024xf32, #tpu.memory_space<vmem>>, vector<16xf32>,
        %get3A_512 = arith.index_cast %add3A_81 : i32 to index
        %get3A_513 = arith.constant 560 : index
        %get3A_514 = tpu.vector_load %arg11[%get3A_512, %get3A_513] {strides = array<i32>} : memref<16x1024xf32, #tpu.memory_space<vmem>>, vector<16xf32>,
        %mul3A_515 = arith.mulf %get3A_86, %get3A_514 : vector<16xf32>
        %get3A_516 = arith.index_cast %add3A_81 : i32 to index
        %get3A_517 = arith.constant 560 : index
        %get3A_518 = tpu.vector_load %arg12[%get3A_516, %get3A_517] {strides = array<i32>} : memref<16x1024xf32, #tpu.memory_space<vmem>>, vector<16xf32>,
        %mul3A_519 = arith.mulf %get3A_92, %get3A_518 : vector<16xf32>
        %add3A_520 = arith.addf %mul3A_515, %mul3A_519 : vector<16xf32>
        %swap3A_521 = arith.index_cast %add3A_81 : i32 to index
        %swap3A_522 = arith.constant 560 : index
        %swap3A_523 = tpu.vector_load %arg15[%swap3A_521, %swap3A_522] {strides = array<i32>} : memref<16x1024xf32, #tpu.memory_space<vmem>>, vector<16xf32>,
        tpu.vector_store %arg15[%swap3A_521, %swap3A_522], %add3A_520 {strides = array<i32>} : memref<16x1024xf32, #tpu.memory_space<vmem>>, vector<16xf32>,
        %get3A_524 = arith.index_cast %add3A_81 : i32 to index
        %get3A_525 = arith.constant 576 : index
        %get3A_526 = tpu.vector_load %arg11[%get3A_524, %get3A_525] {strides = array<i32>} : memref<16x1024xf32, #tpu.memory_space<vmem>>, vector<16xf32>,
        %mul3A_527 = arith.mulf %get3A_86, %get3A_526 : vector<16xf32>
        %get3A_528 = arith.index_cast %add3A_81 : i32 to index
        %get3A_529 = arith.constant 576 : index
        %get3A_530 = tpu.vector_load %arg12[%get3A_528, %get3A_529] {strides = array<i32>} : memref<16x1024xf32, #tpu.memory_space<vmem>>, vector<16xf32>,
        %mul3A_531 = arith.mulf %get3A_92, %get3A_530 : vector<16xf32>
        %add3A_532 = arith.addf %mul3A_527, %mul3A_531 : vector<16xf32>
        %swap3A_533 = arith.index_cast %add3A_81 : i32 to index
        %swap3A_534 = arith.constant 576 : index
        %swap3A_535 = tpu.vector_load %arg15[%swap3A_533, %swap3A_534] {strides = array<i32>} : memref<16x1024xf32, #tpu.memory_space<vmem>>, vector<16xf32>,
        tpu.vector_store %arg15[%swap3A_533, %swap3A_534], %add3A_532 {strides = array<i32>} : memref<16x1024xf32, #tpu.memory_space<vmem>>, vector<16xf32>,
        %get3A_536 = arith.index_cast %add3A_81 : i32 to index
        %get3A_537 = arith.constant 592 : index
        %get3A_538 = tpu.vector_load %arg11[%get3A_536, %get3A_537] {strides = array<i32>} : memref<16x1024xf32, #tpu.memory_space<vmem>>, vector<16xf32>,
        %mul3A_539 = arith.mulf %get3A_86, %get3A_538 : vector<16xf32>
        %get3A_540 = arith.index_cast %add3A_81 : i32 to index
        %get3A_541 = arith.constant 592 : index
        %get3A_542 = tpu.vector_load %arg12[%get3A_540, %get3A_541] {strides = array<i32>} : memref<16x1024xf32, #tpu.memory_space<vmem>>, vector<16xf32>,
        %mul3A_543 = arith.mulf %get3A_92, %get3A_542 : vector<16xf32>
        %add3A_544 = arith.addf %mul3A_539, %mul3A_543 : vector<16xf32>
        %swap3A_545 = arith.index_cast %add3A_81 : i32 to index
        %swap3A_546 = arith.constant 592 : index
        %swap3A_547 = tpu.vector_load %arg15[%swap3A_545, %swap3A_546] {strides = array<i32>} : memref<16x1024xf32, #tpu.memory_space<vmem>>, vector<16xf32>,
        tpu.vector_store %arg15[%swap3A_545, %swap3A_546], %add3A_544 {strides = array<i32>} : memref<16x1024xf32, #tpu.memory_space<vmem>>, vector<16xf32>,
        %get3A_548 = arith.index_cast %add3A_81 : i32 to index
        %get3A_549 = arith.constant 608 : index
        %get3A_550 = tpu.vector_load %arg11[%get3A_548, %get3A_549] {strides = array<i32>} : memref<16x1024xf32, #tpu.memory_space<vmem>>, vector<16xf32>,
        %mul3A_551 = arith.mulf %get3A_86, %get3A_550 : vector<16xf32>
        %get3A_552 = arith.index_cast %add3A_81 : i32 to index
        %get3A_553 = arith.constant 608 : index
        %get3A_554 = tpu.vector_load %arg12[%get3A_552, %get3A_553] {strides = array<i32>} : memref<16x1024xf32, #tpu.memory_space<vmem>>, vector<16xf32>,
        %mul3A_555 = arith.mulf %get3A_92, %get3A_554 : vector<16xf32>
        %add3A_556 = arith.addf %mul3A_551, %mul3A_555 : vector<16xf32>
        %swap3A_557 = arith.index_cast %add3A_81 : i32 to index
        %swap3A_558 = arith.constant 608 : index
        %swap3A_559 = tpu.vector_load %arg15[%swap3A_557, %swap3A_558] {strides = array<i32>} : memref<16x1024xf32, #tpu.memory_space<vmem>>, vector<16xf32>,
        tpu.vector_store %arg15[%swap3A_557, %swap3A_558], %add3A_556 {strides = array<i32>} : memref<16x1024xf32, #tpu.memory_space<vmem>>, vector<16xf32>,
        %get3A_560 = arith.index_cast %add3A_81 : i32 to index
        %get3A_561 = arith.constant 624 : index
        %get3A_562 = tpu.vector_load %arg11[%get3A_560, %get3A_561] {strides = array<i32>} : memref<16x1024xf32, #tpu.memory_space<vmem>>, vector<16xf32>,
        %mul3A_563 = arith.mulf %get3A_86, %get3A_562 : vector<16xf32>
        %get3A_564 = arith.index_cast %add3A_81 : i32 to index
        %get3A_565 = arith.constant 624 : index
        %get3A_566 = tpu.vector_load %arg12[%get3A_564, %get3A_565] {strides = array<i32>} : memref<16x1024xf32, #tpu.memory_space<vmem>>, vector<16xf32>,
        %mul3A_567 = arith.mulf %get3A_92, %get3A_566 : vector<16xf32>
        %add3A_568 = arith.addf %mul3A_563, %mul3A_567 : vector<16xf32>
        %swap3A_569 = arith.index_cast %add3A_81 : i32 to index
        %swap3A_570 = arith.constant 624 : index
        %swap3A_571 = tpu.vector_load %arg15[%swap3A_569, %swap3A_570] {strides = array<i32>} : memref<16x1024xf32, #tpu.memory_space<vmem>>, vector<16xf32>,
        tpu.vector_store %arg15[%swap3A_569, %swap3A_570], %add3A_568 {strides = array<i32>} : memref<16x1024xf32, #tpu.memory_space<vmem>>, vector<16xf32>,
        %get3A_572 = arith.index_cast %add3A_81 : i32 to index
        %get3A_573 = arith.constant 640 : index
        %get3A_574 = tpu.vector_load %arg11[%get3A_572, %get3A_573] {strides = array<i32>} : memref<16x1024xf32, #tpu.memory_space<vmem>>, vector<16xf32>,
        %mul3A_575 = arith.mulf %get3A_86, %get3A_574 : vector<16xf32>
        %get3A_576 = arith.index_cast %add3A_81 : i32 to index
        %get3A_577 = arith.constant 640 : index
        %get3A_578 = tpu.vector_load %arg12[%get3A_576, %get3A_577] {strides = array<i32>} : memref<16x1024xf32, #tpu.memory_space<vmem>>, vector<16xf32>,
        %mul3A_579 = arith.mulf %get3A_92, %get3A_578 : vector<16xf32>
        %add3A_580 = arith.addf %mul3A_575, %mul3A_579 : vector<16xf32>
        %swap3A_581 = arith.index_cast %add3A_81 : i32 to index
        %swap3A_582 = arith.constant 640 : index
        %swap3A_583 = tpu.vector_load %arg15[%swap3A_581, %swap3A_582] {strides = array<i32>} : memref<16x1024xf32, #tpu.memory_space<vmem>>, vector<16xf32>,
        tpu.vector_store %arg15[%swap3A_581, %swap3A_582], %add3A_580 {strides = array<i32>} : memref<16x1024xf32, #tpu.memory_space<vmem>>, vector<16xf32>,
        %get3A_584 = arith.index_cast %add3A_81 : i32 to index
        %get3A_585 = arith.constant 656 : index
        %get3A_586 = tpu.vector_load %arg11[%get3A_584, %get3A_585] {strides = array<i32>} : memref<16x1024xf32, #tpu.memory_space<vmem>>, vector<16xf32>,
        %mul3A_587 = arith.mulf %get3A_86, %get3A_586 : vector<16xf32>
        %get3A_588 = arith.index_cast %add3A_81 : i32 to index
        %get3A_589 = arith.constant 656 : index
        %get3A_590 = tpu.vector_load %arg12[%get3A_588, %get3A_589] {strides = array<i32>} : memref<16x1024xf32, #tpu.memory_space<vmem>>, vector<16xf32>,
        %mul3A_591 = arith.mulf %get3A_92, %get3A_590 : vector<16xf32>
        %add3A_592 = arith.addf %mul3A_587, %mul3A_591 : vector<16xf32>
        %swap3A_593 = arith.index_cast %add3A_81 : i32 to index
        %swap3A_594 = arith.constant 656 : index
        %swap3A_595 = tpu.vector_load %arg15[%swap3A_593, %swap3A_594] {strides = array<i32>} : memref<16x1024xf32, #tpu.memory_space<vmem>>, vector<16xf32>,
        tpu.vector_store %arg15[%swap3A_593, %swap3A_594], %add3A_592 {strides = array<i32>} : memref<16x1024xf32, #tpu.memory_space<vmem>>, vector<16xf32>,
        %get3A_596 = arith.index_cast %add3A_81 : i32 to index
        %get3A_597 = arith.constant 672 : index
        %get3A_598 = tpu.vector_load %arg11[%get3A_596, %get3A_597] {strides = array<i32>} : memref<16x1024xf32, #tpu.memory_space<vmem>>, vector<16xf32>,
        %mul3A_599 = arith.mulf %get3A_86, %get3A_598 : vector<16xf32>
        %get3A_600 = arith.index_cast %add3A_81 : i32 to index
        %get3A_601 = arith.constant 672 : index
        %get3A_602 = tpu.vector_load %arg12[%get3A_600, %get3A_601] {strides = array<i32>} : memref<16x1024xf32, #tpu.memory_space<vmem>>, vector<16xf32>,
        %mul3A_603 = arith.mulf %get3A_92, %get3A_602 : vector<16xf32>
        %add3A_604 = arith.addf %mul3A_599, %mul3A_603 : vector<16xf32>
        %swap3A_605 = arith.index_cast %add3A_81 : i32 to index
        %swap3A_606 = arith.constant 672 : index
        %swap3A_607 = tpu.vector_load %arg15[%swap3A_605, %swap3A_606] {strides = array<i32>} : memref<16x1024xf32, #tpu.memory_space<vmem>>, vector<16xf32>,
        tpu.vector_store %arg15[%swap3A_605, %swap3A_606], %add3A_604 {strides = array<i32>} : memref<16x1024xf32, #tpu.memory_space<vmem>>, vector<16xf32>,
        %get3A_608 = arith.index_cast %add3A_81 : i32 to index
        %get3A_609 = arith.constant 688 : index
        %get3A_610 = tpu.vector_load %arg11[%get3A_608, %get3A_609] {strides = array<i32>} : memref<16x1024xf32, #tpu.memory_space<vmem>>, vector<16xf32>,
        %mul3A_611 = arith.mulf %get3A_86, %get3A_610 : vector<16xf32>
        %get3A_612 = arith.index_cast %add3A_81 : i32 to index
        %get3A_613 = arith.constant 688 : index
        %get3A_614 = tpu.vector_load %arg12[%get3A_612, %get3A_613] {strides = array<i32>} : memref<16x1024xf32, #tpu.memory_space<vmem>>, vector<16xf32>,
        %mul3A_615 = arith.mulf %get3A_92, %get3A_614 : vector<16xf32>
        %add3A_616 = arith.addf %mul3A_611, %mul3A_615 : vector<16xf32>
        %swap3A_617 = arith.index_cast %add3A_81 : i32 to index
        %swap3A_618 = arith.constant 688 : index
        %swap3A_619 = tpu.vector_load %arg15[%swap3A_617, %swap3A_618] {strides = array<i32>} : memref<16x1024xf32, #tpu.memory_space<vmem>>, vector<16xf32>,
        tpu.vector_store %arg15[%swap3A_617, %swap3A_618], %add3A_616 {strides = array<i32>} : memref<16x1024xf32, #tpu.memory_space<vmem>>, vector<16xf32>,
        %get3A_620 = arith.index_cast %add3A_81 : i32 to index
        %get3A_621 = arith.constant 704 : index
        %get3A_622 = tpu.vector_load %arg11[%get3A_620, %get3A_621] {strides = array<i32>} : memref<16x1024xf32, #tpu.memory_space<vmem>>, vector<16xf32>,
        %mul3A_623 = arith.mulf %get3A_86, %get3A_622 : vector<16xf32>
        %get3A_624 = arith.index_cast %add3A_81 : i32 to index
        %get3A_625 = arith.constant 704 : index
        %get3A_626 = tpu.vector_load %arg12[%get3A_624, %get3A_625] {strides = array<i32>} : memref<16x1024xf32, #tpu.memory_space<vmem>>, vector<16xf32>,
        %mul3A_627 = arith.mulf %get3A_92, %get3A_626 : vector<16xf32>
        %add3A_628 = arith.addf %mul3A_623, %mul3A_627 : vector<16xf32>
        %swap3A_629 = arith.index_cast %add3A_81 : i32 to index
        %swap3A_630 = arith.constant 704 : index
        %swap3A_631 = tpu.vector_load %arg15[%swap3A_629, %swap3A_630] {strides = array<i32>} : memref<16x1024xf32, #tpu.memory_space<vmem>>, vector<16xf32>,
        tpu.vector_store %arg15[%swap3A_629, %swap3A_630], %add3A_628 {strides = array<i32>} : memref<16x1024xf32, #tpu.memory_space<vmem>>, vector<16xf32>,
        %get3A_632 = arith.index_cast %add3A_81 : i32 to index
        %get3A_633 = arith.constant 720 : index
        %get3A_634 = tpu.vector_load %arg11[%get3A_632, %get3A_633] {strides = array<i32>} : memref<16x1024xf32, #tpu.memory_space<vmem>>, vector<16xf32>,
        %mul3A_635 = arith.mulf %get3A_86, %get3A_634 : vector<16xf32>
        %get3A_636 = arith.index_cast %add3A_81 : i32 to index
        %get3A_637 = arith.constant 720 : index
        %get3A_638 = tpu.vector_load %arg12[%get3A_636, %get3A_637] {strides = array<i32>} : memref<16x1024xf32, #tpu.memory_space<vmem>>, vector<16xf32>,
        %mul3A_639 = arith.mulf %get3A_92, %get3A_638 : vector<16xf32>
        %add3A_640 = arith.addf %mul3A_635, %mul3A_639 : vector<16xf32>
        %swap3A_641 = arith.index_cast %add3A_81 : i32 to index
        %swap3A_642 = arith.constant 720 : index
        %swap3A_643 = tpu.vector_load %arg15[%swap3A_641, %swap3A_642] {strides = array<i32>} : memref<16x1024xf32, #tpu.memory_space<vmem>>, vector<16xf32>,
        tpu.vector_store %arg15[%swap3A_641, %swap3A_642], %add3A_640 {strides = array<i32>} : memref<16x1024xf32, #tpu.memory_space<vmem>>, vector<16xf32>,
        %get3A_644 = arith.index_cast %add3A_81 : i32 to index
        %get3A_645 = arith.constant 736 : index
        %get3A_646 = tpu.vector_load %arg11[%get3A_644, %get3A_645] {strides = array<i32>} : memref<16x1024xf32, #tpu.memory_space<vmem>>, vector<16xf32>,
        %mul3A_647 = arith.mulf %get3A_86, %get3A_646 : vector<16xf32>
        %get3A_648 = arith.index_cast %add3A_81 : i32 to index
        %get3A_649 = arith.constant 736 : index
        %get3A_650 = tpu.vector_load %arg12[%get3A_648, %get3A_649] {strides = array<i32>} : memref<16x1024xf32, #tpu.memory_space<vmem>>, vector<16xf32>,
        %mul3A_651 = arith.mulf %get3A_92, %get3A_650 : vector<16xf32>
        %add3A_652 = arith.addf %mul3A_647, %mul3A_651 : vector<16xf32>
        %swap3A_653 = arith.index_cast %add3A_81 : i32 to index
        %swap3A_654 = arith.constant 736 : index
        %swap3A_655 = tpu.vector_load %arg15[%swap3A_653, %swap3A_654] {strides = array<i32>} : memref<16x1024xf32, #tpu.memory_space<vmem>>, vector<16xf32>,
        tpu.vector_store %arg15[%swap3A_653, %swap3A_654], %add3A_652 {strides = array<i32>} : memref<16x1024xf32, #tpu.memory_space<vmem>>, vector<16xf32>,
        %get3A_656 = arith.index_cast %add3A_81 : i32 to index
        %get3A_657 = arith.constant 752 : index
        %get3A_658 = tpu.vector_load %arg11[%get3A_656, %get3A_657] {strides = array<i32>} : memref<16x1024xf32, #tpu.memory_space<vmem>>, vector<16xf32>,
        %mul3A_659 = arith.mulf %get3A_86, %get3A_658 : vector<16xf32>
        %get3A_660 = arith.index_cast %add3A_81 : i32 to index
        %get3A_661 = arith.constant 752 : index
        %get3A_662 = tpu.vector_load %arg12[%get3A_660, %get3A_661] {strides = array<i32>} : memref<16x1024xf32, #tpu.memory_space<vmem>>, vector<16xf32>,
        %mul3A_663 = arith.mulf %get3A_92, %get3A_662 : vector<16xf32>
        %add3A_664 = arith.addf %mul3A_659, %mul3A_663 : vector<16xf32>
        %swap3A_665 = arith.index_cast %add3A_81 : i32 to index
        %swap3A_666 = arith.constant 752 : index
        %swap3A_667 = tpu.vector_load %arg15[%swap3A_665, %swap3A_666] {strides = array<i32>} : memref<16x1024xf32, #tpu.memory_space<vmem>>, vector<16xf32>,
        tpu.vector_store %arg15[%swap3A_665, %swap3A_666], %add3A_664 {strides = array<i32>} : memref<16x1024xf32, #tpu.memory_space<vmem>>, vector<16xf32>,
        %get3A_668 = arith.index_cast %add3A_81 : i32 to index
        %get3A_669 = arith.constant 768 : index
        %get3A_670 = tpu.vector_load %arg11[%get3A_668, %get3A_669] {strides = array<i32>} : memref<16x1024xf32, #tpu.memory_space<vmem>>, vector<16xf32>,
        %mul3A_671 = arith.mulf %get3A_86, %get3A_670 : vector<16xf32>
        %get3A_672 = arith.index_cast %add3A_81 : i32 to index
        %get3A_673 = arith.constant 768 : index
        %get3A_674 = tpu.vector_load %arg12[%get3A_672, %get3A_673] {strides = array<i32>} : memref<16x1024xf32, #tpu.memory_space<vmem>>, vector<16xf32>,
        %mul3A_675 = arith.mulf %get3A_92, %get3A_674 : vector<16xf32>
        %add3A_676 = arith.addf %mul3A_671, %mul3A_675 : vector<16xf32>
        %swap3A_677 = arith.index_cast %add3A_81 : i32 to index
        %swap3A_678 = arith.constant 768 : index
        %swap3A_679 = tpu.vector_load %arg15[%swap3A_677, %swap3A_678] {strides = array<i32>} : memref<16x1024xf32, #tpu.memory_space<vmem>>, vector<16xf32>,
        tpu.vector_store %arg15[%swap3A_677, %swap3A_678], %add3A_676 {strides = array<i32>} : memref<16x1024xf32, #tpu.memory_space<vmem>>, vector<16xf32>,
        %get3A_680 = arith.index_cast %add3A_81 : i32 to index
        %get3A_681 = arith.constant 784 : index
        %get3A_682 = tpu.vector_load %arg11[%get3A_680, %get3A_681] {strides = array<i32>} : memref<16x1024xf32, #tpu.memory_space<vmem>>, vector<16xf32>,
        %mul3A_683 = arith.mulf %get3A_86, %get3A_682 : vector<16xf32>
        %get3A_684 = arith.index_cast %add3A_81 : i32 to index
        %get3A_685 = arith.constant 784 : index
        %get3A_686 = tpu.vector_load %arg12[%get3A_684, %get3A_685] {strides = array<i32>} : memref<16x1024xf32, #tpu.memory_space<vmem>>, vector<16xf32>,
        %mul3A_687 = arith.mulf %get3A_92, %get3A_686 : vector<16xf32>
        %add3A_688 = arith.addf %mul3A_683, %mul3A_687 : vector<16xf32>
        %swap3A_689 = arith.index_cast %add3A_81 : i32 to index
        %swap3A_690 = arith.constant 784 : index
        %swap3A_691 = tpu.vector_load %arg15[%swap3A_689, %swap3A_690] {strides = array<i32>} : memref<16x1024xf32, #tpu.memory_space<vmem>>, vector<16xf32>,
        tpu.vector_store %arg15[%swap3A_689, %swap3A_690], %add3A_688 {strides = array<i32>} : memref<16x1024xf32, #tpu.memory_space<vmem>>, vector<16xf32>,
        %get3A_692 = arith.index_cast %add3A_81 : i32 to index
        %get3A_693 = arith.constant 800 : index
        %get3A_694 = tpu.vector_load %arg11[%get3A_692, %get3A_693] {strides = array<i32>} : memref<16x1024xf32, #tpu.memory_space<vmem>>, vector<16xf32>,
        %mul3A_695 = arith.mulf %get3A_86, %get3A_694 : vector<16xf32>
        %get3A_696 = arith.index_cast %add3A_81 : i32 to index
        %get3A_697 = arith.constant 800 : index
        %get3A_698 = tpu.vector_load %arg12[%get3A_696, %get3A_697] {strides = array<i32>} : memref<16x1024xf32, #tpu.memory_space<vmem>>, vector<16xf32>,
        %mul3A_699 = arith.mulf %get3A_92, %get3A_698 : vector<16xf32>
        %add3A_700 = arith.addf %mul3A_695, %mul3A_699 : vector<16xf32>
        %swap3A_701 = arith.index_cast %add3A_81 : i32 to index
        %swap3A_702 = arith.constant 800 : index
        %swap3A_703 = tpu.vector_load %arg15[%swap3A_701, %swap3A_702] {strides = array<i32>} : memref<16x1024xf32, #tpu.memory_space<vmem>>, vector<16xf32>,
        tpu.vector_store %arg15[%swap3A_701, %swap3A_702], %add3A_700 {strides = array<i32>} : memref<16x1024xf32, #tpu.memory_space<vmem>>, vector<16xf32>,
        %get3A_704 = arith.index_cast %add3A_81 : i32 to index
        %get3A_705 = arith.constant 816 : index
        %get3A_706 = tpu.vector_load %arg11[%get3A_704, %get3A_705] {strides = array<i32>} : memref<16x1024xf32, #tpu.memory_space<vmem>>, vector<16xf32>,
        %mul3A_707 = arith.mulf %get3A_86, %get3A_706 : vector<16xf32>
        %get3A_708 = arith.index_cast %add3A_81 : i32 to index
        %get3A_709 = arith.constant 816 : index
        %get3A_710 = tpu.vector_load %arg12[%get3A_708, %get3A_709] {strides = array<i32>} : memref<16x1024xf32, #tpu.memory_space<vmem>>, vector<16xf32>,
        %mul3A_711 = arith.mulf %get3A_92, %get3A_710 : vector<16xf32>
        %add3A_712 = arith.addf %mul3A_707, %mul3A_711 : vector<16xf32>
        %swap3A_713 = arith.index_cast %add3A_81 : i32 to index
        %swap3A_714 = arith.constant 816 : index
        %swap3A_715 = tpu.vector_load %arg15[%swap3A_713, %swap3A_714] {strides = array<i32>} : memref<16x1024xf32, #tpu.memory_space<vmem>>, vector<16xf32>,
        tpu.vector_store %arg15[%swap3A_713, %swap3A_714], %add3A_712 {strides = array<i32>} : memref<16x1024xf32, #tpu.memory_space<vmem>>, vector<16xf32>,
        %get3A_716 = arith.index_cast %add3A_81 : i32 to index
        %get3A_717 = arith.constant 832 : index
        %get3A_718 = tpu.vector_load %arg11[%get3A_716, %get3A_717] {strides = array<i32>} : memref<16x1024xf32, #tpu.memory_space<vmem>>, vector<16xf32>,
        %mul3A_719 = arith.mulf %get3A_86, %get3A_718 : vector<16xf32>
        %get3A_720 = arith.index_cast %add3A_81 : i32 to index
        %get3A_721 = arith.constant 832 : index
        %get3A_722 = tpu.vector_load %arg12[%get3A_720, %get3A_721] {strides = array<i32>} : memref<16x1024xf32, #tpu.memory_space<vmem>>, vector<16xf32>,
        %mul3A_723 = arith.mulf %get3A_92, %get3A_722 : vector<16xf32>
        %add3A_724 = arith.addf %mul3A_719, %mul3A_723 : vector<16xf32>
        %swap3A_725 = arith.index_cast %add3A_81 : i32 to index
        %swap3A_726 = arith.constant 832 : index
        %swap3A_727 = tpu.vector_load %arg15[%swap3A_725, %swap3A_726] {strides = array<i32>} : memref<16x1024xf32, #tpu.memory_space<vmem>>, vector<16xf32>,
        tpu.vector_store %arg15[%swap3A_725, %swap3A_726], %add3A_724 {strides = array<i32>} : memref<16x1024xf32, #tpu.memory_space<vmem>>, vector<16xf32>,
        %get3A_728 = arith.index_cast %add3A_81 : i32 to index
        %get3A_729 = arith.constant 848 : index
        %get3A_730 = tpu.vector_load %arg11[%get3A_728, %get3A_729] {strides = array<i32>} : memref<16x1024xf32, #tpu.memory_space<vmem>>, vector<16xf32>,
        %mul3A_731 = arith.mulf %get3A_86, %get3A_730 : vector<16xf32>
        %get3A_732 = arith.index_cast %add3A_81 : i32 to index
        %get3A_733 = arith.constant 848 : index
        %get3A_734 = tpu.vector_load %arg12[%get3A_732, %get3A_733] {strides = array<i32>} : memref<16x1024xf32, #tpu.memory_space<vmem>>, vector<16xf32>,
        %mul3A_735 = arith.mulf %get3A_92, %get3A_734 : vector<16xf32>
        %add3A_736 = arith.addf %mul3A_731, %mul3A_735 : vector<16xf32>
        %swap3A_737 = arith.index_cast %add3A_81 : i32 to index
        %swap3A_738 = arith.constant 848 : index
        %swap3A_739 = tpu.vector_load %arg15[%swap3A_737, %swap3A_738] {strides = array<i32>} : memref<16x1024xf32, #tpu.memory_space<vmem>>, vector<16xf32>,
        tpu.vector_store %arg15[%swap3A_737, %swap3A_738], %add3A_736 {strides = array<i32>} : memref<16x1024xf32, #tpu.memory_space<vmem>>, vector<16xf32>,
        %get3A_740 = arith.index_cast %add3A_81 : i32 to index
        %get3A_741 = arith.constant 864 : index
        %get3A_742 = tpu.vector_load %arg11[%get3A_740, %get3A_741] {strides = array<i32>} : memref<16x1024xf32, #tpu.memory_space<vmem>>, vector<16xf32>,
        %mul3A_743 = arith.mulf %get3A_86, %get3A_742 : vector<16xf32>
        %get3A_744 = arith.index_cast %add3A_81 : i32 to index
        %get3A_745 = arith.constant 864 : index
        %get3A_746 = tpu.vector_load %arg12[%get3A_744, %get3A_745] {strides = array<i32>} : memref<16x1024xf32, #tpu.memory_space<vmem>>, vector<16xf32>,
        %mul3A_747 = arith.mulf %get3A_92, %get3A_746 : vector<16xf32>
        %add3A_748 = arith.addf %mul3A_743, %mul3A_747 : vector<16xf32>
        %swap3A_749 = arith.index_cast %add3A_81 : i32 to index
        %swap3A_750 = arith.constant 864 : index
        %swap3A_751 = tpu.vector_load %arg15[%swap3A_749, %swap3A_750] {strides = array<i32>} : memref<16x1024xf32, #tpu.memory_space<vmem>>, vector<16xf32>,
        tpu.vector_store %arg15[%swap3A_749, %swap3A_750], %add3A_748 {strides = array<i32>} : memref<16x1024xf32, #tpu.memory_space<vmem>>, vector<16xf32>,
        %get3A_752 = arith.index_cast %add3A_81 : i32 to index
        %get3A_753 = arith.constant 880 : index
        %get3A_754 = tpu.vector_load %arg11[%get3A_752, %get3A_753] {strides = array<i32>} : memref<16x1024xf32, #tpu.memory_space<vmem>>, vector<16xf32>,
        %mul3A_755 = arith.mulf %get3A_86, %get3A_754 : vector<16xf32>
        %get3A_756 = arith.index_cast %add3A_81 : i32 to index
        %get3A_757 = arith.constant 880 : index
        %get3A_758 = tpu.vector_load %arg12[%get3A_756, %get3A_757] {strides = array<i32>} : memref<16x1024xf32, #tpu.memory_space<vmem>>, vector<16xf32>,
        %mul3A_759 = arith.mulf %get3A_92, %get3A_758 : vector<16xf32>
        %add3A_760 = arith.addf %mul3A_755, %mul3A_759 : vector<16xf32>
        %swap3A_761 = arith.index_cast %add3A_81 : i32 to index
        %swap3A_762 = arith.constant 880 : index
        %swap3A_763 = tpu.vector_load %arg15[%swap3A_761, %swap3A_762] {strides = array<i32>} : memref<16x1024xf32, #tpu.memory_space<vmem>>, vector<16xf32>,
        tpu.vector_store %arg15[%swap3A_761, %swap3A_762], %add3A_760 {strides = array<i32>} : memref<16x1024xf32, #tpu.memory_space<vmem>>, vector<16xf32>,
        %get3A_764 = arith.index_cast %add3A_81 : i32 to index
        %get3A_765 = arith.constant 896 : index
        %get3A_766 = tpu.vector_load %arg11[%get3A_764, %get3A_765] {strides = array<i32>} : memref<16x1024xf32, #tpu.memory_space<vmem>>, vector<16xf32>,
        %mul3A_767 = arith.mulf %get3A_86, %get3A_766 : vector<16xf32>
        %get3A_768 = arith.index_cast %add3A_81 : i32 to index
        %get3A_769 = arith.constant 896 : index
        %get3A_770 = tpu.vector_load %arg12[%get3A_768, %get3A_769] {strides = array<i32>} : memref<16x1024xf32, #tpu.memory_space<vmem>>, vector<16xf32>,
        %mul3A_771 = arith.mulf %get3A_92, %get3A_770 : vector<16xf32>
        %add3A_772 = arith.addf %mul3A_767, %mul3A_771 : vector<16xf32>
        %swap3A_773 = arith.index_cast %add3A_81 : i32 to index
        %swap3A_774 = arith.constant 896 : index
        %swap3A_775 = tpu.vector_load %arg15[%swap3A_773, %swap3A_774] {strides = array<i32>} : memref<16x1024xf32, #tpu.memory_space<vmem>>, vector<16xf32>,
        tpu.vector_store %arg15[%swap3A_773, %swap3A_774], %add3A_772 {strides = array<i32>} : memref<16x1024xf32, #tpu.memory_space<vmem>>, vector<16xf32>,
        %get3A_776 = arith.index_cast %add3A_81 : i32 to index
        %get3A_777 = arith.constant 912 : index
        %get3A_778 = tpu.vector_load %arg11[%get3A_776, %get3A_777] {strides = array<i32>} : memref<16x1024xf32, #tpu.memory_space<vmem>>, vector<16xf32>,
        %mul3A_779 = arith.mulf %get3A_86, %get3A_778 : vector<16xf32>
        %get3A_780 = arith.index_cast %add3A_81 : i32 to index
        %get3A_781 = arith.constant 912 : index
        %get3A_782 = tpu.vector_load %arg12[%get3A_780, %get3A_781] {strides = array<i32>} : memref<16x1024xf32, #tpu.memory_space<vmem>>, vector<16xf32>,
        %mul3A_783 = arith.mulf %get3A_92, %get3A_782 : vector<16xf32>
        %add3A_784 = arith.addf %mul3A_779, %mul3A_783 : vector<16xf32>
        %swap3A_785 = arith.index_cast %add3A_81 : i32 to index
        %swap3A_786 = arith.constant 912 : index
        %swap3A_787 = tpu.vector_load %arg15[%swap3A_785, %swap3A_786] {strides = array<i32>} : memref<16x1024xf32, #tpu.memory_space<vmem>>, vector<16xf32>,
        tpu.vector_store %arg15[%swap3A_785, %swap3A_786], %add3A_784 {strides = array<i32>} : memref<16x1024xf32, #tpu.memory_space<vmem>>, vector<16xf32>,
        %get3A_788 = arith.index_cast %add3A_81 : i32 to index
        %get3A_789 = arith.constant 928 : index
        %get3A_790 = tpu.vector_load %arg11[%get3A_788, %get3A_789] {strides = array<i32>} : memref<16x1024xf32, #tpu.memory_space<vmem>>, vector<16xf32>,
        %mul3A_791 = arith.mulf %get3A_86, %get3A_790 : vector<16xf32>
        %get3A_792 = arith.index_cast %add3A_81 : i32 to index
        %get3A_793 = arith.constant 928 : index
        %get3A_794 = tpu.vector_load %arg12[%get3A_792, %get3A_793] {strides = array<i32>} : memref<16x1024xf32, #tpu.memory_space<vmem>>, vector<16xf32>,
        %mul3A_795 = arith.mulf %get3A_92, %get3A_794 : vector<16xf32>
        %add3A_796 = arith.addf %mul3A_791, %mul3A_795 : vector<16xf32>
        %swap3A_797 = arith.index_cast %add3A_81 : i32 to index
        %swap3A_798 = arith.constant 928 : index
        %swap3A_799 = tpu.vector_load %arg15[%swap3A_797, %swap3A_798] {strides = array<i32>} : memref<16x1024xf32, #tpu.memory_space<vmem>>, vector<16xf32>,
        tpu.vector_store %arg15[%swap3A_797, %swap3A_798], %add3A_796 {strides = array<i32>} : memref<16x1024xf32, #tpu.memory_space<vmem>>, vector<16xf32>,
        %get3A_800 = arith.index_cast %add3A_81 : i32 to index
        %get3A_801 = arith.constant 944 : index
        %get3A_802 = tpu.vector_load %arg11[%get3A_800, %get3A_801] {strides = array<i32>} : memref<16x1024xf32, #tpu.memory_space<vmem>>, vector<16xf32>,
        %mul3A_803 = arith.mulf %get3A_86, %get3A_802 : vector<16xf32>
        %get3A_804 = arith.index_cast %add3A_81 : i32 to index
        %get3A_805 = arith.constant 944 : index
        %get3A_806 = tpu.vector_load %arg12[%get3A_804, %get3A_805] {strides = array<i32>} : memref<16x1024xf32, #tpu.memory_space<vmem>>, vector<16xf32>,
        %mul3A_807 = arith.mulf %get3A_92, %get3A_806 : vector<16xf32>
        %add3A_808 = arith.addf %mul3A_803, %mul3A_807 : vector<16xf32>
        %swap3A_809 = arith.index_cast %add3A_81 : i32 to index
        %swap3A_810 = arith.constant 944 : index
        %swap3A_811 = tpu.vector_load %arg15[%swap3A_809, %swap3A_810] {strides = array<i32>} : memref<16x1024xf32, #tpu.memory_space<vmem>>, vector<16xf32>,
        tpu.vector_store %arg15[%swap3A_809, %swap3A_810], %add3A_808 {strides = array<i32>} : memref<16x1024xf32, #tpu.memory_space<vmem>>, vector<16xf32>,
        %get3A_812 = arith.index_cast %add3A_81 : i32 to index
        %get3A_813 = arith.constant 960 : index
        %get3A_814 = tpu.vector_load %arg11[%get3A_812, %get3A_813] {strides = array<i32>} : memref<16x1024xf32, #tpu.memory_space<vmem>>, vector<16xf32>,
        %mul3A_815 = arith.mulf %get3A_86, %get3A_814 : vector<16xf32>
        %get3A_816 = arith.index_cast %add3A_81 : i32 to index
        %get3A_817 = arith.constant 960 : index
        %get3A_818 = tpu.vector_load %arg12[%get3A_816, %get3A_817] {strides = array<i32>} : memref<16x1024xf32, #tpu.memory_space<vmem>>, vector<16xf32>,
        %mul3A_819 = arith.mulf %get3A_92, %get3A_818 : vector<16xf32>
        %add3A_820 = arith.addf %mul3A_815, %mul3A_819 : vector<16xf32>
        %swap3A_821 = arith.index_cast %add3A_81 : i32 to index
        %swap3A_822 = arith.constant 960 : index
        %swap3A_823 = tpu.vector_load %arg15[%swap3A_821, %swap3A_822] {strides = array<i32>} : memref<16x1024xf32, #tpu.memory_space<vmem>>, vector<16xf32>,
        tpu.vector_store %arg15[%swap3A_821, %swap3A_822], %add3A_820 {strides = array<i32>} : memref<16x1024xf32, #tpu.memory_space<vmem>>, vector<16xf32>,
        %get3A_824 = arith.index_cast %add3A_81 : i32 to index
        %get3A_825 = arith.constant 976 : index
        %get3A_826 = tpu.vector_load %arg11[%get3A_824, %get3A_825] {strides = array<i32>} : memref<16x1024xf32, #tpu.memory_space<vmem>>, vector<16xf32>,
        %mul3A_827 = arith.mulf %get3A_86, %get3A_826 : vector<16xf32>
        %get3A_828 = arith.index_cast %add3A_81 : i32 to index
        %get3A_829 = arith.constant 976 : index
        %get3A_830 = tpu.vector_load %arg12[%get3A_828, %get3A_829] {strides = array<i32>} : memref<16x1024xf32, #tpu.memory_space<vmem>>, vector<16xf32>,
        %mul3A_831 = arith.mulf %get3A_92, %get3A_830 : vector<16xf32>
        %add3A_832 = arith.addf %mul3A_827, %mul3A_831 : vector<16xf32>
        %swap3A_833 = arith.index_cast %add3A_81 : i32 to index
        %swap3A_834 = arith.constant 976 : index
        %swap3A_835 = tpu.vector_load %arg15[%swap3A_833, %swap3A_834] {strides = array<i32>} : memref<16x1024xf32, #tpu.memory_space<vmem>>, vector<16xf32>,
        tpu.vector_store %arg15[%swap3A_833, %swap3A_834], %add3A_832 {strides = array<i32>} : memref<16x1024xf32, #tpu.memory_space<vmem>>, vector<16xf32>,
        %get3A_836 = arith.index_cast %add3A_81 : i32 to index
        %get3A_837 = arith.constant 992 : index
        %get3A_838 = tpu.vector_load %arg11[%get3A_836, %get3A_837] {strides = array<i32>} : memref<16x1024xf32, #tpu.memory_space<vmem>>, vector<16xf32>,
        %mul3A_839 = arith.mulf %get3A_86, %get3A_838 : vector<16xf32>
        %get3A_840 = arith.index_cast %add3A_81 : i32 to index
        %get3A_841 = arith.constant 992 : index
        %get3A_842 = tpu.vector_load %arg12[%get3A_840, %get3A_841] {strides = array<i32>} : memref<16x1024xf32, #tpu.memory_space<vmem>>, vector<16xf32>,
        %mul3A_843 = arith.mulf %get3A_92, %get3A_842 : vector<16xf32>
        %add3A_844 = arith.addf %mul3A_839, %mul3A_843 : vector<16xf32>
        %swap3A_845 = arith.index_cast %add3A_81 : i32 to index
        %swap3A_846 = arith.constant 992 : index
        %swap3A_847 = tpu.vector_load %arg15[%swap3A_845, %swap3A_846] {strides = array<i32>} : memref<16x1024xf32, #tpu.memory_space<vmem>>, vector<16xf32>,
        tpu.vector_store %arg15[%swap3A_845, %swap3A_846], %add3A_844 {strides = array<i32>} : memref<16x1024xf32, #tpu.memory_space<vmem>>, vector<16xf32>,
        %get3A_848 = arith.index_cast %add3A_81 : i32 to index
        %get3A_849 = arith.constant 1008 : index
        %get3A_850 = tpu.vector_load %arg11[%get3A_848, %get3A_849] {strides = array<i32>} : memref<16x1024xf32, #tpu.memory_space<vmem>>, vector<16xf32>,
        %mul3A_851 = arith.mulf %get3A_86, %get3A_850 : vector<16xf32>
        %get3A_852 = arith.index_cast %add3A_81 : i32 to index
        %get3A_853 = arith.constant 1008 : index
        %get3A_854 = tpu.vector_load %arg12[%get3A_852, %get3A_853] {strides = array<i32>} : memref<16x1024xf32, #tpu.memory_space<vmem>>, vector<16xf32>,
        %mul3A_855 = arith.mulf %get3A_92, %get3A_854 : vector<16xf32>
        %add3A_856 = arith.addf %mul3A_851, %mul3A_855 : vector<16xf32>
        %swap3A_857 = arith.index_cast %add3A_81 : i32 to index
        %swap3A_858 = arith.constant 1008 : index
        %swap3A_859 = tpu.vector_load %arg15[%swap3A_857, %swap3A_858] {strides = array<i32>} : memref<16x1024xf32, #tpu.memory_space<vmem>>, vector<16xf32>,
        tpu.vector_store %arg15[%swap3A_857, %swap3A_858], %add3A_856 {strides = array<i32>} : memref<16x1024xf32, #tpu.memory_space<vmem>>, vector<16xf32>,
      }
      %scan3A_49 = arith.constant 16 : i32
      %mul3A_50 = arith.constant 16 : i32
      %mul3A_51 = arith.muli %add3A_21, %mul3A_50 : i32
      %add3A_52 = arith.addi %mul3A_2, %mul3A_51 : i32
      "tpu.region"() ({
        %run_scoped3A_77 = tpu.sem_alloc : memref<!tpu.dma_semaphore, #tpu.memory_space<semaphore_mem>>
        %dma_start3A_78 = arith.constant 0 : i32
        %dma_start3A_79 = tpu.memref_slice %arg6[%add3A_52, %dma_start3A_78] : memref<4096x1024xf32, #tpu.memory_space<hbm>> -> memref<16x1024xf32, #tpu.memory_space<hbm>>
        %dma_start3A_80 = arith.constant 0 : i32
        %dma_start3A_81 = tpu.memref_slice %arg6[%add3A_52, %dma_start3A_80] : memref<4096x1024xf32, #tpu.memory_space<hbm>> -> memref<16x1024xf32, #tpu.memory_space<hbm>>
        tpu.enqueue_dma source(%arg15 : memref<16x1024xf32, #tpu.memory_space<vmem>>) target(%dma_start3A_81 : memref<16x1024xf32, #tpu.memory_space<hbm>>) target_semaphore(%run_scoped3A_77 : memref<!tpu.dma_semaphore, #tpu.memory_space<semaphore_mem>>)
        %dma_wait3A_82 = arith.constant 0 : i32
        %dma_wait3A_83 = tpu.memref_slice %arg6[%add3A_52, %dma_wait3A_82] : memref<4096x1024xf32, #tpu.memory_space<hbm>> -> memref<16x1024xf32, #tpu.memory_space<hbm>>
        %dma_wait3A_84 = arith.constant 0 : i32
        %dma_wait3A_85 = tpu.memref_slice %arg6[%add3A_52, %dma_wait3A_84] : memref<4096x1024xf32, #tpu.memory_space<hbm>> -> memref<16x1024xf32, #tpu.memory_space<hbm>>
        tpu.wait_dma2 semaphore(%run_scoped3A_77 : memref<!tpu.dma_semaphore, #tpu.memory_space<semaphore_mem>>) src(%arg15 : memref<16x1024xf32, #tpu.memory_space<vmem>>) dst(%dma_wait3A_85 : memref<16x1024xf32, #tpu.memory_space<hbm>>)
        tpu.yield
      }) : () -> ()
      %add3A_53 = arith.constant 2 : i32
      %add3A_54 = arith.addi %add3A_21, %add3A_53 : i32
      %lt3A = arith.constant 8 : i32
      %lt3A_55 = arith.cmpi slt, %add3A_54, %lt3A : i32
      %convert_element_type3A = arith.extui %lt3A_55 : i1 to i32
      %cond3A = arith.constant 0 : i32
      %cond3A_56 = arith.cmpi ne, %convert_element_type3A, %cond3A : i32
      scf.if %cond3A_56 {
        %add3A_77 = arith.constant 2 : i32
        %add3A_78 = arith.addi %add3A_21, %add3A_77 : i32
        %mul3A_79 = arith.constant 16 : i32
        %mul3A_80 = arith.muli %add3A_78, %mul3A_79 : i32
        %dma_start3A_81 = tpu.memref_slice %arg7[%mul3A_80] : memref<128xi32, #tpu.memory_space<vmem>> -> memref<16xi32, #tpu.memory_space<vmem>>
        %dma_start3A_82 = arith.constant 0 : i32
        %dma_start3A_83 = arith.constant 0 : i32
        %dma_start3A_84 = tpu.memref_slice %arg2[%dma_start3A_82, %dma_start3A_83] : memref<8192x1024xf32, #tpu.memory_space<hbm>> -> memref<8192x1024xf32, #tpu.memory_space<hbm>>
        tpu.enqueue_indirect_dma source(%dma_start3A_84 : memref<8192x1024xf32, #tpu.memory_space<hbm>>) target(%arg11 : memref<16x1024xf32, #tpu.memory_space<vmem>>) offsets(%dma_start3A_81 : memref<16xi32, #tpu.memory_space<vmem>>) semaphore(%arg16 : memref<!tpu.dma_semaphore, #tpu.memory_space<semaphore_mem>>)
        %mul3A_85 = arith.constant 16 : i32
        %mul3A_86 = arith.muli %add3A_78, %mul3A_85 : i32
        %dma_start3A_87 = tpu.memref_slice %arg8[%mul3A_86] : memref<128xi32, #tpu.memory_space<vmem>> -> memref<16xi32, #tpu.memory_space<vmem>>
        %dma_start3A_88 = arith.constant 0 : i32
        %dma_start3A_89 = arith.constant 0 : i32
        %dma_start3A_90 = tpu.memref_slice %arg2[%dma_start3A_88, %dma_start3A_89] : memref<8192x1024xf32, #tpu.memory_space<hbm>> -> memref<8192x1024xf32, #tpu.memory_space<hbm>>
        tpu.enqueue_indirect_dma source(%dma_start3A_90 : memref<8192x1024xf32, #tpu.memory_space<hbm>>) target(%arg12 : memref<16x1024xf32, #tpu.memory_space<vmem>>) offsets(%dma_start3A_87 : memref<16xi32, #tpu.memory_space<vmem>>) semaphore(%arg17 : memref<!tpu.dma_semaphore, #tpu.memory_space<semaphore_mem>>)
      } else {
      }
      %dma_wait3A_57 = arith.constant 0 : i32
      %dma_wait3A_58 = tpu.memref_slice %arg7[%dma_wait3A_57] : memref<128xi32, #tpu.memory_space<vmem>> -> memref<16xi32, #tpu.memory_space<vmem>>
      %dma_wait3A_59 = arith.constant 0 : i32
      %dma_wait3A_60 = arith.constant 0 : i32
      %dma_wait3A_61 = tpu.memref_slice %arg2[%dma_wait3A_59, %dma_wait3A_60] : memref<8192x1024xf32, #tpu.memory_space<hbm>> -> memref<8192x1024xf32, #tpu.memory_space<hbm>>
      tpu.wait_indirect_dma semaphore(%arg18 : memref<!tpu.dma_semaphore, #tpu.memory_space<semaphore_mem>>) src(%dma_wait3A_61 : memref<8192x1024xf32, #tpu.memory_space<hbm>>) dst(%arg13 : memref<16x1024xf32, #tpu.memory_space<vmem>>)
      %dma_wait3A_62 = arith.constant 0 : i32
      %dma_wait3A_63 = tpu.memref_slice %arg8[%dma_wait3A_62] : memref<128xi32, #tpu.memory_space<vmem>> -> memref<16xi32, #tpu.memory_space<vmem>>
      %dma_wait3A_64 = arith.constant 0 : i32
      %dma_wait3A_65 = arith.constant 0 : i32
      %dma_wait3A_66 = tpu.memref_slice %arg2[%dma_wait3A_64, %dma_wait3A_65] : memref<8192x1024xf32, #tpu.memory_space<hbm>> -> memref<8192x1024xf32, #tpu.memory_space<hbm>>
      tpu.wait_indirect_dma semaphore(%arg19 : memref<!tpu.dma_semaphore, #tpu.memory_space<semaphore_mem>>) src(%dma_wait3A_66 : memref<8192x1024xf32, #tpu.memory_space<hbm>>) dst(%arg14 : memref<16x1024xf32, #tpu.memory_space<vmem>>)
      %add3A_67 = arith.constant 1 : i32
      %add3A_68 = arith.addi %add3A_21, %add3A_67 : i32
      %scan3A_69 = arith.constant 0 : i32
      %scan3A_70 = arith.constant 16 : i32
      %scan3A_71 = arith.addi %scan3A_69, %scan3A_70 : i32
      %scan3A_72 = arith.constant 1 : i32
      scf.for %scan3A_77 = %scan3A_69 to %scan3A_71 step %scan3A_72  : i32 {
        %mul3A_78 = arith.constant 1 : i32
        %mul3A_79 = arith.muli %scan3A_77, %mul3A_78 : i32
        %add3A_80 = arith.constant 0 : i32
        %add3A_81 = arith.addi %add3A_80, %mul3A_79 : i32
        %mul3A_82 = arith.constant 16 : i32
        %mul3A_83 = arith.muli %add3A_68, %mul3A_82 : i32
        %add3A_84 = arith.addi %mul3A_83, %add3A_81 : i32
        %get3A = arith.index_cast %add3A_84 : i32 to index
        %get3A_85 = arith.constant 0 : index
        %get3A_86 = tpu.vector_load %arg9[%get3A, %get3A_85] {strides = array<i32>} : memref<128x16xf32, #tpu.memory_space<vmem>>, vector<16xf32>,
        %mul3A_87 = arith.constant 16 : i32
        %mul3A_88 = arith.muli %add3A_68, %mul3A_87 : i32
        %add3A_89 = arith.addi %mul3A_88, %add3A_81 : i32
        %get3A_90 = arith.index_cast %add3A_89 : i32 to index
        %get3A_91 = arith.constant 0 : index
        %get3A_92 = tpu.vector_load %arg10[%get3A_90, %get3A_91] {strides = array<i32>} : memref<128x16xf32, #tpu.memory_space<vmem>>, vector<16xf32>,
        %get3A_93 = arith.index_cast %add3A_81 : i32 to index
        %get3A_94 = arith.constant 0 : index
        %get3A_95 = tpu.vector_load %arg13[%get3A_93, %get3A_94] {strides = array<i32>} : memref<16x1024xf32, #tpu.memory_space<vmem>>, vector<16xf32>,
        %mul3A_96 = arith.mulf %get3A_86, %get3A_95 : vector<16xf32>
        %get3A_97 = arith.index_cast %add3A_81 : i32 to index
        %get3A_98 = arith.constant 0 : index
        %get3A_99 = tpu.vector_load %arg14[%get3A_97, %get3A_98] {strides = array<i32>} : memref<16x1024xf32, #tpu.memory_space<vmem>>, vector<16xf32>,
        %mul3A_100 = arith.mulf %get3A_92, %get3A_99 : vector<16xf32>
        %add3A_101 = arith.addf %mul3A_96, %mul3A_100 : vector<16xf32>
        %swap3A = arith.index_cast %add3A_81 : i32 to index
        %swap3A_102 = arith.constant 0 : index
        %swap3A_103 = tpu.vector_load %arg15[%swap3A, %swap3A_102] {strides = array<i32>} : memref<16x1024xf32, #tpu.memory_space<vmem>>, vector<16xf32>,
        tpu.vector_store %arg15[%swap3A, %swap3A_102], %add3A_101 {strides = array<i32>} : memref<16x1024xf32, #tpu.memory_space<vmem>>, vector<16xf32>,
        %get3A_104 = arith.index_cast %add3A_81 : i32 to index
        %get3A_105 = arith.constant 16 : index
        %get3A_106 = tpu.vector_load %arg13[%get3A_104, %get3A_105] {strides = array<i32>} : memref<16x1024xf32, #tpu.memory_space<vmem>>, vector<16xf32>,
        %mul3A_107 = arith.mulf %get3A_86, %get3A_106 : vector<16xf32>
        %get3A_108 = arith.index_cast %add3A_81 : i32 to index
        %get3A_109 = arith.constant 16 : index
        %get3A_110 = tpu.vector_load %arg14[%get3A_108, %get3A_109] {strides = array<i32>} : memref<16x1024xf32, #tpu.memory_space<vmem>>, vector<16xf32>,
        %mul3A_111 = arith.mulf %get3A_92, %get3A_110 : vector<16xf32>
        %add3A_112 = arith.addf %mul3A_107, %mul3A_111 : vector<16xf32>
        %swap3A_113 = arith.index_cast %add3A_81 : i32 to index
        %swap3A_114 = arith.constant 16 : index
        %swap3A_115 = tpu.vector_load %arg15[%swap3A_113, %swap3A_114] {strides = array<i32>} : memref<16x1024xf32, #tpu.memory_space<vmem>>, vector<16xf32>,
        tpu.vector_store %arg15[%swap3A_113, %swap3A_114], %add3A_112 {strides = array<i32>} : memref<16x1024xf32, #tpu.memory_space<vmem>>, vector<16xf32>,
        %get3A_116 = arith.index_cast %add3A_81 : i32 to index
        %get3A_117 = arith.constant 32 : index
        %get3A_118 = tpu.vector_load %arg13[%get3A_116, %get3A_117] {strides = array<i32>} : memref<16x1024xf32, #tpu.memory_space<vmem>>, vector<16xf32>,
        %mul3A_119 = arith.mulf %get3A_86, %get3A_118 : vector<16xf32>
        %get3A_120 = arith.index_cast %add3A_81 : i32 to index
        %get3A_121 = arith.constant 32 : index
        %get3A_122 = tpu.vector_load %arg14[%get3A_120, %get3A_121] {strides = array<i32>} : memref<16x1024xf32, #tpu.memory_space<vmem>>, vector<16xf32>,
        %mul3A_123 = arith.mulf %get3A_92, %get3A_122 : vector<16xf32>
        %add3A_124 = arith.addf %mul3A_119, %mul3A_123 : vector<16xf32>
        %swap3A_125 = arith.index_cast %add3A_81 : i32 to index
        %swap3A_126 = arith.constant 32 : index
        %swap3A_127 = tpu.vector_load %arg15[%swap3A_125, %swap3A_126] {strides = array<i32>} : memref<16x1024xf32, #tpu.memory_space<vmem>>, vector<16xf32>,
        tpu.vector_store %arg15[%swap3A_125, %swap3A_126], %add3A_124 {strides = array<i32>} : memref<16x1024xf32, #tpu.memory_space<vmem>>, vector<16xf32>,
        %get3A_128 = arith.index_cast %add3A_81 : i32 to index
        %get3A_129 = arith.constant 48 : index
        %get3A_130 = tpu.vector_load %arg13[%get3A_128, %get3A_129] {strides = array<i32>} : memref<16x1024xf32, #tpu.memory_space<vmem>>, vector<16xf32>,
        %mul3A_131 = arith.mulf %get3A_86, %get3A_130 : vector<16xf32>
        %get3A_132 = arith.index_cast %add3A_81 : i32 to index
        %get3A_133 = arith.constant 48 : index
        %get3A_134 = tpu.vector_load %arg14[%get3A_132, %get3A_133] {strides = array<i32>} : memref<16x1024xf32, #tpu.memory_space<vmem>>, vector<16xf32>,
        %mul3A_135 = arith.mulf %get3A_92, %get3A_134 : vector<16xf32>
        %add3A_136 = arith.addf %mul3A_131, %mul3A_135 : vector<16xf32>
        %swap3A_137 = arith.index_cast %add3A_81 : i32 to index
        %swap3A_138 = arith.constant 48 : index
        %swap3A_139 = tpu.vector_load %arg15[%swap3A_137, %swap3A_138] {strides = array<i32>} : memref<16x1024xf32, #tpu.memory_space<vmem>>, vector<16xf32>,
        tpu.vector_store %arg15[%swap3A_137, %swap3A_138], %add3A_136 {strides = array<i32>} : memref<16x1024xf32, #tpu.memory_space<vmem>>, vector<16xf32>,
        %get3A_140 = arith.index_cast %add3A_81 : i32 to index
        %get3A_141 = arith.constant 64 : index
        %get3A_142 = tpu.vector_load %arg13[%get3A_140, %get3A_141] {strides = array<i32>} : memref<16x1024xf32, #tpu.memory_space<vmem>>, vector<16xf32>,
        %mul3A_143 = arith.mulf %get3A_86, %get3A_142 : vector<16xf32>
        %get3A_144 = arith.index_cast %add3A_81 : i32 to index
        %get3A_145 = arith.constant 64 : index
        %get3A_146 = tpu.vector_load %arg14[%get3A_144, %get3A_145] {strides = array<i32>} : memref<16x1024xf32, #tpu.memory_space<vmem>>, vector<16xf32>,
        %mul3A_147 = arith.mulf %get3A_92, %get3A_146 : vector<16xf32>
        %add3A_148 = arith.addf %mul3A_143, %mul3A_147 : vector<16xf32>
        %swap3A_149 = arith.index_cast %add3A_81 : i32 to index
        %swap3A_150 = arith.constant 64 : index
        %swap3A_151 = tpu.vector_load %arg15[%swap3A_149, %swap3A_150] {strides = array<i32>} : memref<16x1024xf32, #tpu.memory_space<vmem>>, vector<16xf32>,
        tpu.vector_store %arg15[%swap3A_149, %swap3A_150], %add3A_148 {strides = array<i32>} : memref<16x1024xf32, #tpu.memory_space<vmem>>, vector<16xf32>,
        %get3A_152 = arith.index_cast %add3A_81 : i32 to index
        %get3A_153 = arith.constant 80 : index
        %get3A_154 = tpu.vector_load %arg13[%get3A_152, %get3A_153] {strides = array<i32>} : memref<16x1024xf32, #tpu.memory_space<vmem>>, vector<16xf32>,
        %mul3A_155 = arith.mulf %get3A_86, %get3A_154 : vector<16xf32>
        %get3A_156 = arith.index_cast %add3A_81 : i32 to index
        %get3A_157 = arith.constant 80 : index
        %get3A_158 = tpu.vector_load %arg14[%get3A_156, %get3A_157] {strides = array<i32>} : memref<16x1024xf32, #tpu.memory_space<vmem>>, vector<16xf32>,
        %mul3A_159 = arith.mulf %get3A_92, %get3A_158 : vector<16xf32>
        %add3A_160 = arith.addf %mul3A_155, %mul3A_159 : vector<16xf32>
        %swap3A_161 = arith.index_cast %add3A_81 : i32 to index
        %swap3A_162 = arith.constant 80 : index
        %swap3A_163 = tpu.vector_load %arg15[%swap3A_161, %swap3A_162] {strides = array<i32>} : memref<16x1024xf32, #tpu.memory_space<vmem>>, vector<16xf32>,
        tpu.vector_store %arg15[%swap3A_161, %swap3A_162], %add3A_160 {strides = array<i32>} : memref<16x1024xf32, #tpu.memory_space<vmem>>, vector<16xf32>,
        %get3A_164 = arith.index_cast %add3A_81 : i32 to index
        %get3A_165 = arith.constant 96 : index
        %get3A_166 = tpu.vector_load %arg13[%get3A_164, %get3A_165] {strides = array<i32>} : memref<16x1024xf32, #tpu.memory_space<vmem>>, vector<16xf32>,
        %mul3A_167 = arith.mulf %get3A_86, %get3A_166 : vector<16xf32>
        %get3A_168 = arith.index_cast %add3A_81 : i32 to index
        %get3A_169 = arith.constant 96 : index
        %get3A_170 = tpu.vector_load %arg14[%get3A_168, %get3A_169] {strides = array<i32>} : memref<16x1024xf32, #tpu.memory_space<vmem>>, vector<16xf32>,
        %mul3A_171 = arith.mulf %get3A_92, %get3A_170 : vector<16xf32>
        %add3A_172 = arith.addf %mul3A_167, %mul3A_171 : vector<16xf32>
        %swap3A_173 = arith.index_cast %add3A_81 : i32 to index
        %swap3A_174 = arith.constant 96 : index
        %swap3A_175 = tpu.vector_load %arg15[%swap3A_173, %swap3A_174] {strides = array<i32>} : memref<16x1024xf32, #tpu.memory_space<vmem>>, vector<16xf32>,
        tpu.vector_store %arg15[%swap3A_173, %swap3A_174], %add3A_172 {strides = array<i32>} : memref<16x1024xf32, #tpu.memory_space<vmem>>, vector<16xf32>,
        %get3A_176 = arith.index_cast %add3A_81 : i32 to index
        %get3A_177 = arith.constant 112 : index
        %get3A_178 = tpu.vector_load %arg13[%get3A_176, %get3A_177] {strides = array<i32>} : memref<16x1024xf32, #tpu.memory_space<vmem>>, vector<16xf32>,
        %mul3A_179 = arith.mulf %get3A_86, %get3A_178 : vector<16xf32>
        %get3A_180 = arith.index_cast %add3A_81 : i32 to index
        %get3A_181 = arith.constant 112 : index
        %get3A_182 = tpu.vector_load %arg14[%get3A_180, %get3A_181] {strides = array<i32>} : memref<16x1024xf32, #tpu.memory_space<vmem>>, vector<16xf32>,
        %mul3A_183 = arith.mulf %get3A_92, %get3A_182 : vector<16xf32>
        %add3A_184 = arith.addf %mul3A_179, %mul3A_183 : vector<16xf32>
        %swap3A_185 = arith.index_cast %add3A_81 : i32 to index
        %swap3A_186 = arith.constant 112 : index
        %swap3A_187 = tpu.vector_load %arg15[%swap3A_185, %swap3A_186] {strides = array<i32>} : memref<16x1024xf32, #tpu.memory_space<vmem>>, vector<16xf32>,
        tpu.vector_store %arg15[%swap3A_185, %swap3A_186], %add3A_184 {strides = array<i32>} : memref<16x1024xf32, #tpu.memory_space<vmem>>, vector<16xf32>,
        %get3A_188 = arith.index_cast %add3A_81 : i32 to index
        %get3A_189 = arith.constant 128 : index
        %get3A_190 = tpu.vector_load %arg13[%get3A_188, %get3A_189] {strides = array<i32>} : memref<16x1024xf32, #tpu.memory_space<vmem>>, vector<16xf32>,
        %mul3A_191 = arith.mulf %get3A_86, %get3A_190 : vector<16xf32>
        %get3A_192 = arith.index_cast %add3A_81 : i32 to index
        %get3A_193 = arith.constant 128 : index
        %get3A_194 = tpu.vector_load %arg14[%get3A_192, %get3A_193] {strides = array<i32>} : memref<16x1024xf32, #tpu.memory_space<vmem>>, vector<16xf32>,
        %mul3A_195 = arith.mulf %get3A_92, %get3A_194 : vector<16xf32>
        %add3A_196 = arith.addf %mul3A_191, %mul3A_195 : vector<16xf32>
        %swap3A_197 = arith.index_cast %add3A_81 : i32 to index
        %swap3A_198 = arith.constant 128 : index
        %swap3A_199 = tpu.vector_load %arg15[%swap3A_197, %swap3A_198] {strides = array<i32>} : memref<16x1024xf32, #tpu.memory_space<vmem>>, vector<16xf32>,
        tpu.vector_store %arg15[%swap3A_197, %swap3A_198], %add3A_196 {strides = array<i32>} : memref<16x1024xf32, #tpu.memory_space<vmem>>, vector<16xf32>,
        %get3A_200 = arith.index_cast %add3A_81 : i32 to index
        %get3A_201 = arith.constant 144 : index
        %get3A_202 = tpu.vector_load %arg13[%get3A_200, %get3A_201] {strides = array<i32>} : memref<16x1024xf32, #tpu.memory_space<vmem>>, vector<16xf32>,
        %mul3A_203 = arith.mulf %get3A_86, %get3A_202 : vector<16xf32>
        %get3A_204 = arith.index_cast %add3A_81 : i32 to index
        %get3A_205 = arith.constant 144 : index
        %get3A_206 = tpu.vector_load %arg14[%get3A_204, %get3A_205] {strides = array<i32>} : memref<16x1024xf32, #tpu.memory_space<vmem>>, vector<16xf32>,
        %mul3A_207 = arith.mulf %get3A_92, %get3A_206 : vector<16xf32>
        %add3A_208 = arith.addf %mul3A_203, %mul3A_207 : vector<16xf32>
        %swap3A_209 = arith.index_cast %add3A_81 : i32 to index
        %swap3A_210 = arith.constant 144 : index
        %swap3A_211 = tpu.vector_load %arg15[%swap3A_209, %swap3A_210] {strides = array<i32>} : memref<16x1024xf32, #tpu.memory_space<vmem>>, vector<16xf32>,
        tpu.vector_store %arg15[%swap3A_209, %swap3A_210], %add3A_208 {strides = array<i32>} : memref<16x1024xf32, #tpu.memory_space<vmem>>, vector<16xf32>,
        %get3A_212 = arith.index_cast %add3A_81 : i32 to index
        %get3A_213 = arith.constant 160 : index
        %get3A_214 = tpu.vector_load %arg13[%get3A_212, %get3A_213] {strides = array<i32>} : memref<16x1024xf32, #tpu.memory_space<vmem>>, vector<16xf32>,
        %mul3A_215 = arith.mulf %get3A_86, %get3A_214 : vector<16xf32>
        %get3A_216 = arith.index_cast %add3A_81 : i32 to index
        %get3A_217 = arith.constant 160 : index
        %get3A_218 = tpu.vector_load %arg14[%get3A_216, %get3A_217] {strides = array<i32>} : memref<16x1024xf32, #tpu.memory_space<vmem>>, vector<16xf32>,
        %mul3A_219 = arith.mulf %get3A_92, %get3A_218 : vector<16xf32>
        %add3A_220 = arith.addf %mul3A_215, %mul3A_219 : vector<16xf32>
        %swap3A_221 = arith.index_cast %add3A_81 : i32 to index
        %swap3A_222 = arith.constant 160 : index
        %swap3A_223 = tpu.vector_load %arg15[%swap3A_221, %swap3A_222] {strides = array<i32>} : memref<16x1024xf32, #tpu.memory_space<vmem>>, vector<16xf32>,
        tpu.vector_store %arg15[%swap3A_221, %swap3A_222], %add3A_220 {strides = array<i32>} : memref<16x1024xf32, #tpu.memory_space<vmem>>, vector<16xf32>,
        %get3A_224 = arith.index_cast %add3A_81 : i32 to index
        %get3A_225 = arith.constant 176 : index
        %get3A_226 = tpu.vector_load %arg13[%get3A_224, %get3A_225] {strides = array<i32>} : memref<16x1024xf32, #tpu.memory_space<vmem>>, vector<16xf32>,
        %mul3A_227 = arith.mulf %get3A_86, %get3A_226 : vector<16xf32>
        %get3A_228 = arith.index_cast %add3A_81 : i32 to index
        %get3A_229 = arith.constant 176 : index
        %get3A_230 = tpu.vector_load %arg14[%get3A_228, %get3A_229] {strides = array<i32>} : memref<16x1024xf32, #tpu.memory_space<vmem>>, vector<16xf32>,
        %mul3A_231 = arith.mulf %get3A_92, %get3A_230 : vector<16xf32>
        %add3A_232 = arith.addf %mul3A_227, %mul3A_231 : vector<16xf32>
        %swap3A_233 = arith.index_cast %add3A_81 : i32 to index
        %swap3A_234 = arith.constant 176 : index
        %swap3A_235 = tpu.vector_load %arg15[%swap3A_233, %swap3A_234] {strides = array<i32>} : memref<16x1024xf32, #tpu.memory_space<vmem>>, vector<16xf32>,
        tpu.vector_store %arg15[%swap3A_233, %swap3A_234], %add3A_232 {strides = array<i32>} : memref<16x1024xf32, #tpu.memory_space<vmem>>, vector<16xf32>,
        %get3A_236 = arith.index_cast %add3A_81 : i32 to index
        %get3A_237 = arith.constant 192 : index
        %get3A_238 = tpu.vector_load %arg13[%get3A_236, %get3A_237] {strides = array<i32>} : memref<16x1024xf32, #tpu.memory_space<vmem>>, vector<16xf32>,
        %mul3A_239 = arith.mulf %get3A_86, %get3A_238 : vector<16xf32>
        %get3A_240 = arith.index_cast %add3A_81 : i32 to index
        %get3A_241 = arith.constant 192 : index
        %get3A_242 = tpu.vector_load %arg14[%get3A_240, %get3A_241] {strides = array<i32>} : memref<16x1024xf32, #tpu.memory_space<vmem>>, vector<16xf32>,
        %mul3A_243 = arith.mulf %get3A_92, %get3A_242 : vector<16xf32>
        %add3A_244 = arith.addf %mul3A_239, %mul3A_243 : vector<16xf32>
        %swap3A_245 = arith.index_cast %add3A_81 : i32 to index
        %swap3A_246 = arith.constant 192 : index
        %swap3A_247 = tpu.vector_load %arg15[%swap3A_245, %swap3A_246] {strides = array<i32>} : memref<16x1024xf32, #tpu.memory_space<vmem>>, vector<16xf32>,
        tpu.vector_store %arg15[%swap3A_245, %swap3A_246], %add3A_244 {strides = array<i32>} : memref<16x1024xf32, #tpu.memory_space<vmem>>, vector<16xf32>,
        %get3A_248 = arith.index_cast %add3A_81 : i32 to index
        %get3A_249 = arith.constant 208 : index
        %get3A_250 = tpu.vector_load %arg13[%get3A_248, %get3A_249] {strides = array<i32>} : memref<16x1024xf32, #tpu.memory_space<vmem>>, vector<16xf32>,
        %mul3A_251 = arith.mulf %get3A_86, %get3A_250 : vector<16xf32>
        %get3A_252 = arith.index_cast %add3A_81 : i32 to index
        %get3A_253 = arith.constant 208 : index
        %get3A_254 = tpu.vector_load %arg14[%get3A_252, %get3A_253] {strides = array<i32>} : memref<16x1024xf32, #tpu.memory_space<vmem>>, vector<16xf32>,
        %mul3A_255 = arith.mulf %get3A_92, %get3A_254 : vector<16xf32>
        %add3A_256 = arith.addf %mul3A_251, %mul3A_255 : vector<16xf32>
        %swap3A_257 = arith.index_cast %add3A_81 : i32 to index
        %swap3A_258 = arith.constant 208 : index
        %swap3A_259 = tpu.vector_load %arg15[%swap3A_257, %swap3A_258] {strides = array<i32>} : memref<16x1024xf32, #tpu.memory_space<vmem>>, vector<16xf32>,
        tpu.vector_store %arg15[%swap3A_257, %swap3A_258], %add3A_256 {strides = array<i32>} : memref<16x1024xf32, #tpu.memory_space<vmem>>, vector<16xf32>,
        %get3A_260 = arith.index_cast %add3A_81 : i32 to index
        %get3A_261 = arith.constant 224 : index
        %get3A_262 = tpu.vector_load %arg13[%get3A_260, %get3A_261] {strides = array<i32>} : memref<16x1024xf32, #tpu.memory_space<vmem>>, vector<16xf32>,
        %mul3A_263 = arith.mulf %get3A_86, %get3A_262 : vector<16xf32>
        %get3A_264 = arith.index_cast %add3A_81 : i32 to index
        %get3A_265 = arith.constant 224 : index
        %get3A_266 = tpu.vector_load %arg14[%get3A_264, %get3A_265] {strides = array<i32>} : memref<16x1024xf32, #tpu.memory_space<vmem>>, vector<16xf32>,
        %mul3A_267 = arith.mulf %get3A_92, %get3A_266 : vector<16xf32>
        %add3A_268 = arith.addf %mul3A_263, %mul3A_267 : vector<16xf32>
        %swap3A_269 = arith.index_cast %add3A_81 : i32 to index
        %swap3A_270 = arith.constant 224 : index
        %swap3A_271 = tpu.vector_load %arg15[%swap3A_269, %swap3A_270] {strides = array<i32>} : memref<16x1024xf32, #tpu.memory_space<vmem>>, vector<16xf32>,
        tpu.vector_store %arg15[%swap3A_269, %swap3A_270], %add3A_268 {strides = array<i32>} : memref<16x1024xf32, #tpu.memory_space<vmem>>, vector<16xf32>,
        %get3A_272 = arith.index_cast %add3A_81 : i32 to index
        %get3A_273 = arith.constant 240 : index
        %get3A_274 = tpu.vector_load %arg13[%get3A_272, %get3A_273] {strides = array<i32>} : memref<16x1024xf32, #tpu.memory_space<vmem>>, vector<16xf32>,
        %mul3A_275 = arith.mulf %get3A_86, %get3A_274 : vector<16xf32>
        %get3A_276 = arith.index_cast %add3A_81 : i32 to index
        %get3A_277 = arith.constant 240 : index
        %get3A_278 = tpu.vector_load %arg14[%get3A_276, %get3A_277] {strides = array<i32>} : memref<16x1024xf32, #tpu.memory_space<vmem>>, vector<16xf32>,
        %mul3A_279 = arith.mulf %get3A_92, %get3A_278 : vector<16xf32>
        %add3A_280 = arith.addf %mul3A_275, %mul3A_279 : vector<16xf32>
        %swap3A_281 = arith.index_cast %add3A_81 : i32 to index
        %swap3A_282 = arith.constant 240 : index
        %swap3A_283 = tpu.vector_load %arg15[%swap3A_281, %swap3A_282] {strides = array<i32>} : memref<16x1024xf32, #tpu.memory_space<vmem>>, vector<16xf32>,
        tpu.vector_store %arg15[%swap3A_281, %swap3A_282], %add3A_280 {strides = array<i32>} : memref<16x1024xf32, #tpu.memory_space<vmem>>, vector<16xf32>,
        %get3A_284 = arith.index_cast %add3A_81 : i32 to index
        %get3A_285 = arith.constant 256 : index
        %get3A_286 = tpu.vector_load %arg13[%get3A_284, %get3A_285] {strides = array<i32>} : memref<16x1024xf32, #tpu.memory_space<vmem>>, vector<16xf32>,
        %mul3A_287 = arith.mulf %get3A_86, %get3A_286 : vector<16xf32>
        %get3A_288 = arith.index_cast %add3A_81 : i32 to index
        %get3A_289 = arith.constant 256 : index
        %get3A_290 = tpu.vector_load %arg14[%get3A_288, %get3A_289] {strides = array<i32>} : memref<16x1024xf32, #tpu.memory_space<vmem>>, vector<16xf32>,
        %mul3A_291 = arith.mulf %get3A_92, %get3A_290 : vector<16xf32>
        %add3A_292 = arith.addf %mul3A_287, %mul3A_291 : vector<16xf32>
        %swap3A_293 = arith.index_cast %add3A_81 : i32 to index
        %swap3A_294 = arith.constant 256 : index
        %swap3A_295 = tpu.vector_load %arg15[%swap3A_293, %swap3A_294] {strides = array<i32>} : memref<16x1024xf32, #tpu.memory_space<vmem>>, vector<16xf32>,
        tpu.vector_store %arg15[%swap3A_293, %swap3A_294], %add3A_292 {strides = array<i32>} : memref<16x1024xf32, #tpu.memory_space<vmem>>, vector<16xf32>,
        %get3A_296 = arith.index_cast %add3A_81 : i32 to index
        %get3A_297 = arith.constant 272 : index
        %get3A_298 = tpu.vector_load %arg13[%get3A_296, %get3A_297] {strides = array<i32>} : memref<16x1024xf32, #tpu.memory_space<vmem>>, vector<16xf32>,
        %mul3A_299 = arith.mulf %get3A_86, %get3A_298 : vector<16xf32>
        %get3A_300 = arith.index_cast %add3A_81 : i32 to index
        %get3A_301 = arith.constant 272 : index
        %get3A_302 = tpu.vector_load %arg14[%get3A_300, %get3A_301] {strides = array<i32>} : memref<16x1024xf32, #tpu.memory_space<vmem>>, vector<16xf32>,
        %mul3A_303 = arith.mulf %get3A_92, %get3A_302 : vector<16xf32>
        %add3A_304 = arith.addf %mul3A_299, %mul3A_303 : vector<16xf32>
        %swap3A_305 = arith.index_cast %add3A_81 : i32 to index
        %swap3A_306 = arith.constant 272 : index
        %swap3A_307 = tpu.vector_load %arg15[%swap3A_305, %swap3A_306] {strides = array<i32>} : memref<16x1024xf32, #tpu.memory_space<vmem>>, vector<16xf32>,
        tpu.vector_store %arg15[%swap3A_305, %swap3A_306], %add3A_304 {strides = array<i32>} : memref<16x1024xf32, #tpu.memory_space<vmem>>, vector<16xf32>,
        %get3A_308 = arith.index_cast %add3A_81 : i32 to index
        %get3A_309 = arith.constant 288 : index
        %get3A_310 = tpu.vector_load %arg13[%get3A_308, %get3A_309] {strides = array<i32>} : memref<16x1024xf32, #tpu.memory_space<vmem>>, vector<16xf32>,
        %mul3A_311 = arith.mulf %get3A_86, %get3A_310 : vector<16xf32>
        %get3A_312 = arith.index_cast %add3A_81 : i32 to index
        %get3A_313 = arith.constant 288 : index
        %get3A_314 = tpu.vector_load %arg14[%get3A_312, %get3A_313] {strides = array<i32>} : memref<16x1024xf32, #tpu.memory_space<vmem>>, vector<16xf32>,
        %mul3A_315 = arith.mulf %get3A_92, %get3A_314 : vector<16xf32>
        %add3A_316 = arith.addf %mul3A_311, %mul3A_315 : vector<16xf32>
        %swap3A_317 = arith.index_cast %add3A_81 : i32 to index
        %swap3A_318 = arith.constant 288 : index
        %swap3A_319 = tpu.vector_load %arg15[%swap3A_317, %swap3A_318] {strides = array<i32>} : memref<16x1024xf32, #tpu.memory_space<vmem>>, vector<16xf32>,
        tpu.vector_store %arg15[%swap3A_317, %swap3A_318], %add3A_316 {strides = array<i32>} : memref<16x1024xf32, #tpu.memory_space<vmem>>, vector<16xf32>,
        %get3A_320 = arith.index_cast %add3A_81 : i32 to index
        %get3A_321 = arith.constant 304 : index
        %get3A_322 = tpu.vector_load %arg13[%get3A_320, %get3A_321] {strides = array<i32>} : memref<16x1024xf32, #tpu.memory_space<vmem>>, vector<16xf32>,
        %mul3A_323 = arith.mulf %get3A_86, %get3A_322 : vector<16xf32>
        %get3A_324 = arith.index_cast %add3A_81 : i32 to index
        %get3A_325 = arith.constant 304 : index
        %get3A_326 = tpu.vector_load %arg14[%get3A_324, %get3A_325] {strides = array<i32>} : memref<16x1024xf32, #tpu.memory_space<vmem>>, vector<16xf32>,
        %mul3A_327 = arith.mulf %get3A_92, %get3A_326 : vector<16xf32>
        %add3A_328 = arith.addf %mul3A_323, %mul3A_327 : vector<16xf32>
        %swap3A_329 = arith.index_cast %add3A_81 : i32 to index
        %swap3A_330 = arith.constant 304 : index
        %swap3A_331 = tpu.vector_load %arg15[%swap3A_329, %swap3A_330] {strides = array<i32>} : memref<16x1024xf32, #tpu.memory_space<vmem>>, vector<16xf32>,
        tpu.vector_store %arg15[%swap3A_329, %swap3A_330], %add3A_328 {strides = array<i32>} : memref<16x1024xf32, #tpu.memory_space<vmem>>, vector<16xf32>,
        %get3A_332 = arith.index_cast %add3A_81 : i32 to index
        %get3A_333 = arith.constant 320 : index
        %get3A_334 = tpu.vector_load %arg13[%get3A_332, %get3A_333] {strides = array<i32>} : memref<16x1024xf32, #tpu.memory_space<vmem>>, vector<16xf32>,
        %mul3A_335 = arith.mulf %get3A_86, %get3A_334 : vector<16xf32>
        %get3A_336 = arith.index_cast %add3A_81 : i32 to index
        %get3A_337 = arith.constant 320 : index
        %get3A_338 = tpu.vector_load %arg14[%get3A_336, %get3A_337] {strides = array<i32>} : memref<16x1024xf32, #tpu.memory_space<vmem>>, vector<16xf32>,
        %mul3A_339 = arith.mulf %get3A_92, %get3A_338 : vector<16xf32>
        %add3A_340 = arith.addf %mul3A_335, %mul3A_339 : vector<16xf32>
        %swap3A_341 = arith.index_cast %add3A_81 : i32 to index
        %swap3A_342 = arith.constant 320 : index
        %swap3A_343 = tpu.vector_load %arg15[%swap3A_341, %swap3A_342] {strides = array<i32>} : memref<16x1024xf32, #tpu.memory_space<vmem>>, vector<16xf32>,
        tpu.vector_store %arg15[%swap3A_341, %swap3A_342], %add3A_340 {strides = array<i32>} : memref<16x1024xf32, #tpu.memory_space<vmem>>, vector<16xf32>,
        %get3A_344 = arith.index_cast %add3A_81 : i32 to index
        %get3A_345 = arith.constant 336 : index
        %get3A_346 = tpu.vector_load %arg13[%get3A_344, %get3A_345] {strides = array<i32>} : memref<16x1024xf32, #tpu.memory_space<vmem>>, vector<16xf32>,
        %mul3A_347 = arith.mulf %get3A_86, %get3A_346 : vector<16xf32>
        %get3A_348 = arith.index_cast %add3A_81 : i32 to index
        %get3A_349 = arith.constant 336 : index
        %get3A_350 = tpu.vector_load %arg14[%get3A_348, %get3A_349] {strides = array<i32>} : memref<16x1024xf32, #tpu.memory_space<vmem>>, vector<16xf32>,
        %mul3A_351 = arith.mulf %get3A_92, %get3A_350 : vector<16xf32>
        %add3A_352 = arith.addf %mul3A_347, %mul3A_351 : vector<16xf32>
        %swap3A_353 = arith.index_cast %add3A_81 : i32 to index
        %swap3A_354 = arith.constant 336 : index
        %swap3A_355 = tpu.vector_load %arg15[%swap3A_353, %swap3A_354] {strides = array<i32>} : memref<16x1024xf32, #tpu.memory_space<vmem>>, vector<16xf32>,
        tpu.vector_store %arg15[%swap3A_353, %swap3A_354], %add3A_352 {strides = array<i32>} : memref<16x1024xf32, #tpu.memory_space<vmem>>, vector<16xf32>,
        %get3A_356 = arith.index_cast %add3A_81 : i32 to index
        %get3A_357 = arith.constant 352 : index
        %get3A_358 = tpu.vector_load %arg13[%get3A_356, %get3A_357] {strides = array<i32>} : memref<16x1024xf32, #tpu.memory_space<vmem>>, vector<16xf32>,
        %mul3A_359 = arith.mulf %get3A_86, %get3A_358 : vector<16xf32>
        %get3A_360 = arith.index_cast %add3A_81 : i32 to index
        %get3A_361 = arith.constant 352 : index
        %get3A_362 = tpu.vector_load %arg14[%get3A_360, %get3A_361] {strides = array<i32>} : memref<16x1024xf32, #tpu.memory_space<vmem>>, vector<16xf32>,
        %mul3A_363 = arith.mulf %get3A_92, %get3A_362 : vector<16xf32>
        %add3A_364 = arith.addf %mul3A_359, %mul3A_363 : vector<16xf32>
        %swap3A_365 = arith.index_cast %add3A_81 : i32 to index
        %swap3A_366 = arith.constant 352 : index
        %swap3A_367 = tpu.vector_load %arg15[%swap3A_365, %swap3A_366] {strides = array<i32>} : memref<16x1024xf32, #tpu.memory_space<vmem>>, vector<16xf32>,
        tpu.vector_store %arg15[%swap3A_365, %swap3A_366], %add3A_364 {strides = array<i32>} : memref<16x1024xf32, #tpu.memory_space<vmem>>, vector<16xf32>,
        %get3A_368 = arith.index_cast %add3A_81 : i32 to index
        %get3A_369 = arith.constant 368 : index
        %get3A_370 = tpu.vector_load %arg13[%get3A_368, %get3A_369] {strides = array<i32>} : memref<16x1024xf32, #tpu.memory_space<vmem>>, vector<16xf32>,
        %mul3A_371 = arith.mulf %get3A_86, %get3A_370 : vector<16xf32>
        %get3A_372 = arith.index_cast %add3A_81 : i32 to index
        %get3A_373 = arith.constant 368 : index
        %get3A_374 = tpu.vector_load %arg14[%get3A_372, %get3A_373] {strides = array<i32>} : memref<16x1024xf32, #tpu.memory_space<vmem>>, vector<16xf32>,
        %mul3A_375 = arith.mulf %get3A_92, %get3A_374 : vector<16xf32>
        %add3A_376 = arith.addf %mul3A_371, %mul3A_375 : vector<16xf32>
        %swap3A_377 = arith.index_cast %add3A_81 : i32 to index
        %swap3A_378 = arith.constant 368 : index
        %swap3A_379 = tpu.vector_load %arg15[%swap3A_377, %swap3A_378] {strides = array<i32>} : memref<16x1024xf32, #tpu.memory_space<vmem>>, vector<16xf32>,
        tpu.vector_store %arg15[%swap3A_377, %swap3A_378], %add3A_376 {strides = array<i32>} : memref<16x1024xf32, #tpu.memory_space<vmem>>, vector<16xf32>,
        %get3A_380 = arith.index_cast %add3A_81 : i32 to index
        %get3A_381 = arith.constant 384 : index
        %get3A_382 = tpu.vector_load %arg13[%get3A_380, %get3A_381] {strides = array<i32>} : memref<16x1024xf32, #tpu.memory_space<vmem>>, vector<16xf32>,
        %mul3A_383 = arith.mulf %get3A_86, %get3A_382 : vector<16xf32>
        %get3A_384 = arith.index_cast %add3A_81 : i32 to index
        %get3A_385 = arith.constant 384 : index
        %get3A_386 = tpu.vector_load %arg14[%get3A_384, %get3A_385] {strides = array<i32>} : memref<16x1024xf32, #tpu.memory_space<vmem>>, vector<16xf32>,
        %mul3A_387 = arith.mulf %get3A_92, %get3A_386 : vector<16xf32>
        %add3A_388 = arith.addf %mul3A_383, %mul3A_387 : vector<16xf32>
        %swap3A_389 = arith.index_cast %add3A_81 : i32 to index
        %swap3A_390 = arith.constant 384 : index
        %swap3A_391 = tpu.vector_load %arg15[%swap3A_389, %swap3A_390] {strides = array<i32>} : memref<16x1024xf32, #tpu.memory_space<vmem>>, vector<16xf32>,
        tpu.vector_store %arg15[%swap3A_389, %swap3A_390], %add3A_388 {strides = array<i32>} : memref<16x1024xf32, #tpu.memory_space<vmem>>, vector<16xf32>,
        %get3A_392 = arith.index_cast %add3A_81 : i32 to index
        %get3A_393 = arith.constant 400 : index
        %get3A_394 = tpu.vector_load %arg13[%get3A_392, %get3A_393] {strides = array<i32>} : memref<16x1024xf32, #tpu.memory_space<vmem>>, vector<16xf32>,
        %mul3A_395 = arith.mulf %get3A_86, %get3A_394 : vector<16xf32>
        %get3A_396 = arith.index_cast %add3A_81 : i32 to index
        %get3A_397 = arith.constant 400 : index
        %get3A_398 = tpu.vector_load %arg14[%get3A_396, %get3A_397] {strides = array<i32>} : memref<16x1024xf32, #tpu.memory_space<vmem>>, vector<16xf32>,
        %mul3A_399 = arith.mulf %get3A_92, %get3A_398 : vector<16xf32>
        %add3A_400 = arith.addf %mul3A_395, %mul3A_399 : vector<16xf32>
        %swap3A_401 = arith.index_cast %add3A_81 : i32 to index
        %swap3A_402 = arith.constant 400 : index
        %swap3A_403 = tpu.vector_load %arg15[%swap3A_401, %swap3A_402] {strides = array<i32>} : memref<16x1024xf32, #tpu.memory_space<vmem>>, vector<16xf32>,
        tpu.vector_store %arg15[%swap3A_401, %swap3A_402], %add3A_400 {strides = array<i32>} : memref<16x1024xf32, #tpu.memory_space<vmem>>, vector<16xf32>,
        %get3A_404 = arith.index_cast %add3A_81 : i32 to index
        %get3A_405 = arith.constant 416 : index
        %get3A_406 = tpu.vector_load %arg13[%get3A_404, %get3A_405] {strides = array<i32>} : memref<16x1024xf32, #tpu.memory_space<vmem>>, vector<16xf32>,
        %mul3A_407 = arith.mulf %get3A_86, %get3A_406 : vector<16xf32>
        %get3A_408 = arith.index_cast %add3A_81 : i32 to index
        %get3A_409 = arith.constant 416 : index
        %get3A_410 = tpu.vector_load %arg14[%get3A_408, %get3A_409] {strides = array<i32>} : memref<16x1024xf32, #tpu.memory_space<vmem>>, vector<16xf32>,
        %mul3A_411 = arith.mulf %get3A_92, %get3A_410 : vector<16xf32>
        %add3A_412 = arith.addf %mul3A_407, %mul3A_411 : vector<16xf32>
        %swap3A_413 = arith.index_cast %add3A_81 : i32 to index
        %swap3A_414 = arith.constant 416 : index
        %swap3A_415 = tpu.vector_load %arg15[%swap3A_413, %swap3A_414] {strides = array<i32>} : memref<16x1024xf32, #tpu.memory_space<vmem>>, vector<16xf32>,
        tpu.vector_store %arg15[%swap3A_413, %swap3A_414], %add3A_412 {strides = array<i32>} : memref<16x1024xf32, #tpu.memory_space<vmem>>, vector<16xf32>,
        %get3A_416 = arith.index_cast %add3A_81 : i32 to index
        %get3A_417 = arith.constant 432 : index
        %get3A_418 = tpu.vector_load %arg13[%get3A_416, %get3A_417] {strides = array<i32>} : memref<16x1024xf32, #tpu.memory_space<vmem>>, vector<16xf32>,
        %mul3A_419 = arith.mulf %get3A_86, %get3A_418 : vector<16xf32>
        %get3A_420 = arith.index_cast %add3A_81 : i32 to index
        %get3A_421 = arith.constant 432 : index
        %get3A_422 = tpu.vector_load %arg14[%get3A_420, %get3A_421] {strides = array<i32>} : memref<16x1024xf32, #tpu.memory_space<vmem>>, vector<16xf32>,
        %mul3A_423 = arith.mulf %get3A_92, %get3A_422 : vector<16xf32>
        %add3A_424 = arith.addf %mul3A_419, %mul3A_423 : vector<16xf32>
        %swap3A_425 = arith.index_cast %add3A_81 : i32 to index
        %swap3A_426 = arith.constant 432 : index
        %swap3A_427 = tpu.vector_load %arg15[%swap3A_425, %swap3A_426] {strides = array<i32>} : memref<16x1024xf32, #tpu.memory_space<vmem>>, vector<16xf32>,
        tpu.vector_store %arg15[%swap3A_425, %swap3A_426], %add3A_424 {strides = array<i32>} : memref<16x1024xf32, #tpu.memory_space<vmem>>, vector<16xf32>,
        %get3A_428 = arith.index_cast %add3A_81 : i32 to index
        %get3A_429 = arith.constant 448 : index
        %get3A_430 = tpu.vector_load %arg13[%get3A_428, %get3A_429] {strides = array<i32>} : memref<16x1024xf32, #tpu.memory_space<vmem>>, vector<16xf32>,
        %mul3A_431 = arith.mulf %get3A_86, %get3A_430 : vector<16xf32>
        %get3A_432 = arith.index_cast %add3A_81 : i32 to index
        %get3A_433 = arith.constant 448 : index
        %get3A_434 = tpu.vector_load %arg14[%get3A_432, %get3A_433] {strides = array<i32>} : memref<16x1024xf32, #tpu.memory_space<vmem>>, vector<16xf32>,
        %mul3A_435 = arith.mulf %get3A_92, %get3A_434 : vector<16xf32>
        %add3A_436 = arith.addf %mul3A_431, %mul3A_435 : vector<16xf32>
        %swap3A_437 = arith.index_cast %add3A_81 : i32 to index
        %swap3A_438 = arith.constant 448 : index
        %swap3A_439 = tpu.vector_load %arg15[%swap3A_437, %swap3A_438] {strides = array<i32>} : memref<16x1024xf32, #tpu.memory_space<vmem>>, vector<16xf32>,
        tpu.vector_store %arg15[%swap3A_437, %swap3A_438], %add3A_436 {strides = array<i32>} : memref<16x1024xf32, #tpu.memory_space<vmem>>, vector<16xf32>,
        %get3A_440 = arith.index_cast %add3A_81 : i32 to index
        %get3A_441 = arith.constant 464 : index
        %get3A_442 = tpu.vector_load %arg13[%get3A_440, %get3A_441] {strides = array<i32>} : memref<16x1024xf32, #tpu.memory_space<vmem>>, vector<16xf32>,
        %mul3A_443 = arith.mulf %get3A_86, %get3A_442 : vector<16xf32>
        %get3A_444 = arith.index_cast %add3A_81 : i32 to index
        %get3A_445 = arith.constant 464 : index
        %get3A_446 = tpu.vector_load %arg14[%get3A_444, %get3A_445] {strides = array<i32>} : memref<16x1024xf32, #tpu.memory_space<vmem>>, vector<16xf32>,
        %mul3A_447 = arith.mulf %get3A_92, %get3A_446 : vector<16xf32>
        %add3A_448 = arith.addf %mul3A_443, %mul3A_447 : vector<16xf32>
        %swap3A_449 = arith.index_cast %add3A_81 : i32 to index
        %swap3A_450 = arith.constant 464 : index
        %swap3A_451 = tpu.vector_load %arg15[%swap3A_449, %swap3A_450] {strides = array<i32>} : memref<16x1024xf32, #tpu.memory_space<vmem>>, vector<16xf32>,
        tpu.vector_store %arg15[%swap3A_449, %swap3A_450], %add3A_448 {strides = array<i32>} : memref<16x1024xf32, #tpu.memory_space<vmem>>, vector<16xf32>,
        %get3A_452 = arith.index_cast %add3A_81 : i32 to index
        %get3A_453 = arith.constant 480 : index
        %get3A_454 = tpu.vector_load %arg13[%get3A_452, %get3A_453] {strides = array<i32>} : memref<16x1024xf32, #tpu.memory_space<vmem>>, vector<16xf32>,
        %mul3A_455 = arith.mulf %get3A_86, %get3A_454 : vector<16xf32>
        %get3A_456 = arith.index_cast %add3A_81 : i32 to index
        %get3A_457 = arith.constant 480 : index
        %get3A_458 = tpu.vector_load %arg14[%get3A_456, %get3A_457] {strides = array<i32>} : memref<16x1024xf32, #tpu.memory_space<vmem>>, vector<16xf32>,
        %mul3A_459 = arith.mulf %get3A_92, %get3A_458 : vector<16xf32>
        %add3A_460 = arith.addf %mul3A_455, %mul3A_459 : vector<16xf32>
        %swap3A_461 = arith.index_cast %add3A_81 : i32 to index
        %swap3A_462 = arith.constant 480 : index
        %swap3A_463 = tpu.vector_load %arg15[%swap3A_461, %swap3A_462] {strides = array<i32>} : memref<16x1024xf32, #tpu.memory_space<vmem>>, vector<16xf32>,
        tpu.vector_store %arg15[%swap3A_461, %swap3A_462], %add3A_460 {strides = array<i32>} : memref<16x1024xf32, #tpu.memory_space<vmem>>, vector<16xf32>,
        %get3A_464 = arith.index_cast %add3A_81 : i32 to index
        %get3A_465 = arith.constant 496 : index
        %get3A_466 = tpu.vector_load %arg13[%get3A_464, %get3A_465] {strides = array<i32>} : memref<16x1024xf32, #tpu.memory_space<vmem>>, vector<16xf32>,
        %mul3A_467 = arith.mulf %get3A_86, %get3A_466 : vector<16xf32>
        %get3A_468 = arith.index_cast %add3A_81 : i32 to index
        %get3A_469 = arith.constant 496 : index
        %get3A_470 = tpu.vector_load %arg14[%get3A_468, %get3A_469] {strides = array<i32>} : memref<16x1024xf32, #tpu.memory_space<vmem>>, vector<16xf32>,
        %mul3A_471 = arith.mulf %get3A_92, %get3A_470 : vector<16xf32>
        %add3A_472 = arith.addf %mul3A_467, %mul3A_471 : vector<16xf32>
        %swap3A_473 = arith.index_cast %add3A_81 : i32 to index
        %swap3A_474 = arith.constant 496 : index
        %swap3A_475 = tpu.vector_load %arg15[%swap3A_473, %swap3A_474] {strides = array<i32>} : memref<16x1024xf32, #tpu.memory_space<vmem>>, vector<16xf32>,
        tpu.vector_store %arg15[%swap3A_473, %swap3A_474], %add3A_472 {strides = array<i32>} : memref<16x1024xf32, #tpu.memory_space<vmem>>, vector<16xf32>,
        %get3A_476 = arith.index_cast %add3A_81 : i32 to index
        %get3A_477 = arith.constant 512 : index
        %get3A_478 = tpu.vector_load %arg13[%get3A_476, %get3A_477] {strides = array<i32>} : memref<16x1024xf32, #tpu.memory_space<vmem>>, vector<16xf32>,
        %mul3A_479 = arith.mulf %get3A_86, %get3A_478 : vector<16xf32>
        %get3A_480 = arith.index_cast %add3A_81 : i32 to index
        %get3A_481 = arith.constant 512 : index
        %get3A_482 = tpu.vector_load %arg14[%get3A_480, %get3A_481] {strides = array<i32>} : memref<16x1024xf32, #tpu.memory_space<vmem>>, vector<16xf32>,
        %mul3A_483 = arith.mulf %get3A_92, %get3A_482 : vector<16xf32>
        %add3A_484 = arith.addf %mul3A_479, %mul3A_483 : vector<16xf32>
        %swap3A_485 = arith.index_cast %add3A_81 : i32 to index
        %swap3A_486 = arith.constant 512 : index
        %swap3A_487 = tpu.vector_load %arg15[%swap3A_485, %swap3A_486] {strides = array<i32>} : memref<16x1024xf32, #tpu.memory_space<vmem>>, vector<16xf32>,
        tpu.vector_store %arg15[%swap3A_485, %swap3A_486], %add3A_484 {strides = array<i32>} : memref<16x1024xf32, #tpu.memory_space<vmem>>, vector<16xf32>,
        %get3A_488 = arith.index_cast %add3A_81 : i32 to index
        %get3A_489 = arith.constant 528 : index
        %get3A_490 = tpu.vector_load %arg13[%get3A_488, %get3A_489] {strides = array<i32>} : memref<16x1024xf32, #tpu.memory_space<vmem>>, vector<16xf32>,
        %mul3A_491 = arith.mulf %get3A_86, %get3A_490 : vector<16xf32>
        %get3A_492 = arith.index_cast %add3A_81 : i32 to index
        %get3A_493 = arith.constant 528 : index
        %get3A_494 = tpu.vector_load %arg14[%get3A_492, %get3A_493] {strides = array<i32>} : memref<16x1024xf32, #tpu.memory_space<vmem>>, vector<16xf32>,
        %mul3A_495 = arith.mulf %get3A_92, %get3A_494 : vector<16xf32>
        %add3A_496 = arith.addf %mul3A_491, %mul3A_495 : vector<16xf32>
        %swap3A_497 = arith.index_cast %add3A_81 : i32 to index
        %swap3A_498 = arith.constant 528 : index
        %swap3A_499 = tpu.vector_load %arg15[%swap3A_497, %swap3A_498] {strides = array<i32>} : memref<16x1024xf32, #tpu.memory_space<vmem>>, vector<16xf32>,
        tpu.vector_store %arg15[%swap3A_497, %swap3A_498], %add3A_496 {strides = array<i32>} : memref<16x1024xf32, #tpu.memory_space<vmem>>, vector<16xf32>,
        %get3A_500 = arith.index_cast %add3A_81 : i32 to index
        %get3A_501 = arith.constant 544 : index
        %get3A_502 = tpu.vector_load %arg13[%get3A_500, %get3A_501] {strides = array<i32>} : memref<16x1024xf32, #tpu.memory_space<vmem>>, vector<16xf32>,
        %mul3A_503 = arith.mulf %get3A_86, %get3A_502 : vector<16xf32>
        %get3A_504 = arith.index_cast %add3A_81 : i32 to index
        %get3A_505 = arith.constant 544 : index
        %get3A_506 = tpu.vector_load %arg14[%get3A_504, %get3A_505] {strides = array<i32>} : memref<16x1024xf32, #tpu.memory_space<vmem>>, vector<16xf32>,
        %mul3A_507 = arith.mulf %get3A_92, %get3A_506 : vector<16xf32>
        %add3A_508 = arith.addf %mul3A_503, %mul3A_507 : vector<16xf32>
        %swap3A_509 = arith.index_cast %add3A_81 : i32 to index
        %swap3A_510 = arith.constant 544 : index
        %swap3A_511 = tpu.vector_load %arg15[%swap3A_509, %swap3A_510] {strides = array<i32>} : memref<16x1024xf32, #tpu.memory_space<vmem>>, vector<16xf32>,
        tpu.vector_store %arg15[%swap3A_509, %swap3A_510], %add3A_508 {strides = array<i32>} : memref<16x1024xf32, #tpu.memory_space<vmem>>, vector<16xf32>,
        %get3A_512 = arith.index_cast %add3A_81 : i32 to index
        %get3A_513 = arith.constant 560 : index
        %get3A_514 = tpu.vector_load %arg13[%get3A_512, %get3A_513] {strides = array<i32>} : memref<16x1024xf32, #tpu.memory_space<vmem>>, vector<16xf32>,
        %mul3A_515 = arith.mulf %get3A_86, %get3A_514 : vector<16xf32>
        %get3A_516 = arith.index_cast %add3A_81 : i32 to index
        %get3A_517 = arith.constant 560 : index
        %get3A_518 = tpu.vector_load %arg14[%get3A_516, %get3A_517] {strides = array<i32>} : memref<16x1024xf32, #tpu.memory_space<vmem>>, vector<16xf32>,
        %mul3A_519 = arith.mulf %get3A_92, %get3A_518 : vector<16xf32>
        %add3A_520 = arith.addf %mul3A_515, %mul3A_519 : vector<16xf32>
        %swap3A_521 = arith.index_cast %add3A_81 : i32 to index
        %swap3A_522 = arith.constant 560 : index
        %swap3A_523 = tpu.vector_load %arg15[%swap3A_521, %swap3A_522] {strides = array<i32>} : memref<16x1024xf32, #tpu.memory_space<vmem>>, vector<16xf32>,
        tpu.vector_store %arg15[%swap3A_521, %swap3A_522], %add3A_520 {strides = array<i32>} : memref<16x1024xf32, #tpu.memory_space<vmem>>, vector<16xf32>,
        %get3A_524 = arith.index_cast %add3A_81 : i32 to index
        %get3A_525 = arith.constant 576 : index
        %get3A_526 = tpu.vector_load %arg13[%get3A_524, %get3A_525] {strides = array<i32>} : memref<16x1024xf32, #tpu.memory_space<vmem>>, vector<16xf32>,
        %mul3A_527 = arith.mulf %get3A_86, %get3A_526 : vector<16xf32>
        %get3A_528 = arith.index_cast %add3A_81 : i32 to index
        %get3A_529 = arith.constant 576 : index
        %get3A_530 = tpu.vector_load %arg14[%get3A_528, %get3A_529] {strides = array<i32>} : memref<16x1024xf32, #tpu.memory_space<vmem>>, vector<16xf32>,
        %mul3A_531 = arith.mulf %get3A_92, %get3A_530 : vector<16xf32>
        %add3A_532 = arith.addf %mul3A_527, %mul3A_531 : vector<16xf32>
        %swap3A_533 = arith.index_cast %add3A_81 : i32 to index
        %swap3A_534 = arith.constant 576 : index
        %swap3A_535 = tpu.vector_load %arg15[%swap3A_533, %swap3A_534] {strides = array<i32>} : memref<16x1024xf32, #tpu.memory_space<vmem>>, vector<16xf32>,
        tpu.vector_store %arg15[%swap3A_533, %swap3A_534], %add3A_532 {strides = array<i32>} : memref<16x1024xf32, #tpu.memory_space<vmem>>, vector<16xf32>,
        %get3A_536 = arith.index_cast %add3A_81 : i32 to index
        %get3A_537 = arith.constant 592 : index
        %get3A_538 = tpu.vector_load %arg13[%get3A_536, %get3A_537] {strides = array<i32>} : memref<16x1024xf32, #tpu.memory_space<vmem>>, vector<16xf32>,
        %mul3A_539 = arith.mulf %get3A_86, %get3A_538 : vector<16xf32>
        %get3A_540 = arith.index_cast %add3A_81 : i32 to index
        %get3A_541 = arith.constant 592 : index
        %get3A_542 = tpu.vector_load %arg14[%get3A_540, %get3A_541] {strides = array<i32>} : memref<16x1024xf32, #tpu.memory_space<vmem>>, vector<16xf32>,
        %mul3A_543 = arith.mulf %get3A_92, %get3A_542 : vector<16xf32>
        %add3A_544 = arith.addf %mul3A_539, %mul3A_543 : vector<16xf32>
        %swap3A_545 = arith.index_cast %add3A_81 : i32 to index
        %swap3A_546 = arith.constant 592 : index
        %swap3A_547 = tpu.vector_load %arg15[%swap3A_545, %swap3A_546] {strides = array<i32>} : memref<16x1024xf32, #tpu.memory_space<vmem>>, vector<16xf32>,
        tpu.vector_store %arg15[%swap3A_545, %swap3A_546], %add3A_544 {strides = array<i32>} : memref<16x1024xf32, #tpu.memory_space<vmem>>, vector<16xf32>,
        %get3A_548 = arith.index_cast %add3A_81 : i32 to index
        %get3A_549 = arith.constant 608 : index
        %get3A_550 = tpu.vector_load %arg13[%get3A_548, %get3A_549] {strides = array<i32>} : memref<16x1024xf32, #tpu.memory_space<vmem>>, vector<16xf32>,
        %mul3A_551 = arith.mulf %get3A_86, %get3A_550 : vector<16xf32>
        %get3A_552 = arith.index_cast %add3A_81 : i32 to index
        %get3A_553 = arith.constant 608 : index
        %get3A_554 = tpu.vector_load %arg14[%get3A_552, %get3A_553] {strides = array<i32>} : memref<16x1024xf32, #tpu.memory_space<vmem>>, vector<16xf32>,
        %mul3A_555 = arith.mulf %get3A_92, %get3A_554 : vector<16xf32>
        %add3A_556 = arith.addf %mul3A_551, %mul3A_555 : vector<16xf32>
        %swap3A_557 = arith.index_cast %add3A_81 : i32 to index
        %swap3A_558 = arith.constant 608 : index
        %swap3A_559 = tpu.vector_load %arg15[%swap3A_557, %swap3A_558] {strides = array<i32>} : memref<16x1024xf32, #tpu.memory_space<vmem>>, vector<16xf32>,
        tpu.vector_store %arg15[%swap3A_557, %swap3A_558], %add3A_556 {strides = array<i32>} : memref<16x1024xf32, #tpu.memory_space<vmem>>, vector<16xf32>,
        %get3A_560 = arith.index_cast %add3A_81 : i32 to index
        %get3A_561 = arith.constant 624 : index
        %get3A_562 = tpu.vector_load %arg13[%get3A_560, %get3A_561] {strides = array<i32>} : memref<16x1024xf32, #tpu.memory_space<vmem>>, vector<16xf32>,
        %mul3A_563 = arith.mulf %get3A_86, %get3A_562 : vector<16xf32>
        %get3A_564 = arith.index_cast %add3A_81 : i32 to index
        %get3A_565 = arith.constant 624 : index
        %get3A_566 = tpu.vector_load %arg14[%get3A_564, %get3A_565] {strides = array<i32>} : memref<16x1024xf32, #tpu.memory_space<vmem>>, vector<16xf32>,
        %mul3A_567 = arith.mulf %get3A_92, %get3A_566 : vector<16xf32>
        %add3A_568 = arith.addf %mul3A_563, %mul3A_567 : vector<16xf32>
        %swap3A_569 = arith.index_cast %add3A_81 : i32 to index
        %swap3A_570 = arith.constant 624 : index
        %swap3A_571 = tpu.vector_load %arg15[%swap3A_569, %swap3A_570] {strides = array<i32>} : memref<16x1024xf32, #tpu.memory_space<vmem>>, vector<16xf32>,
        tpu.vector_store %arg15[%swap3A_569, %swap3A_570], %add3A_568 {strides = array<i32>} : memref<16x1024xf32, #tpu.memory_space<vmem>>, vector<16xf32>,
        %get3A_572 = arith.index_cast %add3A_81 : i32 to index
        %get3A_573 = arith.constant 640 : index
        %get3A_574 = tpu.vector_load %arg13[%get3A_572, %get3A_573] {strides = array<i32>} : memref<16x1024xf32, #tpu.memory_space<vmem>>, vector<16xf32>,
        %mul3A_575 = arith.mulf %get3A_86, %get3A_574 : vector<16xf32>
        %get3A_576 = arith.index_cast %add3A_81 : i32 to index
        %get3A_577 = arith.constant 640 : index
        %get3A_578 = tpu.vector_load %arg14[%get3A_576, %get3A_577] {strides = array<i32>} : memref<16x1024xf32, #tpu.memory_space<vmem>>, vector<16xf32>,
        %mul3A_579 = arith.mulf %get3A_92, %get3A_578 : vector<16xf32>
        %add3A_580 = arith.addf %mul3A_575, %mul3A_579 : vector<16xf32>
        %swap3A_581 = arith.index_cast %add3A_81 : i32 to index
        %swap3A_582 = arith.constant 640 : index
        %swap3A_583 = tpu.vector_load %arg15[%swap3A_581, %swap3A_582] {strides = array<i32>} : memref<16x1024xf32, #tpu.memory_space<vmem>>, vector<16xf32>,
        tpu.vector_store %arg15[%swap3A_581, %swap3A_582], %add3A_580 {strides = array<i32>} : memref<16x1024xf32, #tpu.memory_space<vmem>>, vector<16xf32>,
        %get3A_584 = arith.index_cast %add3A_81 : i32 to index
        %get3A_585 = arith.constant 656 : index
        %get3A_586 = tpu.vector_load %arg13[%get3A_584, %get3A_585] {strides = array<i32>} : memref<16x1024xf32, #tpu.memory_space<vmem>>, vector<16xf32>,
        %mul3A_587 = arith.mulf %get3A_86, %get3A_586 : vector<16xf32>
        %get3A_588 = arith.index_cast %add3A_81 : i32 to index
        %get3A_589 = arith.constant 656 : index
        %get3A_590 = tpu.vector_load %arg14[%get3A_588, %get3A_589] {strides = array<i32>} : memref<16x1024xf32, #tpu.memory_space<vmem>>, vector<16xf32>,
        %mul3A_591 = arith.mulf %get3A_92, %get3A_590 : vector<16xf32>
        %add3A_592 = arith.addf %mul3A_587, %mul3A_591 : vector<16xf32>
        %swap3A_593 = arith.index_cast %add3A_81 : i32 to index
        %swap3A_594 = arith.constant 656 : index
        %swap3A_595 = tpu.vector_load %arg15[%swap3A_593, %swap3A_594] {strides = array<i32>} : memref<16x1024xf32, #tpu.memory_space<vmem>>, vector<16xf32>,
        tpu.vector_store %arg15[%swap3A_593, %swap3A_594], %add3A_592 {strides = array<i32>} : memref<16x1024xf32, #tpu.memory_space<vmem>>, vector<16xf32>,
        %get3A_596 = arith.index_cast %add3A_81 : i32 to index
        %get3A_597 = arith.constant 672 : index
        %get3A_598 = tpu.vector_load %arg13[%get3A_596, %get3A_597] {strides = array<i32>} : memref<16x1024xf32, #tpu.memory_space<vmem>>, vector<16xf32>,
        %mul3A_599 = arith.mulf %get3A_86, %get3A_598 : vector<16xf32>
        %get3A_600 = arith.index_cast %add3A_81 : i32 to index
        %get3A_601 = arith.constant 672 : index
        %get3A_602 = tpu.vector_load %arg14[%get3A_600, %get3A_601] {strides = array<i32>} : memref<16x1024xf32, #tpu.memory_space<vmem>>, vector<16xf32>,
        %mul3A_603 = arith.mulf %get3A_92, %get3A_602 : vector<16xf32>
        %add3A_604 = arith.addf %mul3A_599, %mul3A_603 : vector<16xf32>
        %swap3A_605 = arith.index_cast %add3A_81 : i32 to index
        %swap3A_606 = arith.constant 672 : index
        %swap3A_607 = tpu.vector_load %arg15[%swap3A_605, %swap3A_606] {strides = array<i32>} : memref<16x1024xf32, #tpu.memory_space<vmem>>, vector<16xf32>,
        tpu.vector_store %arg15[%swap3A_605, %swap3A_606], %add3A_604 {strides = array<i32>} : memref<16x1024xf32, #tpu.memory_space<vmem>>, vector<16xf32>,
        %get3A_608 = arith.index_cast %add3A_81 : i32 to index
        %get3A_609 = arith.constant 688 : index
        %get3A_610 = tpu.vector_load %arg13[%get3A_608, %get3A_609] {strides = array<i32>} : memref<16x1024xf32, #tpu.memory_space<vmem>>, vector<16xf32>,
        %mul3A_611 = arith.mulf %get3A_86, %get3A_610 : vector<16xf32>
        %get3A_612 = arith.index_cast %add3A_81 : i32 to index
        %get3A_613 = arith.constant 688 : index
        %get3A_614 = tpu.vector_load %arg14[%get3A_612, %get3A_613] {strides = array<i32>} : memref<16x1024xf32, #tpu.memory_space<vmem>>, vector<16xf32>,
        %mul3A_615 = arith.mulf %get3A_92, %get3A_614 : vector<16xf32>
        %add3A_616 = arith.addf %mul3A_611, %mul3A_615 : vector<16xf32>
        %swap3A_617 = arith.index_cast %add3A_81 : i32 to index
        %swap3A_618 = arith.constant 688 : index
        %swap3A_619 = tpu.vector_load %arg15[%swap3A_617, %swap3A_618] {strides = array<i32>} : memref<16x1024xf32, #tpu.memory_space<vmem>>, vector<16xf32>,
        tpu.vector_store %arg15[%swap3A_617, %swap3A_618], %add3A_616 {strides = array<i32>} : memref<16x1024xf32, #tpu.memory_space<vmem>>, vector<16xf32>,
        %get3A_620 = arith.index_cast %add3A_81 : i32 to index
        %get3A_621 = arith.constant 704 : index
        %get3A_622 = tpu.vector_load %arg13[%get3A_620, %get3A_621] {strides = array<i32>} : memref<16x1024xf32, #tpu.memory_space<vmem>>, vector<16xf32>,
        %mul3A_623 = arith.mulf %get3A_86, %get3A_622 : vector<16xf32>
        %get3A_624 = arith.index_cast %add3A_81 : i32 to index
        %get3A_625 = arith.constant 704 : index
        %get3A_626 = tpu.vector_load %arg14[%get3A_624, %get3A_625] {strides = array<i32>} : memref<16x1024xf32, #tpu.memory_space<vmem>>, vector<16xf32>,
        %mul3A_627 = arith.mulf %get3A_92, %get3A_626 : vector<16xf32>
        %add3A_628 = arith.addf %mul3A_623, %mul3A_627 : vector<16xf32>
        %swap3A_629 = arith.index_cast %add3A_81 : i32 to index
        %swap3A_630 = arith.constant 704 : index
        %swap3A_631 = tpu.vector_load %arg15[%swap3A_629, %swap3A_630] {strides = array<i32>} : memref<16x1024xf32, #tpu.memory_space<vmem>>, vector<16xf32>,
        tpu.vector_store %arg15[%swap3A_629, %swap3A_630], %add3A_628 {strides = array<i32>} : memref<16x1024xf32, #tpu.memory_space<vmem>>, vector<16xf32>,
        %get3A_632 = arith.index_cast %add3A_81 : i32 to index
        %get3A_633 = arith.constant 720 : index
        %get3A_634 = tpu.vector_load %arg13[%get3A_632, %get3A_633] {strides = array<i32>} : memref<16x1024xf32, #tpu.memory_space<vmem>>, vector<16xf32>,
        %mul3A_635 = arith.mulf %get3A_86, %get3A_634 : vector<16xf32>
        %get3A_636 = arith.index_cast %add3A_81 : i32 to index
        %get3A_637 = arith.constant 720 : index
        %get3A_638 = tpu.vector_load %arg14[%get3A_636, %get3A_637] {strides = array<i32>} : memref<16x1024xf32, #tpu.memory_space<vmem>>, vector<16xf32>,
        %mul3A_639 = arith.mulf %get3A_92, %get3A_638 : vector<16xf32>
        %add3A_640 = arith.addf %mul3A_635, %mul3A_639 : vector<16xf32>
        %swap3A_641 = arith.index_cast %add3A_81 : i32 to index
        %swap3A_642 = arith.constant 720 : index
        %swap3A_643 = tpu.vector_load %arg15[%swap3A_641, %swap3A_642] {strides = array<i32>} : memref<16x1024xf32, #tpu.memory_space<vmem>>, vector<16xf32>,
        tpu.vector_store %arg15[%swap3A_641, %swap3A_642], %add3A_640 {strides = array<i32>} : memref<16x1024xf32, #tpu.memory_space<vmem>>, vector<16xf32>,
        %get3A_644 = arith.index_cast %add3A_81 : i32 to index
        %get3A_645 = arith.constant 736 : index
        %get3A_646 = tpu.vector_load %arg13[%get3A_644, %get3A_645] {strides = array<i32>} : memref<16x1024xf32, #tpu.memory_space<vmem>>, vector<16xf32>,
        %mul3A_647 = arith.mulf %get3A_86, %get3A_646 : vector<16xf32>
        %get3A_648 = arith.index_cast %add3A_81 : i32 to index
        %get3A_649 = arith.constant 736 : index
        %get3A_650 = tpu.vector_load %arg14[%get3A_648, %get3A_649] {strides = array<i32>} : memref<16x1024xf32, #tpu.memory_space<vmem>>, vector<16xf32>,
        %mul3A_651 = arith.mulf %get3A_92, %get3A_650 : vector<16xf32>
        %add3A_652 = arith.addf %mul3A_647, %mul3A_651 : vector<16xf32>
        %swap3A_653 = arith.index_cast %add3A_81 : i32 to index
        %swap3A_654 = arith.constant 736 : index
        %swap3A_655 = tpu.vector_load %arg15[%swap3A_653, %swap3A_654] {strides = array<i32>} : memref<16x1024xf32, #tpu.memory_space<vmem>>, vector<16xf32>,
        tpu.vector_store %arg15[%swap3A_653, %swap3A_654], %add3A_652 {strides = array<i32>} : memref<16x1024xf32, #tpu.memory_space<vmem>>, vector<16xf32>,
        %get3A_656 = arith.index_cast %add3A_81 : i32 to index
        %get3A_657 = arith.constant 752 : index
        %get3A_658 = tpu.vector_load %arg13[%get3A_656, %get3A_657] {strides = array<i32>} : memref<16x1024xf32, #tpu.memory_space<vmem>>, vector<16xf32>,
        %mul3A_659 = arith.mulf %get3A_86, %get3A_658 : vector<16xf32>
        %get3A_660 = arith.index_cast %add3A_81 : i32 to index
        %get3A_661 = arith.constant 752 : index
        %get3A_662 = tpu.vector_load %arg14[%get3A_660, %get3A_661] {strides = array<i32>} : memref<16x1024xf32, #tpu.memory_space<vmem>>, vector<16xf32>,
        %mul3A_663 = arith.mulf %get3A_92, %get3A_662 : vector<16xf32>
        %add3A_664 = arith.addf %mul3A_659, %mul3A_663 : vector<16xf32>
        %swap3A_665 = arith.index_cast %add3A_81 : i32 to index
        %swap3A_666 = arith.constant 752 : index
        %swap3A_667 = tpu.vector_load %arg15[%swap3A_665, %swap3A_666] {strides = array<i32>} : memref<16x1024xf32, #tpu.memory_space<vmem>>, vector<16xf32>,
        tpu.vector_store %arg15[%swap3A_665, %swap3A_666], %add3A_664 {strides = array<i32>} : memref<16x1024xf32, #tpu.memory_space<vmem>>, vector<16xf32>,
        %get3A_668 = arith.index_cast %add3A_81 : i32 to index
        %get3A_669 = arith.constant 768 : index
        %get3A_670 = tpu.vector_load %arg13[%get3A_668, %get3A_669] {strides = array<i32>} : memref<16x1024xf32, #tpu.memory_space<vmem>>, vector<16xf32>,
        %mul3A_671 = arith.mulf %get3A_86, %get3A_670 : vector<16xf32>
        %get3A_672 = arith.index_cast %add3A_81 : i32 to index
        %get3A_673 = arith.constant 768 : index
        %get3A_674 = tpu.vector_load %arg14[%get3A_672, %get3A_673] {strides = array<i32>} : memref<16x1024xf32, #tpu.memory_space<vmem>>, vector<16xf32>,
        %mul3A_675 = arith.mulf %get3A_92, %get3A_674 : vector<16xf32>
        %add3A_676 = arith.addf %mul3A_671, %mul3A_675 : vector<16xf32>
        %swap3A_677 = arith.index_cast %add3A_81 : i32 to index
        %swap3A_678 = arith.constant 768 : index
        %swap3A_679 = tpu.vector_load %arg15[%swap3A_677, %swap3A_678] {strides = array<i32>} : memref<16x1024xf32, #tpu.memory_space<vmem>>, vector<16xf32>,
        tpu.vector_store %arg15[%swap3A_677, %swap3A_678], %add3A_676 {strides = array<i32>} : memref<16x1024xf32, #tpu.memory_space<vmem>>, vector<16xf32>,
        %get3A_680 = arith.index_cast %add3A_81 : i32 to index
        %get3A_681 = arith.constant 784 : index
        %get3A_682 = tpu.vector_load %arg13[%get3A_680, %get3A_681] {strides = array<i32>} : memref<16x1024xf32, #tpu.memory_space<vmem>>, vector<16xf32>,
        %mul3A_683 = arith.mulf %get3A_86, %get3A_682 : vector<16xf32>
        %get3A_684 = arith.index_cast %add3A_81 : i32 to index
        %get3A_685 = arith.constant 784 : index
        %get3A_686 = tpu.vector_load %arg14[%get3A_684, %get3A_685] {strides = array<i32>} : memref<16x1024xf32, #tpu.memory_space<vmem>>, vector<16xf32>,
        %mul3A_687 = arith.mulf %get3A_92, %get3A_686 : vector<16xf32>
        %add3A_688 = arith.addf %mul3A_683, %mul3A_687 : vector<16xf32>
        %swap3A_689 = arith.index_cast %add3A_81 : i32 to index
        %swap3A_690 = arith.constant 784 : index
        %swap3A_691 = tpu.vector_load %arg15[%swap3A_689, %swap3A_690] {strides = array<i32>} : memref<16x1024xf32, #tpu.memory_space<vmem>>, vector<16xf32>,
        tpu.vector_store %arg15[%swap3A_689, %swap3A_690], %add3A_688 {strides = array<i32>} : memref<16x1024xf32, #tpu.memory_space<vmem>>, vector<16xf32>,
        %get3A_692 = arith.index_cast %add3A_81 : i32 to index
        %get3A_693 = arith.constant 800 : index
        %get3A_694 = tpu.vector_load %arg13[%get3A_692, %get3A_693] {strides = array<i32>} : memref<16x1024xf32, #tpu.memory_space<vmem>>, vector<16xf32>,
        %mul3A_695 = arith.mulf %get3A_86, %get3A_694 : vector<16xf32>
        %get3A_696 = arith.index_cast %add3A_81 : i32 to index
        %get3A_697 = arith.constant 800 : index
        %get3A_698 = tpu.vector_load %arg14[%get3A_696, %get3A_697] {strides = array<i32>} : memref<16x1024xf32, #tpu.memory_space<vmem>>, vector<16xf32>,
        %mul3A_699 = arith.mulf %get3A_92, %get3A_698 : vector<16xf32>
        %add3A_700 = arith.addf %mul3A_695, %mul3A_699 : vector<16xf32>
        %swap3A_701 = arith.index_cast %add3A_81 : i32 to index
        %swap3A_702 = arith.constant 800 : index
        %swap3A_703 = tpu.vector_load %arg15[%swap3A_701, %swap3A_702] {strides = array<i32>} : memref<16x1024xf32, #tpu.memory_space<vmem>>, vector<16xf32>,
        tpu.vector_store %arg15[%swap3A_701, %swap3A_702], %add3A_700 {strides = array<i32>} : memref<16x1024xf32, #tpu.memory_space<vmem>>, vector<16xf32>,
        %get3A_704 = arith.index_cast %add3A_81 : i32 to index
        %get3A_705 = arith.constant 816 : index
        %get3A_706 = tpu.vector_load %arg13[%get3A_704, %get3A_705] {strides = array<i32>} : memref<16x1024xf32, #tpu.memory_space<vmem>>, vector<16xf32>,
        %mul3A_707 = arith.mulf %get3A_86, %get3A_706 : vector<16xf32>
        %get3A_708 = arith.index_cast %add3A_81 : i32 to index
        %get3A_709 = arith.constant 816 : index
        %get3A_710 = tpu.vector_load %arg14[%get3A_708, %get3A_709] {strides = array<i32>} : memref<16x1024xf32, #tpu.memory_space<vmem>>, vector<16xf32>,
        %mul3A_711 = arith.mulf %get3A_92, %get3A_710 : vector<16xf32>
        %add3A_712 = arith.addf %mul3A_707, %mul3A_711 : vector<16xf32>
        %swap3A_713 = arith.index_cast %add3A_81 : i32 to index
        %swap3A_714 = arith.constant 816 : index
        %swap3A_715 = tpu.vector_load %arg15[%swap3A_713, %swap3A_714] {strides = array<i32>} : memref<16x1024xf32, #tpu.memory_space<vmem>>, vector<16xf32>,
        tpu.vector_store %arg15[%swap3A_713, %swap3A_714], %add3A_712 {strides = array<i32>} : memref<16x1024xf32, #tpu.memory_space<vmem>>, vector<16xf32>,
        %get3A_716 = arith.index_cast %add3A_81 : i32 to index
        %get3A_717 = arith.constant 832 : index
        %get3A_718 = tpu.vector_load %arg13[%get3A_716, %get3A_717] {strides = array<i32>} : memref<16x1024xf32, #tpu.memory_space<vmem>>, vector<16xf32>,
        %mul3A_719 = arith.mulf %get3A_86, %get3A_718 : vector<16xf32>
        %get3A_720 = arith.index_cast %add3A_81 : i32 to index
        %get3A_721 = arith.constant 832 : index
        %get3A_722 = tpu.vector_load %arg14[%get3A_720, %get3A_721] {strides = array<i32>} : memref<16x1024xf32, #tpu.memory_space<vmem>>, vector<16xf32>,
        %mul3A_723 = arith.mulf %get3A_92, %get3A_722 : vector<16xf32>
        %add3A_724 = arith.addf %mul3A_719, %mul3A_723 : vector<16xf32>
        %swap3A_725 = arith.index_cast %add3A_81 : i32 to index
        %swap3A_726 = arith.constant 832 : index
        %swap3A_727 = tpu.vector_load %arg15[%swap3A_725, %swap3A_726] {strides = array<i32>} : memref<16x1024xf32, #tpu.memory_space<vmem>>, vector<16xf32>,
        tpu.vector_store %arg15[%swap3A_725, %swap3A_726], %add3A_724 {strides = array<i32>} : memref<16x1024xf32, #tpu.memory_space<vmem>>, vector<16xf32>,
        %get3A_728 = arith.index_cast %add3A_81 : i32 to index
        %get3A_729 = arith.constant 848 : index
        %get3A_730 = tpu.vector_load %arg13[%get3A_728, %get3A_729] {strides = array<i32>} : memref<16x1024xf32, #tpu.memory_space<vmem>>, vector<16xf32>,
        %mul3A_731 = arith.mulf %get3A_86, %get3A_730 : vector<16xf32>
        %get3A_732 = arith.index_cast %add3A_81 : i32 to index
        %get3A_733 = arith.constant 848 : index
        %get3A_734 = tpu.vector_load %arg14[%get3A_732, %get3A_733] {strides = array<i32>} : memref<16x1024xf32, #tpu.memory_space<vmem>>, vector<16xf32>,
        %mul3A_735 = arith.mulf %get3A_92, %get3A_734 : vector<16xf32>
        %add3A_736 = arith.addf %mul3A_731, %mul3A_735 : vector<16xf32>
        %swap3A_737 = arith.index_cast %add3A_81 : i32 to index
        %swap3A_738 = arith.constant 848 : index
        %swap3A_739 = tpu.vector_load %arg15[%swap3A_737, %swap3A_738] {strides = array<i32>} : memref<16x1024xf32, #tpu.memory_space<vmem>>, vector<16xf32>,
        tpu.vector_store %arg15[%swap3A_737, %swap3A_738], %add3A_736 {strides = array<i32>} : memref<16x1024xf32, #tpu.memory_space<vmem>>, vector<16xf32>,
        %get3A_740 = arith.index_cast %add3A_81 : i32 to index
        %get3A_741 = arith.constant 864 : index
        %get3A_742 = tpu.vector_load %arg13[%get3A_740, %get3A_741] {strides = array<i32>} : memref<16x1024xf32, #tpu.memory_space<vmem>>, vector<16xf32>,
        %mul3A_743 = arith.mulf %get3A_86, %get3A_742 : vector<16xf32>
        %get3A_744 = arith.index_cast %add3A_81 : i32 to index
        %get3A_745 = arith.constant 864 : index
        %get3A_746 = tpu.vector_load %arg14[%get3A_744, %get3A_745] {strides = array<i32>} : memref<16x1024xf32, #tpu.memory_space<vmem>>, vector<16xf32>,
        %mul3A_747 = arith.mulf %get3A_92, %get3A_746 : vector<16xf32>
        %add3A_748 = arith.addf %mul3A_743, %mul3A_747 : vector<16xf32>
        %swap3A_749 = arith.index_cast %add3A_81 : i32 to index
        %swap3A_750 = arith.constant 864 : index
        %swap3A_751 = tpu.vector_load %arg15[%swap3A_749, %swap3A_750] {strides = array<i32>} : memref<16x1024xf32, #tpu.memory_space<vmem>>, vector<16xf32>,
        tpu.vector_store %arg15[%swap3A_749, %swap3A_750], %add3A_748 {strides = array<i32>} : memref<16x1024xf32, #tpu.memory_space<vmem>>, vector<16xf32>,
        %get3A_752 = arith.index_cast %add3A_81 : i32 to index
        %get3A_753 = arith.constant 880 : index
        %get3A_754 = tpu.vector_load %arg13[%get3A_752, %get3A_753] {strides = array<i32>} : memref<16x1024xf32, #tpu.memory_space<vmem>>, vector<16xf32>,
        %mul3A_755 = arith.mulf %get3A_86, %get3A_754 : vector<16xf32>
        %get3A_756 = arith.index_cast %add3A_81 : i32 to index
        %get3A_757 = arith.constant 880 : index
        %get3A_758 = tpu.vector_load %arg14[%get3A_756, %get3A_757] {strides = array<i32>} : memref<16x1024xf32, #tpu.memory_space<vmem>>, vector<16xf32>,
        %mul3A_759 = arith.mulf %get3A_92, %get3A_758 : vector<16xf32>
        %add3A_760 = arith.addf %mul3A_755, %mul3A_759 : vector<16xf32>
        %swap3A_761 = arith.index_cast %add3A_81 : i32 to index
        %swap3A_762 = arith.constant 880 : index
        %swap3A_763 = tpu.vector_load %arg15[%swap3A_761, %swap3A_762] {strides = array<i32>} : memref<16x1024xf32, #tpu.memory_space<vmem>>, vector<16xf32>,
        tpu.vector_store %arg15[%swap3A_761, %swap3A_762], %add3A_760 {strides = array<i32>} : memref<16x1024xf32, #tpu.memory_space<vmem>>, vector<16xf32>,
        %get3A_764 = arith.index_cast %add3A_81 : i32 to index
        %get3A_765 = arith.constant 896 : index
        %get3A_766 = tpu.vector_load %arg13[%get3A_764, %get3A_765] {strides = array<i32>} : memref<16x1024xf32, #tpu.memory_space<vmem>>, vector<16xf32>,
        %mul3A_767 = arith.mulf %get3A_86, %get3A_766 : vector<16xf32>
        %get3A_768 = arith.index_cast %add3A_81 : i32 to index
        %get3A_769 = arith.constant 896 : index
        %get3A_770 = tpu.vector_load %arg14[%get3A_768, %get3A_769] {strides = array<i32>} : memref<16x1024xf32, #tpu.memory_space<vmem>>, vector<16xf32>,
        %mul3A_771 = arith.mulf %get3A_92, %get3A_770 : vector<16xf32>
        %add3A_772 = arith.addf %mul3A_767, %mul3A_771 : vector<16xf32>
        %swap3A_773 = arith.index_cast %add3A_81 : i32 to index
        %swap3A_774 = arith.constant 896 : index
        %swap3A_775 = tpu.vector_load %arg15[%swap3A_773, %swap3A_774] {strides = array<i32>} : memref<16x1024xf32, #tpu.memory_space<vmem>>, vector<16xf32>,
        tpu.vector_store %arg15[%swap3A_773, %swap3A_774], %add3A_772 {strides = array<i32>} : memref<16x1024xf32, #tpu.memory_space<vmem>>, vector<16xf32>,
        %get3A_776 = arith.index_cast %add3A_81 : i32 to index
        %get3A_777 = arith.constant 912 : index
        %get3A_778 = tpu.vector_load %arg13[%get3A_776, %get3A_777] {strides = array<i32>} : memref<16x1024xf32, #tpu.memory_space<vmem>>, vector<16xf32>,
        %mul3A_779 = arith.mulf %get3A_86, %get3A_778 : vector<16xf32>
        %get3A_780 = arith.index_cast %add3A_81 : i32 to index
        %get3A_781 = arith.constant 912 : index
        %get3A_782 = tpu.vector_load %arg14[%get3A_780, %get3A_781] {strides = array<i32>} : memref<16x1024xf32, #tpu.memory_space<vmem>>, vector<16xf32>,
        %mul3A_783 = arith.mulf %get3A_92, %get3A_782 : vector<16xf32>
        %add3A_784 = arith.addf %mul3A_779, %mul3A_783 : vector<16xf32>
        %swap3A_785 = arith.index_cast %add3A_81 : i32 to index
        %swap3A_786 = arith.constant 912 : index
        %swap3A_787 = tpu.vector_load %arg15[%swap3A_785, %swap3A_786] {strides = array<i32>} : memref<16x1024xf32, #tpu.memory_space<vmem>>, vector<16xf32>,
        tpu.vector_store %arg15[%swap3A_785, %swap3A_786], %add3A_784 {strides = array<i32>} : memref<16x1024xf32, #tpu.memory_space<vmem>>, vector<16xf32>,
        %get3A_788 = arith.index_cast %add3A_81 : i32 to index
        %get3A_789 = arith.constant 928 : index
        %get3A_790 = tpu.vector_load %arg13[%get3A_788, %get3A_789] {strides = array<i32>} : memref<16x1024xf32, #tpu.memory_space<vmem>>, vector<16xf32>,
        %mul3A_791 = arith.mulf %get3A_86, %get3A_790 : vector<16xf32>
        %get3A_792 = arith.index_cast %add3A_81 : i32 to index
        %get3A_793 = arith.constant 928 : index
        %get3A_794 = tpu.vector_load %arg14[%get3A_792, %get3A_793] {strides = array<i32>} : memref<16x1024xf32, #tpu.memory_space<vmem>>, vector<16xf32>,
        %mul3A_795 = arith.mulf %get3A_92, %get3A_794 : vector<16xf32>
        %add3A_796 = arith.addf %mul3A_791, %mul3A_795 : vector<16xf32>
        %swap3A_797 = arith.index_cast %add3A_81 : i32 to index
        %swap3A_798 = arith.constant 928 : index
        %swap3A_799 = tpu.vector_load %arg15[%swap3A_797, %swap3A_798] {strides = array<i32>} : memref<16x1024xf32, #tpu.memory_space<vmem>>, vector<16xf32>,
        tpu.vector_store %arg15[%swap3A_797, %swap3A_798], %add3A_796 {strides = array<i32>} : memref<16x1024xf32, #tpu.memory_space<vmem>>, vector<16xf32>,
        %get3A_800 = arith.index_cast %add3A_81 : i32 to index
        %get3A_801 = arith.constant 944 : index
        %get3A_802 = tpu.vector_load %arg13[%get3A_800, %get3A_801] {strides = array<i32>} : memref<16x1024xf32, #tpu.memory_space<vmem>>, vector<16xf32>,
        %mul3A_803 = arith.mulf %get3A_86, %get3A_802 : vector<16xf32>
        %get3A_804 = arith.index_cast %add3A_81 : i32 to index
        %get3A_805 = arith.constant 944 : index
        %get3A_806 = tpu.vector_load %arg14[%get3A_804, %get3A_805] {strides = array<i32>} : memref<16x1024xf32, #tpu.memory_space<vmem>>, vector<16xf32>,
        %mul3A_807 = arith.mulf %get3A_92, %get3A_806 : vector<16xf32>
        %add3A_808 = arith.addf %mul3A_803, %mul3A_807 : vector<16xf32>
        %swap3A_809 = arith.index_cast %add3A_81 : i32 to index
        %swap3A_810 = arith.constant 944 : index
        %swap3A_811 = tpu.vector_load %arg15[%swap3A_809, %swap3A_810] {strides = array<i32>} : memref<16x1024xf32, #tpu.memory_space<vmem>>, vector<16xf32>,
        tpu.vector_store %arg15[%swap3A_809, %swap3A_810], %add3A_808 {strides = array<i32>} : memref<16x1024xf32, #tpu.memory_space<vmem>>, vector<16xf32>,
        %get3A_812 = arith.index_cast %add3A_81 : i32 to index
        %get3A_813 = arith.constant 960 : index
        %get3A_814 = tpu.vector_load %arg13[%get3A_812, %get3A_813] {strides = array<i32>} : memref<16x1024xf32, #tpu.memory_space<vmem>>, vector<16xf32>,
        %mul3A_815 = arith.mulf %get3A_86, %get3A_814 : vector<16xf32>
        %get3A_816 = arith.index_cast %add3A_81 : i32 to index
        %get3A_817 = arith.constant 960 : index
        %get3A_818 = tpu.vector_load %arg14[%get3A_816, %get3A_817] {strides = array<i32>} : memref<16x1024xf32, #tpu.memory_space<vmem>>, vector<16xf32>,
        %mul3A_819 = arith.mulf %get3A_92, %get3A_818 : vector<16xf32>
        %add3A_820 = arith.addf %mul3A_815, %mul3A_819 : vector<16xf32>
        %swap3A_821 = arith.index_cast %add3A_81 : i32 to index
        %swap3A_822 = arith.constant 960 : index
        %swap3A_823 = tpu.vector_load %arg15[%swap3A_821, %swap3A_822] {strides = array<i32>} : memref<16x1024xf32, #tpu.memory_space<vmem>>, vector<16xf32>,
        tpu.vector_store %arg15[%swap3A_821, %swap3A_822], %add3A_820 {strides = array<i32>} : memref<16x1024xf32, #tpu.memory_space<vmem>>, vector<16xf32>,
        %get3A_824 = arith.index_cast %add3A_81 : i32 to index
        %get3A_825 = arith.constant 976 : index
        %get3A_826 = tpu.vector_load %arg13[%get3A_824, %get3A_825] {strides = array<i32>} : memref<16x1024xf32, #tpu.memory_space<vmem>>, vector<16xf32>,
        %mul3A_827 = arith.mulf %get3A_86, %get3A_826 : vector<16xf32>
        %get3A_828 = arith.index_cast %add3A_81 : i32 to index
        %get3A_829 = arith.constant 976 : index
        %get3A_830 = tpu.vector_load %arg14[%get3A_828, %get3A_829] {strides = array<i32>} : memref<16x1024xf32, #tpu.memory_space<vmem>>, vector<16xf32>,
        %mul3A_831 = arith.mulf %get3A_92, %get3A_830 : vector<16xf32>
        %add3A_832 = arith.addf %mul3A_827, %mul3A_831 : vector<16xf32>
        %swap3A_833 = arith.index_cast %add3A_81 : i32 to index
        %swap3A_834 = arith.constant 976 : index
        %swap3A_835 = tpu.vector_load %arg15[%swap3A_833, %swap3A_834] {strides = array<i32>} : memref<16x1024xf32, #tpu.memory_space<vmem>>, vector<16xf32>,
        tpu.vector_store %arg15[%swap3A_833, %swap3A_834], %add3A_832 {strides = array<i32>} : memref<16x1024xf32, #tpu.memory_space<vmem>>, vector<16xf32>,
        %get3A_836 = arith.index_cast %add3A_81 : i32 to index
        %get3A_837 = arith.constant 992 : index
        %get3A_838 = tpu.vector_load %arg13[%get3A_836, %get3A_837] {strides = array<i32>} : memref<16x1024xf32, #tpu.memory_space<vmem>>, vector<16xf32>,
        %mul3A_839 = arith.mulf %get3A_86, %get3A_838 : vector<16xf32>
        %get3A_840 = arith.index_cast %add3A_81 : i32 to index
        %get3A_841 = arith.constant 992 : index
        %get3A_842 = tpu.vector_load %arg14[%get3A_840, %get3A_841] {strides = array<i32>} : memref<16x1024xf32, #tpu.memory_space<vmem>>, vector<16xf32>,
        %mul3A_843 = arith.mulf %get3A_92, %get3A_842 : vector<16xf32>
        %add3A_844 = arith.addf %mul3A_839, %mul3A_843 : vector<16xf32>
        %swap3A_845 = arith.index_cast %add3A_81 : i32 to index
        %swap3A_846 = arith.constant 992 : index
        %swap3A_847 = tpu.vector_load %arg15[%swap3A_845, %swap3A_846] {strides = array<i32>} : memref<16x1024xf32, #tpu.memory_space<vmem>>, vector<16xf32>,
        tpu.vector_store %arg15[%swap3A_845, %swap3A_846], %add3A_844 {strides = array<i32>} : memref<16x1024xf32, #tpu.memory_space<vmem>>, vector<16xf32>,
        %get3A_848 = arith.index_cast %add3A_81 : i32 to index
        %get3A_849 = arith.constant 1008 : index
        %get3A_850 = tpu.vector_load %arg13[%get3A_848, %get3A_849] {strides = array<i32>} : memref<16x1024xf32, #tpu.memory_space<vmem>>, vector<16xf32>,
        %mul3A_851 = arith.mulf %get3A_86, %get3A_850 : vector<16xf32>
        %get3A_852 = arith.index_cast %add3A_81 : i32 to index
        %get3A_853 = arith.constant 1008 : index
        %get3A_854 = tpu.vector_load %arg14[%get3A_852, %get3A_853] {strides = array<i32>} : memref<16x1024xf32, #tpu.memory_space<vmem>>, vector<16xf32>,
        %mul3A_855 = arith.mulf %get3A_92, %get3A_854 : vector<16xf32>
        %add3A_856 = arith.addf %mul3A_851, %mul3A_855 : vector<16xf32>
        %swap3A_857 = arith.index_cast %add3A_81 : i32 to index
        %swap3A_858 = arith.constant 1008 : index
        %swap3A_859 = tpu.vector_load %arg15[%swap3A_857, %swap3A_858] {strides = array<i32>} : memref<16x1024xf32, #tpu.memory_space<vmem>>, vector<16xf32>,
        tpu.vector_store %arg15[%swap3A_857, %swap3A_858], %add3A_856 {strides = array<i32>} : memref<16x1024xf32, #tpu.memory_space<vmem>>, vector<16xf32>,
      }
      %scan3A_73 = arith.constant 16 : i32
      %mul3A_74 = arith.constant 16 : i32
      %mul3A_75 = arith.muli %add3A_68, %mul3A_74 : i32
      %add3A_76 = arith.addi %mul3A_2, %mul3A_75 : i32
      "tpu.region"() ({
        %run_scoped3A_77 = tpu.sem_alloc : memref<!tpu.dma_semaphore, #tpu.memory_space<semaphore_mem>>
        %dma_start3A_78 = arith.constant 0 : i32
        %dma_start3A_79 = tpu.memref_slice %arg6[%add3A_76, %dma_start3A_78] : memref<4096x1024xf32, #tpu.memory_space<hbm>> -> memref<16x1024xf32, #tpu.memory_space<hbm>>
        %dma_start3A_80 = arith.constant 0 : i32
        %dma_start3A_81 = tpu.memref_slice %arg6[%add3A_76, %dma_start3A_80] : memref<4096x1024xf32, #tpu.memory_space<hbm>> -> memref<16x1024xf32, #tpu.memory_space<hbm>>
        tpu.enqueue_dma source(%arg15 : memref<16x1024xf32, #tpu.memory_space<vmem>>) target(%dma_start3A_81 : memref<16x1024xf32, #tpu.memory_space<hbm>>) target_semaphore(%run_scoped3A_77 : memref<!tpu.dma_semaphore, #tpu.memory_space<semaphore_mem>>)
        %dma_wait3A_82 = arith.constant 0 : i32
        %dma_wait3A_83 = tpu.memref_slice %arg6[%add3A_76, %dma_wait3A_82] : memref<4096x1024xf32, #tpu.memory_space<hbm>> -> memref<16x1024xf32, #tpu.memory_space<hbm>>
        %dma_wait3A_84 = arith.constant 0 : i32
        %dma_wait3A_85 = tpu.memref_slice %arg6[%add3A_76, %dma_wait3A_84] : memref<4096x1024xf32, #tpu.memory_space<hbm>> -> memref<16x1024xf32, #tpu.memory_space<hbm>>
        tpu.wait_dma2 semaphore(%run_scoped3A_77 : memref<!tpu.dma_semaphore, #tpu.memory_space<semaphore_mem>>) src(%arg15 : memref<16x1024xf32, #tpu.memory_space<vmem>>) dst(%dma_wait3A_85 : memref<16x1024xf32, #tpu.memory_space<hbm>>)
        tpu.yield
      }) : () -> ()
    }
    %scan3A_16 = arith.constant 4 : i32
    return
  }
}

module attributes {stable_mosaic.version = 14 : i64} {
  func.func @_gating_kernel(%arg0: memref<4096x1024xf32, #tpu.memory_space<vmem>>, %arg1: memref<1024x8xf32, #tpu.memory_space<vmem>>, %arg2: memref<512x512xf32, #tpu.memory_space<vmem>>, %arg3: memref<2x4096xi32, #tpu.memory_space<vmem>>, %arg4: memref<2x4096xi32, #tpu.memory_space<vmem>>, %arg5: memref<4096x16xf32, #tpu.memory_space<vmem>>, %arg6: memref<4096x16xf32, #tpu.memory_space<vmem>>, %arg7: memref<1x1xf32, #tpu.memory_space<vmem>>, %arg8: memref<4096x512xf32, #tpu.memory_space<vmem>>) attributes {dimension_semantics = [], scalar_prefetch = 0 : i64, scratch_operands = 0 : i64, tpu.core_type = #tpu.core_type<tc>} {
    %get3A = arith.constant 0 : index
    %get3A_0 = arith.constant 0 : index
    %get3A_1 = vector.load %arg1[%get3A, %get3A_0] : memref<1024x8xf32, #tpu.memory_space<vmem>>, vector<1024x8xf32>
    %get3A_2 = arith.constant 0 : index
    %get3A_3 = arith.constant 0 : index
    %get3A_4 = vector.load %arg0[%get3A_2, %get3A_3] : memref<4096x1024xf32, #tpu.memory_space<vmem>>, vector<4096x1024xf32>
    %dot_general3A = arith.constant dense<0.000000e+00> : vector<8x4096xf32>
    %dot_general3A_5 = tpu.matmul %get3A_1, %get3A_4, %dot_general3A {dimension_numbers = #tpu.dot_dimension_numbers<[0], [1], [1], [0], [0, 1, 1, 0], [], []>, transpose_lhs_hint = false} : vector<1024x8xf32>, vector<4096x1024xf32>, vector<8x4096xf32> -> vector<8x4096xf32>
    %reduce_max3A = arith.constant dense<0xFF800000> : vector<4096xf32>
    %reduce_max3A_6 = vector.multi_reduction <maximumf>, %dot_general3A_5, %reduce_max3A [0] : vector<8x4096xf32> to vector<4096xf32>
    %broadcast_in_dim3A = vector.shape_cast %reduce_max3A_6 : vector<4096xf32> to vector<1x4096xf32>
    %sub3A = vector.broadcast %broadcast_in_dim3A : vector<1x4096xf32> to vector<8x4096xf32>
    %sub3A_7 = arith.subf %dot_general3A_5, %sub3A : vector<8x4096xf32>
    %exp3A = math.exp %sub3A_7 : vector<8x4096xf32>
    %reduce_sum3A = arith.constant dense<0.000000e+00> : vector<4096xf32>
    %reduce_sum3A_8 = vector.multi_reduction <add>, %exp3A, %reduce_sum3A [0] : vector<8x4096xf32> to vector<4096xf32>
    %broadcast_in_dim3A_9 = vector.shape_cast %reduce_sum3A_8 : vector<4096xf32> to vector<1x4096xf32>
    %div3A = vector.broadcast %broadcast_in_dim3A_9 : vector<1x4096xf32> to vector<8x4096xf32>
    %div3A_10 = arith.divf %exp3A, %div3A : vector<8x4096xf32>
    %iota3A = tpu.iota {dimensions = array<i32: 0>} : vector<8x4096xi32>
    %reduce_max3A_11 = arith.constant dense<0xFF800000> : vector<4096xf32>
    %reduce_max3A_12 = vector.multi_reduction <maximumf>, %div3A_10, %reduce_max3A_11 [0] : vector<8x4096xf32> to vector<4096xf32>
    %broadcast_in_dim3A_13 = vector.shape_cast %reduce_max3A_12 : vector<4096xf32> to vector<1x4096xf32>
    %eq3A = vector.broadcast %broadcast_in_dim3A_13 : vector<1x4096xf32> to vector<8x4096xf32>
    %eq3A_14 = arith.cmpf oeq, %div3A_10, %eq3A : vector<8x4096xf32>
    %jit3A = arith.constant 8 : i32
    %broadcast_in_dim3A_15 = vector.broadcast %jit3A : i32 to vector<8x4096xi32>
    %select_n3A = arith.select %eq3A_14, %iota3A, %broadcast_in_dim3A_15 : vector<8x4096xi1>, vector<8x4096xi32>
    %reduce_min3A = arith.constant dense<2147483647> : vector<4096xi32>
    %reduce_min3A_16 = vector.multi_reduction <minsi>, %select_n3A, %reduce_min3A [0] : vector<8x4096xi32> to vector<4096xi32>
    %broadcast_in_dim3A_17 = vector.shape_cast %reduce_min3A_16 : vector<4096xi32> to vector<1x4096xi32>
    %eq3A_18 = vector.broadcast %broadcast_in_dim3A_17 : vector<1x4096xi32> to vector<8x4096xi32>
    %eq3A_19 = arith.cmpi eq, %iota3A, %eq3A_18 : vector<8x4096xi32>
    %convert_element_type3A = arith.extui %eq3A_19 : vector<8x4096xi1> to vector<8x4096xi32>
    %convert_element_type3A_20 = arith.sitofp %convert_element_type3A : vector<8x4096xi32> to vector<8x4096xf32>
    %gt3A = arith.constant 0.000000e+00 : f32
    %gt3A_21 = vector.broadcast %gt3A : f32 to vector<8x4096xf32>
    %gt3A_22 = arith.cmpf ogt, %convert_element_type3A_20, %gt3A_21 : vector<8x4096xf32>
    %jit3A_23 = arith.constant 0xFF800000 : f32
    %broadcast_in_dim3A_24 = vector.broadcast %jit3A_23 : f32 to vector<8x4096xf32>
    %select_n3A_25 = arith.select %gt3A_22, %broadcast_in_dim3A_24, %dot_general3A_5 : vector<8x4096xi1>, vector<8x4096xf32>
    %reduce_max3A_26 = arith.constant dense<0xFF800000> : vector<4096xf32>
    %reduce_max3A_27 = vector.multi_reduction <maximumf>, %select_n3A_25, %reduce_max3A_26 [0] : vector<8x4096xf32> to vector<4096xf32>
    %broadcast_in_dim3A_28 = vector.shape_cast %reduce_max3A_27 : vector<4096xf32> to vector<1x4096xf32>
    %eq3A_29 = vector.broadcast %broadcast_in_dim3A_28 : vector<1x4096xf32> to vector<8x4096xf32>
    %eq3A_30 = arith.cmpf oeq, %select_n3A_25, %eq3A_29 : vector<8x4096xf32>
    %jit3A_31 = arith.constant 8 : i32
    %broadcast_in_dim3A_32 = vector.broadcast %jit3A_31 : i32 to vector<8x4096xi32>
    %select_n3A_33 = arith.select %eq3A_30, %iota3A, %broadcast_in_dim3A_32 : vector<8x4096xi1>, vector<8x4096xi32>
    %reduce_min3A_34 = arith.constant dense<2147483647> : vector<4096xi32>
    %reduce_min3A_35 = vector.multi_reduction <minsi>, %select_n3A_33, %reduce_min3A_34 [0] : vector<8x4096xi32> to vector<4096xi32>
    %broadcast_in_dim3A_36 = vector.shape_cast %reduce_min3A_35 : vector<4096xi32> to vector<1x4096xi32>
    %eq3A_37 = vector.broadcast %broadcast_in_dim3A_36 : vector<1x4096xi32> to vector<8x4096xi32>
    %eq3A_38 = arith.cmpi eq, %iota3A, %eq3A_37 : vector<8x4096xi32>
    %convert_element_type3A_39 = arith.extui %eq3A_38 : vector<8x4096xi1> to vector<8x4096xi32>
    %convert_element_type3A_40 = arith.sitofp %convert_element_type3A_39 : vector<8x4096xi32> to vector<8x4096xf32>
    %concatenate3A = tpu.concatenate %convert_element_type3A_20, %convert_element_type3A_40 in 0 : vector<8x4096xf32>, vector<8x4096xf32> -> vector<16x4096xf32>
    %get3A_41 = arith.constant 0 : index
    %get3A_42 = arith.constant 0 : index
    %get3A_43 = vector.load %arg2[%get3A_41, %get3A_42] : memref<512x512xf32, #tpu.memory_space<vmem>>, vector<512x512xf32>
    %broadcast_in_dim3A_44 = arith.constant 0.000000e+00 : f32
    %broadcast_in_dim3A_45 = vector.broadcast %broadcast_in_dim3A_44 : f32 to vector<16x1xf32>
    %slice3A = vector.extract_strided_slice %concatenate3A {offsets = [0, 0], sizes = [16, 512], strides = [1, 1]} : vector<16x4096xf32> to vector<16x512xf32>
    %dot_general3A_46 = arith.constant dense<0.000000e+00> : vector<16x512xf32>
    %dot_general3A_47 = tpu.matmul %slice3A, %get3A_43, %dot_general3A_46 {dimension_numbers = #tpu.dot_dimension_numbers<[1], [0], [0], [1], [0, 0, 1, 1], [], []>, transpose_lhs_hint = false} : vector<16x512xf32>, vector<512x512xf32>, vector<16x512xf32> -> vector<16x512xf32>
    %add3A = vector.broadcast %broadcast_in_dim3A_45 : vector<16x1xf32> to vector<16x512xf32>
    %add3A_48 = arith.addf %dot_general3A_47, %add3A : vector<16x512xf32>
    %slice3A_49 = vector.extract_strided_slice %add3A_48 {offsets = [0, 511], sizes = [16, 1], strides = [1, 1]} : vector<16x512xf32> to vector<16x1xf32>
    %slice3A_50 = vector.extract_strided_slice %concatenate3A {offsets = [0, 512], sizes = [16, 512], strides = [1, 1]} : vector<16x4096xf32> to vector<16x512xf32>
    %dot_general3A_51 = arith.constant dense<0.000000e+00> : vector<16x512xf32>
    %dot_general3A_52 = tpu.matmul %slice3A_50, %get3A_43, %dot_general3A_51 {dimension_numbers = #tpu.dot_dimension_numbers<[1], [0], [0], [1], [0, 0, 1, 1], [], []>, transpose_lhs_hint = false} : vector<16x512xf32>, vector<512x512xf32>, vector<16x512xf32> -> vector<16x512xf32>
    %add3A_53 = vector.broadcast %slice3A_49 : vector<16x1xf32> to vector<16x512xf32>
    %add3A_54 = arith.addf %dot_general3A_52, %add3A_53 : vector<16x512xf32>
    %slice3A_55 = vector.extract_strided_slice %add3A_54 {offsets = [0, 511], sizes = [16, 1], strides = [1, 1]} : vector<16x512xf32> to vector<16x1xf32>
    %slice3A_56 = vector.extract_strided_slice %concatenate3A {offsets = [0, 1024], sizes = [16, 512], strides = [1, 1]} : vector<16x4096xf32> to vector<16x512xf32>
    %dot_general3A_57 = arith.constant dense<0.000000e+00> : vector<16x512xf32>
    %dot_general3A_58 = tpu.matmul %slice3A_56, %get3A_43, %dot_general3A_57 {dimension_numbers = #tpu.dot_dimension_numbers<[1], [0], [0], [1], [0, 0, 1, 1], [], []>, transpose_lhs_hint = false} : vector<16x512xf32>, vector<512x512xf32>, vector<16x512xf32> -> vector<16x512xf32>
    %add3A_59 = vector.broadcast %slice3A_55 : vector<16x1xf32> to vector<16x512xf32>
    %add3A_60 = arith.addf %dot_general3A_58, %add3A_59 : vector<16x512xf32>
    %slice3A_61 = vector.extract_strided_slice %add3A_60 {offsets = [0, 511], sizes = [16, 1], strides = [1, 1]} : vector<16x512xf32> to vector<16x1xf32>
    %slice3A_62 = vector.extract_strided_slice %concatenate3A {offsets = [0, 1536], sizes = [16, 512], strides = [1, 1]} : vector<16x4096xf32> to vector<16x512xf32>
    %dot_general3A_63 = arith.constant dense<0.000000e+00> : vector<16x512xf32>
    %dot_general3A_64 = tpu.matmul %slice3A_62, %get3A_43, %dot_general3A_63 {dimension_numbers = #tpu.dot_dimension_numbers<[1], [0], [0], [1], [0, 0, 1, 1], [], []>, transpose_lhs_hint = false} : vector<16x512xf32>, vector<512x512xf32>, vector<16x512xf32> -> vector<16x512xf32>
    %add3A_65 = vector.broadcast %slice3A_61 : vector<16x1xf32> to vector<16x512xf32>
    %add3A_66 = arith.addf %dot_general3A_64, %add3A_65 : vector<16x512xf32>
    %slice3A_67 = vector.extract_strided_slice %add3A_66 {offsets = [0, 511], sizes = [16, 1], strides = [1, 1]} : vector<16x512xf32> to vector<16x1xf32>
    %slice3A_68 = vector.extract_strided_slice %concatenate3A {offsets = [0, 2048], sizes = [16, 512], strides = [1, 1]} : vector<16x4096xf32> to vector<16x512xf32>
    %dot_general3A_69 = arith.constant dense<0.000000e+00> : vector<16x512xf32>
    %dot_general3A_70 = tpu.matmul %slice3A_68, %get3A_43, %dot_general3A_69 {dimension_numbers = #tpu.dot_dimension_numbers<[1], [0], [0], [1], [0, 0, 1, 1], [], []>, transpose_lhs_hint = false} : vector<16x512xf32>, vector<512x512xf32>, vector<16x512xf32> -> vector<16x512xf32>
    %add3A_71 = vector.broadcast %slice3A_67 : vector<16x1xf32> to vector<16x512xf32>
    %add3A_72 = arith.addf %dot_general3A_70, %add3A_71 : vector<16x512xf32>
    %slice3A_73 = vector.extract_strided_slice %add3A_72 {offsets = [0, 511], sizes = [16, 1], strides = [1, 1]} : vector<16x512xf32> to vector<16x1xf32>
    %slice3A_74 = vector.extract_strided_slice %concatenate3A {offsets = [0, 2560], sizes = [16, 512], strides = [1, 1]} : vector<16x4096xf32> to vector<16x512xf32>
    %dot_general3A_75 = arith.constant dense<0.000000e+00> : vector<16x512xf32>
    %dot_general3A_76 = tpu.matmul %slice3A_74, %get3A_43, %dot_general3A_75 {dimension_numbers = #tpu.dot_dimension_numbers<[1], [0], [0], [1], [0, 0, 1, 1], [], []>, transpose_lhs_hint = false} : vector<16x512xf32>, vector<512x512xf32>, vector<16x512xf32> -> vector<16x512xf32>
    %add3A_77 = vector.broadcast %slice3A_73 : vector<16x1xf32> to vector<16x512xf32>
    %add3A_78 = arith.addf %dot_general3A_76, %add3A_77 : vector<16x512xf32>
    %slice3A_79 = vector.extract_strided_slice %add3A_78 {offsets = [0, 511], sizes = [16, 1], strides = [1, 1]} : vector<16x512xf32> to vector<16x1xf32>
    %slice3A_80 = vector.extract_strided_slice %concatenate3A {offsets = [0, 3072], sizes = [16, 512], strides = [1, 1]} : vector<16x4096xf32> to vector<16x512xf32>
    %dot_general3A_81 = arith.constant dense<0.000000e+00> : vector<16x512xf32>
    %dot_general3A_82 = tpu.matmul %slice3A_80, %get3A_43, %dot_general3A_81 {dimension_numbers = #tpu.dot_dimension_numbers<[1], [0], [0], [1], [0, 0, 1, 1], [], []>, transpose_lhs_hint = false} : vector<16x512xf32>, vector<512x512xf32>, vector<16x512xf32> -> vector<16x512xf32>
    %add3A_83 = vector.broadcast %slice3A_79 : vector<16x1xf32> to vector<16x512xf32>
    %add3A_84 = arith.addf %dot_general3A_82, %add3A_83 : vector<16x512xf32>
    %slice3A_85 = vector.extract_strided_slice %add3A_84 {offsets = [0, 511], sizes = [16, 1], strides = [1, 1]} : vector<16x512xf32> to vector<16x1xf32>
    %slice3A_86 = vector.extract_strided_slice %concatenate3A {offsets = [0, 3584], sizes = [16, 512], strides = [1, 1]} : vector<16x4096xf32> to vector<16x512xf32>
    %dot_general3A_87 = arith.constant dense<0.000000e+00> : vector<16x512xf32>
    %dot_general3A_88 = tpu.matmul %slice3A_86, %get3A_43, %dot_general3A_87 {dimension_numbers = #tpu.dot_dimension_numbers<[1], [0], [0], [1], [0, 0, 1, 1], [], []>, transpose_lhs_hint = false} : vector<16x512xf32>, vector<512x512xf32>, vector<16x512xf32> -> vector<16x512xf32>
    %add3A_89 = vector.broadcast %slice3A_85 : vector<16x1xf32> to vector<16x512xf32>
    %add3A_90 = arith.addf %dot_general3A_88, %add3A_89 : vector<16x512xf32>
    %slice3A_91 = vector.extract_strided_slice %add3A_90 {offsets = [0, 511], sizes = [16, 1], strides = [1, 1]} : vector<16x512xf32> to vector<16x1xf32>
    %concatenate3A_92 = tpu.concatenate %add3A_48, %add3A_54, %add3A_60, %add3A_66, %add3A_72, %add3A_78, %add3A_84, %add3A_90 in 1 : vector<16x512xf32>, vector<16x512xf32>, vector<16x512xf32>, vector<16x512xf32>, vector<16x512xf32>, vector<16x512xf32>, vector<16x512xf32>, vector<16x512xf32> -> vector<16x4096xf32>
    %slice3A_93 = vector.extract_strided_slice %slice3A_91 {offsets = [0, 0], sizes = [8, 1], strides = [1, 1]} : vector<16x1xf32> to vector<8x1xf32>
    %slice3A_94 = vector.extract_strided_slice %concatenate3A_92 {offsets = [0, 0], sizes = [8, 4096], strides = [1, 1]} : vector<16x4096xf32> to vector<8x4096xf32>
    %sub3A_95 = arith.constant 1.000000e+00 : f32
    %sub3A_96 = vector.broadcast %sub3A_95 : f32 to vector<8x4096xf32>
    %sub3A_97 = arith.subf %slice3A_94, %sub3A_96 : vector<8x4096xf32>
    %slice3A_98 = vector.extract_strided_slice %concatenate3A_92 {offsets = [8, 0], sizes = [8, 4096], strides = [1, 1]} : vector<16x4096xf32> to vector<8x4096xf32>
    %sub3A_99 = arith.constant 1.000000e+00 : f32
    %sub3A_100 = vector.broadcast %sub3A_99 : f32 to vector<8x4096xf32>
    %sub3A_101 = arith.subf %slice3A_98, %sub3A_100 : vector<8x4096xf32>
    %add3A_102 = vector.broadcast %slice3A_93 : vector<8x1xf32> to vector<8x4096xf32>
    %add3A_103 = arith.addf %sub3A_101, %add3A_102 : vector<8x4096xf32>
    %reduce_sum3A_104 = arith.constant dense<0.000000e+00> : vector<8xf32>
    %reduce_sum3A_105 = vector.multi_reduction <add>, %div3A_10, %reduce_sum3A_104 [1] : vector<8x4096xf32> to vector<8xf32>
    %broadcast_in_dim3A_106 = vector.shape_cast %reduce_sum3A_105 : vector<8xf32> to vector<8x1xf32>
    %div3A_107 = arith.constant 4.096000e+03 : f32
    %div3A_108 = vector.broadcast %div3A_107 : f32 to vector<8x1xf32>
    %div3A_109 = arith.divf %broadcast_in_dim3A_106, %div3A_108 : vector<8x1xf32>
    %reduce_sum3A_110 = arith.constant dense<0.000000e+00> : vector<8xf32>
    %reduce_sum3A_111 = vector.multi_reduction <add>, %convert_element_type3A_20, %reduce_sum3A_110 [1] : vector<8x4096xf32> to vector<8xf32>
    %broadcast_in_dim3A_112 = vector.shape_cast %reduce_sum3A_111 : vector<8xf32> to vector<8x1xf32>
    %div3A_113 = arith.constant 4.096000e+03 : f32
    %div3A_114 = vector.broadcast %div3A_113 : f32 to vector<8x1xf32>
    %div3A_115 = arith.divf %broadcast_in_dim3A_112, %div3A_114 : vector<8x1xf32>
    %mul3A = arith.mulf %div3A_109, %div3A_115 : vector<8x1xf32>
    %reduce_sum3A_116 = arith.constant dense<0.000000e+00> : vector<1xf32>
    %reduce_sum3A_117 = vector.multi_reduction <add>, %mul3A, %reduce_sum3A_116 [0] : vector<8x1xf32> to vector<1xf32>
    %broadcast_in_dim3A_118 = vector.shape_cast %reduce_sum3A_117 : vector<1xf32> to vector<1x1xf32>
    %mul3A_119 = arith.constant 8.000000e+00 : f32
    %mul3A_120 = vector.broadcast %mul3A_119 : f32 to vector<1x1xf32>
    %mul3A_121 = arith.mulf %broadcast_in_dim3A_118, %mul3A_120 : vector<1x1xf32>
    %swap3A = arith.constant 0 : index
    %swap3A_122 = arith.constant 0 : index
    %swap3A_123 = vector.load %arg7[%swap3A, %swap3A_122] : memref<1x1xf32, #tpu.memory_space<vmem>>, vector<1x1xf32>
    tpu.vector_store %arg7[%swap3A, %swap3A_122], %mul3A_121 {strides = array<i32>} : memref<1x1xf32, #tpu.memory_space<vmem>>, vector<1x1xf32>,
    %lt3A = arith.constant 1.024000e+03 : f32
    %lt3A_124 = vector.broadcast %lt3A : f32 to vector<8x4096xf32>
    %lt3A_125 = arith.cmpf olt, %sub3A_97, %lt3A_124 : vector<8x4096xf32>
    %convert_element_type3A_126 = arith.extui %lt3A_125 : vector<8x4096xi1> to vector<8x4096xi32>
    %convert_element_type3A_127 = arith.sitofp %convert_element_type3A_126 : vector<8x4096xi32> to vector<8x4096xf32>
    %mul3A_128 = arith.mulf %convert_element_type3A_20, %convert_element_type3A_127 : vector<8x4096xf32>
    %lt3A_129 = arith.constant 1.024000e+03 : f32
    %lt3A_130 = vector.broadcast %lt3A_129 : f32 to vector<8x4096xf32>
    %lt3A_131 = arith.cmpf olt, %add3A_103, %lt3A_130 : vector<8x4096xf32>
    %convert_element_type3A_132 = arith.extui %lt3A_131 : vector<8x4096xi1> to vector<8x4096xi32>
    %convert_element_type3A_133 = arith.sitofp %convert_element_type3A_132 : vector<8x4096xi32> to vector<8x4096xf32>
    %mul3A_134 = arith.mulf %convert_element_type3A_40, %convert_element_type3A_133 : vector<8x4096xf32>
    %mul3A_135 = arith.mulf %div3A_10, %mul3A_128 : vector<8x4096xf32>
    %reduce_sum3A_136 = arith.constant dense<0.000000e+00> : vector<4096xf32>
    %reduce_sum3A_137 = vector.multi_reduction <add>, %mul3A_135, %reduce_sum3A_136 [0] : vector<8x4096xf32> to vector<4096xf32>
    %broadcast_in_dim3A_138 = vector.shape_cast %reduce_sum3A_137 : vector<4096xf32> to vector<1x4096xf32>
    %mul3A_139 = arith.mulf %div3A_10, %mul3A_134 : vector<8x4096xf32>
    %reduce_sum3A_140 = arith.constant dense<0.000000e+00> : vector<4096xf32>
    %reduce_sum3A_141 = vector.multi_reduction <add>, %mul3A_139, %reduce_sum3A_140 [0] : vector<8x4096xf32> to vector<4096xf32>
    %broadcast_in_dim3A_142 = vector.shape_cast %reduce_sum3A_141 : vector<4096xf32> to vector<1x4096xf32>
    %add3A_143 = arith.addf %broadcast_in_dim3A_138, %broadcast_in_dim3A_142 : vector<1x4096xf32>
    %max3A = arith.constant 9.99999971E-10 : f32
    %max3A_144 = vector.broadcast %max3A : f32 to vector<1x4096xf32>
    %max3A_145 = arith.maximumf %add3A_143, %max3A_144 : vector<1x4096xf32>
    %div3A_146 = arith.divf %broadcast_in_dim3A_138, %max3A_145 : vector<1x4096xf32>
    %div3A_147 = arith.divf %broadcast_in_dim3A_142, %max3A_145 : vector<1x4096xf32>
    %reduce_sum3A_148 = arith.constant dense<0.000000e+00> : vector<4096xf32>
    %reduce_sum3A_149 = vector.multi_reduction <add>, %mul3A_128, %reduce_sum3A_148 [0] : vector<8x4096xf32> to vector<4096xf32>
    %broadcast_in_dim3A_150 = vector.shape_cast %reduce_sum3A_149 : vector<4096xf32> to vector<1x4096xf32>
    %reduce_sum3A_151 = arith.constant dense<0.000000e+00> : vector<4096xf32>
    %reduce_sum3A_152 = vector.multi_reduction <add>, %mul3A_134, %reduce_sum3A_151 [0] : vector<8x4096xf32> to vector<4096xf32>
    %broadcast_in_dim3A_153 = vector.shape_cast %reduce_sum3A_152 : vector<4096xf32> to vector<1x4096xf32>
    %mul3A_154 = arith.mulf %sub3A_97, %mul3A_128 : vector<8x4096xf32>
    %reduce_sum3A_155 = arith.constant dense<0.000000e+00> : vector<4096xf32>
    %reduce_sum3A_156 = vector.multi_reduction <add>, %mul3A_154, %reduce_sum3A_155 [0] : vector<8x4096xf32> to vector<4096xf32>
    %broadcast_in_dim3A_157 = vector.shape_cast %reduce_sum3A_156 : vector<4096xf32> to vector<1x4096xf32>
    %convert_element_type3A_158 = arith.fptosi %broadcast_in_dim3A_157 : vector<1x4096xf32> to vector<1x4096xi32>
    %mul3A_159 = arith.mulf %add3A_103, %mul3A_134 : vector<8x4096xf32>
    %reduce_sum3A_160 = arith.constant dense<0.000000e+00> : vector<4096xf32>
    %reduce_sum3A_161 = vector.multi_reduction <add>, %mul3A_159, %reduce_sum3A_160 [0] : vector<8x4096xf32> to vector<4096xf32>
    %broadcast_in_dim3A_162 = vector.shape_cast %reduce_sum3A_161 : vector<4096xf32> to vector<1x4096xf32>
    %convert_element_type3A_163 = arith.fptosi %broadcast_in_dim3A_162 : vector<1x4096xf32> to vector<1x4096xi32>
    %mul3A_164 = arith.constant 1024 : i32
    %mul3A_165 = vector.broadcast %mul3A_164 : i32 to vector<1x4096xi32>
    %mul3A_166 = arith.muli %broadcast_in_dim3A_17, %mul3A_165 : vector<1x4096xi32>
    %add3A_167 = arith.addi %mul3A_166, %convert_element_type3A_158 : vector<1x4096xi32>
    %mul3A_168 = arith.constant 1024 : i32
    %mul3A_169 = vector.broadcast %mul3A_168 : i32 to vector<1x4096xi32>
    %mul3A_170 = arith.muli %broadcast_in_dim3A_36, %mul3A_169 : vector<1x4096xi32>
    %add3A_171 = arith.addi %mul3A_170, %convert_element_type3A_163 : vector<1x4096xi32>
    %iota3A_172 = tpu.iota {dimensions = array<i32: 1>} : vector<1x4096xi32>
    %shift_right_logical3A = arith.constant 7 : i32
    %shift_right_logical3A_173 = vector.broadcast %shift_right_logical3A : i32 to vector<1x4096xi32>
    %shift_right_logical3A_174 = arith.shrui %iota3A_172, %shift_right_logical3A_173 : vector<1x4096xi32>
    %mul3A_175 = arith.constant 2 : i32
    %mul3A_176 = vector.broadcast %mul3A_175 : i32 to vector<1x4096xi32>
    %mul3A_177 = arith.muli %mul3A_176, %shift_right_logical3A_174 : vector<1x4096xi32>
    %add3A_178 = arith.constant 8192 : i32
    %add3A_179 = vector.broadcast %add3A_178 : i32 to vector<1x4096xi32>
    %add3A_180 = arith.addi %add3A_179, %mul3A_177 : vector<1x4096xi32>
    %gt3A_181 = arith.constant 0.000000e+00 : f32
    %gt3A_182 = vector.broadcast %gt3A_181 : f32 to vector<1x4096xf32>
    %gt3A_183 = arith.cmpf ogt, %broadcast_in_dim3A_150, %gt3A_182 : vector<1x4096xf32>
    %select_n3A_184 = arith.select %gt3A_183, %add3A_167, %add3A_180 : vector<1x4096xi1>, vector<1x4096xi32>
    %gt3A_185 = arith.constant 0.000000e+00 : f32
    %gt3A_186 = vector.broadcast %gt3A_185 : f32 to vector<1x4096xf32>
    %gt3A_187 = arith.cmpf ogt, %broadcast_in_dim3A_153, %gt3A_186 : vector<1x4096xf32>
    %add3A_188 = arith.constant 1 : i32
    %add3A_189 = vector.broadcast %add3A_188 : i32 to vector<1x4096xi32>
    %add3A_190 = arith.addi %add3A_180, %add3A_189 : vector<1x4096xi32>
    %select_n3A_191 = arith.select %gt3A_187, %add3A_171, %add3A_190 : vector<1x4096xi1>, vector<1x4096xi32>
    %concatenate3A_192 = tpu.concatenate %select_n3A_184, %select_n3A_191 in 0 : vector<1x4096xi32>, vector<1x4096xi32> -> vector<2x4096xi32>
    %swap3A_193 = arith.constant 0 : index
    %swap3A_194 = arith.constant 0 : index
    %swap3A_195 = vector.load %arg3[%swap3A_193, %swap3A_194] : memref<2x4096xi32, #tpu.memory_space<vmem>>, vector<2x4096xi32>
    tpu.vector_store %arg3[%swap3A_193, %swap3A_194], %concatenate3A_192 {strides = array<i32>} : memref<2x4096xi32, #tpu.memory_space<vmem>>, vector<2x4096xi32>,
    %concatenate3A_196 = tpu.concatenate %add3A_167, %add3A_171 in 0 : vector<1x4096xi32>, vector<1x4096xi32> -> vector<2x4096xi32>
    %swap3A_197 = arith.constant 0 : index
    %swap3A_198 = arith.constant 0 : index
    %swap3A_199 = vector.load %arg4[%swap3A_197, %swap3A_198] : memref<2x4096xi32, #tpu.memory_space<vmem>>, vector<2x4096xi32>
    tpu.vector_store %arg4[%swap3A_197, %swap3A_198], %concatenate3A_196 {strides = array<i32>} : memref<2x4096xi32, #tpu.memory_space<vmem>>, vector<2x4096xi32>,
    %broadcast_in_dim3A_200 = arith.constant 1.000000e+00 : f32
    %broadcast_in_dim3A_201 = vector.broadcast %broadcast_in_dim3A_200 : f32 to vector<1x16xf32>
    %dot_general3A_202 = arith.constant dense<0.000000e+00> : vector<4096x16xf32>
    %dot_general3A_203 = tpu.matmul %div3A_146, %broadcast_in_dim3A_201, %dot_general3A_202 {dimension_numbers = #tpu.dot_dimension_numbers<[0], [0], [1], [1], [0, 1, 1, 1], [], []>, precision = #tpu.contract_precision<fp32>, transpose_lhs_hint = false} : vector<1x4096xf32>, vector<1x16xf32>, vector<4096x16xf32> -> vector<4096x16xf32>
    %swap3A_204 = arith.constant 0 : index
    %swap3A_205 = arith.constant 0 : index
    %swap3A_206 = vector.load %arg5[%swap3A_204, %swap3A_205] : memref<4096x16xf32, #tpu.memory_space<vmem>>, vector<4096x16xf32>
    tpu.vector_store %arg5[%swap3A_204, %swap3A_205], %dot_general3A_203 {strides = array<i32>} : memref<4096x16xf32, #tpu.memory_space<vmem>>, vector<4096x16xf32>,
    %dot_general3A_207 = arith.constant dense<0.000000e+00> : vector<4096x16xf32>
    %dot_general3A_208 = tpu.matmul %div3A_147, %broadcast_in_dim3A_201, %dot_general3A_207 {dimension_numbers = #tpu.dot_dimension_numbers<[0], [0], [1], [1], [0, 1, 1, 1], [], []>, precision = #tpu.contract_precision<fp32>, transpose_lhs_hint = false} : vector<1x4096xf32>, vector<1x16xf32>, vector<4096x16xf32> -> vector<4096x16xf32>
    %swap3A_209 = arith.constant 0 : index
    %swap3A_210 = arith.constant 0 : index
    %swap3A_211 = vector.load %arg6[%swap3A_209, %swap3A_210] : memref<4096x16xf32, #tpu.memory_space<vmem>>, vector<4096x16xf32>
    tpu.vector_store %arg6[%swap3A_209, %swap3A_210], %dot_general3A_208 {strides = array<i32>} : memref<4096x16xf32, #tpu.memory_space<vmem>>, vector<4096x16xf32>,
    %get3A_212 = arith.constant 0 : index
    %get3A_213 = arith.constant 0 : index
    %get3A_214 = vector.load %arg0[%get3A_212, %get3A_213] : memref<4096x1024xf32, #tpu.memory_space<vmem>>, vector<1024x1024xf32>
    %bitcast_convert_type3A = tpu.bitcast %get3A_214 : vector<1024x1024xf32> -> vector<1024x1024xi32>
    %add3A_215 = arith.constant 32767 : i32
    %add3A_216 = vector.broadcast %add3A_215 : i32 to vector<1024x1024xi32>
    %add3A_217 = arith.addi %bitcast_convert_type3A, %add3A_216 : vector<1024x1024xi32>
    %shift_right_logical3A_218 = arith.constant 16 : i32
    %shift_right_logical3A_219 = vector.broadcast %shift_right_logical3A_218 : i32 to vector<1024x1024xi32>
    %shift_right_logical3A_220 = arith.shrui %bitcast_convert_type3A, %shift_right_logical3A_219 : vector<1024x1024xi32>
    %and3A = arith.constant 1 : i32
    %and3A_221 = vector.broadcast %and3A : i32 to vector<1024x1024xi32>
    %and3A_222 = arith.andi %shift_right_logical3A_220, %and3A_221 : vector<1024x1024xi32>
    %add3A_223 = arith.addi %add3A_217, %and3A_222 : vector<1024x1024xi32>
    %and3A_224 = arith.constant -65536 : i32
    %and3A_225 = vector.broadcast %and3A_224 : i32 to vector<1024x1024xi32>
    %and3A_226 = arith.andi %add3A_223, %and3A_225 : vector<1024x1024xi32>
    %slice3A_227 = vector.extract_strided_slice %and3A_226 {offsets = [0, 0], sizes = [1024, 512], strides = [1, 1]} : vector<1024x1024xi32> to vector<1024x512xi32>
    %shift_right_logical3A_228 = arith.constant 16 : i32
    %shift_right_logical3A_229 = vector.broadcast %shift_right_logical3A_228 : i32 to vector<1024x512xi32>
    %shift_right_logical3A_230 = arith.shrui %slice3A_227, %shift_right_logical3A_229 : vector<1024x512xi32>
    %slice3A_231 = vector.extract_strided_slice %and3A_226 {offsets = [0, 512], sizes = [1024, 512], strides = [1, 1]} : vector<1024x1024xi32> to vector<1024x512xi32>
    %or3A = arith.ori %shift_right_logical3A_230, %slice3A_231 : vector<1024x512xi32>
    %bitcast_convert_type3A_232 = tpu.bitcast %or3A : vector<1024x512xi32> -> vector<1024x512xf32>
    %swap3A_233 = arith.constant 0 : index
    %swap3A_234 = arith.constant 0 : index
    %swap3A_235 = vector.load %arg8[%swap3A_233, %swap3A_234] : memref<4096x512xf32, #tpu.memory_space<vmem>>, vector<1024x512xf32>
    tpu.vector_store %arg8[%swap3A_233, %swap3A_234], %bitcast_convert_type3A_232 {strides = array<i32>} : memref<4096x512xf32, #tpu.memory_space<vmem>>, vector<1024x512xf32>,
    %get3A_236 = arith.constant 1024 : index
    %get3A_237 = arith.constant 0 : index
    %get3A_238 = vector.load %arg0[%get3A_236, %get3A_237] : memref<4096x1024xf32, #tpu.memory_space<vmem>>, vector<1024x1024xf32>
    %bitcast_convert_type3A_239 = tpu.bitcast %get3A_238 : vector<1024x1024xf32> -> vector<1024x1024xi32>
    %add3A_240 = arith.constant 32767 : i32
    %add3A_241 = vector.broadcast %add3A_240 : i32 to vector<1024x1024xi32>
    %add3A_242 = arith.addi %bitcast_convert_type3A_239, %add3A_241 : vector<1024x1024xi32>
    %shift_right_logical3A_243 = arith.constant 16 : i32
    %shift_right_logical3A_244 = vector.broadcast %shift_right_logical3A_243 : i32 to vector<1024x1024xi32>
    %shift_right_logical3A_245 = arith.shrui %bitcast_convert_type3A_239, %shift_right_logical3A_244 : vector<1024x1024xi32>
    %and3A_246 = arith.constant 1 : i32
    %and3A_247 = vector.broadcast %and3A_246 : i32 to vector<1024x1024xi32>
    %and3A_248 = arith.andi %shift_right_logical3A_245, %and3A_247 : vector<1024x1024xi32>
    %add3A_249 = arith.addi %add3A_242, %and3A_248 : vector<1024x1024xi32>
    %and3A_250 = arith.constant -65536 : i32
    %and3A_251 = vector.broadcast %and3A_250 : i32 to vector<1024x1024xi32>
    %and3A_252 = arith.andi %add3A_249, %and3A_251 : vector<1024x1024xi32>
    %slice3A_253 = vector.extract_strided_slice %and3A_252 {offsets = [0, 0], sizes = [1024, 512], strides = [1, 1]} : vector<1024x1024xi32> to vector<1024x512xi32>
    %shift_right_logical3A_254 = arith.constant 16 : i32
    %shift_right_logical3A_255 = vector.broadcast %shift_right_logical3A_254 : i32 to vector<1024x512xi32>
    %shift_right_logical3A_256 = arith.shrui %slice3A_253, %shift_right_logical3A_255 : vector<1024x512xi32>
    %slice3A_257 = vector.extract_strided_slice %and3A_252 {offsets = [0, 512], sizes = [1024, 512], strides = [1, 1]} : vector<1024x1024xi32> to vector<1024x512xi32>
    %or3A_258 = arith.ori %shift_right_logical3A_256, %slice3A_257 : vector<1024x512xi32>
    %bitcast_convert_type3A_259 = tpu.bitcast %or3A_258 : vector<1024x512xi32> -> vector<1024x512xf32>
    %swap3A_260 = arith.constant 1024 : index
    %swap3A_261 = arith.constant 0 : index
    %swap3A_262 = vector.load %arg8[%swap3A_260, %swap3A_261] : memref<4096x512xf32, #tpu.memory_space<vmem>>, vector<1024x512xf32>
    tpu.vector_store %arg8[%swap3A_260, %swap3A_261], %bitcast_convert_type3A_259 {strides = array<i32>} : memref<4096x512xf32, #tpu.memory_space<vmem>>, vector<1024x512xf32>,
    %get3A_263 = arith.constant 2048 : index
    %get3A_264 = arith.constant 0 : index
    %get3A_265 = vector.load %arg0[%get3A_263, %get3A_264] : memref<4096x1024xf32, #tpu.memory_space<vmem>>, vector<1024x1024xf32>
    %bitcast_convert_type3A_266 = tpu.bitcast %get3A_265 : vector<1024x1024xf32> -> vector<1024x1024xi32>
    %add3A_267 = arith.constant 32767 : i32
    %add3A_268 = vector.broadcast %add3A_267 : i32 to vector<1024x1024xi32>
    %add3A_269 = arith.addi %bitcast_convert_type3A_266, %add3A_268 : vector<1024x1024xi32>
    %shift_right_logical3A_270 = arith.constant 16 : i32
    %shift_right_logical3A_271 = vector.broadcast %shift_right_logical3A_270 : i32 to vector<1024x1024xi32>
    %shift_right_logical3A_272 = arith.shrui %bitcast_convert_type3A_266, %shift_right_logical3A_271 : vector<1024x1024xi32>
    %and3A_273 = arith.constant 1 : i32
    %and3A_274 = vector.broadcast %and3A_273 : i32 to vector<1024x1024xi32>
    %and3A_275 = arith.andi %shift_right_logical3A_272, %and3A_274 : vector<1024x1024xi32>
    %add3A_276 = arith.addi %add3A_269, %and3A_275 : vector<1024x1024xi32>
    %and3A_277 = arith.constant -65536 : i32
    %and3A_278 = vector.broadcast %and3A_277 : i32 to vector<1024x1024xi32>
    %and3A_279 = arith.andi %add3A_276, %and3A_278 : vector<1024x1024xi32>
    %slice3A_280 = vector.extract_strided_slice %and3A_279 {offsets = [0, 0], sizes = [1024, 512], strides = [1, 1]} : vector<1024x1024xi32> to vector<1024x512xi32>
    %shift_right_logical3A_281 = arith.constant 16 : i32
    %shift_right_logical3A_282 = vector.broadcast %shift_right_logical3A_281 : i32 to vector<1024x512xi32>
    %shift_right_logical3A_283 = arith.shrui %slice3A_280, %shift_right_logical3A_282 : vector<1024x512xi32>
    %slice3A_284 = vector.extract_strided_slice %and3A_279 {offsets = [0, 512], sizes = [1024, 512], strides = [1, 1]} : vector<1024x1024xi32> to vector<1024x512xi32>
    %or3A_285 = arith.ori %shift_right_logical3A_283, %slice3A_284 : vector<1024x512xi32>
    %bitcast_convert_type3A_286 = tpu.bitcast %or3A_285 : vector<1024x512xi32> -> vector<1024x512xf32>
    %swap3A_287 = arith.constant 2048 : index
    %swap3A_288 = arith.constant 0 : index
    %swap3A_289 = vector.load %arg8[%swap3A_287, %swap3A_288] : memref<4096x512xf32, #tpu.memory_space<vmem>>, vector<1024x512xf32>
    tpu.vector_store %arg8[%swap3A_287, %swap3A_288], %bitcast_convert_type3A_286 {strides = array<i32>} : memref<4096x512xf32, #tpu.memory_space<vmem>>, vector<1024x512xf32>,
    %get3A_290 = arith.constant 3072 : index
    %get3A_291 = arith.constant 0 : index
    %get3A_292 = vector.load %arg0[%get3A_290, %get3A_291] : memref<4096x1024xf32, #tpu.memory_space<vmem>>, vector<1024x1024xf32>
    %bitcast_convert_type3A_293 = tpu.bitcast %get3A_292 : vector<1024x1024xf32> -> vector<1024x1024xi32>
    %add3A_294 = arith.constant 32767 : i32
    %add3A_295 = vector.broadcast %add3A_294 : i32 to vector<1024x1024xi32>
    %add3A_296 = arith.addi %bitcast_convert_type3A_293, %add3A_295 : vector<1024x1024xi32>
    %shift_right_logical3A_297 = arith.constant 16 : i32
    %shift_right_logical3A_298 = vector.broadcast %shift_right_logical3A_297 : i32 to vector<1024x1024xi32>
    %shift_right_logical3A_299 = arith.shrui %bitcast_convert_type3A_293, %shift_right_logical3A_298 : vector<1024x1024xi32>
    %and3A_300 = arith.constant 1 : i32
    %and3A_301 = vector.broadcast %and3A_300 : i32 to vector<1024x1024xi32>
    %and3A_302 = arith.andi %shift_right_logical3A_299, %and3A_301 : vector<1024x1024xi32>
    %add3A_303 = arith.addi %add3A_296, %and3A_302 : vector<1024x1024xi32>
    %and3A_304 = arith.constant -65536 : i32
    %and3A_305 = vector.broadcast %and3A_304 : i32 to vector<1024x1024xi32>
    %and3A_306 = arith.andi %add3A_303, %and3A_305 : vector<1024x1024xi32>
    %slice3A_307 = vector.extract_strided_slice %and3A_306 {offsets = [0, 0], sizes = [1024, 512], strides = [1, 1]} : vector<1024x1024xi32> to vector<1024x512xi32>
    %shift_right_logical3A_308 = arith.constant 16 : i32
    %shift_right_logical3A_309 = vector.broadcast %shift_right_logical3A_308 : i32 to vector<1024x512xi32>
    %shift_right_logical3A_310 = arith.shrui %slice3A_307, %shift_right_logical3A_309 : vector<1024x512xi32>
    %slice3A_311 = vector.extract_strided_slice %and3A_306 {offsets = [0, 512], sizes = [1024, 512], strides = [1, 1]} : vector<1024x1024xi32> to vector<1024x512xi32>
    %or3A_312 = arith.ori %shift_right_logical3A_310, %slice3A_311 : vector<1024x512xi32>
    %bitcast_convert_type3A_313 = tpu.bitcast %or3A_312 : vector<1024x512xi32> -> vector<1024x512xf32>
    %swap3A_314 = arith.constant 3072 : index
    %swap3A_315 = arith.constant 0 : index
    %swap3A_316 = vector.load %arg8[%swap3A_314, %swap3A_315] : memref<4096x512xf32, #tpu.memory_space<vmem>>, vector<1024x512xf32>
    tpu.vector_store %arg8[%swap3A_314, %swap3A_315], %bitcast_convert_type3A_313 {strides = array<i32>} : memref<4096x512xf32, #tpu.memory_space<vmem>>, vector<1024x512xf32>,
    return
  }
}

module attributes {stable_mosaic.version = 14 : i64} {
  func.func @_expert_kernel(%arg0: i32, %arg1: memref<1024x512xf32, #tpu.memory_space<vmem>>, %arg2: memref<1x512x1024xf32, #tpu.memory_space<vmem>>, %arg3: memref<1x512x1024xf32, #tpu.memory_space<vmem>>, %arg4: memref<1x1x1024xf32, #tpu.memory_space<vmem>>, %arg5: memref<1024x1024xf32, #tpu.memory_space<vmem>>) attributes {dimension_semantics = [#tpu.dimension_semantics<arbitrary>], iteration_bounds = array<i64: 8>, scalar_prefetch = 0 : i64, scratch_operands = 0 : i64, tpu.core_type = #tpu.core_type<tc>, window_params = [{transform_indices = @transform_0, window_bounds = array<i64: 1024, 512>}, {transform_indices = @transform_1, window_bounds = array<i64: 1, 512, 1024>}, {transform_indices = @transform_2, window_bounds = array<i64: 1, 512, 1024>}, {transform_indices = @transform_3, window_bounds = array<i64: 1, 1, 1024>}, {transform_indices = @transform_4, window_bounds = array<i64: 1024, 1024>}]} {
    %get3A = arith.constant 0 : index
    %get3A_0 = arith.constant 0 : index
    %get3A_1 = vector.load %arg1[%get3A, %get3A_0] : memref<1024x512xf32, #tpu.memory_space<vmem>>, vector<1024x512xf32>
    %bitcast_convert_type3A = tpu.bitcast %get3A_1 : vector<1024x512xf32> -> vector<1024x512xi32>
    %shift_left3A = arith.constant 16 : i32
    %shift_left3A_2 = vector.broadcast %shift_left3A : i32 to vector<1024x512xi32>
    %shift_left3A_3 = arith.shli %bitcast_convert_type3A, %shift_left3A_2 : vector<1024x512xi32>
    %bitcast_convert_type3A_4 = tpu.bitcast %shift_left3A_3 : vector<1024x512xi32> -> vector<1024x512xf32>
    %convert_element_type3A = arith.truncf %bitcast_convert_type3A_4 : vector<1024x512xf32> to vector<1024x512xbf16>
    %and3A = arith.constant -65536 : i32
    %and3A_5 = vector.broadcast %and3A : i32 to vector<1024x512xi32>
    %and3A_6 = arith.andi %bitcast_convert_type3A, %and3A_5 : vector<1024x512xi32>
    %bitcast_convert_type3A_7 = tpu.bitcast %and3A_6 : vector<1024x512xi32> -> vector<1024x512xf32>
    %convert_element_type3A_8 = arith.truncf %bitcast_convert_type3A_7 : vector<1024x512xf32> to vector<1024x512xbf16>
    %get3A_9 = arith.constant 0 : index
    %get3A_10 = arith.constant 0 : index
    %get3A_11 = arith.constant 0 : index
    %get3A_12 = vector.load %arg2[%get3A_9, %get3A_10, %get3A_11] : memref<1x512x1024xf32, #tpu.memory_space<vmem>>, vector<1x512x1024xf32>
    %get3A_13 = vector.shape_cast %get3A_12 : vector<1x512x1024xf32> to vector<512x1024xf32>
    %convert_element_type3A_14 = arith.truncf %get3A_13 : vector<512x1024xf32> to vector<512x1024xbf16>
    %get3A_15 = arith.constant 0 : index
    %get3A_16 = arith.constant 0 : index
    %get3A_17 = arith.constant 0 : index
    %get3A_18 = vector.load %arg3[%get3A_15, %get3A_16, %get3A_17] : memref<1x512x1024xf32, #tpu.memory_space<vmem>>, vector<1x512x1024xf32>
    %get3A_19 = vector.shape_cast %get3A_18 : vector<1x512x1024xf32> to vector<512x1024xf32>
    %convert_element_type3A_20 = arith.truncf %get3A_19 : vector<512x1024xf32> to vector<512x1024xbf16>
    %dot_general3A = arith.constant dense<0.000000e+00> : vector<1024x1024xf32>
    %dot_general3A_21 = tpu.matmul %convert_element_type3A, %convert_element_type3A_14, %dot_general3A {dimension_numbers = #tpu.dot_dimension_numbers<[1], [0], [0], [1], [0, 0, 1, 1], [], []>, transpose_lhs_hint = false} : vector<1024x512xbf16>, vector<512x1024xbf16>, vector<1024x1024xf32> -> vector<1024x1024xf32>
    %dot_general3A_22 = arith.constant dense<0.000000e+00> : vector<1024x1024xf32>
    %dot_general3A_23 = tpu.matmul %convert_element_type3A_8, %convert_element_type3A_20, %dot_general3A_22 {dimension_numbers = #tpu.dot_dimension_numbers<[1], [0], [0], [1], [0, 0, 1, 1], [], []>, transpose_lhs_hint = false} : vector<1024x512xbf16>, vector<512x1024xbf16>, vector<1024x1024xf32> -> vector<1024x1024xf32>
    %add3A = arith.addf %dot_general3A_21, %dot_general3A_23 : vector<1024x1024xf32>
    %get3A_24 = arith.constant 0 : index
    %get3A_25 = arith.constant 0 : index
    %get3A_26 = arith.constant 0 : index
    %get3A_27 = vector.load %arg4[%get3A_24, %get3A_25, %get3A_26] : memref<1x1x1024xf32, #tpu.memory_space<vmem>>, vector<1x1x1024xf32>
    %get3A_28 = vector.shape_cast %get3A_27 : vector<1x1x1024xf32> to vector<1x1024xf32>
    %add3A_29 = vector.broadcast %get3A_28 : vector<1x1024xf32> to vector<1024x1024xf32>
    %add3A_30 = arith.addf %add3A, %add3A_29 : vector<1024x1024xf32>
    %swap3A = arith.constant 0 : index
    %swap3A_31 = arith.constant 0 : index
    %swap3A_32 = vector.load %arg5[%swap3A, %swap3A_31] : memref<1024x1024xf32, #tpu.memory_space<vmem>>, vector<1024x1024xf32>
    tpu.vector_store %arg5[%swap3A, %swap3A_31], %add3A_30 {strides = array<i32>} : memref<1024x1024xf32, #tpu.memory_space<vmem>>, vector<1024x1024xf32>,
    return
  }
  func.func @transform_0(%arg0: i32) -> (i32, i32) {
    %c0_i32 = arith.constant 0 : i32
    %c0_i32_0 = arith.constant 0 : i32
    return %arg0, %c0_i32 : i32, i32
  }
  func.func @transform_1(%arg0: i32) -> (i32, i32, i32) {
    %c0_i32 = arith.constant 0 : i32
    %c0_i32_0 = arith.constant 0 : i32
    %c0_i32_1 = arith.constant 0 : i32
    return %arg0, %c0_i32, %c0_i32_0 : i32, i32, i32
  }
  func.func @transform_2(%arg0: i32) -> (i32, i32, i32) {
    %c1_i32 = arith.constant 1 : i32
    %c0_i32 = arith.constant 0 : i32
    %c0_i32_0 = arith.constant 0 : i32
    return %arg0, %c1_i32, %c0_i32 : i32, i32, i32
  }
  func.func @transform_3(%arg0: i32) -> (i32, i32, i32) {
    %c0_i32 = arith.constant 0 : i32
    %c0_i32_0 = arith.constant 0 : i32
    %c0_i32_1 = arith.constant 0 : i32
    return %arg0, %c0_i32, %c0_i32_0 : i32, i32, i32
  }
  func.func @transform_4(%arg0: i32) -> (i32, i32) {
    %c0_i32 = arith.constant 0 : i32
    %c0_i32_0 = arith.constant 0 : i32
    return %arg0, %c0_i32 : i32, i32
  }
}

</mosaic_0001>

<sc_bundles>
// kernel: kernel.6.cloned.1.call-start
scs
__scs_entry_jumppad:
0x0: {  	(pc) =	sbr.rel $0x88, $3  }
0x1: {  	(tag) =	ssettag $0x0;
	lr =	simm.s32 $0x1  }
0x2: {  	[smem:$0x3F9D] =	sst lr;
	_ =	strace $0xD0000000  }
0x3: {  	_ = 	snop  }
0x4: {  	_ = 	snop  }
0x5: {  	_ = 	snop  }
0x6: {  	_ = 	snop  }
0x7: {  	_ = 	snop  }
__scs_overlays_trampoline_lowered:
0x8: {  	[smem:$0x3FAC] =	sst s0  }
0x9: {  	[smem:$0x3FAD] =	sst s1  }
0xa: {  	[smem:$0x3FAE] =	sst s2  }
0xb: {  	[smem:$0x3FAF] =	sst s3  }
0xc: {  	[smem:$0x3FB0] =	sst s4  }
0xd: {  	[smem:$0x3FB1] =	sst s5  }
0xe: {  	[smem:$0x3FB2] =	sst s6  }
0xf: {  	[smem:$0x3FB3] =	sst s7  }
0x10: {  	[smem:$0x3FB4] =	sst s8  }
0x11: {  	[smem:$0x3FB5] =	sst s9;
	s0 =	simm.s32 @!p0 $0x0  }
0x12: {  	s1 =	sld [smem:$0x3F9B];
	s0 =	simm.s32 @p0 $0x1  }
0x13: {  	[smem:$0x3FB6] =	sst s0;
	s0 =	simm.s32 @!p1 $0x0  }
0x14: {  	s2 =	sld [smem:$0x3F9A];
	s0 =	simm.s32 @p1 $0x1  }
0x15: {  	[smem:$0x3FB7] =	sst s0;
	s0 =	simm.s32 @!p2 $0x0  }
0x16: {  	s3 =	sld [smem:$0x3FDB];
	s0 =	simm.s32 @p2 $0x1  }
0x17: {  	s4 =	simm.s32 $0x1BF5;
	[smem:$0x3FB9] =	sst s0  }
0x18: {  	s0 =	sld [smem:$0x3F9C];
	_ =	swait.ge [sflag:s4], $0x0  }
0x19: {  	s7 =	sld [smem:$0x3F9D]  }
0x1a: {  	s8 =	sadd.s32 $0xFFFFE003, lr  }
0x1b: {  	s9 =	sadd.s32 $0xFFFFFEF7, lr;
	s5 =	simm.s32 $0xFFFFFFFF;
	p2 =	slt.u32 s8, $0xFFFFF086  }
0x1c: {  	p1 =	slt.u32 s9, $0xF7A;
	s5 =	simm.s32 @!p2 $0x0  }
0x1d: {  	s5 =	simm.s32 @p1 $0x1;
	p0 =	seq.s32 s7, s2  }
0x1e: {  	s7 =	smul.u32 @!p0 $0xF7A, s2;
	p2 =	seq.s32 @!p0 s5, $0x0  }
0x1f: {  	s9 =	smul.u32 $0xF7A, s1;
	s8 =	simm.s32 @!p0 $0x1BF5;
	p2 =	por !p2, p0  }
0x20: {  	[sflag:s8] =	ssyncset.s32 @!p0 $0xFFFFF086;
	s6 =	sadd.s32 @!p0 s3, s7;
	s7 =	simm.s32 @!p0 $0x108  }
0x21: {  	s3 =	sadd.s32 s3, s9;
	s6 =	sadd.s32 @!p0 $0x88, s6;
	s7 =	simm.s32 @p2 $0x1082  }
0x22: {  	[simem:s7], [sflag:s8] =	dma.local @!p0 [hbm:s6], $0xF7A  }
0x23: {  	s9 =	sor.u32 $0xD0000000, s2;
	s6 =	simm.s32 $0x108;
	_ =	swait.ge @!p0 [sflag:s8], $0x0  }
0x24: {  	s3 =	sadd.s32 $0x88, s3;
	s6 =	simm.s32 @!p1 $0x1082;
	[sflag:s4] =	ssyncset.s32 $0xFFFFF086  }
0x25: {  	[simem:s6], [sflag:s4] =	dma.local [hbm:s3], $0xF7A  }
0x26: {  	[smem:$0x3F9D] =	sst s1;
	(tag) =	ssettag s2;
	_ =	strace s9  }
0x27: {  	s1 =	sld [smem:$0x3FAD]  }
0x28: {  	s2 =	sld [smem:$0x3FAE]  }
0x29: {  	s4 =	sld [smem:$0x3FB0]  }
0x2a: {  	p0 =	seq.s32 s5, $0x0;
	s5 =	sld [smem:$0x3FB1]  }
0x2b: {  	s6 =	sld [smem:$0x3FB2]  }
0x2c: {  	s7 =	sld [smem:$0x3FB3]  }
0x2d: {  	s3 =	simm.s32 $0x108;
	s8 =	sld [smem:$0x3FB4]  }
0x2e: {  	s3 =	simm.s32 @!p0 $0x1082;
	s9 =	sld [smem:$0x3FB5]  }
0x2f: {  	lr =	sadd.s32 s0, s3;
	s0 =	sld [smem:$0x3FAC]  }
0x30: {  	s3 =	sld [smem:$0x3FAF]  }
0x31: {  	[smem:$0x3FB8] =	sst s10  }
0x32: {  	s10 =	sld [smem:$0x3FB6];
	_ =	sdelay $0x3  }
0x33: {  	p0 =	seq.s32 s10, $0x1;
	s10 =	sld [smem:$0x3FB8];
	_ =	sdelay $0x3  }
0x34: {  	[smem:$0x3FB8] =	sst s10  }
0x35: {  	s10 =	sld [smem:$0x3FB7];
	_ =	sdelay $0x3  }
0x36: {  	p1 =	seq.s32 s10, $0x1;
	s10 =	sld [smem:$0x3FB8];
	_ =	sdelay $0x3  }
0x37: {  	[smem:$0x3FB8] =	sst s10  }
0x38: {  	s10 =	sld [smem:$0x3FB9]  }
0x39: {  	_ = 	snop;
	(pc) =	sbr.ind lr, $3  }
0x3a: {  	_ = 	snop  }
0x3b: {  	_ = 	snop  }
0x3c: {  	p2 =	seq.s32 s10, $0x1;
	s10 =	sld [smem:$0x3FB8]  }
0x3d: {  	_ =	shalt  }
0x3e: {  	_ =	shalt  }
0x3f: {  	_ =	shalt  }
0x40: {  	_ =	shalt  }
0x41: {  	_ =	shalt  }
0x42: {  	_ =	shalt  }
0x43: {  	_ =	shalt  }
0x44: {  	_ =	shalt  }
0x45: {  	_ =	shalt  }
0x46: {  	_ =	shalt  }
0x47: {  	_ =	shalt  }
0x48: {  	_ =	shalt  }
0x49: {  	_ =	shalt  }
0x4a: {  	_ =	shalt  }
0x4b: {  	_ =	shalt  }
0x4c: {  	_ =	shalt  }
0x4d: {  	_ =	shalt  }
0x4e: {  	_ =	shalt  }
0x4f: {  	_ =	shalt  }
0x50: {  	_ =	shalt  }
0x51: {  	_ =	shalt  }
0x52: {  	_ =	shalt  }
0x53: {  	_ =	shalt  }
0x54: {  	_ =	shalt  }
0x55: {  	_ =	shalt  }
0x56: {  	_ =	shalt  }
0x57: {  	_ =	shalt  }
0x58: {  	_ =	shalt  }
0x59: {  	_ =	shalt  }
0x5a: {  	_ =	shalt  }
0x5b: {  	_ =	shalt  }
0x5c: {  	_ =	shalt  }
0x5d: {  	_ =	shalt  }
0x5e: {  	_ =	shalt  }
0x5f: {  	_ =	shalt  }
0x60: {  	_ =	shalt  }
0x61: {  	_ =	shalt  }
0x62: {  	_ =	shalt  }
0x63: {  	_ =	shalt  }
0x64: {  	_ =	shalt  }
0x65: {  	_ =	shalt  }
0x66: {  	_ =	shalt  }
0x67: {  	_ =	shalt  }
0x68: {  	_ =	shalt  }
0x69: {  	_ =	shalt  }
0x6a: {  	_ =	shalt  }
0x6b: {  	_ =	shalt  }
0x6c: {  	_ =	shalt  }
0x6d: {  	_ =	shalt  }
0x6e: {  	_ =	shalt  }
0x6f: {  	_ =	shalt  }
0x70: {  	_ =	shalt  }
0x71: {  	_ =	shalt  }
0x72: {  	_ =	shalt  }
0x73: {  	_ =	shalt  }
0x74: {  	_ =	shalt  }
0x75: {  	_ =	shalt  }
0x76: {  	_ =	shalt  }
0x77: {  	_ =	shalt  }
0x78: {  	_ =	shalt  }
0x79: {  	_ =	shalt  }
0x7a: {  	_ =	shalt  }
0x7b: {  	_ =	shalt  }
0x7c: {  	_ =	shalt  }
0x7d: {  	_ =	shalt  }
0x7e: {  	_ =	shalt  }
0x7f: {  	_ =	shalt  }
0x80: {  	_ =	shalt  }
0x81: {  	_ =	shalt  }
0x82: {  	_ =	shalt  }
0x83: {  	_ =	shalt  }
0x84: {  	_ =	shalt  }
0x85: {  	_ =	shalt  }
0x86: {  	_ =	shalt  }
0x87: {  	_ =	shalt  }
.Lfunc_end0:
.L_simem_size_0:
called_computation_lowered:
.L_overlay_start_0:
0x88: {  	s2 =	sld [smem:$0x3FD9]  }
0x89: {  	s3 =	sld [smem:$0x3FFE];
	_ =	sdelay $0x1  }
0x8a: {  	s1 =	srdreg.scid  }
0x8b: {  	s0 =	sand.u32 $0x1, s1  }
0x8c: {  	s14 =	sshll.u32 s0, $0xA;
	s2 =	sadd.s32 s3, s2  }
0x8d: {  	s2 =	sadd.s32 s2, s14  }
0x8e: {  	[smem:$0x3FC4] =	sst s2  }
0x8f: {  	_ = 	snop  }
0x90: {  	s2 =	sld [smem:$0x3FD0];
	_ =	sdelay $0x2  }
0x91: {  	s15 =	simm.s32 $0xA;
	s4 =	simm.s32 $0x10  }
0x92: {  	[smem:s4], [sflag:s15] =	dma.local [hbm:s2], $0x1  }
0x93: {  	_ =	swait.eq [sflag:s15], $0x1  }
0x94: {  	[sflag:s15] =	ssyncset.done $0x0  }
0x95: {  	[sflag:s15] =	ssyncadd.s32 $0xFFFFFFFF  }
0x96: {  	s16 =	sld [smem:$0x10];
	(tm) =	ssettm $0x1  }
0x97: {  	s17 =	sld [smem:$0x3FFB];
	_ =	sdelay $0x3  }
0x98: {  	_ =	strace s17  }
0x99: {  	s3 =	sld [smem:$0x3FFC];
	_ =	sdelay $0x3  }
0x9a: {  	_ =	strace s3  }
0x9b: {  	s3 =	sld [smem:$0x3FFD];
	_ =	sdelay $0x3  }
0x9c: {  	_ =	strace s3  }
0x9d: {  	_ =	strace $0x8FFFFFFF  }
0x9e: {  	s18 =	sld [smem:$0x3FDB];
	_ =	sdelay $0x1  }
0x9f: {  	s19 =	simm.s32 $_scs_section_size  }
0xa0: {  	s5 =	simm.s32 $_size__tile_overlayer_lowered;
	s6 =	simm.s32 $_tile_overlayer_lowered  }
0xa1: {  	s22 =	simm.s32 $0x1BFF;
	s21 =	sshll.u32 s6, $0x1;
	s3 =	sadd.s32 s19, s18  }
0xa2: {  	s7 =	simm.s32 $0x0;
	s20 =	sshll.u32 s5, $0x1;
	s5 =	sadd.s32 s21, s3  }
0xa3: {  	[timem:s7], [sflag:s22] =	dma.local [hbm:s5], s20  }
0xa4: {  	_ =	swait.ge [sflag:s22], s20  }
0xa5: {  	s4 =	ssub.s32 $0x0, s20;
	[sflag:s22] =	ssyncset.done $0x0  }
0xa6: {  	[sflag:s22] =	ssyncadd.s32 s4;
	_ =	sdelay $0x1  }
0xa7: {  	s23 =	simm.s32 $0x1B8B  }
0xa8: {  	_ =	swait.ge [sflag:s23], $0x1  }
0xa9: {  	[sflag:s23] =	ssyncset.done $0x0  }
0xaa: {  	s25 =	simm.s32 $0x1B8E;
	s24 =	sld [smem:$0x3FFE];
	[sflag:s23] =	ssyncadd.s32 $0xFFFFFFFF  }
0xab: {  	s26 =	simm.s32 $execute0_lowered;
	[smem:$0x3FD2] =	sst s25  }
0xac: {  	s5 =	sshll.u32 s26, $0x1;
	_ =	strace $0x80000046;
	[dreg:$0x1] =	wrdreg $0xFFFFFFFF  }
0xad: {  	s28 =	simm.s32 $_size_execute0_lowered;
	s3 =	sadd.s32 s3, s5;
	[dreg:$0x0] =	wrdreg $0x0  }
0xae: {  	s5 =	sshll.u32 s28, $0x1;
	[dreg:$0x2] =	wrdreg s3  }
0xaf: {  	[dreg:$0x3] =	wrdreg s5  }
0xb0: {  	[dreg:$0x4] =	wrdreg $0xC0  }
0xb1: {  	_ =	task [dreg:s7], $0x5FFFF  }
0xb2: {  	[dreg:$0x1] =	wrdreg $0xFFFFFFFF  }
0xb3: {  	[dreg:$0x0] =	wrdreg $0x60  }
0xb4: {  	[dreg:$0x2] =	wrdreg s16  }
0xb5: {  	[dreg:$0x3] =	wrdreg s24  }
0xb6: {  	[dreg:$0x4] =	wrdreg $0x9  }
0xb7: {  	_ =	task.clear_ibuf [dreg:s7], $0x5FFFF;
	_ =	strace $0x90000046  }
0xb8: {  	s29 =	simm.s32 $0x9;
	_ =	strace $0x80000048  }
0xb9: {  	_ =	swait.ge [sflag:s29], $0x1  }
0xba: {  	[sflag:s29] =	ssyncadd.s32 $0xFFFFFFFF  }
0xbb: {  	_ =	strace $0x90000048  }
0xbc: {  	_ =	sfence  }
0xbd: {  	s30 =	sld [smem:$0x0];
	_ =	sdelay $0x2  }
0xbe: {  	s31 =	sshll.u32 s1, $0xD;
	s1 =	sshrl.u32 s1, $0x2  }
0xbf: {  	s3 =	sand.u32 $0x4000, s31;
	s1 =	sadd.s32 s1, s30  }
0xc0: {  	s0 =	sor.u32 s3, s0;
	s1 =	sshll.u32 s1, $0x11  }
0xc1: {  	s0 =	sor.u32 s1, s0  }
0xc2: {  	s0 =	sadd.s32 $0x8F2B, s0  }
0xc3: {  	[sflag:s0] =	ssyncadd.remote.s32 $0x1  }
0xc4: {  	_ =	sfence.sel $0xFFFF  }
0xc5: {  	[dreg:$0x0] =	wrdreg $0xFFFFFFFF;
	(pc) =	sbr.abs _section_cstart, $3  }
0xc6: {  	[dreg:$0x1] =	wrdreg $0xFFFFFFFF  }
0xc7: {  	_ =	task.clear_ibuf [dreg:s7], $0x2FFFF;
	_ =	strace $0x9FFFFFFF  }
0xc8: {  	(tm) =	ssettm $0x7FFFFFFF  }
0xc9: {  	_ =	shalt  }
tec
execute0_lowered:
.L_overlay_start_1:
0x0: {  	(tag) =	ssettag $0x1  }
0x1: {  	s1 =	srdreg.scid  }
0x2: {  	s0 =	stileid.u32;
	s3 =	rddreg [dreg:$0x0]  }
0x3: {  	s5 =	rddreg [dreg:$0x1];
	s9 =	simm.s32 $0x5;
	s10 =	simm.s32 $0x8080  }
0x4: {  	s11 =	simm.s32 $0x800;
	s12 =	simm.s32 $0x1000;
	s13 =	simm.s32 $0x1800  }
0x5: {  	s14 =	simm.s32 $0x2000;
	s15 =	simm.s32 $0x2800;
	s1 =	sand.u32 $0x1, s1  }
0x6: {  	s16 =	simm.s32 $0x3000;
	s2 =	sshll.u32 s0, $0x8;
	s4 =	sshll.u32 s1, $0x7  }
0x7: {  	s17 =	simm.s32 $0x3800;
	s18 =	simm.s32 $0x8100;
	s4 =	sor.u32 s4, s2  }
0x8: {  	s28 =	simm.s32 $0x7800;
	s29 =	simm.s32 $0x1;
	s6 =	sshrl.u32 s4, $0x2  }
0x9: {  	s30 =	simm.s32 $0x2;
	s2 =	simm.s32 $0x0;
	s6 =	sadd.s32 s6, s5  }
0xa: {  	s31 =	simm.s32 $0x3;
	[smem:$0x7FF] =	sst s2;
	s7 =	sadd.s32 $0x1800, s6  }
0xb: {  	_ =	strace $0x80000047;
	s19 =	sadd.s32 $0x1810, s6;
	[dreg:$0x3] =	wrdreg s7  }
0xc: {  	s4 =	sshll.u32 s4, $0x6;
	s20 =	sadd.s32 $0x1804, s6;
	[dreg:$0x4] =	wrdreg s19  }
0xd: {  	s3 =	sadd.s32 s3, s4;
	s21 =	sadd.s32 $0x1814, s6;
	[dreg:$0x5] =	wrdreg s20  }
0xe: {  	s1 =	ssub.s32 $0x2, s1;
	s22 =	sadd.s32 $0x800, s3;
	[dreg:$0x6] =	wrdreg s21  }
0xf: {  	s8 =	sshrl.u32 s1, $0x1;
	s23 =	sadd.s32 $0x1808, s6;
	[dreg:$0x7] =	wrdreg s22  }
0x10: {  	s1 =	ssub.s32 s1, s8;
	s24 =	sadd.s32 $0x1818, s6;
	[dreg:$0x8] =	wrdreg s23  }
0x11: {  	s8 =	simm.s32 $0x8000;
	s25 =	sadd.s32 $0x1000, s3;
	[dreg:$0x9] =	wrdreg s24  }
0x12: {  	s4 =	sadd.s32 $0x22000, s5;
	s26 =	sadd.s32 $0x180C, s6;
	[dreg:$0xa] =	wrdreg s25  }
0x13: {  	s5 =	sadd.s32 $0x22100, s5;
	s6 =	sadd.s32 $0x181C, s6;
	[dreg:$0xb] =	wrdreg s26  }
0x14: {  	[dreg:$0xc] =	wrdreg s6;
	s6 =	sadd.s32 $0x1800, s3;
	s7 =	smax.u32 s1, $0x1  }
0x15: {  	v2 =	vlaneseq.u32;
	s19 =	simm.s32 $0x8180;
	s20 =	simm.s32 $0x4000;
	s21 =	simm.s32 $0x4800  }
0x16: {  	vm0 =	vmmov $0xffff;
	v1 =	vshrl.u32 v2, $0x3;
	s22 =	simm.s32 $0x5000;
	s23 =	simm.s32 $0x5800;
	s24 =	simm.s32 $0x6000  }
0x17: {  	v0 =	vand.u32 $0x7, v2;
	v2 =	vor.u32 $0x8, v2;
	v1 =	vmul.u32 $0x8, v1;
	s25 =	simm.s32 $0x6800;
	s26 =	simm.s32 $0x7000;
	s1 =	simm.s32 $0x4  }
.LBB2_1:
0x18: {  	s0 =	rddreg [dreg:$0x3]  }
0x19: {  	[tilespmem:s8], [sflag:$0x5] =	stream.linear.gather [hbm4b:s0+s2], $0x20, $0x38;
	[tilespmem:$0x8200] =	vst v63  }
0x1a: {  	_ =	swait.ge [sflag:s9], $0x20  }
0x1b: {  	[sflag:s9] =	ssyncset.done $0x0  }
0x1c: {  	s0 =	rddreg [dreg:$0x4];
	[sflag:s9] =	ssyncadd.s32 $0xFFFFFFE0  }
0x1d: {  	[tilespmem:s10], [sflag:$0x5] =	stream.linear.gather [hbm4b:s0+s2], $0x20, $0x38;
	[tilespmem:$0x8200] =	vst v63  }
0x1e: {  	_ =	swait.ge [sflag:s9], $0x20  }
0x1f: {  	[sflag:s9] =	ssyncset.done $0x0  }
0x20: {  	[sflag:s9] =	ssyncadd.s32 $0xFFFFFFE0  }
0x21: {  	[tilespmem:s2], [sflag:$0x5] =	stream.linear.gather [hbm4b:s3+s2], $0x4000, $0x38;
	[tilespmem:$0x8200] =	vst v63  }
0x22: {  	_ =	swait.ge [sflag:s9], $0x4000  }
0x23: {  	[sflag:s9] =	ssyncset.done $0x0  }
0x24: {  	[sflag:s9] =	ssyncadd.s32 $0xFFFFC000  }
0x25: {  	v3 =	vld [tilespmem:$0x8000];
	_ =	sdelay $0x4  }
0x26: {  	v4 =	vshll.u32 v3, $0x2  }
0x27: {  	v3 =	vand.u32 $0x7, v3;
	v4 =	vand.u32 $0xFFFFFFE0, v4  }
0x28: {  	v3 =	vor.u32 v3, v4  }
0x29: {  	v4 =	vperm.xlane v3, v0;
	_ =	sdelay $0x1  }
0x2a: {  	v4 =	vadd.s32 v1, v4;
	_ =	sdelay $0x1  }
0x2b: {  	v3 =	vperm.xlane v3, v2;
	_ =	sdelay $0x1  }
0x2c: {  	v3 =	vadd.s32 v1, v3  }
0x2d: {  	[hbm4b:s4+s2] =	stream.indirect_vreg.scatter [tilespmem:s2], [sflag:$0x1], $0x80, v4, vm0, $0xb8;
	[tilespmem:$0x8200] =	vst v63  }
0x2e: {  	_ = 	snop  }
0x2f: {  	[hbm4b:s5+s2] =	stream.indirect_vreg.scatter [tilespmem:s11], [sflag:$0x1], $0x80, v4, vm0, $0xb8;
	[tilespmem:$0x8200] =	vst v63  }
0x30: {  	_ = 	snop  }
0x31: {  	[hbm4b:s4+s2] =	stream.indirect_vreg.scatter [tilespmem:s12], [sflag:$0x1], $0x80, v3, vm0, $0xb8;
	[tilespmem:$0x8200] =	vst v63  }
0x32: {  	_ = 	snop  }
0x33: {  	[hbm4b:s5+s2] =	stream.indirect_vreg.scatter [tilespmem:s13], [sflag:$0x1], $0x80, v3, vm0, $0xb8;
	[tilespmem:$0x8200] =	vst v63  }
0x34: {  	v3 =	vld [tilespmem:$0x8010];
	_ =	sdelay $0x4  }
0x35: {  	v49 =	vshll.u32 v3, $0x2  }
0x36: {  	v3 =	vand.u32 $0x7, v3;
	v4 =	vand.u32 $0xFFFFFFE0, v49  }
0x37: {  	v3 =	vor.u32 v3, v4  }
0x38: {  	v4 =	vperm.xlane v3, v0;
	_ =	sdelay $0x1  }
0x39: {  	v4 =	vadd.s32 v1, v4;
	_ =	sdelay $0x1  }
0x3a: {  	v3 =	vperm.xlane v3, v2;
	_ =	sdelay $0x1  }
0x3b: {  	v3 =	vadd.s32 v1, v3  }
0x3c: {  	[hbm4b:s4+s2] =	stream.indirect_vreg.scatter [tilespmem:s14], [sflag:$0x1], $0x80, v4, vm0, $0xb8;
	[tilespmem:$0x8200] =	vst v63  }
0x3d: {  	_ = 	snop  }
0x3e: {  	[hbm4b:s5+s2] =	stream.indirect_vreg.scatter [tilespmem:s15], [sflag:$0x1], $0x80, v4, vm0, $0xb8;
	[tilespmem:$0x8200] =	vst v63  }
0x3f: {  	_ = 	snop  }
0x40: {  	[hbm4b:s4+s2] =	stream.indirect_vreg.scatter [tilespmem:s16], [sflag:$0x1], $0x80, v3, vm0, $0xb8;
	[tilespmem:$0x8200] =	vst v63  }
0x41: {  	_ = 	snop  }
0x42: {  	[hbm4b:s5+s2] =	stream.indirect_vreg.scatter [tilespmem:s17], [sflag:$0x1], $0x80, v3, vm0, $0xb8;
	[tilespmem:$0x8200] =	vst v63  }
0x43: {  	v3 =	vld [tilespmem:$0x8080];
	_ =	sdelay $0x4  }
0x44: {  	v50 =	vshll.u32 v3, $0x2  }
0x45: {  	v3 =	vand.u32 $0x7, v3;
	v4 =	vand.u32 $0xFFFFFFE0, v50  }
0x46: {  	v3 =	vor.u32 v3, v4  }
0x47: {  	v4 =	vperm.xlane v3, v0;
	_ =	sdelay $0x1  }
0x48: {  	v4 =	vadd.s32 v1, v4;
	_ =	sdelay $0x1  }
0x49: {  	v3 =	vperm.xlane v3, v2;
	_ =	sdelay $0x1  }
0x4a: {  	v3 =	vadd.s32 v1, v3  }
0x4b: {  	[hbm4b:s4+s2] =	stream.indirect_vreg.scatter [tilespmem:s2], [sflag:$0x2], $0x80, v4, vm0, $0xb8;
	[tilespmem:$0x8200] =	vst v63  }
0x4c: {  	_ = 	snop  }
0x4d: {  	[hbm4b:s5+s2] =	stream.indirect_vreg.scatter [tilespmem:s11], [sflag:$0x2], $0x80, v4, vm0, $0xb8;
	[tilespmem:$0x8200] =	vst v63  }
0x4e: {  	_ = 	snop  }
0x4f: {  	[hbm4b:s4+s2] =	stream.indirect_vreg.scatter [tilespmem:s12], [sflag:$0x2], $0x80, v3, vm0, $0xb8;
	[tilespmem:$0x8200] =	vst v63  }
0x50: {  	_ = 	snop  }
0x51: {  	[hbm4b:s5+s2] =	stream.indirect_vreg.scatter [tilespmem:s13], [sflag:$0x2], $0x80, v3, vm0, $0xb8;
	[tilespmem:$0x8200] =	vst v63  }
0x52: {  	v3 =	vld [tilespmem:$0x8090];
	_ =	sdelay $0x4  }
0x53: {  	v51 =	vshll.u32 v3, $0x2  }
0x54: {  	v3 =	vand.u32 $0x7, v3;
	v4 =	vand.u32 $0xFFFFFFE0, v51  }
0x55: {  	v3 =	vor.u32 v3, v4  }
0x56: {  	v4 =	vperm.xlane v3, v0;
	_ =	sdelay $0x1  }
0x57: {  	v4 =	vadd.s32 v1, v4;
	_ =	sdelay $0x1  }
0x58: {  	v3 =	vperm.xlane v3, v2;
	_ =	sdelay $0x1  }
0x59: {  	v3 =	vadd.s32 v1, v3  }
0x5a: {  	[hbm4b:s4+s2] =	stream.indirect_vreg.scatter [tilespmem:s14], [sflag:$0x2], $0x80, v4, vm0, $0xb8;
	[tilespmem:$0x8200] =	vst v63  }
0x5b: {  	_ = 	snop  }
0x5c: {  	[hbm4b:s5+s2] =	stream.indirect_vreg.scatter [tilespmem:s15], [sflag:$0x2], $0x80, v4, vm0, $0xb8;
	[tilespmem:$0x8200] =	vst v63  }
0x5d: {  	_ = 	snop  }
0x5e: {  	[hbm4b:s4+s2] =	stream.indirect_vreg.scatter [tilespmem:s16], [sflag:$0x2], $0x80, v3, vm0, $0xb8;
	[tilespmem:$0x8200] =	vst v63  }
0x5f: {  	_ = 	snop  }
0x60: {  	[hbm4b:s5+s2] =	stream.indirect_vreg.scatter [tilespmem:s17], [sflag:$0x2], $0x80, v3, vm0, $0xb8;
	[tilespmem:$0x8200] =	vst v63  }
0x61: {  	s0 =	rddreg [dreg:$0x5]  }
0x62: {  	[tilespmem:s18], [sflag:$0x5] =	stream.linear.gather [hbm4b:s0+s2], $0x20, $0x38;
	[tilespmem:$0x8200] =	vst v63  }
0x63: {  	_ =	swait.ge [sflag:s9], $0x20  }
0x64: {  	[sflag:s9] =	ssyncset.done $0x0  }
0x65: {  	s0 =	rddreg [dreg:$0x6];
	[sflag:s9] =	ssyncadd.s32 $0xFFFFFFE0  }
0x66: {  	[tilespmem:s19], [sflag:$0x5] =	stream.linear.gather [hbm4b:s0+s2], $0x20, $0x38;
	[tilespmem:$0x8200] =	vst v63  }
0x67: {  	_ =	swait.ge [sflag:s9], $0x20  }
0x68: {  	[sflag:s9] =	ssyncset.done $0x0  }
0x69: {  	s0 =	rddreg [dreg:$0x7];
	[sflag:s9] =	ssyncadd.s32 $0xFFFFFFE0  }
0x6a: {  	[tilespmem:s20], [sflag:$0x5] =	stream.linear.gather [hbm4b:s0+s2], $0x4000, $0x38;
	[tilespmem:$0x8200] =	vst v63  }
0x6b: {  	_ =	swait.ge [sflag:s9], $0x4000  }
0x6c: {  	[sflag:s9] =	ssyncset.done $0x0  }
0x6d: {  	[sflag:s9] =	ssyncadd.s32 $0xFFFFC000  }
0x6e: {  	v3 =	vld [tilespmem:$0x8100];
	_ =	sdelay $0x4  }
0x6f: {  	v52 =	vshll.u32 v3, $0x2  }
0x70: {  	v3 =	vand.u32 $0x7, v3;
	v4 =	vand.u32 $0xFFFFFFE0, v52  }
0x71: {  	v3 =	vor.u32 v3, v4  }
0x72: {  	v4 =	vperm.xlane v3, v0;
	_ =	sdelay $0x1  }
0x73: {  	v4 =	vadd.s32 v1, v4;
	_ =	sdelay $0x1  }
0x74: {  	v3 =	vperm.xlane v3, v2;
	_ =	sdelay $0x1  }
0x75: {  	v3 =	vadd.s32 v1, v3  }
0x76: {  	[hbm4b:s4+s2] =	stream.indirect_vreg.scatter [tilespmem:s20], [sflag:$0x3], $0x80, v4, vm0, $0xb8;
	[tilespmem:$0x8200] =	vst v63  }
0x77: {  	_ = 	snop  }
0x78: {  	[hbm4b:s5+s2] =	stream.indirect_vreg.scatter [tilespmem:s21], [sflag:$0x3], $0x80, v4, vm0, $0xb8;
	[tilespmem:$0x8200] =	vst v63  }
0x79: {  	_ = 	snop  }
0x7a: {  	[hbm4b:s4+s2] =	stream.indirect_vreg.scatter [tilespmem:s22], [sflag:$0x3], $0x80, v3, vm0, $0xb8;
	[tilespmem:$0x8200] =	vst v63  }
0x7b: {  	_ = 	snop  }
0x7c: {  	[hbm4b:s5+s2] =	stream.indirect_vreg.scatter [tilespmem:s23], [sflag:$0x3], $0x80, v3, vm0, $0xb8;
	[tilespmem:$0x8200] =	vst v63  }
0x7d: {  	v3 =	vld [tilespmem:$0x8110];
	_ =	sdelay $0x4  }
0x7e: {  	v53 =	vshll.u32 v3, $0x2  }
0x7f: {  	v3 =	vand.u32 $0x7, v3;
	v4 =	vand.u32 $0xFFFFFFE0, v53  }
0x80: {  	v3 =	vor.u32 v3, v4  }
0x81: {  	v4 =	vperm.xlane v3, v0;
	_ =	sdelay $0x1  }
0x82: {  	v4 =	vadd.s32 v1, v4;
	_ =	sdelay $0x1  }
0x83: {  	v3 =	vperm.xlane v3, v2;
	_ =	sdelay $0x1  }
0x84: {  	v3 =	vadd.s32 v1, v3  }
0x85: {  	[hbm4b:s4+s2] =	stream.indirect_vreg.scatter [tilespmem:s24], [sflag:$0x3], $0x80, v4, vm0, $0xb8;
	[tilespmem:$0x8200] =	vst v63  }
0x86: {  	_ = 	snop  }
0x87: {  	[hbm4b:s5+s2] =	stream.indirect_vreg.scatter [tilespmem:s25], [sflag:$0x3], $0x80, v4, vm0, $0xb8;
	[tilespmem:$0x8200] =	vst v63  }
0x88: {  	_ = 	snop  }
0x89: {  	[hbm4b:s4+s2] =	stream.indirect_vreg.scatter [tilespmem:s26], [sflag:$0x3], $0x80, v3, vm0, $0xb8;
	[tilespmem:$0x8200] =	vst v63  }
0x8a: {  	_ = 	snop  }
0x8b: {  	[hbm4b:s5+s2] =	stream.indirect_vreg.scatter [tilespmem:s28], [sflag:$0x3], $0x80, v3, vm0, $0xb8;
	[tilespmem:$0x8200] =	vst v63  }
0x8c: {  	v3 =	vld [tilespmem:$0x8180];
	_ =	sdelay $0x4  }
0x8d: {  	v54 =	vshll.u32 v3, $0x2  }
0x8e: {  	v3 =	vand.u32 $0x7, v3;
	v4 =	vand.u32 $0xFFFFFFE0, v54  }
0x8f: {  	v3 =	vor.u32 v3, v4  }
0x90: {  	v4 =	vperm.xlane v3, v0;
	_ =	sdelay $0x1  }
0x91: {  	v4 =	vadd.s32 v1, v4;
	_ =	sdelay $0x1  }
0x92: {  	v3 =	vperm.xlane v3, v2;
	_ =	sdelay $0x1  }
0x93: {  	v3 =	vadd.s32 v1, v3  }
0x94: {  	[hbm4b:s4+s2] =	stream.indirect_vreg.scatter [tilespmem:s20], [sflag:$0x4], $0x80, v4, vm0, $0xb8;
	[tilespmem:$0x8200] =	vst v63  }
0x95: {  	_ = 	snop  }
0x96: {  	[hbm4b:s5+s2] =	stream.indirect_vreg.scatter [tilespmem:s21], [sflag:$0x4], $0x80, v4, vm0, $0xb8;
	[tilespmem:$0x8200] =	vst v63  }
0x97: {  	_ = 	snop  }
0x98: {  	[hbm4b:s4+s2] =	stream.indirect_vreg.scatter [tilespmem:s22], [sflag:$0x4], $0x80, v3, vm0, $0xb8;
	[tilespmem:$0x8200] =	vst v63  }
0x99: {  	_ = 	snop  }
0x9a: {  	[hbm4b:s5+s2] =	stream.indirect_vreg.scatter [tilespmem:s23], [sflag:$0x4], $0x80, v3, vm0, $0xb8;
	[tilespmem:$0x8200] =	vst v63  }
0x9b: {  	v3 =	vld [tilespmem:$0x8190];
	_ =	sdelay $0x4  }
0x9c: {  	v55 =	vshll.u32 v3, $0x2  }
0x9d: {  	v3 =	vand.u32 $0x7, v3;
	v4 =	vand.u32 $0xFFFFFFE0, v55  }
0x9e: {  	v3 =	vor.u32 v3, v4  }
0x9f: {  	v4 =	vperm.xlane v3, v0;
	_ =	sdelay $0x1  }
0xa0: {  	v4 =	vadd.s32 v1, v4;
	_ =	sdelay $0x1  }
0xa1: {  	v3 =	vperm.xlane v3, v2;
	_ =	sdelay $0x1  }
0xa2: {  	v3 =	vadd.s32 v1, v3  }
0xa3: {  	[hbm4b:s4+s2] =	stream.indirect_vreg.scatter [tilespmem:s24], [sflag:$0x4], $0x80, v4, vm0, $0xb8;
	[tilespmem:$0x8200] =	vst v63  }
0xa4: {  	_ = 	snop  }
0xa5: {  	[hbm4b:s5+s2] =	stream.indirect_vreg.scatter [tilespmem:s25], [sflag:$0x4], $0x80, v4, vm0, $0xb8;
	[tilespmem:$0x8200] =	vst v63  }
0xa6: {  	_ = 	snop  }
0xa7: {  	[hbm4b:s4+s2] =	stream.indirect_vreg.scatter [tilespmem:s26], [sflag:$0x4], $0x80, v3, vm0, $0xb8;
	[tilespmem:$0x8200] =	vst v63  }
0xa8: {  	_ = 	snop  }
0xa9: {  	[hbm4b:s5+s2] =	stream.indirect_vreg.scatter [tilespmem:s28], [sflag:$0x4], $0x80, v3, vm0, $0xb8;
	[tilespmem:$0x8200] =	vst v63  }
0xaa: {  	_ =	swait.ge [sflag:s29], $0x4000  }
0xab: {  	[sflag:s29] =	ssyncset.done $0x0  }
0xac: {  	[sflag:s29] =	ssyncadd.s32 $0xFFFFC000  }
0xad: {  	_ =	swait.ge [sflag:s30], $0x4000  }
0xae: {  	[sflag:s30] =	ssyncset.done $0x0  }
0xaf: {  	s0 =	rddreg [dreg:$0x8];
	[sflag:s30] =	ssyncadd.s32 $0xFFFFC000  }
0xb0: {  	[tilespmem:s8], [sflag:$0x5] =	stream.linear.gather [hbm4b:s0+s2], $0x20, $0x38;
	[tilespmem:$0x8200] =	vst v63  }
0xb1: {  	_ =	swait.ge [sflag:s9], $0x20  }
0xb2: {  	[sflag:s9] =	ssyncset.done $0x0  }
0xb3: {  	s0 =	rddreg [dreg:$0x9];
	[sflag:s9] =	ssyncadd.s32 $0xFFFFFFE0  }
0xb4: {  	[tilespmem:s10], [sflag:$0x5] =	stream.linear.gather [hbm4b:s0+s2], $0x20, $0x38;
	[tilespmem:$0x8200] =	vst v63  }
0xb5: {  	_ =	swait.ge [sflag:s9], $0x20  }
0xb6: {  	[sflag:s9] =	ssyncset.done $0x0  }
0xb7: {  	s0 =	rddreg [dreg:$0xa];
	[sflag:s9] =	ssyncadd.s32 $0xFFFFFFE0  }
0xb8: {  	[tilespmem:s2], [sflag:$0x5] =	stream.linear.gather [hbm4b:s0+s2], $0x4000, $0x38;
	[tilespmem:$0x8200] =	vst v63  }
0xb9: {  	_ =	swait.ge [sflag:s9], $0x4000  }
0xba: {  	[sflag:s9] =	ssyncset.done $0x0  }
0xbb: {  	[sflag:s9] =	ssyncadd.s32 $0xFFFFC000  }
0xbc: {  	v3 =	vld [tilespmem:$0x8000];
	_ =	sdelay $0x4  }
0xbd: {  	v56 =	vshll.u32 v3, $0x2  }
0xbe: {  	v3 =	vand.u32 $0x7, v3;
	v4 =	vand.u32 $0xFFFFFFE0, v56  }
0xbf: {  	v3 =	vor.u32 v3, v4  }
0xc0: {  	v4 =	vperm.xlane v3, v0;
	_ =	sdelay $0x1  }
0xc1: {  	v4 =	vadd.s32 v1, v4;
	_ =	sdelay $0x1  }
0xc2: {  	v3 =	vperm.xlane v3, v2;
	_ =	sdelay $0x1  }
0xc3: {  	v3 =	vadd.s32 v1, v3  }
0xc4: {  	[hbm4b:s4+s2] =	stream.indirect_vreg.scatter [tilespmem:s2], [sflag:$0x1], $0x80, v4, vm0, $0xb8;
	[tilespmem:$0x8200] =	vst v63  }
0xc5: {  	_ = 	snop  }
0xc6: {  	[hbm4b:s5+s2] =	stream.indirect_vreg.scatter [tilespmem:s11], [sflag:$0x1], $0x80, v4, vm0, $0xb8;
	[tilespmem:$0x8200] =	vst v63  }
0xc7: {  	_ = 	snop  }
0xc8: {  	[hbm4b:s4+s2] =	stream.indirect_vreg.scatter [tilespmem:s12], [sflag:$0x1], $0x80, v3, vm0, $0xb8;
	[tilespmem:$0x8200] =	vst v63  }
0xc9: {  	_ = 	snop  }
0xca: {  	[hbm4b:s5+s2] =	stream.indirect_vreg.scatter [tilespmem:s13], [sflag:$0x1], $0x80, v3, vm0, $0xb8;
	[tilespmem:$0x8200] =	vst v63  }
0xcb: {  	v3 =	vld [tilespmem:$0x8010];
	_ =	sdelay $0x4  }
0xcc: {  	v57 =	vshll.u32 v3, $0x2  }
0xcd: {  	v3 =	vand.u32 $0x7, v3;
	v4 =	vand.u32 $0xFFFFFFE0, v57  }
0xce: {  	v3 =	vor.u32 v3, v4  }
0xcf: {  	v4 =	vperm.xlane v3, v0;
	_ =	sdelay $0x1  }
0xd0: {  	v4 =	vadd.s32 v1, v4;
	_ =	sdelay $0x1  }
0xd1: {  	v3 =	vperm.xlane v3, v2;
	_ =	sdelay $0x1  }
0xd2: {  	v3 =	vadd.s32 v1, v3  }
0xd3: {  	[hbm4b:s4+s2] =	stream.indirect_vreg.scatter [tilespmem:s14], [sflag:$0x1], $0x80, v4, vm0, $0xb8;
	[tilespmem:$0x8200] =	vst v63  }
0xd4: {  	_ = 	snop  }
0xd5: {  	[hbm4b:s5+s2] =	stream.indirect_vreg.scatter [tilespmem:s15], [sflag:$0x1], $0x80, v4, vm0, $0xb8;
	[tilespmem:$0x8200] =	vst v63  }
0xd6: {  	_ = 	snop  }
0xd7: {  	[hbm4b:s4+s2] =	stream.indirect_vreg.scatter [tilespmem:s16], [sflag:$0x1], $0x80, v3, vm0, $0xb8;
	[tilespmem:$0x8200] =	vst v63  }
0xd8: {  	_ = 	snop  }
0xd9: {  	[hbm4b:s5+s2] =	stream.indirect_vreg.scatter [tilespmem:s17], [sflag:$0x1], $0x80, v3, vm0, $0xb8;
	[tilespmem:$0x8200] =	vst v63  }
0xda: {  	v3 =	vld [tilespmem:$0x8080];
	_ =	sdelay $0x4  }
0xdb: {  	v58 =	vshll.u32 v3, $0x2  }
0xdc: {  	v3 =	vand.u32 $0x7, v3;
	v4 =	vand.u32 $0xFFFFFFE0, v58  }
0xdd: {  	v3 =	vor.u32 v3, v4  }
0xde: {  	v4 =	vperm.xlane v3, v0;
	_ =	sdelay $0x1  }
0xdf: {  	v4 =	vadd.s32 v1, v4;
	_ =	sdelay $0x1  }
0xe0: {  	v3 =	vperm.xlane v3, v2;
	_ =	sdelay $0x1  }
0xe1: {  	v3 =	vadd.s32 v1, v3  }
0xe2: {  	[hbm4b:s4+s2] =	stream.indirect_vreg.scatter [tilespmem:s2], [sflag:$0x2], $0x80, v4, vm0, $0xb8;
	[tilespmem:$0x8200] =	vst v63  }
0xe3: {  	_ = 	snop  }
0xe4: {  	[hbm4b:s5+s2] =	stream.indirect_vreg.scatter [tilespmem:s11], [sflag:$0x2], $0x80, v4, vm0, $0xb8;
	[tilespmem:$0x8200] =	vst v63  }
0xe5: {  	_ = 	snop  }
0xe6: {  	[hbm4b:s4+s2] =	stream.indirect_vreg.scatter [tilespmem:s12], [sflag:$0x2], $0x80, v3, vm0, $0xb8;
	[tilespmem:$0x8200] =	vst v63  }
0xe7: {  	_ = 	snop  }
0xe8: {  	[hbm4b:s5+s2] =	stream.indirect_vreg.scatter [tilespmem:s13], [sflag:$0x2], $0x80, v3, vm0, $0xb8;
	[tilespmem:$0x8200] =	vst v63  }
0xe9: {  	v3 =	vld [tilespmem:$0x8090];
	_ =	sdelay $0x4  }
0xea: {  	v59 =	vshll.u32 v3, $0x2  }
0xeb: {  	v3 =	vand.u32 $0x7, v3;
	v4 =	vand.u32 $0xFFFFFFE0, v59  }
0xec: {  	v3 =	vor.u32 v3, v4  }
0xed: {  	v4 =	vperm.xlane v3, v0;
	_ =	sdelay $0x1  }
0xee: {  	v4 =	vadd.s32 v1, v4;
	_ =	sdelay $0x1  }
0xef: {  	v3 =	vperm.xlane v3, v2;
	_ =	sdelay $0x1  }
0xf0: {  	v3 =	vadd.s32 v1, v3  }
0xf1: {  	[hbm4b:s4+s2] =	stream.indirect_vreg.scatter [tilespmem:s14], [sflag:$0x2], $0x80, v4, vm0, $0xb8;
	[tilespmem:$0x8200] =	vst v63  }
0xf2: {  	_ = 	snop  }
0xf3: {  	[hbm4b:s5+s2] =	stream.indirect_vreg.scatter [tilespmem:s15], [sflag:$0x2], $0x80, v4, vm0, $0xb8;
	[tilespmem:$0x8200] =	vst v63  }
0xf4: {  	_ = 	snop  }
0xf5: {  	[hbm4b:s4+s2] =	stream.indirect_vreg.scatter [tilespmem:s16], [sflag:$0x2], $0x80, v3, vm0, $0xb8;
	[tilespmem:$0x8200] =	vst v63  }
0xf6: {  	_ = 	snop  }
0xf7: {  	[hbm4b:s5+s2] =	stream.indirect_vreg.scatter [tilespmem:s17], [sflag:$0x2], $0x80, v3, vm0, $0xb8;
	[tilespmem:$0x8200] =	vst v63  }
0xf8: {  	_ =	swait.ge [sflag:s31], $0x4000  }
0xf9: {  	[sflag:s31] =	ssyncset.done $0x0  }
0xfa: {  	[sflag:s31] =	ssyncadd.s32 $0xFFFFC000  }
0xfb: {  	_ =	swait.ge [sflag:s1], $0x4000  }
0xfc: {  	[sflag:s1] =	ssyncset.done $0x0  }
0xfd: {  	s0 =	rddreg [dreg:$0xb];
	[sflag:s1] =	ssyncadd.s32 $0xFFFFC000  }
0xfe: {  	[tilespmem:s18], [sflag:$0x5] =	stream.linear.gather [hbm4b:s0+s2], $0x20, $0x38;
	[tilespmem:$0x8200] =	vst v63  }
0xff: {  	_ =	swait.ge [sflag:s9], $0x20  }
0x100: {  	[sflag:s9] =	ssyncset.done $0x0  }
0x101: {  	s0 =	rddreg [dreg:$0xc];
	[sflag:s9] =	ssyncadd.s32 $0xFFFFFFE0  }
0x102: {  	[tilespmem:s19], [sflag:$0x5] =	stream.linear.gather [hbm4b:s0+s2], $0x20, $0x38;
	[tilespmem:$0x8200] =	vst v63  }
0x103: {  	_ =	swait.ge [sflag:s9], $0x20  }
0x104: {  	[sflag:s9] =	ssyncset.done $0x0  }
0x105: {  	[sflag:s9] =	ssyncadd.s32 $0xFFFFFFE0  }
0x106: {  	[tilespmem:s20], [sflag:$0x5] =	stream.linear.gather [hbm4b:s6+s2], $0x4000, $0x38;
	[tilespmem:$0x8200] =	vst v63  }
0x107: {  	_ =	swait.ge [sflag:s9], $0x4000  }
0x108: {  	[sflag:s9] =	ssyncset.done $0x0  }
0x109: {  	[sflag:s9] =	ssyncadd.s32 $0xFFFFC000  }
0x10a: {  	v3 =	vld [tilespmem:$0x8100];
	_ =	sdelay $0x4  }
0x10b: {  	v60 =	vshll.u32 v3, $0x2  }
0x10c: {  	v3 =	vand.u32 $0x7, v3;
	v4 =	vand.u32 $0xFFFFFFE0, v60  }
0x10d: {  	v3 =	vor.u32 v3, v4  }
0x10e: {  	v4 =	vperm.xlane v3, v0;
	_ =	sdelay $0x1  }
0x10f: {  	v4 =	vadd.s32 v1, v4;
	_ =	sdelay $0x1  }
0x110: {  	v3 =	vperm.xlane v3, v2;
	_ =	sdelay $0x1  }
0x111: {  	v3 =	vadd.s32 v1, v3  }
0x112: {  	[hbm4b:s4+s2] =	stream.indirect_vreg.scatter [tilespmem:s20], [sflag:$0x3], $0x80, v4, vm0, $0xb8;
	[tilespmem:$0x8200] =	vst v63  }
0x113: {  	_ = 	snop  }
0x114: {  	[hbm4b:s5+s2] =	stream.indirect_vreg.scatter [tilespmem:s21], [sflag:$0x3], $0x80, v4, vm0, $0xb8;
	[tilespmem:$0x8200] =	vst v63  }
0x115: {  	_ = 	snop  }
0x116: {  	[hbm4b:s4+s2] =	stream.indirect_vreg.scatter [tilespmem:s22], [sflag:$0x3], $0x80, v3, vm0, $0xb8;
	[tilespmem:$0x8200] =	vst v63  }
0x117: {  	_ = 	snop  }
0x118: {  	[hbm4b:s5+s2] =	stream.indirect_vreg.scatter [tilespmem:s23], [sflag:$0x3], $0x80, v3, vm0, $0xb8;
	[tilespmem:$0x8200] =	vst v63  }
0x119: {  	v3 =	vld [tilespmem:$0x8110];
	_ =	sdelay $0x4  }
0x11a: {  	v61 =	vshll.u32 v3, $0x2  }
0x11b: {  	v3 =	vand.u32 $0x7, v3;
	v4 =	vand.u32 $0xFFFFFFE0, v61  }
0x11c: {  	v3 =	vor.u32 v3, v4  }
0x11d: {  	v4 =	vperm.xlane v3, v0;
	_ =	sdelay $0x1  }
0x11e: {  	v4 =	vadd.s32 v1, v4;
	_ =	sdelay $0x1  }
0x11f: {  	v3 =	vperm.xlane v3, v2;
	_ =	sdelay $0x1  }
0x120: {  	v3 =	vadd.s32 v1, v3  }
0x121: {  	[hbm4b:s4+s2] =	stream.indirect_vreg.scatter [tilespmem:s24], [sflag:$0x3], $0x80, v4, vm0, $0xb8;
	[tilespmem:$0x8200] =	vst v63  }
0x122: {  	_ = 	snop  }
0x123: {  	[hbm4b:s5+s2] =	stream.indirect_vreg.scatter [tilespmem:s25], [sflag:$0x3], $0x80, v4, vm0, $0xb8;
	[tilespmem:$0x8200] =	vst v63  }
0x124: {  	_ = 	snop  }
0x125: {  	[hbm4b:s4+s2] =	stream.indirect_vreg.scatter [tilespmem:s26], [sflag:$0x3], $0x80, v3, vm0, $0xb8;
	[tilespmem:$0x8200] =	vst v63  }
0x126: {  	_ = 	snop  }
0x127: {  	[hbm4b:s5+s2] =	stream.indirect_vreg.scatter [tilespmem:s28], [sflag:$0x3], $0x80, v3, vm0, $0xb8;
	[tilespmem:$0x8200] =	vst v63  }
0x128: {  	v3 =	vld [tilespmem:$0x8180];
	_ =	sdelay $0x4  }
0x129: {  	v62 =	vshll.u32 v3, $0x2  }
0x12a: {  	v3 =	vand.u32 $0x7, v3;
	v4 =	vand.u32 $0xFFFFFFE0, v62  }
0x12b: {  	v3 =	vor.u32 v3, v4  }
0x12c: {  	v4 =	vperm.xlane v3, v0;
	_ =	sdelay $0x1  }
0x12d: {  	v4 =	vadd.s32 v1, v4;
	_ =	sdelay $0x1  }
0x12e: {  	v3 =	vperm.xlane v3, v2;
	_ =	sdelay $0x1  }
0x12f: {  	v3 =	vadd.s32 v1, v3  }
0x130: {  	[hbm4b:s4+s2] =	stream.indirect_vreg.scatter [tilespmem:s20], [sflag:$0x4], $0x80, v4, vm0, $0xb8;
	[tilespmem:$0x8200] =	vst v63  }
0x131: {  	_ = 	snop  }
0x132: {  	[hbm4b:s5+s2] =	stream.indirect_vreg.scatter [tilespmem:s21], [sflag:$0x4], $0x80, v4, vm0, $0xb8;
	[tilespmem:$0x8200] =	vst v63  }
0x133: {  	_ = 	snop  }
0x134: {  	[hbm4b:s4+s2] =	stream.indirect_vreg.scatter [tilespmem:s22], [sflag:$0x4], $0x80, v3, vm0, $0xb8;
	[tilespmem:$0x8200] =	vst v63  }
0x135: {  	_ = 	snop  }
0x136: {  	[hbm4b:s5+s2] =	stream.indirect_vreg.scatter [tilespmem:s23], [sflag:$0x4], $0x80, v3, vm0, $0xb8;
	[tilespmem:$0x8200] =	vst v63  }
0x137: {  	v3 =	vld [tilespmem:$0x8190];
	_ =	sdelay $0x4  }
0x138: {  	v63 =	vshll.u32 v3, $0x2  }
0x139: {  	v3 =	vand.u32 $0x7, v3;
	v4 =	vand.u32 $0xFFFFFFE0, v63  }
0x13a: {  	v3 =	vor.u32 v3, v4  }
0x13b: {  	v4 =	vperm.xlane v3, v0;
	_ =	sdelay $0x1  }
0x13c: {  	v4 =	vadd.s32 v1, v4;
	_ =	sdelay $0x1  }
0x13d: {  	v3 =	vperm.xlane v3, v2;
	_ =	sdelay $0x1  }
0x13e: {  	v3 =	vadd.s32 v1, v3  }
0x13f: {  	[hbm4b:s4+s2] =	stream.indirect_vreg.scatter [tilespmem:s24], [sflag:$0x4], $0x80, v4, vm0, $0xb8;
	[tilespmem:$0x8200] =	vst v63  }
0x140: {  	_ = 	snop  }
0x141: {  	[hbm4b:s5+s2] =	stream.indirect_vreg.scatter [tilespmem:s25], [sflag:$0x4], $0x80, v4, vm0, $0xb8;
	[tilespmem:$0x8200] =	vst v63  }
0x142: {  	_ = 	snop  }
0x143: {  	[hbm4b:s4+s2] =	stream.indirect_vreg.scatter [tilespmem:s26], [sflag:$0x4], $0x80, v3, vm0, $0xb8;
	[tilespmem:$0x8200] =	vst v63  }
0x144: {  	_ = 	snop  }
0x145: {  	[hbm4b:s5+s2] =	stream.indirect_vreg.scatter [tilespmem:s28], [sflag:$0x4], $0x80, v3, vm0, $0xb8;
	[tilespmem:$0x8200] =	vst v63  }
0x146: {  	_ =	swait.ge [sflag:s29], $0x4000  }
0x147: {  	[sflag:s29] =	ssyncset.done $0x0  }
0x148: {  	[sflag:s29] =	ssyncadd.s32 $0xFFFFC000  }
0x149: {  	_ =	swait.ge [sflag:s30], $0x4000  }
0x14a: {  	[sflag:s30] =	ssyncset.done $0x0  }
0x14b: {  	[sflag:s30] =	ssyncadd.s32 $0xFFFFC000  }
0x14c: {  	p0 =	sne.s32 s7, $0x1;
	_ =	swait.ge [sflag:s31], $0x4000  }
.Ltmp0:
0x14d: {  	[sflag:s31] =	ssyncset.done $0x0;
	(pc) =	sbr.rel @p0 .LBB2_1-.Ltmp0, $4  }
0x14e: {  	[sflag:s31] =	ssyncadd.s32 $0xFFFFC000  }
0x14f: {  	_ =	swait.ge [sflag:s1], $0x4000  }
0x150: {  	[sflag:s1] =	ssyncset.done $0x0  }
0x151: {  	s7 =	sadd.s32 $0xFFFFFFFF, s7;
	[sflag:s1] =	ssyncadd.s32 $0xFFFFC000  }
0x152: {  	_ =	sfence.sel $0x180000  }
0x153: {  	[bflag:$0x0] =	sbarrier.arrive $0xFFFF  }
0x154: {  	_ =	strace $0x90000047  }
0x155: {  	s0 =	stileid.u32;
	[bflag:$0x2] =	sbarrier.arrive $0xFFFF  }
0x156: {  	p0 =	sne.s32 s0, $0x0;
	s0 =	rddreg [dreg:$0x2]  }
0x157: {  	s0 =	sadd.s32 @!p0 $0x100000, s0  }
0x158: {  	[sflag:s0] =	ssyncadd.tile.s32 @!p0 $0x1;
	_ =	shalt  }
.Lfunc_end2:
_tile_overlayer_lowered:
.L_overlay_start_2:
0x159: {  	(tag) =	ssettag $0x2  }
0x15a: {  	s0 =	rddreg [dreg:$0x0];
	s2 =	stileid.u32  }
0x15b: {  	s1 =	rddreg [dreg:$0x1];
	p0 =	sne.s32 s2, $0x0  }
0x15c: {  	s3 =	rddreg [dreg:$0x2];
	[bflag:$0x3] =	sbarrier.arrive $0xFFFF;
	s2 =	simm.s32 @!p0 $0x1C05  }
0x15d: {  	[timem:s3], [sflag:s2] =	dma.local @!p0 [hbm:s0], s1  }
0x15e: {  	s0 =	simm.s32 @!p0 $0x5  }
0x15f: {  	_ =	swait.ge @!p0 [sflag:s0], s1  }
0x160: {  	s1 =	ssub.s32 @!p0 $0x0, s1;
	[sflag:s0] =	ssyncset.done @!p0 $0x0  }
0x161: {  	[sflag:s0] =	ssyncadd.s32 @!p0 s1  }
0x162: {  	[bflag:$0x3] =	sbarrier.arrive $0xFFFF  }
0x163: {  	_ =	shalt  }

// kernel: kernel.9.cloned.1.call-start
scs
__scs_entry_jumppad:
0x0: {  	(pc) =	sbr.rel $0x88, $3  }
0x1: {  	(tag) =	ssettag $0x0;
	lr =	simm.s32 $0x1  }
0x2: {  	[smem:$0x3F9D] =	sst lr;
	_ =	strace $0xD0000000  }
0x3: {  	_ = 	snop  }
0x4: {  	_ = 	snop  }
0x5: {  	_ = 	snop  }
0x6: {  	_ = 	snop  }
0x7: {  	_ = 	snop  }
__scs_overlays_trampoline_lowered:
0x8: {  	[smem:$0x3FAC] =	sst s0  }
0x9: {  	[smem:$0x3FAD] =	sst s1  }
0xa: {  	[smem:$0x3FAE] =	sst s2  }
0xb: {  	[smem:$0x3FAF] =	sst s3  }
0xc: {  	[smem:$0x3FB0] =	sst s4  }
0xd: {  	[smem:$0x3FB1] =	sst s5  }
0xe: {  	[smem:$0x3FB2] =	sst s6  }
0xf: {  	[smem:$0x3FB3] =	sst s7  }
0x10: {  	[smem:$0x3FB4] =	sst s8  }
0x11: {  	[smem:$0x3FB5] =	sst s9;
	s0 =	simm.s32 @!p0 $0x0  }
0x12: {  	s1 =	sld [smem:$0x3F9B];
	s0 =	simm.s32 @p0 $0x1  }
0x13: {  	[smem:$0x3FB6] =	sst s0;
	s0 =	simm.s32 @!p1 $0x0  }
0x14: {  	s2 =	sld [smem:$0x3F9A];
	s0 =	simm.s32 @p1 $0x1  }
0x15: {  	[smem:$0x3FB7] =	sst s0;
	s0 =	simm.s32 @!p2 $0x0  }
0x16: {  	s3 =	sld [smem:$0x3FDB];
	s0 =	simm.s32 @p2 $0x1  }
0x17: {  	s4 =	simm.s32 $0x1BF5;
	[smem:$0x3FB9] =	sst s0  }
0x18: {  	s0 =	sld [smem:$0x3F9C];
	_ =	swait.ge [sflag:s4], $0x0  }
0x19: {  	s7 =	sld [smem:$0x3F9D]  }
0x1a: {  	s8 =	sadd.s32 $0xFFFFE003, lr  }
0x1b: {  	s9 =	sadd.s32 $0xFFFFFEF7, lr;
	s5 =	simm.s32 $0xFFFFFFFF;
	p2 =	slt.u32 s8, $0xFFFFF086  }
0x1c: {  	p1 =	slt.u32 s9, $0xF7A;
	s5 =	simm.s32 @!p2 $0x0  }
0x1d: {  	s5 =	simm.s32 @p1 $0x1;
	p0 =	seq.s32 s7, s2  }
0x1e: {  	s7 =	smul.u32 @!p0 $0xF7A, s2;
	p2 =	seq.s32 @!p0 s5, $0x0  }
0x1f: {  	s9 =	smul.u32 $0xF7A, s1;
	s8 =	simm.s32 @!p0 $0x1BF5;
	p2 =	por !p2, p0  }
0x20: {  	[sflag:s8] =	ssyncset.s32 @!p0 $0xFFFFF086;
	s6 =	sadd.s32 @!p0 s3, s7;
	s7 =	simm.s32 @!p0 $0x108  }
0x21: {  	s3 =	sadd.s32 s3, s9;
	s6 =	sadd.s32 @!p0 $0x88, s6;
	s7 =	simm.s32 @p2 $0x1082  }
0x22: {  	[simem:s7], [sflag:s8] =	dma.local @!p0 [hbm:s6], $0xF7A  }
0x23: {  	s9 =	sor.u32 $0xD0000000, s2;
	s6 =	simm.s32 $0x108;
	_ =	swait.ge @!p0 [sflag:s8], $0x0  }
0x24: {  	s3 =	sadd.s32 $0x88, s3;
	s6 =	simm.s32 @!p1 $0x1082;
	[sflag:s4] =	ssyncset.s32 $0xFFFFF086  }
0x25: {  	[simem:s6], [sflag:s4] =	dma.local [hbm:s3], $0xF7A  }
0x26: {  	[smem:$0x3F9D] =	sst s1;
	(tag) =	ssettag s2;
	_ =	strace s9  }
0x27: {  	s1 =	sld [smem:$0x3FAD]  }
0x28: {  	s2 =	sld [smem:$0x3FAE]  }
0x29: {  	s4 =	sld [smem:$0x3FB0]  }
0x2a: {  	p0 =	seq.s32 s5, $0x0;
	s5 =	sld [smem:$0x3FB1]  }
0x2b: {  	s6 =	sld [smem:$0x3FB2]  }
0x2c: {  	s7 =	sld [smem:$0x3FB3]  }
0x2d: {  	s3 =	simm.s32 $0x108;
	s8 =	sld [smem:$0x3FB4]  }
0x2e: {  	s3 =	simm.s32 @!p0 $0x1082;
	s9 =	sld [smem:$0x3FB5]  }
0x2f: {  	lr =	sadd.s32 s0, s3;
	s0 =	sld [smem:$0x3FAC]  }
0x30: {  	s3 =	sld [smem:$0x3FAF]  }
0x31: {  	[smem:$0x3FB8] =	sst s10  }
0x32: {  	s10 =	sld [smem:$0x3FB6];
	_ =	sdelay $0x3  }
0x33: {  	p0 =	seq.s32 s10, $0x1;
	s10 =	sld [smem:$0x3FB8];
	_ =	sdelay $0x3  }
0x34: {  	[smem:$0x3FB8] =	sst s10  }
0x35: {  	s10 =	sld [smem:$0x3FB7];
	_ =	sdelay $0x3  }
0x36: {  	p1 =	seq.s32 s10, $0x1;
	s10 =	sld [smem:$0x3FB8];
	_ =	sdelay $0x3  }
0x37: {  	[smem:$0x3FB8] =	sst s10  }
0x38: {  	s10 =	sld [smem:$0x3FB9]  }
0x39: {  	_ = 	snop;
	(pc) =	sbr.ind lr, $3  }
0x3a: {  	_ = 	snop  }
0x3b: {  	_ = 	snop  }
0x3c: {  	p2 =	seq.s32 s10, $0x1;
	s10 =	sld [smem:$0x3FB8]  }
0x3d: {  	_ =	shalt  }
0x3e: {  	_ =	shalt  }
0x3f: {  	_ =	shalt  }
0x40: {  	_ =	shalt  }
0x41: {  	_ =	shalt  }
0x42: {  	_ =	shalt  }
0x43: {  	_ =	shalt  }
0x44: {  	_ =	shalt  }
0x45: {  	_ =	shalt  }
0x46: {  	_ =	shalt  }
0x47: {  	_ =	shalt  }
0x48: {  	_ =	shalt  }
0x49: {  	_ =	shalt  }
0x4a: {  	_ =	shalt  }
0x4b: {  	_ =	shalt  }
0x4c: {  	_ =	shalt  }
0x4d: {  	_ =	shalt  }
0x4e: {  	_ =	shalt  }
0x4f: {  	_ =	shalt  }
0x50: {  	_ =	shalt  }
0x51: {  	_ =	shalt  }
0x52: {  	_ =	shalt  }
0x53: {  	_ =	shalt  }
0x54: {  	_ =	shalt  }
0x55: {  	_ =	shalt  }
0x56: {  	_ =	shalt  }
0x57: {  	_ =	shalt  }
0x58: {  	_ =	shalt  }
0x59: {  	_ =	shalt  }
0x5a: {  	_ =	shalt  }
0x5b: {  	_ =	shalt  }
0x5c: {  	_ =	shalt  }
0x5d: {  	_ =	shalt  }
0x5e: {  	_ =	shalt  }
0x5f: {  	_ =	shalt  }
0x60: {  	_ =	shalt  }
0x61: {  	_ =	shalt  }
0x62: {  	_ =	shalt  }
0x63: {  	_ =	shalt  }
0x64: {  	_ =	shalt  }
0x65: {  	_ =	shalt  }
0x66: {  	_ =	shalt  }
0x67: {  	_ =	shalt  }
0x68: {  	_ =	shalt  }
0x69: {  	_ =	shalt  }
0x6a: {  	_ =	shalt  }
0x6b: {  	_ =	shalt  }
0x6c: {  	_ =	shalt  }
0x6d: {  	_ =	shalt  }
0x6e: {  	_ =	shalt  }
0x6f: {  	_ =	shalt  }
0x70: {  	_ =	shalt  }
0x71: {  	_ =	shalt  }
0x72: {  	_ =	shalt  }
0x73: {  	_ =	shalt  }
0x74: {  	_ =	shalt  }
0x75: {  	_ =	shalt  }
0x76: {  	_ =	shalt  }
0x77: {  	_ =	shalt  }
0x78: {  	_ =	shalt  }
0x79: {  	_ =	shalt  }
0x7a: {  	_ =	shalt  }
0x7b: {  	_ =	shalt  }
0x7c: {  	_ =	shalt  }
0x7d: {  	_ =	shalt  }
0x7e: {  	_ =	shalt  }
0x7f: {  	_ =	shalt  }
0x80: {  	_ =	shalt  }
0x81: {  	_ =	shalt  }
0x82: {  	_ =	shalt  }
0x83: {  	_ =	shalt  }
0x84: {  	_ =	shalt  }
0x85: {  	_ =	shalt  }
0x86: {  	_ =	shalt  }
0x87: {  	_ =	shalt  }
.Lfunc_end0:
.L_simem_size_0:
called_computation.1_lowered:
.L_overlay_start_0:
0x88: {  	s2 =	sld [smem:$0x3FD9]  }
0x89: {  	s3 =	sld [smem:$0x3FFE];
	_ =	sdelay $0x1  }
0x8a: {  	s1 =	srdreg.scid  }
0x8b: {  	s0 =	sand.u32 $0x1, s1  }
0x8c: {  	s14 =	sshll.u32 s0, $0xA;
	s2 =	sadd.s32 s3, s2  }
0x8d: {  	s2 =	sadd.s32 s2, s14  }
0x8e: {  	[smem:$0x3FC4] =	sst s2  }
0x8f: {  	_ = 	snop  }
0x90: {  	s2 =	sld [smem:$0x3FD0];
	_ =	sdelay $0x2  }
0x91: {  	s15 =	simm.s32 $0xA;
	s4 =	simm.s32 $0x10  }
0x92: {  	[smem:s4], [sflag:s15] =	dma.local [hbm:s2], $0x1  }
0x93: {  	_ =	swait.eq [sflag:s15], $0x1  }
0x94: {  	[sflag:s15] =	ssyncset.done $0x0  }
0x95: {  	[sflag:s15] =	ssyncadd.s32 $0xFFFFFFFF  }
0x96: {  	s16 =	sld [smem:$0x10];
	(tm) =	ssettm $0x1  }
0x97: {  	s17 =	sld [smem:$0x3FFB];
	_ =	sdelay $0x3  }
0x98: {  	_ =	strace s17  }
0x99: {  	s3 =	sld [smem:$0x3FFC];
	_ =	sdelay $0x3  }
0x9a: {  	_ =	strace s3  }
0x9b: {  	s3 =	sld [smem:$0x3FFD];
	_ =	sdelay $0x3  }
0x9c: {  	_ =	strace s3  }
0x9d: {  	_ =	strace $0x8FFFFFFF  }
0x9e: {  	s18 =	sld [smem:$0x3FDB];
	_ =	sdelay $0x1  }
0x9f: {  	s19 =	simm.s32 $_scs_section_size  }
0xa0: {  	s5 =	simm.s32 $_size__tile_overlayer_lowered;
	s6 =	simm.s32 $_tile_overlayer_lowered  }
0xa1: {  	s22 =	simm.s32 $0x1BFF;
	s21 =	sshll.u32 s6, $0x1;
	s3 =	sadd.s32 s19, s18  }
0xa2: {  	s7 =	simm.s32 $0x0;
	s20 =	sshll.u32 s5, $0x1;
	s5 =	sadd.s32 s21, s3  }
0xa3: {  	[timem:s7], [sflag:s22] =	dma.local [hbm:s5], s20  }
0xa4: {  	_ =	swait.ge [sflag:s22], s20  }
0xa5: {  	s4 =	ssub.s32 $0x0, s20;
	[sflag:s22] =	ssyncset.done $0x0  }
0xa6: {  	[sflag:s22] =	ssyncadd.s32 s4;
	_ =	sdelay $0x1  }
0xa7: {  	s23 =	simm.s32 $0x1B8B  }
0xa8: {  	_ =	swait.ge [sflag:s23], $0x1  }
0xa9: {  	[sflag:s23] =	ssyncset.done $0x0  }
0xaa: {  	s25 =	simm.s32 $0x1B8E;
	s24 =	sld [smem:$0x3FFE];
	[sflag:s23] =	ssyncadd.s32 $0xFFFFFFFF  }
0xab: {  	s26 =	simm.s32 $execute0_lowered;
	[smem:$0x3FD2] =	sst s25  }
0xac: {  	s5 =	sshll.u32 s26, $0x1;
	_ =	strace $0x80000049;
	[dreg:$0x1] =	wrdreg $0xFFFFFFFF  }
0xad: {  	s28 =	simm.s32 $_size_execute0_lowered;
	s3 =	sadd.s32 s3, s5;
	[dreg:$0x0] =	wrdreg $0x0  }
0xae: {  	s5 =	sshll.u32 s28, $0x1;
	[dreg:$0x2] =	wrdreg s3  }
0xaf: {  	[dreg:$0x3] =	wrdreg s5  }
0xb0: {  	[dreg:$0x4] =	wrdreg $0xC0  }
0xb1: {  	_ =	task [dreg:s7], $0x5FFFF  }
0xb2: {  	[dreg:$0x1] =	wrdreg $0xFFFFFFFF  }
0xb3: {  	[dreg:$0x0] =	wrdreg $0x60  }
0xb4: {  	[dreg:$0x2] =	wrdreg s24  }
0xb5: {  	[dreg:$0x3] =	wrdreg s16  }
0xb6: {  	[dreg:$0x4] =	wrdreg $0x9  }
0xb7: {  	_ =	task.clear_ibuf [dreg:s7], $0x5FFFF;
	_ =	strace $0x90000049  }
0xb8: {  	s29 =	simm.s32 $0x9;
	_ =	strace $0x8000004B  }
0xb9: {  	_ =	swait.ge [sflag:s29], $0x1  }
0xba: {  	[sflag:s29] =	ssyncadd.s32 $0xFFFFFFFF  }
0xbb: {  	_ =	strace $0x9000004B  }
0xbc: {  	_ =	sfence  }
0xbd: {  	s30 =	sld [smem:$0x0];
	_ =	sdelay $0x2  }
0xbe: {  	s31 =	sshll.u32 s1, $0xD;
	s1 =	sshrl.u32 s1, $0x2  }
0xbf: {  	s3 =	sand.u32 $0x4000, s31;
	s1 =	sadd.s32 s1, s30  }
0xc0: {  	s0 =	sor.u32 s3, s0;
	s1 =	sshll.u32 s1, $0x11  }
0xc1: {  	s0 =	sor.u32 s1, s0  }
0xc2: {  	s0 =	sadd.s32 $0x8F2B, s0  }
0xc3: {  	[sflag:s0] =	ssyncadd.remote.s32 $0x1  }
0xc4: {  	_ =	sfence.sel $0xFFFF  }
0xc5: {  	[dreg:$0x0] =	wrdreg $0xFFFFFFFF;
	(pc) =	sbr.abs _section_cstart, $3  }
0xc6: {  	[dreg:$0x1] =	wrdreg $0xFFFFFFFF  }
0xc7: {  	_ =	task.clear_ibuf [dreg:s7], $0x2FFFF;
	_ =	strace $0x9FFFFFFF  }
0xc8: {  	(tm) =	ssettm $0x7FFFFFFF  }
0xc9: {  	_ =	shalt  }
tec
execute0_lowered:
.L_overlay_start_1:
0x0: {  	(tag) =	ssettag $0x1  }
0x1: {  	s0 =	rddreg [dreg:$0x0]  }
0x2: {  	s8 =	rddreg [dreg:$0x1]  }
0x3: {  	s1 =	srdreg.scid;
	s3 =	simm.s32 $0x0;
	s2 =	stileid.u32  }
0x4: {  	s15 =	simm.s32 $0x5;
	s30 =	simm.s32 $0x16900;
	s31 =	simm.s32 $0x17100  }
0x5: {  	s9 =	simm.s32 $0x4;
	s14 =	simm.s32 $0x0;
	s1 =	sand.u32 $0x1, s1  }
0x6: {  	[smem:$0x7FF] =	sst s3;
	s2 =	sshll.u32 s2, $0x8;
	s4 =	sadd.s32 $0x22000, s0  }
0x7: {  	s10 =	sadd.s32 $0x22100, s0;
	s11 =	sadd.s32 $0x22200, s0;
	s5 =	sshll.u32 s1, $0x7  }
0x8: {  	s12 =	sadd.s32 $0x22300, s0;
	s1 =	ssub.s32 $0x2, s1;
	s5 =	sor.u32 s5, s2  }
0x9: {  	_ =	strace $0x8000004A;
	s7 =	sshrl.u32 s1, $0x1;
	s2 =	sshrl.u32 s5, $0x2  }
0xa: {  	s6 =	sshll.u32 s5, $0x4;
	s1 =	ssub.s32 s1, s7;
	s28 =	sshll.u32 s5, $0x7  }
0xb: {  	s7 =	simm.s32 $0x18100;
	s2 =	sadd.s32 s2, s0;
	s29 =	smax.u32 s1, $0x1  }
0xc: {  	v2 =	vlaneseq.u32;
	s6 =	sadd.s32 s6, s0;
	s24 =	sadd.s32 $0x21C00, s2;
	[dreg:$0x7] =	wrdreg s29  }
0xd: {  	v0 =	vand.u32 $0x7, v2;
	v1 =	vshrl.u32 v2, $0x3;
	s13 =	sadd.s32 s8, s28;
	s2 =	sadd.s32 $0x21C10, s2;
	[dreg:$0x3] =	wrdreg s24  }
0xe: {  	v63 =	vor.u32 $0x8, v2;
	[tilespmem:$0x1FFD0] =	vst v0;
	v62 =	vmul.u32 $0x8, v1;
	s0 =	simm.s32 $0x17900;
	s25 =	sadd.s32 $0x1C00, s6;
	[dreg:$0x4] =	wrdreg s2  }
0xf: {  	[tilespmem:$0x1FFF0] =	vst v63;
	s1 =	simm.s32 $0x1;
	s26 =	sadd.s32 $0x11C00, s6;
	[dreg:$0x5] =	wrdreg s25  }
0x10: {  	vm0 =	vmmov $0xffff;
	[tilespmem:$0x1FFE0] =	vst v62;
	s8 =	simm.s32 $0x3;
	s6 =	simm.s32 $0x2;
	[dreg:$0x6] =	wrdreg s26  }
.LBB2_1:
0x11: {  	[dreg:$0x8] =	wrdreg s14  }
0x12: {  	s2 =	rddreg [dreg:$0x3]  }
0x13: {  	[tilespmem:s3], [sflag:$0x5] =	stream.linear.gather [hbm4b:s2+s3], $0x80, $0x38;
	[tilespmem:$0x1C100] =	vst v63  }
0x14: {  	_ =	swait.ge [sflag:s15], $0x80  }
0x15: {  	[sflag:s15] =	ssyncset.done $0x0  }
0x16: {  	s23 =	simm.s32 $0x80;
	s22 =	rddreg [dreg:$0x4];
	[sflag:s15] =	ssyncadd.s32 $0xFFFFFF80  }
0x17: {  	[tilespmem:s23], [sflag:$0x5] =	stream.linear.gather [hbm4b:s22+s3], $0x80, $0x38;
	[tilespmem:$0x1C100] =	vst v63  }
0x18: {  	_ =	swait.ge [sflag:s15], $0x80  }
0x19: {  	[sflag:s15] =	ssyncset.done $0x0  }
0x1a: {  	s14 =	simm.s32 $0x100;
	s24 =	rddreg [dreg:$0x5];
	[sflag:s15] =	ssyncadd.s32 $0xFFFFFF80  }
0x1b: {  	[tilespmem:s14], [sflag:$0x5] =	stream.linear.gather [hbm4b:s24+s3], $0x4000, $0x38;
	[tilespmem:$0x1C100] =	vst v63  }
0x1c: {  	_ =	swait.ge [sflag:s15], $0x4000  }
0x1d: {  	[sflag:s15] =	ssyncset.done $0x0  }
0x1e: {  	s2 =	simm.s32 $0x4100;
	s16 =	rddreg [dreg:$0x6];
	[sflag:s15] =	ssyncadd.s32 $0xFFFFC000  }
0x1f: {  	[tilespmem:s2], [sflag:$0x5] =	stream.linear.gather [hbm4b:s16+s3], $0x4000, $0x38;
	[tilespmem:$0x1C100] =	vst v63  }
0x20: {  	_ =	swait.ge [sflag:s15], $0x4000  }
0x21: {  	[sflag:s15] =	ssyncset.done $0x0  }
0x22: {  	[sflag:s15] =	ssyncadd.s32 $0xFFFFC000  }
0x23: {  	v3 =	vld [tilespmem:$0x0];
	_ =	sdelay $0x2  }
0x24: {  	v0 =	vld [tilespmem:$0x1FFD0];
	_ =	sdelay $0x1  }
0x25: {  	v1 =	vld [tilespmem:$0x1FFE0];
	v4 =	vshll.u32 v3, $0x3  }
0x26: {  	v3 =	vand.u32 $0x7, v3;
	v4 =	vand.u32 $0xFFFFFFC0, v4  }
0x27: {  	v3 =	vor.u32 v3, v4  }
0x28: {  	v4 =	vperm.xlane v3, v0;
	_ =	sdelay $0x1  }
0x29: {  	v4 =	vadd.s32 v1, v4  }
0x2a: {  	v2 =	vld [tilespmem:$0x1FFF0];
	_ =	sdelay $0x2  }
0x2b: {  	s25 =	simm.s32 $0x8100  }
0x2c: {  	[tilespmem:s25], [sflag:$0x1] =	stream.indirect_vreg.gather [hbm4b:s4+s3], $0x80, v4, vm0, $0xb8;
	[tilespmem:$0x1C100] =	vst v63  }
0x2d: {  	s26 =	simm.s32 $0x8900;
	v3 =	vperm.xlane v3, v2  }
0x2e: {  	[tilespmem:s26], [sflag:$0x1] =	stream.indirect_vreg.gather [hbm4b:s10+s3], $0x80, v4, vm0, $0xb8;
	[tilespmem:$0x1C100] =	vst v63  }
0x2f: {  	s28 =	simm.s32 $0x9100;
	v3 =	vadd.s32 v1, v3  }
0x30: {  	[tilespmem:s28], [sflag:$0x1] =	stream.indirect_vreg.gather [hbm4b:s11+s3], $0x80, v4, vm0, $0xb8;
	[tilespmem:$0x1C100] =	vst v63  }
0x31: {  	s29 =	simm.s32 $0x9900  }
0x32: {  	[tilespmem:s29], [sflag:$0x1] =	stream.indirect_vreg.gather [hbm4b:s12+s3], $0x80, v4, vm0, $0xb8;
	[tilespmem:$0x1C100] =	vst v63  }
0x33: {  	s17 =	simm.s32 $0xA100  }
0x34: {  	[tilespmem:s17], [sflag:$0x1] =	stream.indirect_vreg.gather [hbm4b:s4+s3], $0x80, v3, vm0, $0xb8;
	[tilespmem:$0x1C100] =	vst v63  }
0x35: {  	s18 =	simm.s32 $0xA900  }
0x36: {  	[tilespmem:s18], [sflag:$0x1] =	stream.indirect_vreg.gather [hbm4b:s10+s3], $0x80, v3, vm0, $0xb8;
	[tilespmem:$0x1C100] =	vst v63  }
0x37: {  	s19 =	simm.s32 $0xB100  }
0x38: {  	[tilespmem:s19], [sflag:$0x1] =	stream.indirect_vreg.gather [hbm4b:s11+s3], $0x80, v3, vm0, $0xb8;
	[tilespmem:$0x1C100] =	vst v63  }
0x39: {  	s20 =	simm.s32 $0xB900  }
0x3a: {  	[tilespmem:s20], [sflag:$0x1] =	stream.indirect_vreg.gather [hbm4b:s12+s3], $0x80, v3, vm0, $0xb8;
	[tilespmem:$0x1C100] =	vst v63  }
0x3b: {  	v3 =	vld [tilespmem:$0x80];
	_ =	sdelay $0x4  }
0x3c: {  	v63 =	vshll.u32 v3, $0x3  }
0x3d: {  	v3 =	vand.u32 $0x7, v3;
	v4 =	vand.u32 $0xFFFFFFC0, v63  }
0x3e: {  	v3 =	vor.u32 v3, v4  }
0x3f: {  	v4 =	vperm.xlane v3, v0;
	_ =	sdelay $0x1  }
0x40: {  	v4 =	vadd.s32 v1, v4;
	_ =	sdelay $0x3  }
0x41: {  	s21 =	simm.s32 $0xC100  }
0x42: {  	[tilespmem:s21], [sflag:$0x2] =	stream.indirect_vreg.gather [hbm4b:s4+s3], $0x80, v4, vm0, $0xb8;
	[tilespmem:$0x1C100] =	vst v63  }
0x43: {  	s22 =	simm.s32 $0xC900;
	v3 =	vperm.xlane v3, v2  }
0x44: {  	[tilespmem:s22], [sflag:$0x2] =	stream.indirect_vreg.gather [hbm4b:s10+s3], $0x80, v4, vm0, $0xb8;
	[tilespmem:$0x1C100] =	vst v63  }
0x45: {  	s23 =	simm.s32 $0xD100;
	v3 =	vadd.s32 v1, v3  }
0x46: {  	[tilespmem:s23], [sflag:$0x2] =	stream.indirect_vreg.gather [hbm4b:s11+s3], $0x80, v4, vm0, $0xb8;
	[tilespmem:$0x1C100] =	vst v63  }
0x47: {  	s24 =	simm.s32 $0xD900  }
0x48: {  	[tilespmem:s24], [sflag:$0x2] =	stream.indirect_vreg.gather [hbm4b:s12+s3], $0x80, v4, vm0, $0xb8;
	[tilespmem:$0x1C100] =	vst v63  }
0x49: {  	s25 =	simm.s32 $0xE100  }
0x4a: {  	[tilespmem:s25], [sflag:$0x2] =	stream.indirect_vreg.gather [hbm4b:s4+s3], $0x80, v3, vm0, $0xb8;
	[tilespmem:$0x1C100] =	vst v63  }
0x4b: {  	s26 =	simm.s32 $0xE900  }
0x4c: {  	[tilespmem:s26], [sflag:$0x2] =	stream.indirect_vreg.gather [hbm4b:s10+s3], $0x80, v3, vm0, $0xb8;
	[tilespmem:$0x1C100] =	vst v63  }
0x4d: {  	s28 =	simm.s32 $0xF100;
	s29 =	simm.s32 $0xF900  }
0x4e: {  	[tilespmem:s28], [sflag:$0x2] =	stream.indirect_vreg.gather [hbm4b:s11+s3], $0x80, v3, vm0, $0xb8;
	[tilespmem:$0x1C100] =	vst v63  }
0x4f: {  	s17 =	simm.s32 $0x4900;
	s18 =	simm.s32 $0x0;
	s23 =	simm.s32 $0x900  }
0x50: {  	[tilespmem:s29], [sflag:$0x2] =	stream.indirect_vreg.gather [hbm4b:s12+s3], $0x80, v3, vm0, $0xb8;
	[tilespmem:$0x1C100] =	vst v63  }
.LBB2_2:
0x51: {  	s20 =	sshll.u32 s18, $0x5  }
0x52: {  	v3 =	vld [tilespmem:s20+$0x10];
	_ =	sdelay $0x2  }
0x53: {  	v0 =	vld [tilespmem:$0x1FFD0];
	_ =	sdelay $0x1  }
0x54: {  	v1 =	vld [tilespmem:$0x1FFE0];
	v4 =	vshll.u32 v3, $0x3  }
0x55: {  	v3 =	vand.u32 $0x7, v3;
	v4 =	vand.u32 $0xFFFFFFC0, v4  }
0x56: {  	v3 =	vor.u32 v3, v4  }
0x57: {  	v4 =	vperm.xlane v3, v0;
	_ =	sdelay $0x1  }
0x58: {  	v4 =	vadd.s32 v1, v4  }
0x59: {  	v2 =	vld [tilespmem:$0x1FFF0];
	_ =	sdelay $0x2  }
0x5a: {  	s21 =	simm.s32 $0x0;
	s16 =	simm.s32 $0x10100  }
0x5b: {  	[tilespmem:s16], [sflag:$0x3] =	stream.indirect_vreg.gather [hbm4b:s4+s21], $0x80, v4, vm0, $0xb8;
	[tilespmem:$0x1C100] =	vst v63  }
0x5c: {  	s24 =	simm.s32 $0x10900;
	v3 =	vperm.xlane v3, v2  }
0x5d: {  	[tilespmem:s24], [sflag:$0x3] =	stream.indirect_vreg.gather [hbm4b:s10+s21], $0x80, v4, vm0, $0xb8;
	[tilespmem:$0x1C100] =	vst v63  }
0x5e: {  	s25 =	simm.s32 $0x11100;
	v3 =	vadd.s32 v1, v3  }
0x5f: {  	[tilespmem:s25], [sflag:$0x3] =	stream.indirect_vreg.gather [hbm4b:s11+s21], $0x80, v4, vm0, $0xb8;
	[tilespmem:$0x1C100] =	vst v63  }
0x60: {  	s26 =	simm.s32 $0x11900  }
0x61: {  	[tilespmem:s26], [sflag:$0x3] =	stream.indirect_vreg.gather [hbm4b:s12+s21], $0x80, v4, vm0, $0xb8;
	[tilespmem:$0x1C100] =	vst v63  }
0x62: {  	s28 =	simm.s32 $0x12100  }
0x63: {  	[tilespmem:s28], [sflag:$0x3] =	stream.indirect_vreg.gather [hbm4b:s4+s21], $0x80, v3, vm0, $0xb8;
	[tilespmem:$0x1C100] =	vst v63  }
0x64: {  	s29 =	simm.s32 $0x12900  }
0x65: {  	[tilespmem:s29], [sflag:$0x3] =	stream.indirect_vreg.gather [hbm4b:s10+s21], $0x80, v3, vm0, $0xb8;
	[tilespmem:$0x1C100] =	vst v63  }
0x66: {  	s19 =	simm.s32 $0x13100  }
0x67: {  	[tilespmem:s19], [sflag:$0x3] =	stream.indirect_vreg.gather [hbm4b:s11+s21], $0x80, v3, vm0, $0xb8;
	[tilespmem:$0x1C100] =	vst v63  }
0x68: {  	s22 =	simm.s32 $0x13900  }
0x69: {  	[tilespmem:s22], [sflag:$0x3] =	stream.indirect_vreg.gather [hbm4b:s12+s21], $0x80, v3, vm0, $0xb8;
	[tilespmem:$0x1C100] =	vst v63  }
0x6a: {  	v3 =	vld [tilespmem:s20+$0x90];
	_ =	sdelay $0x4  }
0x6b: {  	v63 =	vshll.u32 v3, $0x3  }
0x6c: {  	v3 =	vand.u32 $0x7, v3;
	v4 =	vand.u32 $0xFFFFFFC0, v63  }
0x6d: {  	v3 =	vor.u32 v3, v4  }
0x6e: {  	v4 =	vperm.xlane v3, v0;
	_ =	sdelay $0x1  }
0x6f: {  	v4 =	vadd.s32 v1, v4;
	_ =	sdelay $0x3  }
0x70: {  	s24 =	simm.s32 $0x14100  }
0x71: {  	[tilespmem:s24], [sflag:$0x4] =	stream.indirect_vreg.gather [hbm4b:s4+s21], $0x80, v4, vm0, $0xb8;
	[tilespmem:$0x1C100] =	vst v63  }
0x72: {  	s25 =	simm.s32 $0x14900;
	v3 =	vperm.xlane v3, v2  }
0x73: {  	[tilespmem:s25], [sflag:$0x4] =	stream.indirect_vreg.gather [hbm4b:s10+s21], $0x80, v4, vm0, $0xb8;
	[tilespmem:$0x1C100] =	vst v63  }
0x74: {  	s26 =	simm.s32 $0x15100;
	v3 =	vadd.s32 v1, v3  }
0x75: {  	[tilespmem:s26], [sflag:$0x4] =	stream.indirect_vreg.gather [hbm4b:s11+s21], $0x80, v4, vm0, $0xb8;
	[tilespmem:$0x1C100] =	vst v63  }
0x76: {  	s28 =	simm.s32 $0x15900  }
0x77: {  	[tilespmem:s28], [sflag:$0x4] =	stream.indirect_vreg.gather [hbm4b:s12+s21], $0x80, v4, vm0, $0xb8;
	[tilespmem:$0x1C100] =	vst v63  }
0x78: {  	s29 =	simm.s32 $0x16100  }
0x79: {  	[tilespmem:s29], [sflag:$0x4] =	stream.indirect_vreg.gather [hbm4b:s4+s21], $0x80, v3, vm0, $0xb8;
	[tilespmem:$0x1C100] =	vst v63  }
0x7a: {  	_ = 	snop  }
0x7b: {  	[tilespmem:s30], [sflag:$0x4] =	stream.indirect_vreg.gather [hbm4b:s10+s21], $0x80, v3, vm0, $0xb8;
	[tilespmem:$0x1C100] =	vst v63  }
0x7c: {  	_ = 	snop  }
0x7d: {  	[tilespmem:s31], [sflag:$0x4] =	stream.indirect_vreg.gather [hbm4b:s11+s21], $0x80, v3, vm0, $0xb8;
	[tilespmem:$0x1C100] =	vst v63  }
0x7e: {  	_ = 	snop  }
0x7f: {  	[tilespmem:s0], [sflag:$0x4] =	stream.indirect_vreg.gather [hbm4b:s12+s21], $0x80, v3, vm0, $0xb8;
	[tilespmem:$0x1C100] =	vst v63  }
0x80: {  	_ =	swait.ge [sflag:s1], $0x4000  }
0x81: {  	[sflag:s1] =	ssyncset.done $0x0  }
0x82: {  	[sflag:s1] =	ssyncadd.s32 $0xFFFFC000  }
0x83: {  	s16 =	smov.u32 s14;
	s19 =	sor.u32 $0x10, s20;
	_ =	swait.ge [sflag:s6], $0x4000  }
0x84: {  	s22 =	sshll.u32 s18, $0xC;
	s24 =	smov.u32 s2;
	[sflag:s6] =	ssyncset.done $0x0  }
0x85: {  	s25 =	simm.s32 $0x0;
	s26 =	simm.s32 $0x0;
	[sflag:s6] =	ssyncadd.s32 $0xFFFFC000  }
.LBB2_3:
0x86: {  	v3 =	vld [tilespmem:s16+$0x0];
	s28 =	sand.u32 $0x2000, s25;
	s29 =	sand.u32 $0x380, s26  }
0x87: {  	v4 =	vld [tilespmem:s24+$0x0];
	s28 =	sor.u32 s29, s28  }
0x88: {  	v6 =	vld [tilespmem:s28+$0x8100]  }
0x89: {  	v7 =	vld [tilespmem:s28+$0xC100]  }
0x8a: {  	v10 =	vld [tilespmem:s28+$0x8110]  }
0x8b: {  	v11 =	vld [tilespmem:s28+$0xC110]  }
0x8c: {  	v14 =	vld [tilespmem:s28+$0x8120]  }
0x8d: {  	v17 =	vld [tilespmem:s28+$0xC120]  }
0x8e: {  	v20 =	vld [tilespmem:s28+$0x8130]  }
0x8f: {  	v21 =	vld [tilespmem:s28+$0xC130]  }
0x90: {  	v26 =	vld [tilespmem:s28+$0x8140]  }
0x91: {  	v27 =	vld [tilespmem:s28+$0xC140]  }
0x92: {  	v28 =	vld [tilespmem:s28+$0x8150]  }
0x93: {  	v29 =	vld [tilespmem:s28+$0xC150]  }
0x94: {  	v30 =	vld [tilespmem:s28+$0x8160]  }
0x95: {  	v31 =	vld [tilespmem:s28+$0xC160]  }
0x96: {  	v32 =	vld [tilespmem:s28+$0x8170]  }
0x97: {  	v33 =	vld [tilespmem:s28+$0xC170]  }
0x98: {  	v34 =	vld [tilespmem:s28+$0x8500]  }
0x99: {  	v35 =	vld [tilespmem:s28+$0xC500]  }
0x9a: {  	v36 =	vld [tilespmem:s28+$0x8510]  }
0x9b: {  	v37 =	vld [tilespmem:s28+$0xC510]  }
0x9c: {  	v38 =	vld [tilespmem:s28+$0x8520]  }
0x9d: {  	v39 =	vld [tilespmem:s28+$0xC520]  }
0x9e: {  	v40 =	vld [tilespmem:s28+$0x8530]  }
0x9f: {  	v41 =	vld [tilespmem:s28+$0xC530]  }
0xa0: {  	v42 =	vld [tilespmem:s28+$0x8540]  }
0xa1: {  	v43 =	vld [tilespmem:s28+$0xC540]  }
0xa2: {  	v44 =	vld [tilespmem:s28+$0x8550]  }
0xa3: {  	v45 =	vld [tilespmem:s28+$0xC550]  }
0xa4: {  	v46 =	vld [tilespmem:s28+$0x8560]  }
0xa5: {  	v47 =	vld [tilespmem:s28+$0xC560]  }
0xa6: {  	v48 =	vld [tilespmem:s28+$0x8570]  }
0xa7: {  	v49 =	vld [tilespmem:s28+$0xC570]  }
0xa8: {  	v50 =	vld [tilespmem:s28+$0x8900]  }
0xa9: {  	v51 =	vld [tilespmem:s28+$0xC900]  }
0xaa: {  	v52 =	vld [tilespmem:s28+$0x8910]  }
0xab: {  	v53 =	vld [tilespmem:s28+$0xC910]  }
0xac: {  	v54 =	vld [tilespmem:s28+$0x8920]  }
0xad: {  	v55 =	vld [tilespmem:s28+$0xC920]  }
0xae: {  	v56 =	vld [tilespmem:s28+$0x8930]  }
0xaf: {  	v57 =	vld [tilespmem:s28+$0xC930]  }
0xb0: {  	v58 =	vld [tilespmem:s28+$0x8940]  }
0xb1: {  	v59 =	vld [tilespmem:s28+$0xC940]  }
0xb2: {  	v60 =	vld [tilespmem:s28+$0x8950]  }
0xb3: {  	v61 =	vld [tilespmem:s28+$0xC950]  }
0xb4: {  	v62 =	vld [tilespmem:s28+$0x8960]  }
0xb5: {  	v63 =	vld [tilespmem:s28+$0xC960]  }
0xb6: {  	v5 =	vld [tilespmem:s28+$0x8970]  }
0xb7: {  	v2 =	vld [tilespmem:s28+$0xC970]  }
0xb8: {  	v24 =	vld [tilespmem:s28+$0x8D00]  }
0xb9: {  	v25 =	vld [tilespmem:s28+$0xCD00]  }
0xba: {  	v22 =	vld [tilespmem:s28+$0x8D10]  }
0xbb: {  	v23 =	vld [tilespmem:s28+$0xCD10]  }
0xbc: {  	v18 =	vld [tilespmem:s28+$0x8D20]  }
0xbd: {  	v19 =	vld [tilespmem:s28+$0xCD20]  }
0xbe: {  	v15 =	vld [tilespmem:s28+$0x8D30]  }
0xbf: {  	v0 =	vld [tilespmem:s28+$0x8D60]  }
0xc0: {  	v16 =	vld [tilespmem:s28+$0xCD30]  }
0xc1: {  	v12 =	vld [tilespmem:s28+$0x8D40]  }
0xc2: {  	v13 =	vld [tilespmem:s28+$0xCD40]  }
0xc3: {  	v8 =	vld [tilespmem:s28+$0x8D50];
	v1 =	vmul.f32 v6, v3  }
0xc4: {  	v9 =	vld [tilespmem:s28+$0xCD50];
	[tilespmem:$0x1FFC0] =	vst v0;
	v0 =	vmul.f32 v7, v4;
	v10 =	vmul.f32 v10, v3  }
0xc5: {  	v7 =	vld [tilespmem:s28+$0xCD60];
	v11 =	vmul.f32 v11, v4;
	v14 =	vmul.f32 v14, v3  }
0xc6: {  	v6 =	vld [tilespmem:s28+$0x8D70];
	v17 =	vmul.f32 v17, v4;
	v20 =	vmul.f32 v20, v3  }
0xc7: {  	v21 =	vmul.f32 v21, v4;
	v26 =	vmul.f32 v26, v3;
	v1 =	vadd.f32 v0, v1;
	v0 =	vld [tilespmem:s28+$0xCD70]  }
0xc8: {  	v5 =	vmul.f32 v5, v3;
	v2 =	vmul.f32 v2, v4;
	v10 =	vadd.f32 v11, v10;
	v11 =	vld [tilespmem:s28+$0x9100]  }
0xc9: {  	v24 =	vmul.f32 v24, v3;
	v25 =	vmul.f32 v25, v4;
	[tilespmem:s28+$0x18100] =	vst v1;
	v1 =	vadd.f32 v17, v14;
	v14 =	vld [tilespmem:s28+$0xD100]  }
0xca: {  	[tilespmem:s28+$0x18110] =	vst v10;
	v10 =	vadd.f32 v21, v20;
	v21 =	vmul.f32 v28, v3;
	v28 =	vmul.f32 v29, v4;
	v17 =	vld [tilespmem:s28+$0x9110]  }
0xcb: {  	v27 =	vmul.f32 v27, v4;
	v34 =	vmul.f32 v34, v3;
	v2 =	vadd.f32 v2, v5;
	v20 =	vld [tilespmem:s28+$0xD110]  }
0xcc: {  	v35 =	vmul.f32 v35, v4;
	v25 =	vadd.f32 v25, v24;
	[tilespmem:s28+$0x18130] =	vst v10;
	v10 =	vadd.f32 v28, v21;
	v21 =	vld [tilespmem:s28+$0x9120]  }
0xcd: {  	v29 =	vmul.f32 v33, v4;
	[tilespmem:s28+$0x18120] =	vst v1;
	v1 =	vadd.f32 v27, v26;
	v27 =	vmul.f32 v31, v4;
	v31 =	vld [tilespmem:s28+$0x9130]  }
0xce: {  	[tilespmem:s28+$0x18970] =	vst v2;
	v26 =	vmul.f32 v30, v3;
	v28 =	vmul.f32 v32, v3;
	v32 =	vld [tilespmem:s28+$0xD130]  }
0xcf: {  	v38 =	vmul.f32 v38, v3;
	[tilespmem:s28+$0x18D00] =	vst v25;
	v30 =	vmul.f32 v15, v3;
	v15 =	vld [tilespmem:s28+$0x9540]  }
0xd0: {  	v39 =	vmul.f32 v39, v4;
	v33 =	vadd.f32 v27, v26;
	v26 =	vld [tilespmem:s28+$0xD120];
	[tilespmem:s28+$0x18150] =	vst v10;
	v10 =	vadd.f32 v29, v28  }
0xd1: {  	[tilespmem:s28+$0x18140] =	vst v1;
	v28 =	vmul.f32 v36, v3;
	v36 =	vmul.f32 v37, v4;
	v37 =	vadd.f32 v35, v34;
	v34 =	vld [tilespmem:s28+$0xD140]  }
0xd2: {  	v40 =	vmul.f32 v40, v3;
	v52 =	vmul.f32 v52, v3;
	v35 =	vld [tilespmem:s28+$0x9150];
	[tilespmem:s28+$0x18160] =	vst v33  }
0xd3: {  	v18 =	vmul.f32 v18, v3;
	v27 =	vld [tilespmem:s28+$0xD520];
	[tilespmem:s28+$0x18170] =	vst v10;
	v10 =	vadd.f32 v36, v28;
	v36 =	vmul.f32 v41, v4  }
0xd4: {  	v33 =	vld [tilespmem:s28+$0x9140];
	[tilespmem:s28+$0x18500] =	vst v37;
	v37 =	vadd.f32 v39, v38;
	v38 =	vmul.f32 v42, v3;
	v39 =	vmul.f32 v43, v4  }
0xd5: {  	v41 =	vmul.f32 v45, v4;
	v28 =	vld [tilespmem:s28+$0x9520];
	[tilespmem:s28+$0x18510] =	vst v10;
	v10 =	vadd.f32 v36, v40;
	v40 =	vmul.f32 v44, v3  }
0xd6: {  	v43 =	vmul.f32 v46, v3;
	[tilespmem:s28+$0x18520] =	vst v37;
	v42 =	vadd.f32 v39, v38;
	v44 =	vmul.f32 v47, v4;
	v36 =	vld [tilespmem:s28+$0xD150]  }
0xd7: {  	v46 =	vmul.f32 v48, v3;
	v47 =	vmul.f32 v49, v4;
	v37 =	vld [tilespmem:s28+$0x9160];
	[tilespmem:s28+$0x18530] =	vst v10;
	v45 =	vadd.f32 v41, v40  }
0xd8: {  	v49 =	vmul.f32 v50, v3;
	v50 =	vmul.f32 v51, v4;
	v38 =	vld [tilespmem:s28+$0xD160];
	[tilespmem:s28+$0x18540] =	vst v42;
	v48 =	vadd.f32 v44, v43  }
0xd9: {  	v19 =	vmul.f32 v19, v4;
	v39 =	vld [tilespmem:s28+$0x9170];
	v51 =	vadd.f32 v47, v46;
	v44 =	vmul.f32 v53, v4;
	[tilespmem:s28+$0x18550] =	vst v45  }
0xda: {  	v46 =	vmul.f32 v54, v3;
	v47 =	vmul.f32 v55, v4;
	v40 =	vld [tilespmem:s28+$0xD170];
	[tilespmem:s28+$0x18560] =	vst v48;
	v45 =	vadd.f32 v50, v49  }
0xdb: {  	v41 =	vld [tilespmem:s28+$0x9500];
	v53 =	vmul.f32 v59, v4;
	v55 =	vmul.f32 v60, v3;
	[tilespmem:s28+$0x18570] =	vst v51;
	v48 =	vadd.f32 v44, v52  }
0xdc: {  	v42 =	vld [tilespmem:s28+$0xD500];
	v49 =	vmul.f32 v56, v3;
	v50 =	vmul.f32 v57, v4;
	v51 =	vadd.f32 v47, v46;
	[tilespmem:s28+$0x18900] =	vst v45  }
0xdd: {  	v43 =	vld [tilespmem:s28+$0x9510];
	v59 =	vmul.f32 v63, v4;
	v52 =	vmul.f32 v58, v3;
	v46 =	vadd.f32 v19, v18;
	[tilespmem:s28+$0x18910] =	vst v48  }
0xde: {  	v63 =	vmul.f32 v23, v4;
	v23 =	vld [tilespmem:s28+$0xD530];
	v56 =	vmul.f32 v61, v4;
	v54 =	vadd.f32 v50, v49;
	[tilespmem:s28+$0x18920] =	vst v51  }
0xdf: {  	v58 =	vmul.f32 v62, v3;
	v44 =	vld [tilespmem:s28+$0xD510];
	v57 =	vadd.f32 v53, v52;
	[tilespmem:s28+$0x18D20] =	vst v46  }
0xe0: {  	v62 =	vmul.f32 v22, v3;
	v22 =	vld [tilespmem:s28+$0x9530];
	v60 =	vadd.f32 v56, v55;
	[tilespmem:s28+$0x18930] =	vst v54  }
0xe1: {  	v12 =	vmul.f32 v12, v3;
	v13 =	vmul.f32 v13, v4;
	v18 =	vld [tilespmem:s28+$0x9910];
	v61 =	vadd.f32 v59, v58;
	[tilespmem:s28+$0x18940] =	vst v57  }
0xe2: {  	v25 =	vmul.f32 v34, v4;
	v24 =	vmul.f32 v33, v3;
	v19 =	vld [tilespmem:s28+$0xD910];
	v29 =	vadd.f32 v63, v62;
	[tilespmem:s28+$0x18950] =	vst v60  }
0xe3: {  	v45 =	vmul.f32 v16, v4;
	v16 =	vld [tilespmem:s28+$0xD540];
	v48 =	vmul.f32 v8, v3;
	v50 =	vadd.f32 v13, v12;
	[tilespmem:s28+$0x18960] =	vst v61  }
0xe4: {  	v49 =	vmul.f32 v9, v4;
	v9 =	vld [tilespmem:s28+$0x9550];
	v63 =	vmul.f32 v31, v3;
	v31 =	vadd.f32 v25, v24;
	[tilespmem:s28+$0x18D10] =	vst v29  }
0xe5: {  	v0 =	vmul.f32 v0, v4;
	v51 =	vld [tilespmem:$0x1FFC0];
	v53 =	vmul.f32 v6, v3;
	v47 =	vadd.f32 v45, v30;
	[tilespmem:s28+$0x18D40] =	vst v50  }
0xe6: {  	v12 =	vld [tilespmem:s28+$0xD550];
	v55 =	vmul.f32 v11, v3;
	v56 =	vmul.f32 v14, v4;
	v52 =	vadd.f32 v49, v48;
	[tilespmem:s28+$0x19140] =	vst v31  }
0xe7: {  	v6 =	vld [tilespmem:s28+$0x9560];
	v58 =	vmul.f32 v20, v4;
	v20 =	vmul.f32 v32, v4;
	v0 =	vadd.f32 v0, v53;
	[tilespmem:s28+$0x18D30] =	vst v47  }
0xe8: {  	v33 =	vmul.f32 v38, v4;
	v11 =	vld [tilespmem:s28+$0x9570];
	v32 =	vmul.f32 v37, v3;
	v59 =	vadd.f32 v56, v55;
	[tilespmem:s28+$0x18D50] =	vst v52  }
0xe9: {  	v13 =	vld [tilespmem:s28+$0xD570];
	v57 =	vmul.f32 v17, v3;
	v61 =	vmul.f32 v26, v4;
	v26 =	vadd.f32 v20, v63;
	[tilespmem:s28+$0x18D70] =	vst v0  }
0xea: {  	v7 =	vmul.f32 v7, v4;
	v14 =	vld [tilespmem:s28+$0x9900];
	v60 =	vmul.f32 v21, v3;
	v37 =	vadd.f32 v33, v32;
	[tilespmem:s28+$0x19100] =	vst v59  }
0xeb: {  	v17 =	vld [tilespmem:s28+$0xD900];
	v29 =	vmul.f32 v35, v3;
	v30 =	vmul.f32 v36, v4;
	v62 =	vadd.f32 v58, v57;
	[tilespmem:s28+$0x19130] =	vst v26  }
0xec: {  	v35 =	vmul.f32 v39, v3;
	v36 =	vmul.f32 v40, v4;
	v20 =	vld [tilespmem:s28+$0x9920];
	v21 =	vadd.f32 v61, v60;
	[tilespmem:s28+$0x19160] =	vst v37  }
0xed: {  	v38 =	vmul.f32 v41, v3;
	v39 =	vmul.f32 v42, v4;
	v40 =	vld [tilespmem:s28+$0xD920];
	v34 =	vadd.f32 v30, v29;
	[tilespmem:s28+$0x19110] =	vst v62  }
0xee: {  	v42 =	vmul.f32 v43, v3;
	v48 =	vld [tilespmem:s28+$0xD930];
	v43 =	vmul.f32 v44, v4;
	v41 =	vadd.f32 v36, v35;
	[tilespmem:s28+$0x19120] =	vst v21  }
0xef: {  	v46 =	vmul.f32 v28, v3;
	v56 =	vld [tilespmem:s28+$0xD940];
	v45 =	vadd.f32 v39, v38;
	v47 =	vmul.f32 v27, v4;
	[tilespmem:s28+$0x19150] =	vst v34  }
0xf0: {  	v63 =	vld [tilespmem:s28+$0xD950];
	v50 =	vmul.f32 v22, v3;
	v10 =	vmul.f32 v51, v3;
	v49 =	vadd.f32 v43, v42;
	[tilespmem:s28+$0x19170] =	vst v41  }
0xf1: {  	v31 =	vld [tilespmem:s28+$0xD960];
	v33 =	vmul.f32 v18, v3;
	v51 =	vmul.f32 v23, v4;
	[tilespmem:s28+$0x19500] =	vst v45;
	v53 =	vadd.f32 v47, v46  }
0xf2: {  	v44 =	vld [tilespmem:s28+$0x9930];
	v58 =	vmul.f32 v9, v3;
	v59 =	vmul.f32 v12, v4;
	v54 =	vadd.f32 v7, v10;
	[tilespmem:s28+$0x19510] =	vst v49  }
0xf3: {  	v52 =	vld [tilespmem:s28+$0x9940];
	v23 =	vmul.f32 v11, v3;
	v26 =	vmul.f32 v13, v4;
	v57 =	vadd.f32 v51, v50;
	[tilespmem:s28+$0x19520] =	vst v53  }
0xf4: {  	v60 =	vld [tilespmem:s28+$0x9950];
	v55 =	vmul.f32 v16, v4;
	v34 =	vmul.f32 v19, v4;
	v16 =	vadd.f32 v59, v58;
	[tilespmem:s28+$0x18D60] =	vst v54  }
0xf5: {  	v27 =	vld [tilespmem:s28+$0x9960];
	v29 =	vmul.f32 v14, v3;
	v30 =	vmul.f32 v17, v4;
	v32 =	vadd.f32 v26, v23;
	[tilespmem:s28+$0x19530] =	vst v57  }
0xf6: {  	v35 =	vld [tilespmem:s28+$0x9970];
	v37 =	vmul.f32 v20, v3;
	v38 =	vmul.f32 v40, v4;
	v40 =	vadd.f32 v34, v33;
	[tilespmem:s28+$0x19550] =	vst v16  }
0xf7: {  	v39 =	vld [tilespmem:s28+$0xD970];
	v42 =	vmul.f32 v48, v4;
	v41 =	vmul.f32 v44, v3;
	v36 =	vadd.f32 v30, v29;
	[tilespmem:s28+$0x19570] =	vst v32  }
0xf8: {  	v10 =	vld [tilespmem:s28+$0xD560];
	v54 =	vmul.f32 v15, v3;
	v43 =	vadd.f32 v38, v37;
	[tilespmem:s28+$0x19910] =	vst v40  }
0xf9: {  	v45 =	vmul.f32 v56, v4;
	v44 =	vmul.f32 v52, v3;
	v46 =	vadd.f32 v42, v41;
	[tilespmem:s28+$0x19900] =	vst v36  }
0xfa: {  	v48 =	vmul.f32 v63, v4;
	v47 =	vmul.f32 v60, v3;
	v61 =	vadd.f32 v55, v54;
	[tilespmem:s28+$0x19920] =	vst v43  }
0xfb: {  	v51 =	vmul.f32 v31, v4;
	v50 =	vmul.f32 v27, v3;
	v49 =	vadd.f32 v45, v44;
	[tilespmem:s28+$0x19930] =	vst v46  }
0xfc: {  	v53 =	vmul.f32 v35, v3;
	v52 =	vadd.f32 v48, v47;
	v54 =	vmul.f32 v39, v4;
	[tilespmem:s28+$0x19540] =	vst v61  }
0xfd: {  	v6 =	vmul.f32 v6, v3;
	v55 =	vadd.f32 v51, v50;
	v62 =	vmul.f32 v10, v4;
	[tilespmem:s28+$0x19940] =	vst v49  }
0xfe: {  	s29 =	sand.u32 $0x7, s21;
	[tilespmem:s28+$0x19950] =	vst v52;
	v56 =	vadd.f32 v54, v53  }
0xff: {  	s29 =	sshll.u32 s29, $0x7;
	[tilespmem:s28+$0x19960] =	vst v55;
	v28 =	vadd.f32 v62, v6  }
0x100: {  	s29 =	sadd.s32 s29, s25;
	[tilespmem:s28+$0x19970] =	vst v56  }
0x101: {  	[tilespmem:s28+$0x19560] =	vst v28;
	s28 =	sor.u32 $0x1C00, s29  }
0x102: {  	v0 =	vld [tilespmem:s28+$0x8100]  }
0x103: {  	v1 =	vld [tilespmem:s28+$0xC100];
	_ =	sdelay $0x4  }
0x104: {  	v0 =	vmul.f32 v0, v3;
	v1 =	vmul.f32 v1, v4;
	_ =	sdelay $0x1  }
0x105: {  	v0 =	vadd.f32 v1, v0;
	_ =	sdelay $0x1  }
0x106: {  	[tilespmem:s28+$0x18100] =	vst v0;
	s28 =	sor.u32 $0x1C10, s29  }
0x107: {  	v0 =	vld [tilespmem:s28+$0x8100]  }
0x108: {  	v57 =	vld [tilespmem:s28+$0xC100];
	_ =	sdelay $0x4  }
0x109: {  	v0 =	vmul.f32 v0, v3;
	v1 =	vmul.f32 v57, v4;
	_ =	sdelay $0x1  }
0x10a: {  	v0 =	vadd.f32 v1, v0;
	_ =	sdelay $0x1  }
0x10b: {  	[tilespmem:s28+$0x18100] =	vst v0;
	s28 =	sor.u32 $0x1C20, s29  }
0x10c: {  	v0 =	vld [tilespmem:s28+$0x8100]  }
0x10d: {  	v58 =	vld [tilespmem:s28+$0xC100];
	_ =	sdelay $0x4  }
0x10e: {  	v0 =	vmul.f32 v0, v3;
	v1 =	vmul.f32 v58, v4;
	_ =	sdelay $0x1  }
0x10f: {  	v0 =	vadd.f32 v1, v0;
	_ =	sdelay $0x1  }
0x110: {  	[tilespmem:s28+$0x18100] =	vst v0;
	s28 =	sor.u32 $0x1C30, s29  }
0x111: {  	v0 =	vld [tilespmem:s28+$0x8100]  }
0x112: {  	v59 =	vld [tilespmem:s28+$0xC100];
	_ =	sdelay $0x4  }
0x113: {  	v0 =	vmul.f32 v0, v3;
	v1 =	vmul.f32 v59, v4;
	_ =	sdelay $0x1  }
0x114: {  	v0 =	vadd.f32 v1, v0;
	_ =	sdelay $0x1  }
0x115: {  	[tilespmem:s28+$0x18100] =	vst v0;
	s28 =	sor.u32 $0x1C40, s29  }
0x116: {  	v0 =	vld [tilespmem:s28+$0x8100]  }
0x117: {  	v60 =	vld [tilespmem:s28+$0xC100];
	_ =	sdelay $0x4  }
0x118: {  	v0 =	vmul.f32 v0, v3;
	v1 =	vmul.f32 v60, v4;
	_ =	sdelay $0x1  }
0x119: {  	v0 =	vadd.f32 v1, v0;
	_ =	sdelay $0x1  }
0x11a: {  	[tilespmem:s28+$0x18100] =	vst v0;
	s28 =	sor.u32 $0x1C50, s29  }
0x11b: {  	v0 =	vld [tilespmem:s28+$0x8100]  }
0x11c: {  	v61 =	vld [tilespmem:s28+$0xC100];
	_ =	sdelay $0x4  }
0x11d: {  	v0 =	vmul.f32 v0, v3;
	v1 =	vmul.f32 v61, v4;
	_ =	sdelay $0x1  }
0x11e: {  	v0 =	vadd.f32 v1, v0;
	_ =	sdelay $0x1  }
0x11f: {  	[tilespmem:s28+$0x18100] =	vst v0;
	s28 =	sor.u32 $0x1C60, s29  }
0x120: {  	v0 =	vld [tilespmem:s28+$0x8100]  }
0x121: {  	v62 =	vld [tilespmem:s28+$0xC100];
	_ =	sdelay $0x4  }
0x122: {  	v0 =	vmul.f32 v0, v3;
	v1 =	vmul.f32 v62, v4;
	_ =	sdelay $0x1  }
0x123: {  	v0 =	vadd.f32 v1, v0;
	_ =	sdelay $0x1  }
0x124: {  	s29 =	sor.u32 $0x1C70, s29;
	[tilespmem:s28+$0x18100] =	vst v0  }
0x125: {  	v0 =	vld [tilespmem:s29+$0x8100]  }
0x126: {  	v63 =	vld [tilespmem:s29+$0xC100];
	_ =	sdelay $0x3  }
0x127: {  	p0 =	sne.s32 s26, $0x780  }
.Ltmp0:
0x128: {  	v0 =	vmul.f32 v0, v3;
	v1 =	vmul.f32 v63, v4;
	(pc) =	sbr.rel @p0 .LBB2_3-.Ltmp0, $4  }
0x129: {  	_ = 	snop  }
0x12a: {  	v0 =	vadd.f32 v1, v0  }
0x12b: {  	s24 =	sadd.s32 $0x80, s24;
	s16 =	sadd.s32 $0x80, s16  }
0x12c: {  	s26 =	sadd.s32 $0x80, s26;
	s21 =	sadd.s32 $0x1, s21;
	s25 =	sadd.s32 $0x400, s25;
	[tilespmem:s29+$0x18100] =	vst v0  }
0x12d: {  	s16 =	sadd.s32 s22, s13  }
0x12e: {  	[hbm4b:s16+s3] =	stream.linear.scatter [tilespmem:s7], [sflag:$0x5], $0x4000, $0x38;
	[tilespmem:$0x1C100] =	vst v63  }
0x12f: {  	_ =	swait.ge [sflag:s15], $0x4000  }
0x130: {  	[sflag:s15] =	ssyncset.done $0x0  }
0x131: {  	p0 =	seq.s32 s18, $0x3;
	[sflag:s15] =	ssyncadd.s32 $0xFFFFC000  }
0x132: {  	v0 =	vld @!p0 [tilespmem:s20+$0x20];
	_ =	sdelay $0x4  }
0x133: {  	v1 =	vshll.u32 @!p0 v0, $0x3  }
0x134: {  	v2 =	vlaneseq.u32 @!p0;
	v0 =	vand.u32 @!p0 $0x7, v0;
	v1 =	vand.u32 @!p0 $0xFFFFFFC0, v1  }
0x135: {  	v3 =	vshrl.u32 @!p0 v2, $0x3;
	v0 =	vor.u32 @!p0 v0, v1;
	v1 =	vand.u32 @!p0 $0x7, v2  }
0x136: {  	v3 =	vmul.u32 @!p0 $0x8, v3;
	v4 =	vperm.xlane @!p0 v0, v1;
	_ =	sdelay $0x1  }
0x137: {  	v4 =	vadd.s32 @!p0 v3, v4;
	_ =	sdelay $0x3  }
0x138: {  	vm1 =	vmmov @!p0 $0xffff;
	s16 =	simm.s32 @!p0 $0x0;
	s21 =	simm.s32 @!p0 $0x8100  }
0x139: {  	v2 =	vor.u32 @!p0 $0x8, v2;
	[tilespmem:s21], [sflag:$0x1] =	stream.indirect_vreg.gather @!p0 [hbm4b:s4+s16], $0x80, v4, vm1, $0xb8;
	[tilespmem:$0x1C100] =	vst v63  }
0x13a: {  	v0 =	vperm.xlane @!p0 v0, v2;
	s21 =	simm.s32 @!p0 $0x8900  }
0x13b: {  	[tilespmem:s21], [sflag:$0x1] =	stream.indirect_vreg.gather @!p0 [hbm4b:s10+s16], $0x80, v4, vm1, $0xb8;
	[tilespmem:$0x1C100] =	vst v63  }
0x13c: {  	v0 =	vadd.s32 @!p0 v3, v0;
	s21 =	simm.s32 @!p0 $0x9100  }
0x13d: {  	[tilespmem:s21], [sflag:$0x1] =	stream.indirect_vreg.gather @!p0 [hbm4b:s11+s16], $0x80, v4, vm1, $0xb8;
	[tilespmem:$0x1C100] =	vst v63  }
0x13e: {  	s21 =	simm.s32 @!p0 $0x9900  }
0x13f: {  	[tilespmem:s21], [sflag:$0x1] =	stream.indirect_vreg.gather @!p0 [hbm4b:s12+s16], $0x80, v4, vm1, $0xb8;
	[tilespmem:$0x1C100] =	vst v63  }
0x140: {  	s21 =	simm.s32 @!p0 $0xA100  }
0x141: {  	[tilespmem:s21], [sflag:$0x1] =	stream.indirect_vreg.gather @!p0 [hbm4b:s4+s16], $0x80, v0, vm1, $0xb8;
	[tilespmem:$0x1C100] =	vst v63  }
0x142: {  	s21 =	simm.s32 @!p0 $0xA900  }
0x143: {  	[tilespmem:s21], [sflag:$0x1] =	stream.indirect_vreg.gather @!p0 [hbm4b:s10+s16], $0x80, v0, vm1, $0xb8;
	[tilespmem:$0x1C100] =	vst v63  }
0x144: {  	s21 =	simm.s32 @!p0 $0xB100  }
0x145: {  	[tilespmem:s21], [sflag:$0x1] =	stream.indirect_vreg.gather @!p0 [hbm4b:s11+s16], $0x80, v0, vm1, $0xb8;
	[tilespmem:$0x1C100] =	vst v63  }
0x146: {  	s21 =	simm.s32 @!p0 $0xB900  }
0x147: {  	[tilespmem:s21], [sflag:$0x1] =	stream.indirect_vreg.gather @!p0 [hbm4b:s12+s16], $0x80, v0, vm1, $0xb8;
	[tilespmem:$0x1C100] =	vst v63  }
0x148: {  	v0 =	vld @!p0 [tilespmem:s20+$0xA0];
	_ =	sdelay $0x4  }
0x149: {  	v4 =	vshll.u32 @!p0 v0, $0x3  }
0x14a: {  	v0 =	vand.u32 @!p0 $0x7, v0;
	v4 =	vand.u32 @!p0 $0xFFFFFFC0, v4  }
0x14b: {  	v0 =	vor.u32 @!p0 v0, v4  }
0x14c: {  	v1 =	vperm.xlane @!p0 v0, v1;
	_ =	sdelay $0x1  }
0x14d: {  	v1 =	vadd.s32 @!p0 v3, v1;
	_ =	sdelay $0x3  }
0x14e: {  	s20 =	simm.s32 @!p0 $0xC100  }
0x14f: {  	[tilespmem:s20], [sflag:$0x2] =	stream.indirect_vreg.gather @!p0 [hbm4b:s4+s16], $0x80, v1, vm1, $0xb8;
	[tilespmem:$0x1C100] =	vst v63  }
0x150: {  	v0 =	vperm.xlane @!p0 v0, v2;
	s20 =	simm.s32 @!p0 $0xC900  }
0x151: {  	[tilespmem:s20], [sflag:$0x2] =	stream.indirect_vreg.gather @!p0 [hbm4b:s10+s16], $0x80, v1, vm1, $0xb8;
	[tilespmem:$0x1C100] =	vst v63  }
0x152: {  	v0 =	vadd.s32 @!p0 v3, v0;
	s20 =	simm.s32 @!p0 $0xD100  }
0x153: {  	[tilespmem:s20], [sflag:$0x2] =	stream.indirect_vreg.gather @!p0 [hbm4b:s11+s16], $0x80, v1, vm1, $0xb8;
	[tilespmem:$0x1C100] =	vst v63  }
0x154: {  	s20 =	simm.s32 @!p0 $0xD900  }
0x155: {  	[tilespmem:s20], [sflag:$0x2] =	stream.indirect_vreg.gather @!p0 [hbm4b:s12+s16], $0x80, v1, vm1, $0xb8;
	[tilespmem:$0x1C100] =	vst v63  }
0x156: {  	s20 =	simm.s32 @!p0 $0xE100  }
0x157: {  	[tilespmem:s20], [sflag:$0x2] =	stream.indirect_vreg.gather @!p0 [hbm4b:s4+s16], $0x80, v0, vm1, $0xb8;
	[tilespmem:$0x1C100] =	vst v63  }
0x158: {  	s20 =	simm.s32 @!p0 $0xE900  }
0x159: {  	[tilespmem:s20], [sflag:$0x2] =	stream.indirect_vreg.gather @!p0 [hbm4b:s10+s16], $0x80, v0, vm1, $0xb8;
	[tilespmem:$0x1C100] =	vst v63  }
0x15a: {  	s20 =	simm.s32 @!p0 $0xF100  }
0x15b: {  	[tilespmem:s20], [sflag:$0x2] =	stream.indirect_vreg.gather @!p0 [hbm4b:s11+s16], $0x80, v0, vm1, $0xb8;
	[tilespmem:$0x1C100] =	vst v63  }
0x15c: {  	s20 =	simm.s32 @!p0 $0xF900  }
0x15d: {  	[tilespmem:s20], [sflag:$0x2] =	stream.indirect_vreg.gather @!p0 [hbm4b:s12+s16], $0x80, v0, vm1, $0xb8;
	[tilespmem:$0x1C100] =	vst v63  }
0x15e: {  	_ =	swait.ge [sflag:s8], $0x4000  }
0x15f: {  	[sflag:s8] =	ssyncset.done $0x0  }
0x160: {  	[sflag:s8] =	ssyncadd.s32 $0xFFFFC000  }
0x161: {  	s22 =	smov.u32 s17;
	s24 =	simm.s32 $0x0;
	_ =	swait.ge [sflag:s9], $0x4000  }
0x162: {  	s25 =	simm.s32 $0x0;
	s21 =	simm.s32 $0xFFFFC000;
	[sflag:s9] =	ssyncset.done $0x0  }
0x163: {  	s20 =	simm.s32 $0x0;
	s16 =	smov.u32 s23;
	[sflag:s9] =	ssyncadd.s32 $0xFFFFC000  }
.LBB2_5:
0x164: {  	s26 =	sadd.s32 $0x4000, s21  }
0x165: {  	v3 =	vld [tilespmem:s16+$0x0];
	s28 =	sand.u32 $0x380, s25;
	s26 =	sand.u32 $0x2000, s26  }
0x166: {  	v4 =	vld [tilespmem:s22+$0x0];
	s26 =	sor.u32 s28, s26  }
0x167: {  	v0 =	vld [tilespmem:s26+$0x10100]  }
0x168: {  	v1 =	vld [tilespmem:s26+$0x14100]  }
0x169: {  	v2 =	vld [tilespmem:s26+$0x10110]  }
0x16a: {  	v6 =	vld [tilespmem:s26+$0x14110]  }
0x16b: {  	v10 =	vld [tilespmem:s26+$0x10120]  }
0x16c: {  	v11 =	vld [tilespmem:s26+$0x14120]  }
0x16d: {  	v14 =	vld [tilespmem:s26+$0x10130]  }
0x16e: {  	v17 =	vld [tilespmem:s26+$0x14130]  }
0x16f: {  	v20 =	vld [tilespmem:s26+$0x10140]  }
0x170: {  	v21 =	vld [tilespmem:s26+$0x14140]  }
0x171: {  	v26 =	vld [tilespmem:s26+$0x10150]  }
0x172: {  	v27 =	vld [tilespmem:s26+$0x14150]  }
0x173: {  	v28 =	vld [tilespmem:s26+$0x10160]  }
0x174: {  	v29 =	vld [tilespmem:s26+$0x14160]  }
0x175: {  	v30 =	vld [tilespmem:s26+$0x10170]  }
0x176: {  	v31 =	vld [tilespmem:s26+$0x14170]  }
0x177: {  	v32 =	vld [tilespmem:s26+$0x10500]  }
0x178: {  	v33 =	vld [tilespmem:s26+$0x14500]  }
0x179: {  	v34 =	vld [tilespmem:s26+$0x10510]  }
0x17a: {  	v35 =	vld [tilespmem:s26+$0x14510]  }
0x17b: {  	v36 =	vld [tilespmem:s26+$0x10520]  }
0x17c: {  	v37 =	vld [tilespmem:s26+$0x14520]  }
0x17d: {  	v38 =	vld [tilespmem:s26+$0x10530]  }
0x17e: {  	v39 =	vld [tilespmem:s26+$0x14530]  }
0x17f: {  	v40 =	vld [tilespmem:s26+$0x10540]  }
0x180: {  	v41 =	vld [tilespmem:s26+$0x14540]  }
0x181: {  	v42 =	vld [tilespmem:s26+$0x10550]  }
0x182: {  	v43 =	vld [tilespmem:s26+$0x14550]  }
0x183: {  	v44 =	vld [tilespmem:s26+$0x10560]  }
0x184: {  	v45 =	vld [tilespmem:s26+$0x14560]  }
0x185: {  	v46 =	vld [tilespmem:s26+$0x10570]  }
0x186: {  	v47 =	vld [tilespmem:s26+$0x14570]  }
0x187: {  	v48 =	vld [tilespmem:s26+$0x10900]  }
0x188: {  	v49 =	vld [tilespmem:s26+$0x14900]  }
0x189: {  	v50 =	vld [tilespmem:s26+$0x10910]  }
0x18a: {  	v51 =	vld [tilespmem:s26+$0x14910]  }
0x18b: {  	v52 =	vld [tilespmem:s26+$0x10920]  }
0x18c: {  	v53 =	vld [tilespmem:s26+$0x14920]  }
0x18d: {  	v54 =	vld [tilespmem:s26+$0x10930]  }
0x18e: {  	v55 =	vld [tilespmem:s26+$0x14930]  }
0x18f: {  	v56 =	vld [tilespmem:s26+$0x10940]  }
0x190: {  	v57 =	vld [tilespmem:s26+$0x14940]  }
0x191: {  	v58 =	vld [tilespmem:s26+$0x10950]  }
0x192: {  	v59 =	vld [tilespmem:s26+$0x14950]  }
0x193: {  	v60 =	vld [tilespmem:s26+$0x10960]  }
0x194: {  	v61 =	vld [tilespmem:s26+$0x14960]  }
0x195: {  	v62 =	vld [tilespmem:s26+$0x10970]  }
0x196: {  	v63 =	vld [tilespmem:s26+$0x14970]  }
0x197: {  	v24 =	vld [tilespmem:s26+$0x10D00]  }
0x198: {  	v25 =	vld [tilespmem:s26+$0x14D00]  }
0x199: {  	v22 =	vld [tilespmem:s26+$0x10D10]  }
0x19a: {  	v23 =	vld [tilespmem:s26+$0x14D10]  }
0x19b: {  	v18 =	vld [tilespmem:s26+$0x10D20]  }
0x19c: {  	v19 =	vld [tilespmem:s26+$0x14D20]  }
0x19d: {  	v15 =	vld [tilespmem:s26+$0x10D30]  }
0x19e: {  	v16 =	vld [tilespmem:s26+$0x14D30]  }
0x19f: {  	v5 =	vld [tilespmem:s26+$0x10D60]  }
0x1a0: {  	v12 =	vld [tilespmem:s26+$0x10D40]  }
0x1a1: {  	v13 =	vld [tilespmem:s26+$0x14D40]  }
0x1a2: {  	v8 =	vld [tilespmem:s26+$0x10D50]  }
0x1a3: {  	v9 =	vld [tilespmem:s26+$0x14D50];
	v0 =	vmul.f32 v0, v3;
	v1 =	vmul.f32 v1, v4  }
0x1a4: {  	v7 =	vld [tilespmem:s26+$0x14D60];
	[tilespmem:$0x1FFA0] =	vst v5;
	v5 =	vmul.f32 v2, v3;
	v2 =	vmul.f32 v6, v4  }
0x1a5: {  	v6 =	vld [tilespmem:s26+$0x10D70];
	v17 =	vmul.f32 v17, v4;
	v0 =	vadd.f32 v1, v0  }
0x1a6: {  	v1 =	vmul.f32 v10, v3;
	v10 =	vld [tilespmem:s26+$0x14D70];
	v5 =	vadd.f32 v2, v5;
	v2 =	vmul.f32 v14, v3  }
0x1a7: {  	v11 =	vmul.f32 v11, v4;
	v14 =	vld [tilespmem:s26+$0x15100]  }
0x1a8: {  	v26 =	vmul.f32 v26, v3;
	v2 =	vadd.f32 v17, v2;
	v17 =	vld [tilespmem:s26+$0x11110]  }
0x1a9: {  	[tilespmem:s26+$0x18100] =	vst v0;
	v0 =	vadd.f32 v11, v1;
	v1 =	vmul.f32 v20, v3;
	v11 =	vmul.f32 v21, v4;
	v20 =	vld [tilespmem:s26+$0x15110]  }
0x1aa: {  	v27 =	vmul.f32 v27, v4;
	v30 =	vmul.f32 v30, v3;
	v21 =	vld [tilespmem:s26+$0x11120];
	[tilespmem:$0x1FFB0] =	vst v6  }
0x1ab: {  	v31 =	vmul.f32 v31, v4;
	v33 =	vmul.f32 v33, v4;
	v6 =	vld [tilespmem:s26+$0x11100];
	[tilespmem:s26+$0x18120] =	vst v0;
	v0 =	vadd.f32 v11, v1  }
0x1ac: {  	v1 =	vmul.f32 v28, v3;
	v11 =	vmul.f32 v29, v4;
	[tilespmem:s26+$0x18130] =	vst v2;
	v2 =	vadd.f32 v27, v26;
	v26 =	vld [tilespmem:s26+$0x15120]  }
0x1ad: {  	[tilespmem:s26+$0x18110] =	vst v5;
	v5 =	vmul.f32 v34, v3;
	v34 =	vmul.f32 v37, v4;
	v28 =	vld [tilespmem:s26+$0x11130]  }
0x1ae: {  	v37 =	vmul.f32 v39, v4;
	v29 =	vld [tilespmem:s26+$0x15130];
	[tilespmem:s26+$0x18140] =	vst v0;
	v0 =	vadd.f32 v11, v1;
	v1 =	vmul.f32 v32, v3  }
0x1af: {  	v27 =	vmul.f32 v16, v4;
	v16 =	vld [tilespmem:s26+$0x11540];
	[tilespmem:s26+$0x18150] =	vst v2;
	v2 =	vadd.f32 v31, v30;
	v32 =	vmul.f32 v35, v4  }
0x1b0: {  	v30 =	vld [tilespmem:s26+$0x11140];
	[tilespmem:s26+$0x18160] =	vst v0;
	v0 =	vadd.f32 v33, v1;
	v33 =	vmul.f32 v36, v3;
	v36 =	vmul.f32 v38, v3  }
0x1b1: {  	v39 =	vmul.f32 v40, v3;
	v40 =	vmul.f32 v41, v4;
	v31 =	vld [tilespmem:s26+$0x15140];
	[tilespmem:s26+$0x18170] =	vst v2;
	v35 =	vadd.f32 v32, v5  }
0x1b2: {  	v42 =	vmul.f32 v42, v3;
	v11 =	vld [tilespmem:s26+$0x15550];
	[tilespmem:s26+$0x18500] =	vst v0;
	v38 =	vadd.f32 v34, v33;
	v41 =	vadd.f32 v37, v36  }
0x1b3: {  	v32 =	vld [tilespmem:s26+$0x11150];
	[tilespmem:s26+$0x18510] =	vst v35;
	v36 =	vmul.f32 v43, v4;
	v37 =	vadd.f32 v40, v39;
	v39 =	vmul.f32 v45, v4  }
0x1b4: {  	v33 =	vld [tilespmem:s26+$0x15150];
	v45 =	vmul.f32 v49, v4;
	[tilespmem:s26+$0x18520] =	vst v38;
	v38 =	vmul.f32 v44, v3  }
0x1b5: {  	v34 =	vld [tilespmem:s26+$0x11160];
	[tilespmem:s26+$0x18530] =	vst v41;
	v40 =	vadd.f32 v36, v42;
	v41 =	vmul.f32 v46, v3;
	v42 =	vmul.f32 v47, v4  }
0x1b6: {  	v35 =	vld [tilespmem:s26+$0x15160];
	[tilespmem:s26+$0x18540] =	vst v37;
	v44 =	vmul.f32 v48, v3;
	v47 =	vmul.f32 v50, v3;
	v43 =	vadd.f32 v39, v38  }
0x1b7: {  	v48 =	vmul.f32 v51, v4;
	v36 =	vld [tilespmem:s26+$0x11170];
	v50 =	vmul.f32 v52, v3;
	[tilespmem:s26+$0x18550] =	vst v40;
	v46 =	vadd.f32 v42, v41  }
0x1b8: {  	v51 =	vmul.f32 v53, v4;
	v37 =	vld [tilespmem:s26+$0x15170];
	v53 =	vmul.f32 v54, v3;
	v49 =	vadd.f32 v45, v44;
	[tilespmem:s26+$0x18560] =	vst v43  }
0x1b9: {  	v54 =	vmul.f32 v55, v4;
	v52 =	vadd.f32 v48, v47;
	v38 =	vld [tilespmem:s26+$0x11500];
	v44 =	vmul.f32 v56, v3;
	[tilespmem:s26+$0x18570] =	vst v46  }
0x1ba: {  	v55 =	vadd.f32 v51, v50;
	v45 =	vmul.f32 v57, v4;
	v39 =	vld [tilespmem:s26+$0x15500];
	v47 =	vmul.f32 v58, v3;
	[tilespmem:s26+$0x18900] =	vst v49  }
0x1bb: {  	v48 =	vmul.f32 v59, v4;
	v40 =	vld [tilespmem:s26+$0x11510];
	v50 =	vmul.f32 v60, v3;
	[tilespmem:s26+$0x18910] =	vst v52;
	v46 =	vadd.f32 v54, v53  }
0x1bc: {  	v51 =	vmul.f32 v61, v4;
	v41 =	vld [tilespmem:s26+$0x15510];
	v56 =	vmul.f32 v24, v3;
	[tilespmem:s26+$0x18920] =	vst v55;
	v49 =	vadd.f32 v45, v44  }
0x1bd: {  	v42 =	vld [tilespmem:s26+$0x11520];
	v57 =	vmul.f32 v25, v4;
	v59 =	vmul.f32 v22, v3;
	v52 =	vadd.f32 v48, v47;
	[tilespmem:s26+$0x18930] =	vst v46  }
0x1be: {  	v24 =	vld [tilespmem:s26+$0x15520];
	v60 =	vmul.f32 v23, v4;
	v25 =	vmul.f32 v15, v3;
	v55 =	vadd.f32 v51, v50;
	[tilespmem:s26+$0x18940] =	vst v49  }
0x1bf: {  	v23 =	vld [tilespmem:s26+$0x11530];
	v53 =	vmul.f32 v62, v3;
	v54 =	vmul.f32 v63, v4;
	v61 =	vadd.f32 v57, v56;
	[tilespmem:s26+$0x18950] =	vst v52  }
0x1c0: {  	v15 =	vld [tilespmem:s26+$0x11900];
	v62 =	vmul.f32 v18, v3;
	v63 =	vmul.f32 v19, v4;
	v22 =	vadd.f32 v60, v59;
	[tilespmem:s26+$0x18960] =	vst v55  }
0x1c1: {  	v18 =	vld [tilespmem:s26+$0x15530];
	v44 =	vmul.f32 v12, v3;
	v45 =	vmul.f32 v13, v4;
	v58 =	vadd.f32 v54, v53;
	[tilespmem:s26+$0x18D00] =	vst v61  }
0x1c2: {  	v12 =	vld [tilespmem:s26+$0x15540];
	v47 =	vmul.f32 v8, v3;
	v48 =	vmul.f32 v9, v4;
	v43 =	vadd.f32 v63, v62;
	[tilespmem:s26+$0x18D10] =	vst v22  }
0x1c3: {  	v9 =	vld [tilespmem:s26+$0x11550];
	v56 =	vmul.f32 v14, v4;
	v59 =	vmul.f32 v20, v4;
	v46 =	vadd.f32 v27, v25;
	[tilespmem:s26+$0x18970] =	vst v58  }
0x1c4: {  	v50 =	vld [tilespmem:$0x1FFA0];
	v20 =	vmul.f32 v28, v3;
	v49 =	vadd.f32 v45, v44;
	v55 =	vmul.f32 v6, v3;
	[tilespmem:s26+$0x18D20] =	vst v43  }
0x1c5: {  	v13 =	vld [tilespmem:s26+$0x11570];
	v51 =	vadd.f32 v48, v47;
	v61 =	vmul.f32 v21, v3;
	v62 =	vmul.f32 v26, v4;
	[tilespmem:s26+$0x18D30] =	vst v46  }
0x1c6: {  	v14 =	vld [tilespmem:s26+$0x15570];
	v28 =	vmul.f32 v32, v3;
	v21 =	vmul.f32 v29, v4;
	[tilespmem:s26+$0x18D40] =	vst v49;
	v60 =	vadd.f32 v56, v55  }
0x1c7: {  	v19 =	vld [tilespmem:s26+$0x11910];
	v25 =	vmul.f32 v30, v3;
	v26 =	vmul.f32 v31, v4;
	[tilespmem:s26+$0x18D50] =	vst v51;
	v22 =	vadd.f32 v62, v61  }
0x1c8: {  	v32 =	vmul.f32 v35, v4;
	v52 =	vld [tilespmem:$0x1FFB0];
	v29 =	vmul.f32 v33, v4;
	v27 =	vadd.f32 v21, v20;
	[tilespmem:s26+$0x19100] =	vst v60  }
0x1c9: {  	v53 =	vmul.f32 v10, v4;
	v10 =	vld [tilespmem:s26+$0x11560];
	v31 =	vmul.f32 v34, v3;
	v30 =	vadd.f32 v26, v25;
	[tilespmem:s26+$0x19120] =	vst v22  }
0x1ca: {  	v35 =	vmul.f32 v37, v4;
	v34 =	vmul.f32 v36, v3;
	v44 =	vld [tilespmem:s26+$0x11930];
	v33 =	vadd.f32 v29, v28;
	[tilespmem:s26+$0x19130] =	vst v27  }
0x1cb: {  	v48 =	vld [tilespmem:s26+$0x15930];
	v37 =	vmul.f32 v38, v3;
	v38 =	vmul.f32 v39, v4;
	v36 =	vadd.f32 v32, v31;
	[tilespmem:s26+$0x19140] =	vst v30  }
0x1cc: {  	v58 =	vmul.f32 v17, v3;
	v17 =	vld [tilespmem:s26+$0x15900];
	v39 =	vadd.f32 v35, v34;
	[tilespmem:s26+$0x19150] =	vst v33  }
0x1cd: {  	v40 =	vmul.f32 v40, v3;
	v20 =	vld [tilespmem:s26+$0x15910];
	v43 =	vmul.f32 v41, v4;
	v45 =	vadd.f32 v38, v37;
	[tilespmem:s26+$0x19160] =	vst v36  }
0x1ce: {  	v7 =	vmul.f32 v7, v4;
	v21 =	vld [tilespmem:s26+$0x11920];
	v1 =	vmul.f32 v50, v3;
	v63 =	vadd.f32 v59, v58;
	[tilespmem:s26+$0x19170] =	vst v39  }
0x1cf: {  	v56 =	vld [tilespmem:s26+$0x15940];
	v49 =	vadd.f32 v43, v40;
	v58 =	vmul.f32 v9, v3;
	v59 =	vmul.f32 v11, v4;
	[tilespmem:s26+$0x19500] =	vst v45  }
0x1d0: {  	v28 =	vld [tilespmem:s26+$0x11960];
	v26 =	vmul.f32 v13, v3;
	v27 =	vmul.f32 v14, v4;
	v54 =	vadd.f32 v7, v1;
	[tilespmem:s26+$0x19110] =	vst v63  }
0x1d1: {  	v32 =	vld [tilespmem:s26+$0x15960];
	v50 =	vmul.f32 v23, v3;
	v5 =	vmul.f32 v52, v3;
	[tilespmem:s26+$0x19510] =	vst v49;
	v23 =	vadd.f32 v59, v58  }
0x1d2: {  	v47 =	vmul.f32 v24, v4;
	v46 =	vmul.f32 v42, v3;
	v22 =	vld [tilespmem:s26+$0x15920];
	v33 =	vadd.f32 v27, v26;
	[tilespmem:s26+$0x18D60] =	vst v54  }
0x1d3: {  	v60 =	vld [tilespmem:s26+$0x11950];
	v42 =	vmul.f32 v44, v3;
	v43 =	vmul.f32 v48, v4;
	v57 =	vadd.f32 v53, v5;
	[tilespmem:s26+$0x19550] =	vst v23  }
0x1d4: {  	v51 =	vmul.f32 v18, v4;
	v36 =	vld [tilespmem:s26+$0x11970];
	v53 =	vadd.f32 v47, v46;
	[tilespmem:s26+$0x19570] =	vst v33  }
0x1d5: {  	v55 =	vmul.f32 v12, v4;
	v40 =	vld [tilespmem:s26+$0x15970];
	v54 =	vmul.f32 v16, v3;
	v47 =	vadd.f32 v43, v42;
	[tilespmem:s26+$0x18D70] =	vst v57  }
0x1d6: {  	v30 =	vmul.f32 v15, v3;
	v7 =	vld [tilespmem:s26+$0x15560];
	v31 =	vmul.f32 v17, v4;
	v57 =	vadd.f32 v51, v50;
	[tilespmem:s26+$0x19520] =	vst v53  }
0x1d7: {  	v34 =	vmul.f32 v19, v3;
	v52 =	vld [tilespmem:s26+$0x11940];
	v35 =	vmul.f32 v20, v4;
	v61 =	vadd.f32 v55, v54;
	[tilespmem:s26+$0x19930] =	vst v47  }
0x1d8: {  	v16 =	vld [tilespmem:s26+$0x15950];
	v38 =	vmul.f32 v21, v3;
	v37 =	vadd.f32 v31, v30;
	v39 =	vmul.f32 v22, v4;
	[tilespmem:s26+$0x19530] =	vst v57  }
0x1d9: {  	v41 =	vadd.f32 v35, v34;
	v50 =	vmul.f32 v28, v3;
	v51 =	vmul.f32 v32, v4;
	[tilespmem:s26+$0x19540] =	vst v61  }
0x1da: {  	v53 =	vmul.f32 v36, v3;
	v54 =	vmul.f32 v40, v4;
	[tilespmem:s26+$0x19900] =	vst v37;
	v44 =	vadd.f32 v39, v38  }
0x1db: {  	v62 =	vmul.f32 v10, v3;
	v63 =	vmul.f32 v7, v4;
	[tilespmem:s26+$0x19910] =	vst v41;
	v55 =	vadd.f32 v51, v50  }
0x1dc: {  	v46 =	vmul.f32 v56, v4;
	v45 =	vmul.f32 v52, v3;
	v56 =	vadd.f32 v54, v53;
	[tilespmem:s26+$0x19920] =	vst v44  }
0x1dd: {  	v48 =	vmul.f32 v60, v3;
	v29 =	vadd.f32 v63, v62;
	v7 =	vmul.f32 v16, v4;
	[tilespmem:s26+$0x19960] =	vst v55  }
0x1de: {  	s29 =	sand.u32 $0x7, s20;
	v49 =	vadd.f32 v46, v45;
	[tilespmem:s26+$0x19970] =	vst v56  }
0x1df: {  	s28 =	sshll.u32 s29, $0x7;
	[tilespmem:s26+$0x19560] =	vst v29;
	v52 =	vadd.f32 v7, v48  }
0x1e0: {  	s28 =	sadd.s32 s28, s24;
	[tilespmem:s26+$0x19940] =	vst v49  }
0x1e1: {  	s29 =	sor.u32 $0x1C00, s28;
	[tilespmem:s26+$0x19950] =	vst v52  }
0x1e2: {  	v0 =	vld [tilespmem:s29+$0x10100]  }
0x1e3: {  	v1 =	vld [tilespmem:s29+$0x14100];
	_ =	sdelay $0x4  }
0x1e4: {  	v0 =	vmul.f32 v0, v3;
	v1 =	vmul.f32 v1, v4;
	_ =	sdelay $0x1  }
0x1e5: {  	v0 =	vadd.f32 v1, v0;
	_ =	sdelay $0x1  }
0x1e6: {  	[tilespmem:s29+$0x18100] =	vst v0;
	s29 =	sor.u32 $0x1C10, s28  }
0x1e7: {  	v0 =	vld [tilespmem:s29+$0x10100]  }
0x1e8: {  	v57 =	vld [tilespmem:s29+$0x14100];
	_ =	sdelay $0x4  }
0x1e9: {  	v0 =	vmul.f32 v0, v3;
	v1 =	vmul.f32 v57, v4;
	_ =	sdelay $0x1  }
0x1ea: {  	v0 =	vadd.f32 v1, v0;
	_ =	sdelay $0x1  }
0x1eb: {  	[tilespmem:s29+$0x18100] =	vst v0;
	s29 =	sor.u32 $0x1C20, s28  }
0x1ec: {  	v0 =	vld [tilespmem:s29+$0x10100]  }
0x1ed: {  	v58 =	vld [tilespmem:s29+$0x14100];
	_ =	sdelay $0x4  }
0x1ee: {  	v0 =	vmul.f32 v0, v3;
	v1 =	vmul.f32 v58, v4;
	_ =	sdelay $0x1  }
0x1ef: {  	v0 =	vadd.f32 v1, v0;
	_ =	sdelay $0x1  }
0x1f0: {  	[tilespmem:s29+$0x18100] =	vst v0;
	s29 =	sor.u32 $0x1C30, s28  }
0x1f1: {  	v0 =	vld [tilespmem:s29+$0x10100]  }
0x1f2: {  	v59 =	vld [tilespmem:s29+$0x14100];
	_ =	sdelay $0x4  }
0x1f3: {  	v0 =	vmul.f32 v0, v3;
	v1 =	vmul.f32 v59, v4;
	_ =	sdelay $0x1  }
0x1f4: {  	v0 =	vadd.f32 v1, v0;
	_ =	sdelay $0x1  }
0x1f5: {  	[tilespmem:s29+$0x18100] =	vst v0;
	s29 =	sor.u32 $0x1C40, s28  }
0x1f6: {  	v0 =	vld [tilespmem:s29+$0x10100]  }
0x1f7: {  	v60 =	vld [tilespmem:s29+$0x14100];
	_ =	sdelay $0x4  }
0x1f8: {  	v0 =	vmul.f32 v0, v3;
	v1 =	vmul.f32 v60, v4;
	_ =	sdelay $0x1  }
0x1f9: {  	v0 =	vadd.f32 v1, v0;
	_ =	sdelay $0x1  }
0x1fa: {  	[tilespmem:s29+$0x18100] =	vst v0;
	s29 =	sor.u32 $0x1C50, s28  }
0x1fb: {  	v0 =	vld [tilespmem:s29+$0x10100]  }
0x1fc: {  	v61 =	vld [tilespmem:s29+$0x14100];
	_ =	sdelay $0x4  }
0x1fd: {  	v0 =	vmul.f32 v0, v3;
	v1 =	vmul.f32 v61, v4;
	_ =	sdelay $0x1  }
0x1fe: {  	v0 =	vadd.f32 v1, v0;
	_ =	sdelay $0x1  }
0x1ff: {  	[tilespmem:s29+$0x18100] =	vst v0;
	s29 =	sor.u32 $0x1C60, s28  }
0x200: {  	v0 =	vld [tilespmem:s29+$0x10100]  }
0x201: {  	v62 =	vld [tilespmem:s29+$0x14100];
	_ =	sdelay $0x4  }
0x202: {  	v0 =	vmul.f32 v0, v3;
	v1 =	vmul.f32 v62, v4;
	_ =	sdelay $0x1  }
0x203: {  	v0 =	vadd.f32 v1, v0;
	_ =	sdelay $0x1  }
0x204: {  	[tilespmem:s29+$0x18100] =	vst v0;
	s29 =	sor.u32 $0x1C70, s28  }
0x205: {  	v0 =	vld [tilespmem:s29+$0x10100]  }
0x206: {  	v63 =	vld [tilespmem:s29+$0x14100];
	_ =	sdelay $0x3  }
0x207: {  	p0 =	sne.s32 s25, $0x780  }
.Ltmp1:
0x208: {  	v0 =	vmul.f32 v0, v3;
	v1 =	vmul.f32 v63, v4;
	(pc) =	sbr.rel @p0 .LBB2_5-.Ltmp1, $4  }
0x209: {  	_ = 	snop  }
0x20a: {  	v0 =	vadd.f32 v1, v0  }
0x20b: {  	s20 =	sadd.s32 $0x1, s20;
	s21 =	sadd.s32 $0x400, s21;
	s16 =	sadd.s32 $0x80, s16  }
0x20c: {  	s22 =	sadd.s32 $0x80, s22;
	s25 =	sadd.s32 $0x80, s25;
	s24 =	sadd.s32 $0x400, s24;
	[tilespmem:s29+$0x18100] =	vst v0  }
0x20d: {  	s16 =	sadd.s32 s5, s19;
	s18 =	sadd.s32 $0x1, s18  }
0x20e: {  	s29 =	rddreg [dreg:$0x1];
	s16 =	sshll.u32 s16, $0x7;
	p0 =	sne.s32 s18, $0x4  }
.Ltmp2:
0x20f: {  	s16 =	sadd.s32 s29, s16;
	(pc) =	sbr.rel @p0 .LBB2_2-.Ltmp2, $4  }
0x210: {  	[hbm4b:s16+s3] =	stream.linear.scatter [tilespmem:s7], [sflag:$0x5], $0x4000, $0x38;
	[tilespmem:$0x1C100] =	vst v63  }
0x211: {  	_ =	swait.ge [sflag:s15], $0x4000  }
0x212: {  	s2 =	sadd.s32 $0x1000, s2;
	s14 =	sadd.s32 $0x1000, s14;
	[sflag:s15] =	ssyncset.done $0x0  }
0x213: {  	s23 =	sadd.s32 $0x1000, s23;
	s17 =	sadd.s32 $0x1000, s17;
	[sflag:s15] =	ssyncadd.s32 $0xFFFFC000  }
0x214: {  	s14 =	rddreg [dreg:$0x8]  }
0x215: {  	s2 =	rddreg [dreg:$0x7];
	s14 =	sadd.s32 $0x1, s14  }
0x216: {  	p0 =	sne.s32 s14, s2  }
.Ltmp3:
0x217: {  	_ = 	snop;
	(pc) =	sbr.rel @p0 .LBB2_1-.Ltmp3, $1  }
0x218: {  	_ =	sdelay $0x3  }
0x219: {  	_ =	sfence.sel $0x180000  }
0x21a: {  	[bflag:$0x0] =	sbarrier.arrive $0xFFFF  }
0x21b: {  	_ =	strace $0x9000004A  }
0x21c: {  	s0 =	stileid.u32;
	[bflag:$0x2] =	sbarrier.arrive $0xFFFF  }
0x21d: {  	p0 =	sne.s32 s0, $0x0;
	s0 =	rddreg [dreg:$0x2]  }
0x21e: {  	s0 =	sadd.s32 @!p0 $0x100000, s0  }
0x21f: {  	[sflag:s0] =	ssyncadd.tile.s32 @!p0 $0x1;
	_ =	shalt  }
.Lfunc_end2:
_tile_overlayer_lowered:
.L_overlay_start_2:
0x220: {  	(tag) =	ssettag $0x2  }
0x221: {  	s0 =	rddreg [dreg:$0x0];
	s2 =	stileid.u32  }
0x222: {  	s1 =	rddreg [dreg:$0x1];
	p0 =	sne.s32 s2, $0x0  }
0x223: {  	s3 =	rddreg [dreg:$0x2];
	[bflag:$0x3] =	sbarrier.arrive $0xFFFF;
	s2 =	simm.s32 @!p0 $0x1C05  }
0x224: {  	[timem:s3], [sflag:s2] =	dma.local @!p0 [hbm:s0], s1  }
0x225: {  	s0 =	simm.s32 @!p0 $0x5  }
0x226: {  	_ =	swait.ge @!p0 [sflag:s0], s1  }
0x227: {  	s1 =	ssub.s32 @!p0 $0x0, s1;
	[sflag:s0] =	ssyncset.done @!p0 $0x0  }
0x228: {  	[sflag:s0] =	ssyncadd.s32 @!p0 s1  }
0x229: {  	[bflag:$0x3] =	sbarrier.arrive $0xFFFF  }
0x22a: {  	_ =	shalt  }

</sc_bundles>
